<compile_context>
chip_gen: v7x
topology: tpu7x:2x2x1
jax: 0.10.2.dev20260603
libtpu: 0.0.44.dev20260713+nightly
codegen_flags: <defaults>
</compile_context>

<pallas_src>
import functools

import jax
import jax.numpy as jnp
from jax import lax
from jax.experimental import pallas as pl
from jax.experimental.pallas import tpu as pltpu
from jax.experimental.pallas import tpu_sc as plsc

_N = 1024
_SDIM = 128
_VDIM = 32
_EDIM = 16
_L = 5
_EG = 65536
_CUT2 = 25.0
_NB = 32
_EL = _N * _NB
_G = 256


def _f32(x):
    return jax.ShapeDtypeStruct(x, jnp.float32)


def _silu(x):
    return x * (1.0 / (1.0 + jnp.exp(-x)))


def _sc_gather(table, idxs, d):
    b = idxs.shape[0]
    nw = 32
    bw = b // nw
    nch = 1
    while bw // nch * d * 4 > 262144:
        nch *= 2
    ch = bw // nch
    dt = table.dtype
    mesh = plsc.VectorSubcoreMesh(core_axis_name="c", subcore_axis_name="s")

    @functools.partial(
        pl.kernel, mesh=mesh,
        out_type=jax.ShapeDtypeStruct((b, d), dt),
        compiler_params=pltpu.CompilerParams(use_tc_tiling_on_sc=False),
        scratch_types=[
            pltpu.VMEM((bw,), jnp.int32),
            pltpu.VMEM((ch, d), dt),
            pltpu.SemaphoreType.DMA,
        ],
    )
    def k(tab_hbm, idx_hbm, out_hbm, idx_v, rows_v, sem):
        wid = lax.axis_index("s") * 2 + lax.axis_index("c")
        base_ = wid * bw
        pltpu.sync_copy(idx_hbm.at[pl.ds(base_, bw)], idx_v)
        for c in range(nch):
            pltpu.async_copy(
                tab_hbm.at[idx_v.at[pl.ds(c * ch, ch)]], rows_v, sem).wait()
            pltpu.sync_copy(rows_v, out_hbm.at[pl.ds(base_ + c * ch, ch)])

    return k(table, idxs)


def _normalize(s, v, p4, lnw, lnb):
    mu = jnp.mean(s, axis=1, keepdims=True)
    var = jnp.mean((s - mu) ** 2, axis=1, keepdims=True)
    sn = (s - mu) / jnp.sqrt(var + 1e-6) * lnw + lnb
    vsq = v * v
    s2 = vsq[:, 0:32] + vsq[:, 32:64] + vsq[:, 64:96]
    vn = v / jnp.sqrt(jnp.mean(s2, axis=1, keepdims=True) + 1e-6)
    pn = p4 / jnp.sqrt(jnp.sum(p4 * p4, axis=1, keepdims=True))
    return sn, vn, pn


def _g0_body(s_ref, v_ref, p_ref, lnw_ref, lnb_ref, g_ref):
    sn, vn, pn = _normalize(s_ref[...], v_ref[...], p_ref[...],
                            lnw_ref[...], lnb_ref[...])
    g_ref[...] = jnp.concatenate(
        [sn, vn, p_ref[...], pn,
         jnp.zeros((sn.shape[0], _G - 232), jnp.float32)], axis=1)


def _g0(s, v, p4, lnw, lnb):
    return pl.pallas_call(_g0_body, out_shape=_f32((_N, _G)))(
        s, v, p4, lnw, lnb)


def _edge_body(gg_ref, gn_ref, eai_ref, val_ref, wmsg_ref, bmsg_ref,
               wpost_ref, bpost_ref, aggs_ref, sumv_ref, sump_ref,
               eai_out_ref, *, fold_post, use_vg):
    r_ = gn_ref.shape[0]
    e_ = r_ * _NB
    gg = gg_ref[...].reshape(e_, _G)
    gn = jnp.broadcast_to(gn_ref[...][:, None, :], (r_, _NB, _G)).reshape(e_, _G)
    sg = gg[:, 0:128]
    sd = gn[:, 0:128]
    pg = gg[:, 224:228]
    pd = gn[:, 224:228]
    png = gg[:, 228:232]
    pnd = gn[:, 228:232]
    val = val_ref[...].reshape(e_, 1)
    if fold_post:
        x = gg[:, 232:248] + gn[:, 232:248]
        eai = jnp.dot(eai_ref[...].reshape(e_, _EDIM) + _silu(x),
                      wpost_ref[...],
                      preferred_element_type=jnp.float32) + bpost_ref[...]
    else:
        eai = eai_ref[...].reshape(e_, _EDIM)
    eai_out_ref[...] = eai.reshape(r_, _NB, _EDIM)
    r = pd - pg
    d2 = jnp.sum(r * r, axis=1, keepdims=True)
    dd = jnp.sqrt(jnp.maximum(d2, 1e-6))
    rn = r / (1.0 + dd)
    a = jnp.sum(png * pnd, axis=1, keepdims=True)
    minp = jnp.concatenate([sg, sd, eai, dd, a], axis=1)
    m = jnp.dot(minp, wmsg_ref[...],
                preferred_element_type=jnp.float32) + bmsg_ref[...]
    m = _silu(m)
    ms = m[:, 0:_SDIM]
    wv1 = m[:, _SDIM:_SDIM + _VDIM]
    wp = m[:, 192:193]
    aggs_ref[...] = jnp.sum((ms * sg * val).reshape(r_, _NB, _SDIM), axis=1)
    vmsg = jnp.concatenate([rn[:, 0:1] * wv1, rn[:, 1:2] * wv1,
                            rn[:, 2:3] * wv1], axis=1)
    if use_vg:
        wv2 = m[:, _SDIM + _VDIM:_SDIM + 2 * _VDIM]
        vmsg = vmsg + gg[:, 128:224] * jnp.concatenate([wv2, wv2, wv2], axis=1)
    sumv_ref[...] = jnp.sum((vmsg * val).reshape(r_, _NB, 96), axis=1)
    sp = jnp.sum((wp * rn * val).reshape(r_, _NB, 4), axis=1)
    cnt = jnp.sum(val.reshape(r_, _NB, 1), axis=1)
    sump_ref[...] = jnp.concatenate([sp[:, 0:3], cnt], axis=1)


def _edge_stage(gg3, gn, eai3, val3, wmsg, bmsg, wpost, bpost,
                fold_post, use_vg):
    r_ = 128
    grid = (_N // r_,)
    bs3 = lambda c: pl.BlockSpec((r_, _NB, c), lambda b: (b, 0, 0))
    bs2 = lambda c: pl.BlockSpec((r_, c), lambda b: (b, 0))
    full = lambda a: pl.BlockSpec(a.shape, lambda b: (0, 0))
    return pl.pallas_call(
        functools.partial(_edge_body, fold_post=fold_post, use_vg=use_vg),
        grid=grid,
        in_specs=[bs3(_G), bs2(_G), bs3(_EDIM), bs3(1),
                  full(wmsg), full(bmsg), full(wpost), full(bpost)],
        out_specs=[bs2(_SDIM), bs2(96), bs2(4), bs3(_EDIM)],
        out_shape=[_f32((_N, _SDIM)), _f32((_N, 96)), _f32((_N, 4)),
                   _f32((_N, _NB, _EDIM))],
    )(gg3, gn, eai3, val3, wmsg, bmsg, wpost, bpost)


def _node_upd_body(g_ref, aggs_ref, sumv_ref, sump_ref, w1_ref, bu_ref,
                   wv_ref, wpre_ref, bpre_ref, lnw_ref, lnb_ref,
                   *refs, last):
    g = g_ref[...]
    sn = g[:, 0:128]
    aggs = aggs_ref[...]
    sp4 = sump_ref[...]
    cnt = jnp.maximum(sp4[:, 3:4], 1.0)
    if last:
        s = sn + aggs
    else:
        u = (jnp.dot(jnp.concatenate([sn, aggs], axis=1), w1_ref[...],
                     preferred_element_type=jnp.float32) + bu_ref[...])
        s = sn + _silu(u)
    aggv = sumv_ref[...] / cnt
    wv = wv_ref[...]
    dot = lambda x: jnp.dot(x, wv, preferred_element_type=jnp.float32)
    v = g[:, 128:224] + jnp.concatenate(
        [dot(aggv[:, 0:32]), dot(aggv[:, 32:64]), dot(aggv[:, 64:96])], axis=1)
    p4 = g[:, 224:228] + jnp.concatenate(
        [sp4[:, 0:3] / cnt, jnp.zeros_like(cnt)], axis=1)
    f = jnp.dot(s, wpre_ref[...],
                preferred_element_type=jnp.float32) + bpre_ref[...]
    if last:
        s_ref, v_ref, p_ref, f_ref = refs
        s_ref[...] = s
        v_ref[...] = v
        p_ref[...] = p4
        f_ref[...] = f
    else:
        (g_out,) = refs
        sn2, vn2, pn2 = _normalize(s, v, p4, lnw_ref[...], lnb_ref[...])
        g_out[...] = jnp.concatenate(
            [sn2, vn2, p4, pn2, f,
             jnp.zeros((s.shape[0], _G - 248), jnp.float32)], axis=1)


def _node_upd(g, aggs, sumv, sump, w1, bu, wv, wpre, bpre, lnw, lnb, last):
    out_shape = ([_f32((_N, _SDIM)), _f32((_N, 96)), _f32((_N, 4)),
                  _f32((_N, _EDIM))] if last else [_f32((_N, _G))])
    res = pl.pallas_call(
        functools.partial(_node_upd_body, last=last),
        out_shape=out_shape,
    )(g, aggs, sumv, sump, w1, bu, wv, wpre, bpre, lnw, lnb)
    return res


def _edge_post_body(eai_ref, fg_ref, f_ref, wpost_ref, bpost_ref, out_ref):
    r_ = f_ref.shape[0]
    e_ = r_ * _NB
    eai = eai_ref[...].reshape(e_, _EDIM)
    fg = fg_ref[...].reshape(e_, _EDIM)
    fd = jnp.broadcast_to(f_ref[...][:, None, :], (r_, _NB, _EDIM)).reshape(e_, _EDIM)
    e = eai + _silu(fg + fd)
    e = jnp.dot(e, wpost_ref[...], preferred_element_type=jnp.float32) + bpost_ref[...]
    out_ref[...] = e.reshape(r_, _NB, _EDIM)


def _edge_post(eai3, fg3, f, wpost, bpost):
    r_ = 128
    grid = (_N // r_,)
    bs3 = pl.BlockSpec((r_, _NB, _EDIM), lambda b: (b, 0, 0))
    bs2 = pl.BlockSpec((r_, _EDIM), lambda b: (b, 0))
    full = lambda a: pl.BlockSpec(a.shape, lambda b: (0, 0))
    return pl.pallas_call(
        _edge_post_body,
        grid=grid,
        in_specs=[bs3, bs3, bs2, full(wpost), full(bpost)],
        out_specs=bs3,
        out_shape=_f32((_N, _NB, _EDIM)),
    )(eai3, fg3, f, wpost, bpost)


def kernel(s, v, p, edge_index_global, edge_attr_global, batch, ln_w, ln_b,
           W_msg, b_msg, W_upds, b_upds, W_updv, epre_W, epre_b, epost_W,
           epost_b):
    src_g = edge_index_global[0].astype(jnp.int32)
    dst_g = edge_index_global[1].astype(jnp.int32)

    diff = p[:, None, :] - p[None, :, :]
    d2 = jnp.sum(diff * diff, axis=-1) + jnp.eye(_N, dtype=jnp.float32) * 1e10
    negv, idx = lax.top_k(-d2, _NB)
    valid = (-negv) <= _CUT2
    src = idx.reshape(-1).astype(jnp.int32)
    dstrow = jnp.broadcast_to(jnp.arange(_N, dtype=jnp.int32)[:, None],
                              (_N, _NB)).reshape(-1)
    validf = valid.reshape(-1)
    gkeys = src_g * _N + dst_g
    gids = jnp.arange(_EG, dtype=jnp.int32)

    idxm = jnp.where(valid, idx.astype(jnp.int32), -1)
    idxrow = idxm[dst_g]
    match = idxrow == src_g[:, None]
    j = jnp.argmax(match, axis=1).astype(jnp.int32)
    lid = jnp.where(jnp.any(match, axis=1), dst_g * _NB + j, -1)

    _SP = 131072
    keys_pad = jnp.concatenate(
        [gkeys, jnp.full((_SP - _EG,), 0x7FFFFFFF, jnp.int32)])
    sortk, sortid = lax.sort(
        [keys_pad, jnp.arange(_SP, dtype=jnp.int32)], num_keys=1,
        is_stable=True)
    w = sortid
    sh = 1
    while sh < _SP:
        same = jnp.concatenate(
            [sortk[sh:] == sortk[:-sh], jnp.zeros((sh,), bool)])
        wsh = jnp.concatenate([w[sh:], jnp.full((sh,), -1, jnp.int32)])
        w = jnp.where(same, jnp.maximum(w, wsh), w)
        sh *= 2
    win_g = jnp.zeros((_EG,), jnp.int32).at[sortid].add(w)
    base = _sc_gather(edge_attr_global, win_g, _EDIM)

    glast = jnp.full((_EL + 8,), -1, jnp.int32).at[
        jnp.where(lid >= 0, lid, _EL)].max(gids)
    glast = glast[:_EL]
    eai = jnp.where((glast >= 0)[:, None],
                    _sc_gather(edge_attr_global, jnp.maximum(glast, 0),
                               _EDIM), 0.0)

    p4 = jnp.pad(p, ((0, 0), (0, 1)))
    vf = v.reshape(_N, 96)
    eai3 = eai.reshape(_N, _NB, _EDIM)
    val3 = validf.astype(jnp.float32).reshape(_N, _NB, 1)

    g = _g0(s, vf, p4, ln_w[0:1], ln_b[0:1])
    for i in range(_L):
        gg3 = _sc_gather(g, src, _G).reshape(_N, _NB, _G)
        aggs, sumv, sump, eai3 = _edge_stage(
            gg3, g, eai3, val3, W_msg[i], b_msg[i:i + 1],
            epost_W[i - 1] if i > 0 else epost_W[0],
            epost_b[i - 1:i] if i > 0 else epost_b[0:1],
            fold_post=(i > 0), use_vg=(i > 0))
        last = i == _L - 1
        nxt = _node_upd(g, aggs, sumv, sump, W_upds[i], b_upds[i:i + 1],
                        W_updv[i], epre_W[i], epre_b[i:i + 1],
                        ln_w[i + 1:i + 2] if not last else ln_w[0:1],
                        ln_b[i + 1:i + 2] if not last else ln_b[0:1],
                        last=last)
        if last:
            sst, vst, pst, f = nxt
        else:
            (g,) = nxt

    fg3 = _sc_gather(f, src, _EDIM).reshape(_N, _NB, _EDIM)
    eai_fin = _edge_post(eai3, fg3, f, epost_W[_L - 1],
                         epost_b[_L - 1:_L]).reshape(_EL, _EDIM)
    e_out = jnp.where((lid >= 0)[:, None],
                      _sc_gather(eai_fin, jnp.maximum(lid, 0), _EDIM), base)
    return sst, vst.reshape(_N, 3, _VDIM), e_out, pst[:, 0:3]

# --- scband reference (transcript-rebuilt; emitter-appended) ---
"""Pipeline reference for scband-eqgatdynamic-local-edge-88613765251900 (READ-ONLY COPY).

The authoritative reference and input builder live on the scoring server;
editing this copy changes nothing except your own understanding.
"""

import jax, jax.numpy as jnp
import numpy as np

N = 1024
SDIM = 128
VDIM = 32
EDIM = 16
L = 5
EG = 65536
CUTOFF = 5.0
MAXNB = 32
MSG_IN = 2 * SDIM + EDIM + 2
MSG_OUT = SDIM + 2 * VDIM + 1


def radius_graph(p, r, max_nb):
    n = p.shape[0]
    d2 = jnp.sum((p[:, None, :] - p[None, :, :]) ** 2, axis=-1)
    d2 = d2 + jnp.eye(n, dtype=d2.dtype) * 1e10
    neg, idx = jax.lax.top_k(-d2, max_nb)
    mask = (-neg) <= r * r
    tgt = jnp.repeat(jnp.arange(n), max_nb)
    src = idx.reshape(-1)
    m = mask.reshape(-1)
    tgt = jnp.where(m, tgt, n)
    return jnp.stack([src, tgt]).astype(jnp.int64)


def seg_sum(data, seg, n):
    return jax.ops.segment_sum(data, seg, num_segments=n)


def seg_mean(data, seg, n):
    tot = jax.ops.segment_sum(data, seg, num_segments=n)
    ones = jnp.ones((data.shape[0],) + (1,) * (data.ndim - 1), data.dtype)
    cnt = jax.ops.segment_sum(ones, seg, num_segments=n)
    return tot / jnp.maximum(cnt, 1.0)


def setup_inputs(seed: int = 0) -> dict:
    key = jax.random.key(seed)
    ks = jax.random.split(key, 16)
    sc = 0.05
    inp = {}
    inp["s"] = jax.random.normal(ks[0], (N, SDIM), jnp.float32)
    inp["v"] = jax.random.normal(ks[1], (N, 3, VDIM), jnp.float32)
    inp["p"] = jax.random.normal(ks[2], (N, 3), jnp.float32)
    inp["edge_index_global"] = jax.random.randint(ks[3], (2, EG), 0, N).astype(jnp.int64)
    inp["edge_attr_global"] = jax.random.normal(ks[4], (EG, EDIM), jnp.float32)
    inp["batch"] = jnp.zeros((N,), jnp.int64)
    inp["ln_w"] = jnp.ones((L, SDIM), jnp.float32)
    inp["ln_b"] = jnp.zeros((L, SDIM), jnp.float32)
    inp["W_msg"] = jax.random.normal(ks[5], (L, MSG_IN, MSG_OUT), jnp.float32) * sc
    inp["b_msg"] = jnp.zeros((L, MSG_OUT), jnp.float32)
    inp["W_upds"] = jax.random.normal(ks[6], (L, 2 * SDIM, SDIM), jnp.float32) * sc
    inp["b_upds"] = jnp.zeros((L, SDIM), jnp.float32)
    inp["W_updv"] = jax.random.normal(ks[7], (L, VDIM, VDIM), jnp.float32) * sc
    inp["epre_W"] = jax.random.normal(ks[8], (L, SDIM, EDIM), jnp.float32) * sc
    inp["epre_b"] = jnp.zeros((L, EDIM), jnp.float32)
    inp["epost_W"] = jax.random.normal(ks[9], (L, EDIM, EDIM), jnp.float32) * sc
    inp["epost_b"] = jnp.zeros((L, EDIM), jnp.float32)
    return inp


def _forward(s, v, p, edge_attr_global, ln_w, ln_b, W_msg, b_msg, W_upds, b_upds, W_updv, epre_W, epre_b, epost_W, epost_b, src_g, dst_g, src, dst, lm):
    E = jnp.zeros((N, N, EDIM), jnp.float32).at[src_g, dst_g].set(edge_attr_global)
    for i in range(L):
        eai = E[src, dst]
        mu = jnp.mean(s, axis=-1, keepdims=True)
        var = jnp.var(s, axis=-1, keepdims=True)
        s = (s - mu) / jnp.sqrt(var + 1e-6) * ln_w[i] + ln_b[i]
        vn = jnp.sqrt(jnp.mean(jnp.sum(v ** 2, axis=1), axis=-1) + 1e-6)
        v = v / vn[:, None, None]
        r = p[dst] - p[src]
        pn = p / jnp.linalg.norm(p, axis=1, keepdims=True)
        a = jnp.sum(pn[dst] * pn[src], axis=-1)
        d = jnp.sqrt(jnp.clip(jnp.sum(r ** 2, axis=-1), 1e-6, None))
        r_norm = r / (1.0 + d[:, None])
        minp = jnp.concatenate([s[src], s[dst], eai, d[:, None], a[:, None]], axis=-1)
        m = jax.nn.silu(minp @ W_msg[i] + b_msg[i])
        ms = m[:, :SDIM]
        wv1 = m[:, SDIM:SDIM + VDIM]
        wv2 = m[:, SDIM + VDIM:SDIM + 2 * VDIM]
        wp = m[:, -1:]
        agg_s = seg_sum(ms * s[src], dst, N)
        vmsg = r_norm[:, :, None] * wv1[:, None, :]
        if i > 0:
            vmsg = vmsg + v[src] * wv2[:, None, :]
        agg_v = seg_mean(vmsg, dst, N)
        p = p + seg_mean(wp * r_norm, dst, N)
        if i < L - 1:
            s = s + jax.nn.silu(jnp.concatenate([s, agg_s], axis=-1) @ W_upds[i] + b_upds[i])
        else:
            s = s + agg_s
        v = v + jnp.einsum("nij,jk->nik", agg_v, W_updv[i])
        f = s @ epre_W[i] + epre_b[i]
        e = jax.nn.silu(f[src] + f[dst])
        e = (eai + e) @ epost_W[i] + epost_b[i]
        EE = jnp.zeros((N, N, EDIM), jnp.float32).at[src, dst].set(e)
        E = (1.0 - lm) * E + lm * EE
    e_out = E[src_g, dst_g]
    return (s, v, e_out, p)


def reference(s, v, p, edge_index_global, edge_attr_global, batch, ln_w, ln_b, W_msg, b_msg, W_upds, b_upds, W_updv, epre_W, epre_b, epost_W, epost_b):
    src_g, dst_g = edge_index_global[0], edge_index_global[1]
    ei = radius_graph(p, CUTOFF, MAXNB)
    src, dst = ei[0], ei[1]
    lm = jnp.zeros((N, N, 1), jnp.float32).at[src, dst].set(1.0)
    return _forward(s, v, p, edge_attr_global, ln_w, ln_b, W_msg, b_msg, W_upds, b_upds, W_updv, epre_W, epre_b, epost_W, epost_b, src_g, dst_g, src, dst, lm)

if __name__ == "__main__":
    import jax
    _d = setup_inputs()
    print(jax.jit(kernel)(*tuple(_d.values())))

</pallas_src>

<mosaic_0001>
#map = affine_map<(d0, d1) -> (0, 0)>
#map1 = affine_map<(d0, d1) -> (0)>
module attributes {stable_mosaic.version = 14 : i64} {
  func.func @k(%arg0: i32, %arg1: i32, %arg2: memref<65536x16xf32, #tpu.memory_space<hbm>>, %arg3: memref<32768xi32, #tpu.memory_space<hbm>>, %arg4: memref<32768x16xf32, #tpu.memory_space<hbm>>, %arg5: memref<1024xi32, #tpu.memory_space<vmem>>, %arg6: memref<1024x16xf32, #tpu.memory_space<vmem>>, %arg7: memref<!tpu.dma_semaphore, #tpu.memory_space<semaphore_mem>>) attributes {dimension_semantics = [#tpu.dimension_semantics<core_parallel>, #tpu.dimension_semantics<subcore_parallel>], iteration_bounds = array<i64: 2, 16>, scalar_prefetch = 0 : i64, scratch_operands = 3 : i64, tpu.core_type = #tpu.core_type<sc_vector_subcore>, window_params = [{transform_indices = #map}, {transform_indices = #map1}, {transform_indices = #map}]} {
    %mul3A = arith.constant 2 : i32
    %mul3A_0 = arith.muli %arg1, %mul3A : i32
    %add3A = arith.addi %mul3A_0, %arg0 : i32
    %mul3A_1 = arith.constant 1024 : i32
    %mul3A_2 = arith.muli %add3A, %mul3A_1 : i32
    "tpu.region"() ({
      %run_scoped3A = tpu.sem_alloc : memref<!tpu.dma_semaphore, #tpu.memory_space<semaphore_mem>>
      %dma_start3A_13 = tpu.memref_slice %arg3[%mul3A_2] : memref<32768xi32, #tpu.memory_space<hbm>> -> memref<1024xi32, #tpu.memory_space<hbm>>
      %dma_start3A_14 = tpu.memref_slice %arg3[%mul3A_2] : memref<32768xi32, #tpu.memory_space<hbm>> -> memref<1024xi32, #tpu.memory_space<hbm>>
      tpu.enqueue_dma source(%dma_start3A_14 : memref<1024xi32, #tpu.memory_space<hbm>>) target(%arg5 : memref<1024xi32, #tpu.memory_space<vmem>>) target_semaphore(%run_scoped3A : memref<!tpu.dma_semaphore, #tpu.memory_space<semaphore_mem>>)
      %dma_wait3A_15 = tpu.memref_slice %arg3[%mul3A_2] : memref<32768xi32, #tpu.memory_space<hbm>> -> memref<1024xi32, #tpu.memory_space<hbm>>
      %dma_wait3A_16 = tpu.memref_slice %arg3[%mul3A_2] : memref<32768xi32, #tpu.memory_space<hbm>> -> memref<1024xi32, #tpu.memory_space<hbm>>
      tpu.wait_dma2 semaphore(%run_scoped3A : memref<!tpu.dma_semaphore, #tpu.memory_space<semaphore_mem>>) src(%dma_wait3A_16 : memref<1024xi32, #tpu.memory_space<hbm>>) dst(%arg5 : memref<1024xi32, #tpu.memory_space<vmem>>)
      tpu.yield
    }) : () -> ()
    %dma_start3A = arith.constant 0 : i32
    %dma_start3A_3 = tpu.memref_slice %arg5[%dma_start3A] : memref<1024xi32, #tpu.memory_space<vmem>> -> memref<1024xi32, #tpu.memory_space<vmem>>
    %dma_start3A_4 = arith.constant 0 : i32
    %dma_start3A_5 = arith.constant 0 : i32
    %dma_start3A_6 = tpu.memref_slice %arg2[%dma_start3A_4, %dma_start3A_5] : memref<65536x16xf32, #tpu.memory_space<hbm>> -> memref<65536x16xf32, #tpu.memory_space<hbm>>
    tpu.enqueue_indirect_dma source(%dma_start3A_6 : memref<65536x16xf32, #tpu.memory_space<hbm>>) target(%arg6 : memref<1024x16xf32, #tpu.memory_space<vmem>>) offsets(%dma_start3A_3 : memref<1024xi32, #tpu.memory_space<vmem>>) semaphore(%arg7 : memref<!tpu.dma_semaphore, #tpu.memory_space<semaphore_mem>>)
    %dma_wait3A = arith.constant 0 : i32
    %dma_wait3A_7 = tpu.memref_slice %arg5[%dma_wait3A] : memref<1024xi32, #tpu.memory_space<vmem>> -> memref<1024xi32, #tpu.memory_space<vmem>>
    %dma_wait3A_8 = arith.constant 0 : i32
    %dma_wait3A_9 = arith.constant 0 : i32
    %dma_wait3A_10 = tpu.memref_slice %arg2[%dma_wait3A_8, %dma_wait3A_9] : memref<65536x16xf32, #tpu.memory_space<hbm>> -> memref<65536x16xf32, #tpu.memory_space<hbm>>
    tpu.wait_indirect_dma semaphore(%arg7 : memref<!tpu.dma_semaphore, #tpu.memory_space<semaphore_mem>>) src(%dma_wait3A_10 : memref<65536x16xf32, #tpu.memory_space<hbm>>) dst(%arg6 : memref<1024x16xf32, #tpu.memory_space<vmem>>)
    %add3A_11 = arith.constant 0 : i32
    %add3A_12 = arith.addi %mul3A_2, %add3A_11 : i32
    "tpu.region"() ({
      %run_scoped3A = tpu.sem_alloc : memref<!tpu.dma_semaphore, #tpu.memory_space<semaphore_mem>>
      %dma_start3A_13 = arith.constant 0 : i32
      %dma_start3A_14 = tpu.memref_slice %arg4[%add3A_12, %dma_start3A_13] : memref<32768x16xf32, #tpu.memory_space<hbm>> -> memref<1024x16xf32, #tpu.memory_space<hbm>>
      %dma_start3A_15 = arith.constant 0 : i32
      %dma_start3A_16 = tpu.memref_slice %arg4[%add3A_12, %dma_start3A_15] : memref<32768x16xf32, #tpu.memory_space<hbm>> -> memref<1024x16xf32, #tpu.memory_space<hbm>>
      tpu.enqueue_dma source(%arg6 : memref<1024x16xf32, #tpu.memory_space<vmem>>) target(%dma_start3A_16 : memref<1024x16xf32, #tpu.memory_space<hbm>>) target_semaphore(%run_scoped3A : memref<!tpu.dma_semaphore, #tpu.memory_space<semaphore_mem>>)
      %dma_wait3A_17 = arith.constant 0 : i32
      %dma_wait3A_18 = tpu.memref_slice %arg4[%add3A_12, %dma_wait3A_17] : memref<32768x16xf32, #tpu.memory_space<hbm>> -> memref<1024x16xf32, #tpu.memory_space<hbm>>
      %dma_wait3A_19 = arith.constant 0 : i32
      %dma_wait3A_20 = tpu.memref_slice %arg4[%add3A_12, %dma_wait3A_19] : memref<32768x16xf32, #tpu.memory_space<hbm>> -> memref<1024x16xf32, #tpu.memory_space<hbm>>
      tpu.wait_dma2 semaphore(%run_scoped3A : memref<!tpu.dma_semaphore, #tpu.memory_space<semaphore_mem>>) src(%arg6 : memref<1024x16xf32, #tpu.memory_space<vmem>>) dst(%dma_wait3A_20 : memref<1024x16xf32, #tpu.memory_space<hbm>>)
      tpu.yield
    }) : () -> ()
    return
  }
}

#map = affine_map<(d0, d1) -> (0, 0)>
#map1 = affine_map<(d0, d1) -> (0)>
module attributes {stable_mosaic.version = 14 : i64} {
  func.func @k(%arg0: i32, %arg1: i32, %arg2: memref<1024x256xf32, #tpu.memory_space<hbm>>, %arg3: memref<32768xi32, #tpu.memory_space<hbm>>, %arg4: memref<32768x256xf32, #tpu.memory_space<hbm>>, %arg5: memref<1024xi32, #tpu.memory_space<vmem>>, %arg6: memref<256x256xf32, #tpu.memory_space<vmem>>, %arg7: memref<!tpu.dma_semaphore, #tpu.memory_space<semaphore_mem>>) attributes {dimension_semantics = [#tpu.dimension_semantics<core_parallel>, #tpu.dimension_semantics<subcore_parallel>], iteration_bounds = array<i64: 2, 16>, scalar_prefetch = 0 : i64, scratch_operands = 3 : i64, tpu.core_type = #tpu.core_type<sc_vector_subcore>, window_params = [{transform_indices = #map}, {transform_indices = #map1}, {transform_indices = #map}]} {
    %mul3A = arith.constant 2 : i32
    %mul3A_0 = arith.muli %arg1, %mul3A : i32
    %add3A = arith.addi %mul3A_0, %arg0 : i32
    %mul3A_1 = arith.constant 1024 : i32
    %mul3A_2 = arith.muli %add3A, %mul3A_1 : i32
    "tpu.region"() ({
      %run_scoped3A = tpu.sem_alloc : memref<!tpu.dma_semaphore, #tpu.memory_space<semaphore_mem>>
      %dma_start3A_49 = tpu.memref_slice %arg3[%mul3A_2] : memref<32768xi32, #tpu.memory_space<hbm>> -> memref<1024xi32, #tpu.memory_space<hbm>>
      %dma_start3A_50 = tpu.memref_slice %arg3[%mul3A_2] : memref<32768xi32, #tpu.memory_space<hbm>> -> memref<1024xi32, #tpu.memory_space<hbm>>
      tpu.enqueue_dma source(%dma_start3A_50 : memref<1024xi32, #tpu.memory_space<hbm>>) target(%arg5 : memref<1024xi32, #tpu.memory_space<vmem>>) target_semaphore(%run_scoped3A : memref<!tpu.dma_semaphore, #tpu.memory_space<semaphore_mem>>)
      %dma_wait3A_51 = tpu.memref_slice %arg3[%mul3A_2] : memref<32768xi32, #tpu.memory_space<hbm>> -> memref<1024xi32, #tpu.memory_space<hbm>>
      %dma_wait3A_52 = tpu.memref_slice %arg3[%mul3A_2] : memref<32768xi32, #tpu.memory_space<hbm>> -> memref<1024xi32, #tpu.memory_space<hbm>>
      tpu.wait_dma2 semaphore(%run_scoped3A : memref<!tpu.dma_semaphore, #tpu.memory_space<semaphore_mem>>) src(%dma_wait3A_52 : memref<1024xi32, #tpu.memory_space<hbm>>) dst(%arg5 : memref<1024xi32, #tpu.memory_space<vmem>>)
      tpu.yield
    }) : () -> ()
    %dma_start3A = arith.constant 0 : i32
    %dma_start3A_3 = tpu.memref_slice %arg5[%dma_start3A] : memref<1024xi32, #tpu.memory_space<vmem>> -> memref<256xi32, #tpu.memory_space<vmem>>
    %dma_start3A_4 = arith.constant 0 : i32
    %dma_start3A_5 = arith.constant 0 : i32
    %dma_start3A_6 = tpu.memref_slice %arg2[%dma_start3A_4, %dma_start3A_5] : memref<1024x256xf32, #tpu.memory_space<hbm>> -> memref<1024x256xf32, #tpu.memory_space<hbm>>
    tpu.enqueue_indirect_dma source(%dma_start3A_6 : memref<1024x256xf32, #tpu.memory_space<hbm>>) target(%arg6 : memref<256x256xf32, #tpu.memory_space<vmem>>) offsets(%dma_start3A_3 : memref<256xi32, #tpu.memory_space<vmem>>) semaphore(%arg7 : memref<!tpu.dma_semaphore, #tpu.memory_space<semaphore_mem>>)
    %dma_wait3A = arith.constant 0 : i32
    %dma_wait3A_7 = tpu.memref_slice %arg5[%dma_wait3A] : memref<1024xi32, #tpu.memory_space<vmem>> -> memref<256xi32, #tpu.memory_space<vmem>>
    %dma_wait3A_8 = arith.constant 0 : i32
    %dma_wait3A_9 = arith.constant 0 : i32
    %dma_wait3A_10 = tpu.memref_slice %arg2[%dma_wait3A_8, %dma_wait3A_9] : memref<1024x256xf32, #tpu.memory_space<hbm>> -> memref<1024x256xf32, #tpu.memory_space<hbm>>
    tpu.wait_indirect_dma semaphore(%arg7 : memref<!tpu.dma_semaphore, #tpu.memory_space<semaphore_mem>>) src(%dma_wait3A_10 : memref<1024x256xf32, #tpu.memory_space<hbm>>) dst(%arg6 : memref<256x256xf32, #tpu.memory_space<vmem>>)
    %add3A_11 = arith.constant 0 : i32
    %add3A_12 = arith.addi %mul3A_2, %add3A_11 : i32
    "tpu.region"() ({
      %run_scoped3A = tpu.sem_alloc : memref<!tpu.dma_semaphore, #tpu.memory_space<semaphore_mem>>
      %dma_start3A_49 = arith.constant 0 : i32
      %dma_start3A_50 = tpu.memref_slice %arg4[%add3A_12, %dma_start3A_49] : memref<32768x256xf32, #tpu.memory_space<hbm>> -> memref<256x256xf32, #tpu.memory_space<hbm>>
      %dma_start3A_51 = arith.constant 0 : i32
      %dma_start3A_52 = tpu.memref_slice %arg4[%add3A_12, %dma_start3A_51] : memref<32768x256xf32, #tpu.memory_space<hbm>> -> memref<256x256xf32, #tpu.memory_space<hbm>>
      tpu.enqueue_dma source(%arg6 : memref<256x256xf32, #tpu.memory_space<vmem>>) target(%dma_start3A_52 : memref<256x256xf32, #tpu.memory_space<hbm>>) target_semaphore(%run_scoped3A : memref<!tpu.dma_semaphore, #tpu.memory_space<semaphore_mem>>)
      %dma_wait3A_53 = arith.constant 0 : i32
      %dma_wait3A_54 = tpu.memref_slice %arg4[%add3A_12, %dma_wait3A_53] : memref<32768x256xf32, #tpu.memory_space<hbm>> -> memref<256x256xf32, #tpu.memory_space<hbm>>
      %dma_wait3A_55 = arith.constant 0 : i32
      %dma_wait3A_56 = tpu.memref_slice %arg4[%add3A_12, %dma_wait3A_55] : memref<32768x256xf32, #tpu.memory_space<hbm>> -> memref<256x256xf32, #tpu.memory_space<hbm>>
      tpu.wait_dma2 semaphore(%run_scoped3A : memref<!tpu.dma_semaphore, #tpu.memory_space<semaphore_mem>>) src(%arg6 : memref<256x256xf32, #tpu.memory_space<vmem>>) dst(%dma_wait3A_56 : memref<256x256xf32, #tpu.memory_space<hbm>>)
      tpu.yield
    }) : () -> ()
    %dma_start3A_13 = arith.constant 256 : i32
    %dma_start3A_14 = tpu.memref_slice %arg5[%dma_start3A_13] : memref<1024xi32, #tpu.memory_space<vmem>> -> memref<256xi32, #tpu.memory_space<vmem>>
    %dma_start3A_15 = arith.constant 0 : i32
    %dma_start3A_16 = arith.constant 0 : i32
    %dma_start3A_17 = tpu.memref_slice %arg2[%dma_start3A_15, %dma_start3A_16] : memref<1024x256xf32, #tpu.memory_space<hbm>> -> memref<1024x256xf32, #tpu.memory_space<hbm>>
    tpu.enqueue_indirect_dma source(%dma_start3A_17 : memref<1024x256xf32, #tpu.memory_space<hbm>>) target(%arg6 : memref<256x256xf32, #tpu.memory_space<vmem>>) offsets(%dma_start3A_14 : memref<256xi32, #tpu.memory_space<vmem>>) semaphore(%arg7 : memref<!tpu.dma_semaphore, #tpu.memory_space<semaphore_mem>>)
    %dma_wait3A_18 = arith.constant 256 : i32
    %dma_wait3A_19 = tpu.memref_slice %arg5[%dma_wait3A_18] : memref<1024xi32, #tpu.memory_space<vmem>> -> memref<256xi32, #tpu.memory_space<vmem>>
    %dma_wait3A_20 = arith.constant 0 : i32
    %dma_wait3A_21 = arith.constant 0 : i32
    %dma_wait3A_22 = tpu.memref_slice %arg2[%dma_wait3A_20, %dma_wait3A_21] : memref<1024x256xf32, #tpu.memory_space<hbm>> -> memref<1024x256xf32, #tpu.memory_space<hbm>>
    tpu.wait_indirect_dma semaphore(%arg7 : memref<!tpu.dma_semaphore, #tpu.memory_space<semaphore_mem>>) src(%dma_wait3A_22 : memref<1024x256xf32, #tpu.memory_space<hbm>>) dst(%arg6 : memref<256x256xf32, #tpu.memory_space<vmem>>)
    %add3A_23 = arith.constant 256 : i32
    %add3A_24 = arith.addi %mul3A_2, %add3A_23 : i32
    "tpu.region"() ({
      %run_scoped3A = tpu.sem_alloc : memref<!tpu.dma_semaphore, #tpu.memory_space<semaphore_mem>>
      %dma_start3A_49 = arith.constant 0 : i32
      %dma_start3A_50 = tpu.memref_slice %arg4[%add3A_24, %dma_start3A_49] : memref<32768x256xf32, #tpu.memory_space<hbm>> -> memref<256x256xf32, #tpu.memory_space<hbm>>
      %dma_start3A_51 = arith.constant 0 : i32
      %dma_start3A_52 = tpu.memref_slice %arg4[%add3A_24, %dma_start3A_51] : memref<32768x256xf32, #tpu.memory_space<hbm>> -> memref<256x256xf32, #tpu.memory_space<hbm>>
      tpu.enqueue_dma source(%arg6 : memref<256x256xf32, #tpu.memory_space<vmem>>) target(%dma_start3A_52 : memref<256x256xf32, #tpu.memory_space<hbm>>) target_semaphore(%run_scoped3A : memref<!tpu.dma_semaphore, #tpu.memory_space<semaphore_mem>>)
      %dma_wait3A_53 = arith.constant 0 : i32
      %dma_wait3A_54 = tpu.memref_slice %arg4[%add3A_24, %dma_wait3A_53] : memref<32768x256xf32, #tpu.memory_space<hbm>> -> memref<256x256xf32, #tpu.memory_space<hbm>>
      %dma_wait3A_55 = arith.constant 0 : i32
      %dma_wait3A_56 = tpu.memref_slice %arg4[%add3A_24, %dma_wait3A_55] : memref<32768x256xf32, #tpu.memory_space<hbm>> -> memref<256x256xf32, #tpu.memory_space<hbm>>
      tpu.wait_dma2 semaphore(%run_scoped3A : memref<!tpu.dma_semaphore, #tpu.memory_space<semaphore_mem>>) src(%arg6 : memref<256x256xf32, #tpu.memory_space<vmem>>) dst(%dma_wait3A_56 : memref<256x256xf32, #tpu.memory_space<hbm>>)
      tpu.yield
    }) : () -> ()
    %dma_start3A_25 = arith.constant 512 : i32
    %dma_start3A_26 = tpu.memref_slice %arg5[%dma_start3A_25] : memref<1024xi32, #tpu.memory_space<vmem>> -> memref<256xi32, #tpu.memory_space<vmem>>
    %dma_start3A_27 = arith.constant 0 : i32
    %dma_start3A_28 = arith.constant 0 : i32
    %dma_start3A_29 = tpu.memref_slice %arg2[%dma_start3A_27, %dma_start3A_28] : memref<1024x256xf32, #tpu.memory_space<hbm>> -> memref<1024x256xf32, #tpu.memory_space<hbm>>
    tpu.enqueue_indirect_dma source(%dma_start3A_29 : memref<1024x256xf32, #tpu.memory_space<hbm>>) target(%arg6 : memref<256x256xf32, #tpu.memory_space<vmem>>) offsets(%dma_start3A_26 : memref<256xi32, #tpu.memory_space<vmem>>) semaphore(%arg7 : memref<!tpu.dma_semaphore, #tpu.memory_space<semaphore_mem>>)
    %dma_wait3A_30 = arith.constant 512 : i32
    %dma_wait3A_31 = tpu.memref_slice %arg5[%dma_wait3A_30] : memref<1024xi32, #tpu.memory_space<vmem>> -> memref<256xi32, #tpu.memory_space<vmem>>
    %dma_wait3A_32 = arith.constant 0 : i32
    %dma_wait3A_33 = arith.constant 0 : i32
    %dma_wait3A_34 = tpu.memref_slice %arg2[%dma_wait3A_32, %dma_wait3A_33] : memref<1024x256xf32, #tpu.memory_space<hbm>> -> memref<1024x256xf32, #tpu.memory_space<hbm>>
    tpu.wait_indirect_dma semaphore(%arg7 : memref<!tpu.dma_semaphore, #tpu.memory_space<semaphore_mem>>) src(%dma_wait3A_34 : memref<1024x256xf32, #tpu.memory_space<hbm>>) dst(%arg6 : memref<256x256xf32, #tpu.memory_space<vmem>>)
    %add3A_35 = arith.constant 512 : i32
    %add3A_36 = arith.addi %mul3A_2, %add3A_35 : i32
    "tpu.region"() ({
      %run_scoped3A = tpu.sem_alloc : memref<!tpu.dma_semaphore, #tpu.memory_space<semaphore_mem>>
      %dma_start3A_49 = arith.constant 0 : i32
      %dma_start3A_50 = tpu.memref_slice %arg4[%add3A_36, %dma_start3A_49] : memref<32768x256xf32, #tpu.memory_space<hbm>> -> memref<256x256xf32, #tpu.memory_space<hbm>>
      %dma_start3A_51 = arith.constant 0 : i32
      %dma_start3A_52 = tpu.memref_slice %arg4[%add3A_36, %dma_start3A_51] : memref<32768x256xf32, #tpu.memory_space<hbm>> -> memref<256x256xf32, #tpu.memory_space<hbm>>
      tpu.enqueue_dma source(%arg6 : memref<256x256xf32, #tpu.memory_space<vmem>>) target(%dma_start3A_52 : memref<256x256xf32, #tpu.memory_space<hbm>>) target_semaphore(%run_scoped3A : memref<!tpu.dma_semaphore, #tpu.memory_space<semaphore_mem>>)
      %dma_wait3A_53 = arith.constant 0 : i32
      %dma_wait3A_54 = tpu.memref_slice %arg4[%add3A_36, %dma_wait3A_53] : memref<32768x256xf32, #tpu.memory_space<hbm>> -> memref<256x256xf32, #tpu.memory_space<hbm>>
      %dma_wait3A_55 = arith.constant 0 : i32
      %dma_wait3A_56 = tpu.memref_slice %arg4[%add3A_36, %dma_wait3A_55] : memref<32768x256xf32, #tpu.memory_space<hbm>> -> memref<256x256xf32, #tpu.memory_space<hbm>>
      tpu.wait_dma2 semaphore(%run_scoped3A : memref<!tpu.dma_semaphore, #tpu.memory_space<semaphore_mem>>) src(%arg6 : memref<256x256xf32, #tpu.memory_space<vmem>>) dst(%dma_wait3A_56 : memref<256x256xf32, #tpu.memory_space<hbm>>)
      tpu.yield
    }) : () -> ()
    %dma_start3A_37 = arith.constant 768 : i32
    %dma_start3A_38 = tpu.memref_slice %arg5[%dma_start3A_37] : memref<1024xi32, #tpu.memory_space<vmem>> -> memref<256xi32, #tpu.memory_space<vmem>>
    %dma_start3A_39 = arith.constant 0 : i32
    %dma_start3A_40 = arith.constant 0 : i32
    %dma_start3A_41 = tpu.memref_slice %arg2[%dma_start3A_39, %dma_start3A_40] : memref<1024x256xf32, #tpu.memory_space<hbm>> -> memref<1024x256xf32, #tpu.memory_space<hbm>>
    tpu.enqueue_indirect_dma source(%dma_start3A_41 : memref<1024x256xf32, #tpu.memory_space<hbm>>) target(%arg6 : memref<256x256xf32, #tpu.memory_space<vmem>>) offsets(%dma_start3A_38 : memref<256xi32, #tpu.memory_space<vmem>>) semaphore(%arg7 : memref<!tpu.dma_semaphore, #tpu.memory_space<semaphore_mem>>)
    %dma_wait3A_42 = arith.constant 768 : i32
    %dma_wait3A_43 = tpu.memref_slice %arg5[%dma_wait3A_42] : memref<1024xi32, #tpu.memory_space<vmem>> -> memref<256xi32, #tpu.memory_space<vmem>>
    %dma_wait3A_44 = arith.constant 0 : i32
    %dma_wait3A_45 = arith.constant 0 : i32
    %dma_wait3A_46 = tpu.memref_slice %arg2[%dma_wait3A_44, %dma_wait3A_45] : memref<1024x256xf32, #tpu.memory_space<hbm>> -> memref<1024x256xf32, #tpu.memory_space<hbm>>
    tpu.wait_indirect_dma semaphore(%arg7 : memref<!tpu.dma_semaphore, #tpu.memory_space<semaphore_mem>>) src(%dma_wait3A_46 : memref<1024x256xf32, #tpu.memory_space<hbm>>) dst(%arg6 : memref<256x256xf32, #tpu.memory_space<vmem>>)
    %add3A_47 = arith.constant 768 : i32
    %add3A_48 = arith.addi %mul3A_2, %add3A_47 : i32
    "tpu.region"() ({
      %run_scoped3A = tpu.sem_alloc : memref<!tpu.dma_semaphore, #tpu.memory_space<semaphore_mem>>
      %dma_start3A_49 = arith.constant 0 : i32
      %dma_start3A_50 = tpu.memref_slice %arg4[%add3A_48, %dma_start3A_49] : memref<32768x256xf32, #tpu.memory_space<hbm>> -> memref<256x256xf32, #tpu.memory_space<hbm>>
      %dma_start3A_51 = arith.constant 0 : i32
      %dma_start3A_52 = tpu.memref_slice %arg4[%add3A_48, %dma_start3A_51] : memref<32768x256xf32, #tpu.memory_space<hbm>> -> memref<256x256xf32, #tpu.memory_space<hbm>>
      tpu.enqueue_dma source(%arg6 : memref<256x256xf32, #tpu.memory_space<vmem>>) target(%dma_start3A_52 : memref<256x256xf32, #tpu.memory_space<hbm>>) target_semaphore(%run_scoped3A : memref<!tpu.dma_semaphore, #tpu.memory_space<semaphore_mem>>)
      %dma_wait3A_53 = arith.constant 0 : i32
      %dma_wait3A_54 = tpu.memref_slice %arg4[%add3A_48, %dma_wait3A_53] : memref<32768x256xf32, #tpu.memory_space<hbm>> -> memref<256x256xf32, #tpu.memory_space<hbm>>
      %dma_wait3A_55 = arith.constant 0 : i32
      %dma_wait3A_56 = tpu.memref_slice %arg4[%add3A_48, %dma_wait3A_55] : memref<32768x256xf32, #tpu.memory_space<hbm>> -> memref<256x256xf32, #tpu.memory_space<hbm>>
      tpu.wait_dma2 semaphore(%run_scoped3A : memref<!tpu.dma_semaphore, #tpu.memory_space<semaphore_mem>>) src(%arg6 : memref<256x256xf32, #tpu.memory_space<vmem>>) dst(%dma_wait3A_56 : memref<256x256xf32, #tpu.memory_space<hbm>>)
      tpu.yield
    }) : () -> ()
    return
  }
}

#map = affine_map<(d0, d1) -> (0, 0)>
#map1 = affine_map<(d0, d1) -> (0)>
module attributes {stable_mosaic.version = 14 : i64} {
  func.func @k(%arg0: i32, %arg1: i32, %arg2: memref<1024x256xf32, #tpu.memory_space<hbm>>, %arg3: memref<32768xi32, #tpu.memory_space<hbm>>, %arg4: memref<32768x256xf32, #tpu.memory_space<hbm>>, %arg5: memref<1024xi32, #tpu.memory_space<vmem>>, %arg6: memref<256x256xf32, #tpu.memory_space<vmem>>, %arg7: memref<!tpu.dma_semaphore, #tpu.memory_space<semaphore_mem>>) attributes {dimension_semantics = [#tpu.dimension_semantics<core_parallel>, #tpu.dimension_semantics<subcore_parallel>], iteration_bounds = array<i64: 2, 16>, scalar_prefetch = 0 : i64, scratch_operands = 3 : i64, tpu.core_type = #tpu.core_type<sc_vector_subcore>, window_params = [{transform_indices = #map}, {transform_indices = #map1}, {transform_indices = #map}]} {
    %mul3A = arith.constant 2 : i32
    %mul3A_0 = arith.muli %arg1, %mul3A : i32
    %add3A = arith.addi %mul3A_0, %arg0 : i32
    %mul3A_1 = arith.constant 1024 : i32
    %mul3A_2 = arith.muli %add3A, %mul3A_1 : i32
    "tpu.region"() ({
      %run_scoped3A = tpu.sem_alloc : memref<!tpu.dma_semaphore, #tpu.memory_space<semaphore_mem>>
      %dma_start3A_49 = tpu.memref_slice %arg3[%mul3A_2] : memref<32768xi32, #tpu.memory_space<hbm>> -> memref<1024xi32, #tpu.memory_space<hbm>>
      %dma_start3A_50 = tpu.memref_slice %arg3[%mul3A_2] : memref<32768xi32, #tpu.memory_space<hbm>> -> memref<1024xi32, #tpu.memory_space<hbm>>
      tpu.enqueue_dma source(%dma_start3A_50 : memref<1024xi32, #tpu.memory_space<hbm>>) target(%arg5 : memref<1024xi32, #tpu.memory_space<vmem>>) target_semaphore(%run_scoped3A : memref<!tpu.dma_semaphore, #tpu.memory_space<semaphore_mem>>)
      %dma_wait3A_51 = tpu.memref_slice %arg3[%mul3A_2] : memref<32768xi32, #tpu.memory_space<hbm>> -> memref<1024xi32, #tpu.memory_space<hbm>>
      %dma_wait3A_52 = tpu.memref_slice %arg3[%mul3A_2] : memref<32768xi32, #tpu.memory_space<hbm>> -> memref<1024xi32, #tpu.memory_space<hbm>>
      tpu.wait_dma2 semaphore(%run_scoped3A : memref<!tpu.dma_semaphore, #tpu.memory_space<semaphore_mem>>) src(%dma_wait3A_52 : memref<1024xi32, #tpu.memory_space<hbm>>) dst(%arg5 : memref<1024xi32, #tpu.memory_space<vmem>>)
      tpu.yield
    }) : () -> ()
    %dma_start3A = arith.constant 0 : i32
    %dma_start3A_3 = tpu.memref_slice %arg5[%dma_start3A] : memref<1024xi32, #tpu.memory_space<vmem>> -> memref<256xi32, #tpu.memory_space<vmem>>
    %dma_start3A_4 = arith.constant 0 : i32
    %dma_start3A_5 = arith.constant 0 : i32
    %dma_start3A_6 = tpu.memref_slice %arg2[%dma_start3A_4, %dma_start3A_5] : memref<1024x256xf32, #tpu.memory_space<hbm>> -> memref<1024x256xf32, #tpu.memory_space<hbm>>
    tpu.enqueue_indirect_dma source(%dma_start3A_6 : memref<1024x256xf32, #tpu.memory_space<hbm>>) target(%arg6 : memref<256x256xf32, #tpu.memory_space<vmem>>) offsets(%dma_start3A_3 : memref<256xi32, #tpu.memory_space<vmem>>) semaphore(%arg7 : memref<!tpu.dma_semaphore, #tpu.memory_space<semaphore_mem>>)
    %dma_wait3A = arith.constant 0 : i32
    %dma_wait3A_7 = tpu.memref_slice %arg5[%dma_wait3A] : memref<1024xi32, #tpu.memory_space<vmem>> -> memref<256xi32, #tpu.memory_space<vmem>>
    %dma_wait3A_8 = arith.constant 0 : i32
    %dma_wait3A_9 = arith.constant 0 : i32
    %dma_wait3A_10 = tpu.memref_slice %arg2[%dma_wait3A_8, %dma_wait3A_9] : memref<1024x256xf32, #tpu.memory_space<hbm>> -> memref<1024x256xf32, #tpu.memory_space<hbm>>
    tpu.wait_indirect_dma semaphore(%arg7 : memref<!tpu.dma_semaphore, #tpu.memory_space<semaphore_mem>>) src(%dma_wait3A_10 : memref<1024x256xf32, #tpu.memory_space<hbm>>) dst(%arg6 : memref<256x256xf32, #tpu.memory_space<vmem>>)
    %add3A_11 = arith.constant 0 : i32
    %add3A_12 = arith.addi %mul3A_2, %add3A_11 : i32
    "tpu.region"() ({
      %run_scoped3A = tpu.sem_alloc : memref<!tpu.dma_semaphore, #tpu.memory_space<semaphore_mem>>
      %dma_start3A_49 = arith.constant 0 : i32
      %dma_start3A_50 = tpu.memref_slice %arg4[%add3A_12, %dma_start3A_49] : memref<32768x256xf32, #tpu.memory_space<hbm>> -> memref<256x256xf32, #tpu.memory_space<hbm>>
      %dma_start3A_51 = arith.constant 0 : i32
      %dma_start3A_52 = tpu.memref_slice %arg4[%add3A_12, %dma_start3A_51] : memref<32768x256xf32, #tpu.memory_space<hbm>> -> memref<256x256xf32, #tpu.memory_space<hbm>>
      tpu.enqueue_dma source(%arg6 : memref<256x256xf32, #tpu.memory_space<vmem>>) target(%dma_start3A_52 : memref<256x256xf32, #tpu.memory_space<hbm>>) target_semaphore(%run_scoped3A : memref<!tpu.dma_semaphore, #tpu.memory_space<semaphore_mem>>)
      %dma_wait3A_53 = arith.constant 0 : i32
      %dma_wait3A_54 = tpu.memref_slice %arg4[%add3A_12, %dma_wait3A_53] : memref<32768x256xf32, #tpu.memory_space<hbm>> -> memref<256x256xf32, #tpu.memory_space<hbm>>
      %dma_wait3A_55 = arith.constant 0 : i32
      %dma_wait3A_56 = tpu.memref_slice %arg4[%add3A_12, %dma_wait3A_55] : memref<32768x256xf32, #tpu.memory_space<hbm>> -> memref<256x256xf32, #tpu.memory_space<hbm>>
      tpu.wait_dma2 semaphore(%run_scoped3A : memref<!tpu.dma_semaphore, #tpu.memory_space<semaphore_mem>>) src(%arg6 : memref<256x256xf32, #tpu.memory_space<vmem>>) dst(%dma_wait3A_56 : memref<256x256xf32, #tpu.memory_space<hbm>>)
      tpu.yield
    }) : () -> ()
    %dma_start3A_13 = arith.constant 256 : i32
    %dma_start3A_14 = tpu.memref_slice %arg5[%dma_start3A_13] : memref<1024xi32, #tpu.memory_space<vmem>> -> memref<256xi32, #tpu.memory_space<vmem>>
    %dma_start3A_15 = arith.constant 0 : i32
    %dma_start3A_16 = arith.constant 0 : i32
    %dma_start3A_17 = tpu.memref_slice %arg2[%dma_start3A_15, %dma_start3A_16] : memref<1024x256xf32, #tpu.memory_space<hbm>> -> memref<1024x256xf32, #tpu.memory_space<hbm>>
    tpu.enqueue_indirect_dma source(%dma_start3A_17 : memref<1024x256xf32, #tpu.memory_space<hbm>>) target(%arg6 : memref<256x256xf32, #tpu.memory_space<vmem>>) offsets(%dma_start3A_14 : memref<256xi32, #tpu.memory_space<vmem>>) semaphore(%arg7 : memref<!tpu.dma_semaphore, #tpu.memory_space<semaphore_mem>>)
    %dma_wait3A_18 = arith.constant 256 : i32
    %dma_wait3A_19 = tpu.memref_slice %arg5[%dma_wait3A_18] : memref<1024xi32, #tpu.memory_space<vmem>> -> memref<256xi32, #tpu.memory_space<vmem>>
    %dma_wait3A_20 = arith.constant 0 : i32
    %dma_wait3A_21 = arith.constant 0 : i32
    %dma_wait3A_22 = tpu.memref_slice %arg2[%dma_wait3A_20, %dma_wait3A_21] : memref<1024x256xf32, #tpu.memory_space<hbm>> -> memref<1024x256xf32, #tpu.memory_space<hbm>>
    tpu.wait_indirect_dma semaphore(%arg7 : memref<!tpu.dma_semaphore, #tpu.memory_space<semaphore_mem>>) src(%dma_wait3A_22 : memref<1024x256xf32, #tpu.memory_space<hbm>>) dst(%arg6 : memref<256x256xf32, #tpu.memory_space<vmem>>)
    %add3A_23 = arith.constant 256 : i32
    %add3A_24 = arith.addi %mul3A_2, %add3A_23 : i32
    "tpu.region"() ({
      %run_scoped3A = tpu.sem_alloc : memref<!tpu.dma_semaphore, #tpu.memory_space<semaphore_mem>>
      %dma_start3A_49 = arith.constant 0 : i32
      %dma_start3A_50 = tpu.memref_slice %arg4[%add3A_24, %dma_start3A_49] : memref<32768x256xf32, #tpu.memory_space<hbm>> -> memref<256x256xf32, #tpu.memory_space<hbm>>
      %dma_start3A_51 = arith.constant 0 : i32
      %dma_start3A_52 = tpu.memref_slice %arg4[%add3A_24, %dma_start3A_51] : memref<32768x256xf32, #tpu.memory_space<hbm>> -> memref<256x256xf32, #tpu.memory_space<hbm>>
      tpu.enqueue_dma source(%arg6 : memref<256x256xf32, #tpu.memory_space<vmem>>) target(%dma_start3A_52 : memref<256x256xf32, #tpu.memory_space<hbm>>) target_semaphore(%run_scoped3A : memref<!tpu.dma_semaphore, #tpu.memory_space<semaphore_mem>>)
      %dma_wait3A_53 = arith.constant 0 : i32
      %dma_wait3A_54 = tpu.memref_slice %arg4[%add3A_24, %dma_wait3A_53] : memref<32768x256xf32, #tpu.memory_space<hbm>> -> memref<256x256xf32, #tpu.memory_space<hbm>>
      %dma_wait3A_55 = arith.constant 0 : i32
      %dma_wait3A_56 = tpu.memref_slice %arg4[%add3A_24, %dma_wait3A_55] : memref<32768x256xf32, #tpu.memory_space<hbm>> -> memref<256x256xf32, #tpu.memory_space<hbm>>
      tpu.wait_dma2 semaphore(%run_scoped3A : memref<!tpu.dma_semaphore, #tpu.memory_space<semaphore_mem>>) src(%arg6 : memref<256x256xf32, #tpu.memory_space<vmem>>) dst(%dma_wait3A_56 : memref<256x256xf32, #tpu.memory_space<hbm>>)
      tpu.yield
    }) : () -> ()
    %dma_start3A_25 = arith.constant 512 : i32
    %dma_start3A_26 = tpu.memref_slice %arg5[%dma_start3A_25] : memref<1024xi32, #tpu.memory_space<vmem>> -> memref<256xi32, #tpu.memory_space<vmem>>
    %dma_start3A_27 = arith.constant 0 : i32
    %dma_start3A_28 = arith.constant 0 : i32
    %dma_start3A_29 = tpu.memref_slice %arg2[%dma_start3A_27, %dma_start3A_28] : memref<1024x256xf32, #tpu.memory_space<hbm>> -> memref<1024x256xf32, #tpu.memory_space<hbm>>
    tpu.enqueue_indirect_dma source(%dma_start3A_29 : memref<1024x256xf32, #tpu.memory_space<hbm>>) target(%arg6 : memref<256x256xf32, #tpu.memory_space<vmem>>) offsets(%dma_start3A_26 : memref<256xi32, #tpu.memory_space<vmem>>) semaphore(%arg7 : memref<!tpu.dma_semaphore, #tpu.memory_space<semaphore_mem>>)
    %dma_wait3A_30 = arith.constant 512 : i32
    %dma_wait3A_31 = tpu.memref_slice %arg5[%dma_wait3A_30] : memref<1024xi32, #tpu.memory_space<vmem>> -> memref<256xi32, #tpu.memory_space<vmem>>
    %dma_wait3A_32 = arith.constant 0 : i32
    %dma_wait3A_33 = arith.constant 0 : i32
    %dma_wait3A_34 = tpu.memref_slice %arg2[%dma_wait3A_32, %dma_wait3A_33] : memref<1024x256xf32, #tpu.memory_space<hbm>> -> memref<1024x256xf32, #tpu.memory_space<hbm>>
    tpu.wait_indirect_dma semaphore(%arg7 : memref<!tpu.dma_semaphore, #tpu.memory_space<semaphore_mem>>) src(%dma_wait3A_34 : memref<1024x256xf32, #tpu.memory_space<hbm>>) dst(%arg6 : memref<256x256xf32, #tpu.memory_space<vmem>>)
    %add3A_35 = arith.constant 512 : i32
    %add3A_36 = arith.addi %mul3A_2, %add3A_35 : i32
    "tpu.region"() ({
      %run_scoped3A = tpu.sem_alloc : memref<!tpu.dma_semaphore, #tpu.memory_space<semaphore_mem>>
      %dma_start3A_49 = arith.constant 0 : i32
      %dma_start3A_50 = tpu.memref_slice %arg4[%add3A_36, %dma_start3A_49] : memref<32768x256xf32, #tpu.memory_space<hbm>> -> memref<256x256xf32, #tpu.memory_space<hbm>>
      %dma_start3A_51 = arith.constant 0 : i32
      %dma_start3A_52 = tpu.memref_slice %arg4[%add3A_36, %dma_start3A_51] : memref<32768x256xf32, #tpu.memory_space<hbm>> -> memref<256x256xf32, #tpu.memory_space<hbm>>
      tpu.enqueue_dma source(%arg6 : memref<256x256xf32, #tpu.memory_space<vmem>>) target(%dma_start3A_52 : memref<256x256xf32, #tpu.memory_space<hbm>>) target_semaphore(%run_scoped3A : memref<!tpu.dma_semaphore, #tpu.memory_space<semaphore_mem>>)
      %dma_wait3A_53 = arith.constant 0 : i32
      %dma_wait3A_54 = tpu.memref_slice %arg4[%add3A_36, %dma_wait3A_53] : memref<32768x256xf32, #tpu.memory_space<hbm>> -> memref<256x256xf32, #tpu.memory_space<hbm>>
      %dma_wait3A_55 = arith.constant 0 : i32
      %dma_wait3A_56 = tpu.memref_slice %arg4[%add3A_36, %dma_wait3A_55] : memref<32768x256xf32, #tpu.memory_space<hbm>> -> memref<256x256xf32, #tpu.memory_space<hbm>>
      tpu.wait_dma2 semaphore(%run_scoped3A : memref<!tpu.dma_semaphore, #tpu.memory_space<semaphore_mem>>) src(%arg6 : memref<256x256xf32, #tpu.memory_space<vmem>>) dst(%dma_wait3A_56 : memref<256x256xf32, #tpu.memory_space<hbm>>)
      tpu.yield
    }) : () -> ()
    %dma_start3A_37 = arith.constant 768 : i32
    %dma_start3A_38 = tpu.memref_slice %arg5[%dma_start3A_37] : memref<1024xi32, #tpu.memory_space<vmem>> -> memref<256xi32, #tpu.memory_space<vmem>>
    %dma_start3A_39 = arith.constant 0 : i32
    %dma_start3A_40 = arith.constant 0 : i32
    %dma_start3A_41 = tpu.memref_slice %arg2[%dma_start3A_39, %dma_start3A_40] : memref<1024x256xf32, #tpu.memory_space<hbm>> -> memref<1024x256xf32, #tpu.memory_space<hbm>>
    tpu.enqueue_indirect_dma source(%dma_start3A_41 : memref<1024x256xf32, #tpu.memory_space<hbm>>) target(%arg6 : memref<256x256xf32, #tpu.memory_space<vmem>>) offsets(%dma_start3A_38 : memref<256xi32, #tpu.memory_space<vmem>>) semaphore(%arg7 : memref<!tpu.dma_semaphore, #tpu.memory_space<semaphore_mem>>)
    %dma_wait3A_42 = arith.constant 768 : i32
    %dma_wait3A_43 = tpu.memref_slice %arg5[%dma_wait3A_42] : memref<1024xi32, #tpu.memory_space<vmem>> -> memref<256xi32, #tpu.memory_space<vmem>>
    %dma_wait3A_44 = arith.constant 0 : i32
    %dma_wait3A_45 = arith.constant 0 : i32
    %dma_wait3A_46 = tpu.memref_slice %arg2[%dma_wait3A_44, %dma_wait3A_45] : memref<1024x256xf32, #tpu.memory_space<hbm>> -> memref<1024x256xf32, #tpu.memory_space<hbm>>
    tpu.wait_indirect_dma semaphore(%arg7 : memref<!tpu.dma_semaphore, #tpu.memory_space<semaphore_mem>>) src(%dma_wait3A_46 : memref<1024x256xf32, #tpu.memory_space<hbm>>) dst(%arg6 : memref<256x256xf32, #tpu.memory_space<vmem>>)
    %add3A_47 = arith.constant 768 : i32
    %add3A_48 = arith.addi %mul3A_2, %add3A_47 : i32
    "tpu.region"() ({
      %run_scoped3A = tpu.sem_alloc : memref<!tpu.dma_semaphore, #tpu.memory_space<semaphore_mem>>
      %dma_start3A_49 = arith.constant 0 : i32
      %dma_start3A_50 = tpu.memref_slice %arg4[%add3A_48, %dma_start3A_49] : memref<32768x256xf32, #tpu.memory_space<hbm>> -> memref<256x256xf32, #tpu.memory_space<hbm>>
      %dma_start3A_51 = arith.constant 0 : i32
      %dma_start3A_52 = tpu.memref_slice %arg4[%add3A_48, %dma_start3A_51] : memref<32768x256xf32, #tpu.memory_space<hbm>> -> memref<256x256xf32, #tpu.memory_space<hbm>>
      tpu.enqueue_dma source(%arg6 : memref<256x256xf32, #tpu.memory_space<vmem>>) target(%dma_start3A_52 : memref<256x256xf32, #tpu.memory_space<hbm>>) target_semaphore(%run_scoped3A : memref<!tpu.dma_semaphore, #tpu.memory_space<semaphore_mem>>)
      %dma_wait3A_53 = arith.constant 0 : i32
      %dma_wait3A_54 = tpu.memref_slice %arg4[%add3A_48, %dma_wait3A_53] : memref<32768x256xf32, #tpu.memory_space<hbm>> -> memref<256x256xf32, #tpu.memory_space<hbm>>
      %dma_wait3A_55 = arith.constant 0 : i32
      %dma_wait3A_56 = tpu.memref_slice %arg4[%add3A_48, %dma_wait3A_55] : memref<32768x256xf32, #tpu.memory_space<hbm>> -> memref<256x256xf32, #tpu.memory_space<hbm>>
      tpu.wait_dma2 semaphore(%run_scoped3A : memref<!tpu.dma_semaphore, #tpu.memory_space<semaphore_mem>>) src(%arg6 : memref<256x256xf32, #tpu.memory_space<vmem>>) dst(%dma_wait3A_56 : memref<256x256xf32, #tpu.memory_space<hbm>>)
      tpu.yield
    }) : () -> ()
    return
  }
}

#map = affine_map<(d0, d1) -> (0, 0)>
#map1 = affine_map<(d0, d1) -> (0)>
module attributes {stable_mosaic.version = 14 : i64} {
  func.func @k(%arg0: i32, %arg1: i32, %arg2: memref<1024x256xf32, #tpu.memory_space<hbm>>, %arg3: memref<32768xi32, #tpu.memory_space<hbm>>, %arg4: memref<32768x256xf32, #tpu.memory_space<hbm>>, %arg5: memref<1024xi32, #tpu.memory_space<vmem>>, %arg6: memref<256x256xf32, #tpu.memory_space<vmem>>, %arg7: memref<!tpu.dma_semaphore, #tpu.memory_space<semaphore_mem>>) attributes {dimension_semantics = [#tpu.dimension_semantics<core_parallel>, #tpu.dimension_semantics<subcore_parallel>], iteration_bounds = array<i64: 2, 16>, scalar_prefetch = 0 : i64, scratch_operands = 3 : i64, tpu.core_type = #tpu.core_type<sc_vector_subcore>, window_params = [{transform_indices = #map}, {transform_indices = #map1}, {transform_indices = #map}]} {
    %mul3A = arith.constant 2 : i32
    %mul3A_0 = arith.muli %arg1, %mul3A : i32
    %add3A = arith.addi %mul3A_0, %arg0 : i32
    %mul3A_1 = arith.constant 1024 : i32
    %mul3A_2 = arith.muli %add3A, %mul3A_1 : i32
    "tpu.region"() ({
      %run_scoped3A = tpu.sem_alloc : memref<!tpu.dma_semaphore, #tpu.memory_space<semaphore_mem>>
      %dma_start3A_49 = tpu.memref_slice %arg3[%mul3A_2] : memref<32768xi32, #tpu.memory_space<hbm>> -> memref<1024xi32, #tpu.memory_space<hbm>>
      %dma_start3A_50 = tpu.memref_slice %arg3[%mul3A_2] : memref<32768xi32, #tpu.memory_space<hbm>> -> memref<1024xi32, #tpu.memory_space<hbm>>
      tpu.enqueue_dma source(%dma_start3A_50 : memref<1024xi32, #tpu.memory_space<hbm>>) target(%arg5 : memref<1024xi32, #tpu.memory_space<vmem>>) target_semaphore(%run_scoped3A : memref<!tpu.dma_semaphore, #tpu.memory_space<semaphore_mem>>)
      %dma_wait3A_51 = tpu.memref_slice %arg3[%mul3A_2] : memref<32768xi32, #tpu.memory_space<hbm>> -> memref<1024xi32, #tpu.memory_space<hbm>>
      %dma_wait3A_52 = tpu.memref_slice %arg3[%mul3A_2] : memref<32768xi32, #tpu.memory_space<hbm>> -> memref<1024xi32, #tpu.memory_space<hbm>>
      tpu.wait_dma2 semaphore(%run_scoped3A : memref<!tpu.dma_semaphore, #tpu.memory_space<semaphore_mem>>) src(%dma_wait3A_52 : memref<1024xi32, #tpu.memory_space<hbm>>) dst(%arg5 : memref<1024xi32, #tpu.memory_space<vmem>>)
      tpu.yield
    }) : () -> ()
    %dma_start3A = arith.constant 0 : i32
    %dma_start3A_3 = tpu.memref_slice %arg5[%dma_start3A] : memref<1024xi32, #tpu.memory_space<vmem>> -> memref<256xi32, #tpu.memory_space<vmem>>
    %dma_start3A_4 = arith.constant 0 : i32
    %dma_start3A_5 = arith.constant 0 : i32
    %dma_start3A_6 = tpu.memref_slice %arg2[%dma_start3A_4, %dma_start3A_5] : memref<1024x256xf32, #tpu.memory_space<hbm>> -> memref<1024x256xf32, #tpu.memory_space<hbm>>
    tpu.enqueue_indirect_dma source(%dma_start3A_6 : memref<1024x256xf32, #tpu.memory_space<hbm>>) target(%arg6 : memref<256x256xf32, #tpu.memory_space<vmem>>) offsets(%dma_start3A_3 : memref<256xi32, #tpu.memory_space<vmem>>) semaphore(%arg7 : memref<!tpu.dma_semaphore, #tpu.memory_space<semaphore_mem>>)
    %dma_wait3A = arith.constant 0 : i32
    %dma_wait3A_7 = tpu.memref_slice %arg5[%dma_wait3A] : memref<1024xi32, #tpu.memory_space<vmem>> -> memref<256xi32, #tpu.memory_space<vmem>>
    %dma_wait3A_8 = arith.constant 0 : i32
    %dma_wait3A_9 = arith.constant 0 : i32
    %dma_wait3A_10 = tpu.memref_slice %arg2[%dma_wait3A_8, %dma_wait3A_9] : memref<1024x256xf32, #tpu.memory_space<hbm>> -> memref<1024x256xf32, #tpu.memory_space<hbm>>
    tpu.wait_indirect_dma semaphore(%arg7 : memref<!tpu.dma_semaphore, #tpu.memory_space<semaphore_mem>>) src(%dma_wait3A_10 : memref<1024x256xf32, #tpu.memory_space<hbm>>) dst(%arg6 : memref<256x256xf32, #tpu.memory_space<vmem>>)
    %add3A_11 = arith.constant 0 : i32
    %add3A_12 = arith.addi %mul3A_2, %add3A_11 : i32
    "tpu.region"() ({
      %run_scoped3A = tpu.sem_alloc : memref<!tpu.dma_semaphore, #tpu.memory_space<semaphore_mem>>
      %dma_start3A_49 = arith.constant 0 : i32
      %dma_start3A_50 = tpu.memref_slice %arg4[%add3A_12, %dma_start3A_49] : memref<32768x256xf32, #tpu.memory_space<hbm>> -> memref<256x256xf32, #tpu.memory_space<hbm>>
      %dma_start3A_51 = arith.constant 0 : i32
      %dma_start3A_52 = tpu.memref_slice %arg4[%add3A_12, %dma_start3A_51] : memref<32768x256xf32, #tpu.memory_space<hbm>> -> memref<256x256xf32, #tpu.memory_space<hbm>>
      tpu.enqueue_dma source(%arg6 : memref<256x256xf32, #tpu.memory_space<vmem>>) target(%dma_start3A_52 : memref<256x256xf32, #tpu.memory_space<hbm>>) target_semaphore(%run_scoped3A : memref<!tpu.dma_semaphore, #tpu.memory_space<semaphore_mem>>)
      %dma_wait3A_53 = arith.constant 0 : i32
      %dma_wait3A_54 = tpu.memref_slice %arg4[%add3A_12, %dma_wait3A_53] : memref<32768x256xf32, #tpu.memory_space<hbm>> -> memref<256x256xf32, #tpu.memory_space<hbm>>
      %dma_wait3A_55 = arith.constant 0 : i32
      %dma_wait3A_56 = tpu.memref_slice %arg4[%add3A_12, %dma_wait3A_55] : memref<32768x256xf32, #tpu.memory_space<hbm>> -> memref<256x256xf32, #tpu.memory_space<hbm>>
      tpu.wait_dma2 semaphore(%run_scoped3A : memref<!tpu.dma_semaphore, #tpu.memory_space<semaphore_mem>>) src(%arg6 : memref<256x256xf32, #tpu.memory_space<vmem>>) dst(%dma_wait3A_56 : memref<256x256xf32, #tpu.memory_space<hbm>>)
      tpu.yield
    }) : () -> ()
    %dma_start3A_13 = arith.constant 256 : i32
    %dma_start3A_14 = tpu.memref_slice %arg5[%dma_start3A_13] : memref<1024xi32, #tpu.memory_space<vmem>> -> memref<256xi32, #tpu.memory_space<vmem>>
    %dma_start3A_15 = arith.constant 0 : i32
    %dma_start3A_16 = arith.constant 0 : i32
    %dma_start3A_17 = tpu.memref_slice %arg2[%dma_start3A_15, %dma_start3A_16] : memref<1024x256xf32, #tpu.memory_space<hbm>> -> memref<1024x256xf32, #tpu.memory_space<hbm>>
    tpu.enqueue_indirect_dma source(%dma_start3A_17 : memref<1024x256xf32, #tpu.memory_space<hbm>>) target(%arg6 : memref<256x256xf32, #tpu.memory_space<vmem>>) offsets(%dma_start3A_14 : memref<256xi32, #tpu.memory_space<vmem>>) semaphore(%arg7 : memref<!tpu.dma_semaphore, #tpu.memory_space<semaphore_mem>>)
    %dma_wait3A_18 = arith.constant 256 : i32
    %dma_wait3A_19 = tpu.memref_slice %arg5[%dma_wait3A_18] : memref<1024xi32, #tpu.memory_space<vmem>> -> memref<256xi32, #tpu.memory_space<vmem>>
    %dma_wait3A_20 = arith.constant 0 : i32
    %dma_wait3A_21 = arith.constant 0 : i32
    %dma_wait3A_22 = tpu.memref_slice %arg2[%dma_wait3A_20, %dma_wait3A_21] : memref<1024x256xf32, #tpu.memory_space<hbm>> -> memref<1024x256xf32, #tpu.memory_space<hbm>>
    tpu.wait_indirect_dma semaphore(%arg7 : memref<!tpu.dma_semaphore, #tpu.memory_space<semaphore_mem>>) src(%dma_wait3A_22 : memref<1024x256xf32, #tpu.memory_space<hbm>>) dst(%arg6 : memref<256x256xf32, #tpu.memory_space<vmem>>)
    %add3A_23 = arith.constant 256 : i32
    %add3A_24 = arith.addi %mul3A_2, %add3A_23 : i32
    "tpu.region"() ({
      %run_scoped3A = tpu.sem_alloc : memref<!tpu.dma_semaphore, #tpu.memory_space<semaphore_mem>>
      %dma_start3A_49 = arith.constant 0 : i32
      %dma_start3A_50 = tpu.memref_slice %arg4[%add3A_24, %dma_start3A_49] : memref<32768x256xf32, #tpu.memory_space<hbm>> -> memref<256x256xf32, #tpu.memory_space<hbm>>
      %dma_start3A_51 = arith.constant 0 : i32
      %dma_start3A_52 = tpu.memref_slice %arg4[%add3A_24, %dma_start3A_51] : memref<32768x256xf32, #tpu.memory_space<hbm>> -> memref<256x256xf32, #tpu.memory_space<hbm>>
      tpu.enqueue_dma source(%arg6 : memref<256x256xf32, #tpu.memory_space<vmem>>) target(%dma_start3A_52 : memref<256x256xf32, #tpu.memory_space<hbm>>) target_semaphore(%run_scoped3A : memref<!tpu.dma_semaphore, #tpu.memory_space<semaphore_mem>>)
      %dma_wait3A_53 = arith.constant 0 : i32
      %dma_wait3A_54 = tpu.memref_slice %arg4[%add3A_24, %dma_wait3A_53] : memref<32768x256xf32, #tpu.memory_space<hbm>> -> memref<256x256xf32, #tpu.memory_space<hbm>>
      %dma_wait3A_55 = arith.constant 0 : i32
      %dma_wait3A_56 = tpu.memref_slice %arg4[%add3A_24, %dma_wait3A_55] : memref<32768x256xf32, #tpu.memory_space<hbm>> -> memref<256x256xf32, #tpu.memory_space<hbm>>
      tpu.wait_dma2 semaphore(%run_scoped3A : memref<!tpu.dma_semaphore, #tpu.memory_space<semaphore_mem>>) src(%arg6 : memref<256x256xf32, #tpu.memory_space<vmem>>) dst(%dma_wait3A_56 : memref<256x256xf32, #tpu.memory_space<hbm>>)
      tpu.yield
    }) : () -> ()
    %dma_start3A_25 = arith.constant 512 : i32
    %dma_start3A_26 = tpu.memref_slice %arg5[%dma_start3A_25] : memref<1024xi32, #tpu.memory_space<vmem>> -> memref<256xi32, #tpu.memory_space<vmem>>
    %dma_start3A_27 = arith.constant 0 : i32
    %dma_start3A_28 = arith.constant 0 : i32
    %dma_start3A_29 = tpu.memref_slice %arg2[%dma_start3A_27, %dma_start3A_28] : memref<1024x256xf32, #tpu.memory_space<hbm>> -> memref<1024x256xf32, #tpu.memory_space<hbm>>
    tpu.enqueue_indirect_dma source(%dma_start3A_29 : memref<1024x256xf32, #tpu.memory_space<hbm>>) target(%arg6 : memref<256x256xf32, #tpu.memory_space<vmem>>) offsets(%dma_start3A_26 : memref<256xi32, #tpu.memory_space<vmem>>) semaphore(%arg7 : memref<!tpu.dma_semaphore, #tpu.memory_space<semaphore_mem>>)
    %dma_wait3A_30 = arith.constant 512 : i32
    %dma_wait3A_31 = tpu.memref_slice %arg5[%dma_wait3A_30] : memref<1024xi32, #tpu.memory_space<vmem>> -> memref<256xi32, #tpu.memory_space<vmem>>
    %dma_wait3A_32 = arith.constant 0 : i32
    %dma_wait3A_33 = arith.constant 0 : i32
    %dma_wait3A_34 = tpu.memref_slice %arg2[%dma_wait3A_32, %dma_wait3A_33] : memref<1024x256xf32, #tpu.memory_space<hbm>> -> memref<1024x256xf32, #tpu.memory_space<hbm>>
    tpu.wait_indirect_dma semaphore(%arg7 : memref<!tpu.dma_semaphore, #tpu.memory_space<semaphore_mem>>) src(%dma_wait3A_34 : memref<1024x256xf32, #tpu.memory_space<hbm>>) dst(%arg6 : memref<256x256xf32, #tpu.memory_space<vmem>>)
    %add3A_35 = arith.constant 512 : i32
    %add3A_36 = arith.addi %mul3A_2, %add3A_35 : i32
    "tpu.region"() ({
      %run_scoped3A = tpu.sem_alloc : memref<!tpu.dma_semaphore, #tpu.memory_space<semaphore_mem>>
      %dma_start3A_49 = arith.constant 0 : i32
      %dma_start3A_50 = tpu.memref_slice %arg4[%add3A_36, %dma_start3A_49] : memref<32768x256xf32, #tpu.memory_space<hbm>> -> memref<256x256xf32, #tpu.memory_space<hbm>>
      %dma_start3A_51 = arith.constant 0 : i32
      %dma_start3A_52 = tpu.memref_slice %arg4[%add3A_36, %dma_start3A_51] : memref<32768x256xf32, #tpu.memory_space<hbm>> -> memref<256x256xf32, #tpu.memory_space<hbm>>
      tpu.enqueue_dma source(%arg6 : memref<256x256xf32, #tpu.memory_space<vmem>>) target(%dma_start3A_52 : memref<256x256xf32, #tpu.memory_space<hbm>>) target_semaphore(%run_scoped3A : memref<!tpu.dma_semaphore, #tpu.memory_space<semaphore_mem>>)
      %dma_wait3A_53 = arith.constant 0 : i32
      %dma_wait3A_54 = tpu.memref_slice %arg4[%add3A_36, %dma_wait3A_53] : memref<32768x256xf32, #tpu.memory_space<hbm>> -> memref<256x256xf32, #tpu.memory_space<hbm>>
      %dma_wait3A_55 = arith.constant 0 : i32
      %dma_wait3A_56 = tpu.memref_slice %arg4[%add3A_36, %dma_wait3A_55] : memref<32768x256xf32, #tpu.memory_space<hbm>> -> memref<256x256xf32, #tpu.memory_space<hbm>>
      tpu.wait_dma2 semaphore(%run_scoped3A : memref<!tpu.dma_semaphore, #tpu.memory_space<semaphore_mem>>) src(%arg6 : memref<256x256xf32, #tpu.memory_space<vmem>>) dst(%dma_wait3A_56 : memref<256x256xf32, #tpu.memory_space<hbm>>)
      tpu.yield
    }) : () -> ()
    %dma_start3A_37 = arith.constant 768 : i32
    %dma_start3A_38 = tpu.memref_slice %arg5[%dma_start3A_37] : memref<1024xi32, #tpu.memory_space<vmem>> -> memref<256xi32, #tpu.memory_space<vmem>>
    %dma_start3A_39 = arith.constant 0 : i32
    %dma_start3A_40 = arith.constant 0 : i32
    %dma_start3A_41 = tpu.memref_slice %arg2[%dma_start3A_39, %dma_start3A_40] : memref<1024x256xf32, #tpu.memory_space<hbm>> -> memref<1024x256xf32, #tpu.memory_space<hbm>>
    tpu.enqueue_indirect_dma source(%dma_start3A_41 : memref<1024x256xf32, #tpu.memory_space<hbm>>) target(%arg6 : memref<256x256xf32, #tpu.memory_space<vmem>>) offsets(%dma_start3A_38 : memref<256xi32, #tpu.memory_space<vmem>>) semaphore(%arg7 : memref<!tpu.dma_semaphore, #tpu.memory_space<semaphore_mem>>)
    %dma_wait3A_42 = arith.constant 768 : i32
    %dma_wait3A_43 = tpu.memref_slice %arg5[%dma_wait3A_42] : memref<1024xi32, #tpu.memory_space<vmem>> -> memref<256xi32, #tpu.memory_space<vmem>>
    %dma_wait3A_44 = arith.constant 0 : i32
    %dma_wait3A_45 = arith.constant 0 : i32
    %dma_wait3A_46 = tpu.memref_slice %arg2[%dma_wait3A_44, %dma_wait3A_45] : memref<1024x256xf32, #tpu.memory_space<hbm>> -> memref<1024x256xf32, #tpu.memory_space<hbm>>
    tpu.wait_indirect_dma semaphore(%arg7 : memref<!tpu.dma_semaphore, #tpu.memory_space<semaphore_mem>>) src(%dma_wait3A_46 : memref<1024x256xf32, #tpu.memory_space<hbm>>) dst(%arg6 : memref<256x256xf32, #tpu.memory_space<vmem>>)
    %add3A_47 = arith.constant 768 : i32
    %add3A_48 = arith.addi %mul3A_2, %add3A_47 : i32
    "tpu.region"() ({
      %run_scoped3A = tpu.sem_alloc : memref<!tpu.dma_semaphore, #tpu.memory_space<semaphore_mem>>
      %dma_start3A_49 = arith.constant 0 : i32
      %dma_start3A_50 = tpu.memref_slice %arg4[%add3A_48, %dma_start3A_49] : memref<32768x256xf32, #tpu.memory_space<hbm>> -> memref<256x256xf32, #tpu.memory_space<hbm>>
      %dma_start3A_51 = arith.constant 0 : i32
      %dma_start3A_52 = tpu.memref_slice %arg4[%add3A_48, %dma_start3A_51] : memref<32768x256xf32, #tpu.memory_space<hbm>> -> memref<256x256xf32, #tpu.memory_space<hbm>>
      tpu.enqueue_dma source(%arg6 : memref<256x256xf32, #tpu.memory_space<vmem>>) target(%dma_start3A_52 : memref<256x256xf32, #tpu.memory_space<hbm>>) target_semaphore(%run_scoped3A : memref<!tpu.dma_semaphore, #tpu.memory_space<semaphore_mem>>)
      %dma_wait3A_53 = arith.constant 0 : i32
      %dma_wait3A_54 = tpu.memref_slice %arg4[%add3A_48, %dma_wait3A_53] : memref<32768x256xf32, #tpu.memory_space<hbm>> -> memref<256x256xf32, #tpu.memory_space<hbm>>
      %dma_wait3A_55 = arith.constant 0 : i32
      %dma_wait3A_56 = tpu.memref_slice %arg4[%add3A_48, %dma_wait3A_55] : memref<32768x256xf32, #tpu.memory_space<hbm>> -> memref<256x256xf32, #tpu.memory_space<hbm>>
      tpu.wait_dma2 semaphore(%run_scoped3A : memref<!tpu.dma_semaphore, #tpu.memory_space<semaphore_mem>>) src(%arg6 : memref<256x256xf32, #tpu.memory_space<vmem>>) dst(%dma_wait3A_56 : memref<256x256xf32, #tpu.memory_space<hbm>>)
      tpu.yield
    }) : () -> ()
    return
  }
}

#map = affine_map<(d0, d1) -> (0, 0)>
#map1 = affine_map<(d0, d1) -> (0)>
module attributes {stable_mosaic.version = 14 : i64} {
  func.func @k(%arg0: i32, %arg1: i32, %arg2: memref<1024x256xf32, #tpu.memory_space<hbm>>, %arg3: memref<32768xi32, #tpu.memory_space<hbm>>, %arg4: memref<32768x256xf32, #tpu.memory_space<hbm>>, %arg5: memref<1024xi32, #tpu.memory_space<vmem>>, %arg6: memref<256x256xf32, #tpu.memory_space<vmem>>, %arg7: memref<!tpu.dma_semaphore, #tpu.memory_space<semaphore_mem>>) attributes {dimension_semantics = [#tpu.dimension_semantics<core_parallel>, #tpu.dimension_semantics<subcore_parallel>], iteration_bounds = array<i64: 2, 16>, scalar_prefetch = 0 : i64, scratch_operands = 3 : i64, tpu.core_type = #tpu.core_type<sc_vector_subcore>, window_params = [{transform_indices = #map}, {transform_indices = #map1}, {transform_indices = #map}]} {
    %mul3A = arith.constant 2 : i32
    %mul3A_0 = arith.muli %arg1, %mul3A : i32
    %add3A = arith.addi %mul3A_0, %arg0 : i32
    %mul3A_1 = arith.constant 1024 : i32
    %mul3A_2 = arith.muli %add3A, %mul3A_1 : i32
    "tpu.region"() ({
      %run_scoped3A = tpu.sem_alloc : memref<!tpu.dma_semaphore, #tpu.memory_space<semaphore_mem>>
      %dma_start3A_49 = tpu.memref_slice %arg3[%mul3A_2] : memref<32768xi32, #tpu.memory_space<hbm>> -> memref<1024xi32, #tpu.memory_space<hbm>>
      %dma_start3A_50 = tpu.memref_slice %arg3[%mul3A_2] : memref<32768xi32, #tpu.memory_space<hbm>> -> memref<1024xi32, #tpu.memory_space<hbm>>
      tpu.enqueue_dma source(%dma_start3A_50 : memref<1024xi32, #tpu.memory_space<hbm>>) target(%arg5 : memref<1024xi32, #tpu.memory_space<vmem>>) target_semaphore(%run_scoped3A : memref<!tpu.dma_semaphore, #tpu.memory_space<semaphore_mem>>)
      %dma_wait3A_51 = tpu.memref_slice %arg3[%mul3A_2] : memref<32768xi32, #tpu.memory_space<hbm>> -> memref<1024xi32, #tpu.memory_space<hbm>>
      %dma_wait3A_52 = tpu.memref_slice %arg3[%mul3A_2] : memref<32768xi32, #tpu.memory_space<hbm>> -> memref<1024xi32, #tpu.memory_space<hbm>>
      tpu.wait_dma2 semaphore(%run_scoped3A : memref<!tpu.dma_semaphore, #tpu.memory_space<semaphore_mem>>) src(%dma_wait3A_52 : memref<1024xi32, #tpu.memory_space<hbm>>) dst(%arg5 : memref<1024xi32, #tpu.memory_space<vmem>>)
      tpu.yield
    }) : () -> ()
    %dma_start3A = arith.constant 0 : i32
    %dma_start3A_3 = tpu.memref_slice %arg5[%dma_start3A] : memref<1024xi32, #tpu.memory_space<vmem>> -> memref<256xi32, #tpu.memory_space<vmem>>
    %dma_start3A_4 = arith.constant 0 : i32
    %dma_start3A_5 = arith.constant 0 : i32
    %dma_start3A_6 = tpu.memref_slice %arg2[%dma_start3A_4, %dma_start3A_5] : memref<1024x256xf32, #tpu.memory_space<hbm>> -> memref<1024x256xf32, #tpu.memory_space<hbm>>
    tpu.enqueue_indirect_dma source(%dma_start3A_6 : memref<1024x256xf32, #tpu.memory_space<hbm>>) target(%arg6 : memref<256x256xf32, #tpu.memory_space<vmem>>) offsets(%dma_start3A_3 : memref<256xi32, #tpu.memory_space<vmem>>) semaphore(%arg7 : memref<!tpu.dma_semaphore, #tpu.memory_space<semaphore_mem>>)
    %dma_wait3A = arith.constant 0 : i32
    %dma_wait3A_7 = tpu.memref_slice %arg5[%dma_wait3A] : memref<1024xi32, #tpu.memory_space<vmem>> -> memref<256xi32, #tpu.memory_space<vmem>>
    %dma_wait3A_8 = arith.constant 0 : i32
    %dma_wait3A_9 = arith.constant 0 : i32
    %dma_wait3A_10 = tpu.memref_slice %arg2[%dma_wait3A_8, %dma_wait3A_9] : memref<1024x256xf32, #tpu.memory_space<hbm>> -> memref<1024x256xf32, #tpu.memory_space<hbm>>
    tpu.wait_indirect_dma semaphore(%arg7 : memref<!tpu.dma_semaphore, #tpu.memory_space<semaphore_mem>>) src(%dma_wait3A_10 : memref<1024x256xf32, #tpu.memory_space<hbm>>) dst(%arg6 : memref<256x256xf32, #tpu.memory_space<vmem>>)
    %add3A_11 = arith.constant 0 : i32
    %add3A_12 = arith.addi %mul3A_2, %add3A_11 : i32
    "tpu.region"() ({
      %run_scoped3A = tpu.sem_alloc : memref<!tpu.dma_semaphore, #tpu.memory_space<semaphore_mem>>
      %dma_start3A_49 = arith.constant 0 : i32
      %dma_start3A_50 = tpu.memref_slice %arg4[%add3A_12, %dma_start3A_49] : memref<32768x256xf32, #tpu.memory_space<hbm>> -> memref<256x256xf32, #tpu.memory_space<hbm>>
      %dma_start3A_51 = arith.constant 0 : i32
      %dma_start3A_52 = tpu.memref_slice %arg4[%add3A_12, %dma_start3A_51] : memref<32768x256xf32, #tpu.memory_space<hbm>> -> memref<256x256xf32, #tpu.memory_space<hbm>>
      tpu.enqueue_dma source(%arg6 : memref<256x256xf32, #tpu.memory_space<vmem>>) target(%dma_start3A_52 : memref<256x256xf32, #tpu.memory_space<hbm>>) target_semaphore(%run_scoped3A : memref<!tpu.dma_semaphore, #tpu.memory_space<semaphore_mem>>)
      %dma_wait3A_53 = arith.constant 0 : i32
      %dma_wait3A_54 = tpu.memref_slice %arg4[%add3A_12, %dma_wait3A_53] : memref<32768x256xf32, #tpu.memory_space<hbm>> -> memref<256x256xf32, #tpu.memory_space<hbm>>
      %dma_wait3A_55 = arith.constant 0 : i32
      %dma_wait3A_56 = tpu.memref_slice %arg4[%add3A_12, %dma_wait3A_55] : memref<32768x256xf32, #tpu.memory_space<hbm>> -> memref<256x256xf32, #tpu.memory_space<hbm>>
      tpu.wait_dma2 semaphore(%run_scoped3A : memref<!tpu.dma_semaphore, #tpu.memory_space<semaphore_mem>>) src(%arg6 : memref<256x256xf32, #tpu.memory_space<vmem>>) dst(%dma_wait3A_56 : memref<256x256xf32, #tpu.memory_space<hbm>>)
      tpu.yield
    }) : () -> ()
    %dma_start3A_13 = arith.constant 256 : i32
    %dma_start3A_14 = tpu.memref_slice %arg5[%dma_start3A_13] : memref<1024xi32, #tpu.memory_space<vmem>> -> memref<256xi32, #tpu.memory_space<vmem>>
    %dma_start3A_15 = arith.constant 0 : i32
    %dma_start3A_16 = arith.constant 0 : i32
    %dma_start3A_17 = tpu.memref_slice %arg2[%dma_start3A_15, %dma_start3A_16] : memref<1024x256xf32, #tpu.memory_space<hbm>> -> memref<1024x256xf32, #tpu.memory_space<hbm>>
    tpu.enqueue_indirect_dma source(%dma_start3A_17 : memref<1024x256xf32, #tpu.memory_space<hbm>>) target(%arg6 : memref<256x256xf32, #tpu.memory_space<vmem>>) offsets(%dma_start3A_14 : memref<256xi32, #tpu.memory_space<vmem>>) semaphore(%arg7 : memref<!tpu.dma_semaphore, #tpu.memory_space<semaphore_mem>>)
    %dma_wait3A_18 = arith.constant 256 : i32
    %dma_wait3A_19 = tpu.memref_slice %arg5[%dma_wait3A_18] : memref<1024xi32, #tpu.memory_space<vmem>> -> memref<256xi32, #tpu.memory_space<vmem>>
    %dma_wait3A_20 = arith.constant 0 : i32
    %dma_wait3A_21 = arith.constant 0 : i32
    %dma_wait3A_22 = tpu.memref_slice %arg2[%dma_wait3A_20, %dma_wait3A_21] : memref<1024x256xf32, #tpu.memory_space<hbm>> -> memref<1024x256xf32, #tpu.memory_space<hbm>>
    tpu.wait_indirect_dma semaphore(%arg7 : memref<!tpu.dma_semaphore, #tpu.memory_space<semaphore_mem>>) src(%dma_wait3A_22 : memref<1024x256xf32, #tpu.memory_space<hbm>>) dst(%arg6 : memref<256x256xf32, #tpu.memory_space<vmem>>)
    %add3A_23 = arith.constant 256 : i32
    %add3A_24 = arith.addi %mul3A_2, %add3A_23 : i32
    "tpu.region"() ({
      %run_scoped3A = tpu.sem_alloc : memref<!tpu.dma_semaphore, #tpu.memory_space<semaphore_mem>>
      %dma_start3A_49 = arith.constant 0 : i32
      %dma_start3A_50 = tpu.memref_slice %arg4[%add3A_24, %dma_start3A_49] : memref<32768x256xf32, #tpu.memory_space<hbm>> -> memref<256x256xf32, #tpu.memory_space<hbm>>
      %dma_start3A_51 = arith.constant 0 : i32
      %dma_start3A_52 = tpu.memref_slice %arg4[%add3A_24, %dma_start3A_51] : memref<32768x256xf32, #tpu.memory_space<hbm>> -> memref<256x256xf32, #tpu.memory_space<hbm>>
      tpu.enqueue_dma source(%arg6 : memref<256x256xf32, #tpu.memory_space<vmem>>) target(%dma_start3A_52 : memref<256x256xf32, #tpu.memory_space<hbm>>) target_semaphore(%run_scoped3A : memref<!tpu.dma_semaphore, #tpu.memory_space<semaphore_mem>>)
      %dma_wait3A_53 = arith.constant 0 : i32
      %dma_wait3A_54 = tpu.memref_slice %arg4[%add3A_24, %dma_wait3A_53] : memref<32768x256xf32, #tpu.memory_space<hbm>> -> memref<256x256xf32, #tpu.memory_space<hbm>>
      %dma_wait3A_55 = arith.constant 0 : i32
      %dma_wait3A_56 = tpu.memref_slice %arg4[%add3A_24, %dma_wait3A_55] : memref<32768x256xf32, #tpu.memory_space<hbm>> -> memref<256x256xf32, #tpu.memory_space<hbm>>
      tpu.wait_dma2 semaphore(%run_scoped3A : memref<!tpu.dma_semaphore, #tpu.memory_space<semaphore_mem>>) src(%arg6 : memref<256x256xf32, #tpu.memory_space<vmem>>) dst(%dma_wait3A_56 : memref<256x256xf32, #tpu.memory_space<hbm>>)
      tpu.yield
    }) : () -> ()
    %dma_start3A_25 = arith.constant 512 : i32
    %dma_start3A_26 = tpu.memref_slice %arg5[%dma_start3A_25] : memref<1024xi32, #tpu.memory_space<vmem>> -> memref<256xi32, #tpu.memory_space<vmem>>
    %dma_start3A_27 = arith.constant 0 : i32
    %dma_start3A_28 = arith.constant 0 : i32
    %dma_start3A_29 = tpu.memref_slice %arg2[%dma_start3A_27, %dma_start3A_28] : memref<1024x256xf32, #tpu.memory_space<hbm>> -> memref<1024x256xf32, #tpu.memory_space<hbm>>
    tpu.enqueue_indirect_dma source(%dma_start3A_29 : memref<1024x256xf32, #tpu.memory_space<hbm>>) target(%arg6 : memref<256x256xf32, #tpu.memory_space<vmem>>) offsets(%dma_start3A_26 : memref<256xi32, #tpu.memory_space<vmem>>) semaphore(%arg7 : memref<!tpu.dma_semaphore, #tpu.memory_space<semaphore_mem>>)
    %dma_wait3A_30 = arith.constant 512 : i32
    %dma_wait3A_31 = tpu.memref_slice %arg5[%dma_wait3A_30] : memref<1024xi32, #tpu.memory_space<vmem>> -> memref<256xi32, #tpu.memory_space<vmem>>
    %dma_wait3A_32 = arith.constant 0 : i32
    %dma_wait3A_33 = arith.constant 0 : i32
    %dma_wait3A_34 = tpu.memref_slice %arg2[%dma_wait3A_32, %dma_wait3A_33] : memref<1024x256xf32, #tpu.memory_space<hbm>> -> memref<1024x256xf32, #tpu.memory_space<hbm>>
    tpu.wait_indirect_dma semaphore(%arg7 : memref<!tpu.dma_semaphore, #tpu.memory_space<semaphore_mem>>) src(%dma_wait3A_34 : memref<1024x256xf32, #tpu.memory_space<hbm>>) dst(%arg6 : memref<256x256xf32, #tpu.memory_space<vmem>>)
    %add3A_35 = arith.constant 512 : i32
    %add3A_36 = arith.addi %mul3A_2, %add3A_35 : i32
    "tpu.region"() ({
      %run_scoped3A = tpu.sem_alloc : memref<!tpu.dma_semaphore, #tpu.memory_space<semaphore_mem>>
      %dma_start3A_49 = arith.constant 0 : i32
      %dma_start3A_50 = tpu.memref_slice %arg4[%add3A_36, %dma_start3A_49] : memref<32768x256xf32, #tpu.memory_space<hbm>> -> memref<256x256xf32, #tpu.memory_space<hbm>>
      %dma_start3A_51 = arith.constant 0 : i32
      %dma_start3A_52 = tpu.memref_slice %arg4[%add3A_36, %dma_start3A_51] : memref<32768x256xf32, #tpu.memory_space<hbm>> -> memref<256x256xf32, #tpu.memory_space<hbm>>
      tpu.enqueue_dma source(%arg6 : memref<256x256xf32, #tpu.memory_space<vmem>>) target(%dma_start3A_52 : memref<256x256xf32, #tpu.memory_space<hbm>>) target_semaphore(%run_scoped3A : memref<!tpu.dma_semaphore, #tpu.memory_space<semaphore_mem>>)
      %dma_wait3A_53 = arith.constant 0 : i32
      %dma_wait3A_54 = tpu.memref_slice %arg4[%add3A_36, %dma_wait3A_53] : memref<32768x256xf32, #tpu.memory_space<hbm>> -> memref<256x256xf32, #tpu.memory_space<hbm>>
      %dma_wait3A_55 = arith.constant 0 : i32
      %dma_wait3A_56 = tpu.memref_slice %arg4[%add3A_36, %dma_wait3A_55] : memref<32768x256xf32, #tpu.memory_space<hbm>> -> memref<256x256xf32, #tpu.memory_space<hbm>>
      tpu.wait_dma2 semaphore(%run_scoped3A : memref<!tpu.dma_semaphore, #tpu.memory_space<semaphore_mem>>) src(%arg6 : memref<256x256xf32, #tpu.memory_space<vmem>>) dst(%dma_wait3A_56 : memref<256x256xf32, #tpu.memory_space<hbm>>)
      tpu.yield
    }) : () -> ()
    %dma_start3A_37 = arith.constant 768 : i32
    %dma_start3A_38 = tpu.memref_slice %arg5[%dma_start3A_37] : memref<1024xi32, #tpu.memory_space<vmem>> -> memref<256xi32, #tpu.memory_space<vmem>>
    %dma_start3A_39 = arith.constant 0 : i32
    %dma_start3A_40 = arith.constant 0 : i32
    %dma_start3A_41 = tpu.memref_slice %arg2[%dma_start3A_39, %dma_start3A_40] : memref<1024x256xf32, #tpu.memory_space<hbm>> -> memref<1024x256xf32, #tpu.memory_space<hbm>>
    tpu.enqueue_indirect_dma source(%dma_start3A_41 : memref<1024x256xf32, #tpu.memory_space<hbm>>) target(%arg6 : memref<256x256xf32, #tpu.memory_space<vmem>>) offsets(%dma_start3A_38 : memref<256xi32, #tpu.memory_space<vmem>>) semaphore(%arg7 : memref<!tpu.dma_semaphore, #tpu.memory_space<semaphore_mem>>)
    %dma_wait3A_42 = arith.constant 768 : i32
    %dma_wait3A_43 = tpu.memref_slice %arg5[%dma_wait3A_42] : memref<1024xi32, #tpu.memory_space<vmem>> -> memref<256xi32, #tpu.memory_space<vmem>>
    %dma_wait3A_44 = arith.constant 0 : i32
    %dma_wait3A_45 = arith.constant 0 : i32
    %dma_wait3A_46 = tpu.memref_slice %arg2[%dma_wait3A_44, %dma_wait3A_45] : memref<1024x256xf32, #tpu.memory_space<hbm>> -> memref<1024x256xf32, #tpu.memory_space<hbm>>
    tpu.wait_indirect_dma semaphore(%arg7 : memref<!tpu.dma_semaphore, #tpu.memory_space<semaphore_mem>>) src(%dma_wait3A_46 : memref<1024x256xf32, #tpu.memory_space<hbm>>) dst(%arg6 : memref<256x256xf32, #tpu.memory_space<vmem>>)
    %add3A_47 = arith.constant 768 : i32
    %add3A_48 = arith.addi %mul3A_2, %add3A_47 : i32
    "tpu.region"() ({
      %run_scoped3A = tpu.sem_alloc : memref<!tpu.dma_semaphore, #tpu.memory_space<semaphore_mem>>
      %dma_start3A_49 = arith.constant 0 : i32
      %dma_start3A_50 = tpu.memref_slice %arg4[%add3A_48, %dma_start3A_49] : memref<32768x256xf32, #tpu.memory_space<hbm>> -> memref<256x256xf32, #tpu.memory_space<hbm>>
      %dma_start3A_51 = arith.constant 0 : i32
      %dma_start3A_52 = tpu.memref_slice %arg4[%add3A_48, %dma_start3A_51] : memref<32768x256xf32, #tpu.memory_space<hbm>> -> memref<256x256xf32, #tpu.memory_space<hbm>>
      tpu.enqueue_dma source(%arg6 : memref<256x256xf32, #tpu.memory_space<vmem>>) target(%dma_start3A_52 : memref<256x256xf32, #tpu.memory_space<hbm>>) target_semaphore(%run_scoped3A : memref<!tpu.dma_semaphore, #tpu.memory_space<semaphore_mem>>)
      %dma_wait3A_53 = arith.constant 0 : i32
      %dma_wait3A_54 = tpu.memref_slice %arg4[%add3A_48, %dma_wait3A_53] : memref<32768x256xf32, #tpu.memory_space<hbm>> -> memref<256x256xf32, #tpu.memory_space<hbm>>
      %dma_wait3A_55 = arith.constant 0 : i32
      %dma_wait3A_56 = tpu.memref_slice %arg4[%add3A_48, %dma_wait3A_55] : memref<32768x256xf32, #tpu.memory_space<hbm>> -> memref<256x256xf32, #tpu.memory_space<hbm>>
      tpu.wait_dma2 semaphore(%run_scoped3A : memref<!tpu.dma_semaphore, #tpu.memory_space<semaphore_mem>>) src(%arg6 : memref<256x256xf32, #tpu.memory_space<vmem>>) dst(%dma_wait3A_56 : memref<256x256xf32, #tpu.memory_space<hbm>>)
      tpu.yield
    }) : () -> ()
    return
  }
}

#map = affine_map<(d0, d1) -> (0, 0)>
#map1 = affine_map<(d0, d1) -> (0)>
module attributes {stable_mosaic.version = 14 : i64} {
  func.func @k(%arg0: i32, %arg1: i32, %arg2: memref<1024x256xf32, #tpu.memory_space<hbm>>, %arg3: memref<32768xi32, #tpu.memory_space<hbm>>, %arg4: memref<32768x256xf32, #tpu.memory_space<hbm>>, %arg5: memref<1024xi32, #tpu.memory_space<vmem>>, %arg6: memref<256x256xf32, #tpu.memory_space<vmem>>, %arg7: memref<!tpu.dma_semaphore, #tpu.memory_space<semaphore_mem>>) attributes {dimension_semantics = [#tpu.dimension_semantics<core_parallel>, #tpu.dimension_semantics<subcore_parallel>], iteration_bounds = array<i64: 2, 16>, scalar_prefetch = 0 : i64, scratch_operands = 3 : i64, tpu.core_type = #tpu.core_type<sc_vector_subcore>, window_params = [{transform_indices = #map}, {transform_indices = #map1}, {transform_indices = #map}]} {
    %mul3A = arith.constant 2 : i32
    %mul3A_0 = arith.muli %arg1, %mul3A : i32
    %add3A = arith.addi %mul3A_0, %arg0 : i32
    %mul3A_1 = arith.constant 1024 : i32
    %mul3A_2 = arith.muli %add3A, %mul3A_1 : i32
    "tpu.region"() ({
      %run_scoped3A = tpu.sem_alloc : memref<!tpu.dma_semaphore, #tpu.memory_space<semaphore_mem>>
      %dma_start3A_49 = tpu.memref_slice %arg3[%mul3A_2] : memref<32768xi32, #tpu.memory_space<hbm>> -> memref<1024xi32, #tpu.memory_space<hbm>>
      %dma_start3A_50 = tpu.memref_slice %arg3[%mul3A_2] : memref<32768xi32, #tpu.memory_space<hbm>> -> memref<1024xi32, #tpu.memory_space<hbm>>
      tpu.enqueue_dma source(%dma_start3A_50 : memref<1024xi32, #tpu.memory_space<hbm>>) target(%arg5 : memref<1024xi32, #tpu.memory_space<vmem>>) target_semaphore(%run_scoped3A : memref<!tpu.dma_semaphore, #tpu.memory_space<semaphore_mem>>)
      %dma_wait3A_51 = tpu.memref_slice %arg3[%mul3A_2] : memref<32768xi32, #tpu.memory_space<hbm>> -> memref<1024xi32, #tpu.memory_space<hbm>>
      %dma_wait3A_52 = tpu.memref_slice %arg3[%mul3A_2] : memref<32768xi32, #tpu.memory_space<hbm>> -> memref<1024xi32, #tpu.memory_space<hbm>>
      tpu.wait_dma2 semaphore(%run_scoped3A : memref<!tpu.dma_semaphore, #tpu.memory_space<semaphore_mem>>) src(%dma_wait3A_52 : memref<1024xi32, #tpu.memory_space<hbm>>) dst(%arg5 : memref<1024xi32, #tpu.memory_space<vmem>>)
      tpu.yield
    }) : () -> ()
    %dma_start3A = arith.constant 0 : i32
    %dma_start3A_3 = tpu.memref_slice %arg5[%dma_start3A] : memref<1024xi32, #tpu.memory_space<vmem>> -> memref<256xi32, #tpu.memory_space<vmem>>
    %dma_start3A_4 = arith.constant 0 : i32
    %dma_start3A_5 = arith.constant 0 : i32
    %dma_start3A_6 = tpu.memref_slice %arg2[%dma_start3A_4, %dma_start3A_5] : memref<1024x256xf32, #tpu.memory_space<hbm>> -> memref<1024x256xf32, #tpu.memory_space<hbm>>
    tpu.enqueue_indirect_dma source(%dma_start3A_6 : memref<1024x256xf32, #tpu.memory_space<hbm>>) target(%arg6 : memref<256x256xf32, #tpu.memory_space<vmem>>) offsets(%dma_start3A_3 : memref<256xi32, #tpu.memory_space<vmem>>) semaphore(%arg7 : memref<!tpu.dma_semaphore, #tpu.memory_space<semaphore_mem>>)
    %dma_wait3A = arith.constant 0 : i32
    %dma_wait3A_7 = tpu.memref_slice %arg5[%dma_wait3A] : memref<1024xi32, #tpu.memory_space<vmem>> -> memref<256xi32, #tpu.memory_space<vmem>>
    %dma_wait3A_8 = arith.constant 0 : i32
    %dma_wait3A_9 = arith.constant 0 : i32
    %dma_wait3A_10 = tpu.memref_slice %arg2[%dma_wait3A_8, %dma_wait3A_9] : memref<1024x256xf32, #tpu.memory_space<hbm>> -> memref<1024x256xf32, #tpu.memory_space<hbm>>
    tpu.wait_indirect_dma semaphore(%arg7 : memref<!tpu.dma_semaphore, #tpu.memory_space<semaphore_mem>>) src(%dma_wait3A_10 : memref<1024x256xf32, #tpu.memory_space<hbm>>) dst(%arg6 : memref<256x256xf32, #tpu.memory_space<vmem>>)
    %add3A_11 = arith.constant 0 : i32
    %add3A_12 = arith.addi %mul3A_2, %add3A_11 : i32
    "tpu.region"() ({
      %run_scoped3A = tpu.sem_alloc : memref<!tpu.dma_semaphore, #tpu.memory_space<semaphore_mem>>
      %dma_start3A_49 = arith.constant 0 : i32
      %dma_start3A_50 = tpu.memref_slice %arg4[%add3A_12, %dma_start3A_49] : memref<32768x256xf32, #tpu.memory_space<hbm>> -> memref<256x256xf32, #tpu.memory_space<hbm>>
      %dma_start3A_51 = arith.constant 0 : i32
      %dma_start3A_52 = tpu.memref_slice %arg4[%add3A_12, %dma_start3A_51] : memref<32768x256xf32, #tpu.memory_space<hbm>> -> memref<256x256xf32, #tpu.memory_space<hbm>>
      tpu.enqueue_dma source(%arg6 : memref<256x256xf32, #tpu.memory_space<vmem>>) target(%dma_start3A_52 : memref<256x256xf32, #tpu.memory_space<hbm>>) target_semaphore(%run_scoped3A : memref<!tpu.dma_semaphore, #tpu.memory_space<semaphore_mem>>)
      %dma_wait3A_53 = arith.constant 0 : i32
      %dma_wait3A_54 = tpu.memref_slice %arg4[%add3A_12, %dma_wait3A_53] : memref<32768x256xf32, #tpu.memory_space<hbm>> -> memref<256x256xf32, #tpu.memory_space<hbm>>
      %dma_wait3A_55 = arith.constant 0 : i32
      %dma_wait3A_56 = tpu.memref_slice %arg4[%add3A_12, %dma_wait3A_55] : memref<32768x256xf32, #tpu.memory_space<hbm>> -> memref<256x256xf32, #tpu.memory_space<hbm>>
      tpu.wait_dma2 semaphore(%run_scoped3A : memref<!tpu.dma_semaphore, #tpu.memory_space<semaphore_mem>>) src(%arg6 : memref<256x256xf32, #tpu.memory_space<vmem>>) dst(%dma_wait3A_56 : memref<256x256xf32, #tpu.memory_space<hbm>>)
      tpu.yield
    }) : () -> ()
    %dma_start3A_13 = arith.constant 256 : i32
    %dma_start3A_14 = tpu.memref_slice %arg5[%dma_start3A_13] : memref<1024xi32, #tpu.memory_space<vmem>> -> memref<256xi32, #tpu.memory_space<vmem>>
    %dma_start3A_15 = arith.constant 0 : i32
    %dma_start3A_16 = arith.constant 0 : i32
    %dma_start3A_17 = tpu.memref_slice %arg2[%dma_start3A_15, %dma_start3A_16] : memref<1024x256xf32, #tpu.memory_space<hbm>> -> memref<1024x256xf32, #tpu.memory_space<hbm>>
    tpu.enqueue_indirect_dma source(%dma_start3A_17 : memref<1024x256xf32, #tpu.memory_space<hbm>>) target(%arg6 : memref<256x256xf32, #tpu.memory_space<vmem>>) offsets(%dma_start3A_14 : memref<256xi32, #tpu.memory_space<vmem>>) semaphore(%arg7 : memref<!tpu.dma_semaphore, #tpu.memory_space<semaphore_mem>>)
    %dma_wait3A_18 = arith.constant 256 : i32
    %dma_wait3A_19 = tpu.memref_slice %arg5[%dma_wait3A_18] : memref<1024xi32, #tpu.memory_space<vmem>> -> memref<256xi32, #tpu.memory_space<vmem>>
    %dma_wait3A_20 = arith.constant 0 : i32
    %dma_wait3A_21 = arith.constant 0 : i32
    %dma_wait3A_22 = tpu.memref_slice %arg2[%dma_wait3A_20, %dma_wait3A_21] : memref<1024x256xf32, #tpu.memory_space<hbm>> -> memref<1024x256xf32, #tpu.memory_space<hbm>>
    tpu.wait_indirect_dma semaphore(%arg7 : memref<!tpu.dma_semaphore, #tpu.memory_space<semaphore_mem>>) src(%dma_wait3A_22 : memref<1024x256xf32, #tpu.memory_space<hbm>>) dst(%arg6 : memref<256x256xf32, #tpu.memory_space<vmem>>)
    %add3A_23 = arith.constant 256 : i32
    %add3A_24 = arith.addi %mul3A_2, %add3A_23 : i32
    "tpu.region"() ({
      %run_scoped3A = tpu.sem_alloc : memref<!tpu.dma_semaphore, #tpu.memory_space<semaphore_mem>>
      %dma_start3A_49 = arith.constant 0 : i32
      %dma_start3A_50 = tpu.memref_slice %arg4[%add3A_24, %dma_start3A_49] : memref<32768x256xf32, #tpu.memory_space<hbm>> -> memref<256x256xf32, #tpu.memory_space<hbm>>
      %dma_start3A_51 = arith.constant 0 : i32
      %dma_start3A_52 = tpu.memref_slice %arg4[%add3A_24, %dma_start3A_51] : memref<32768x256xf32, #tpu.memory_space<hbm>> -> memref<256x256xf32, #tpu.memory_space<hbm>>
      tpu.enqueue_dma source(%arg6 : memref<256x256xf32, #tpu.memory_space<vmem>>) target(%dma_start3A_52 : memref<256x256xf32, #tpu.memory_space<hbm>>) target_semaphore(%run_scoped3A : memref<!tpu.dma_semaphore, #tpu.memory_space<semaphore_mem>>)
      %dma_wait3A_53 = arith.constant 0 : i32
      %dma_wait3A_54 = tpu.memref_slice %arg4[%add3A_24, %dma_wait3A_53] : memref<32768x256xf32, #tpu.memory_space<hbm>> -> memref<256x256xf32, #tpu.memory_space<hbm>>
      %dma_wait3A_55 = arith.constant 0 : i32
      %dma_wait3A_56 = tpu.memref_slice %arg4[%add3A_24, %dma_wait3A_55] : memref<32768x256xf32, #tpu.memory_space<hbm>> -> memref<256x256xf32, #tpu.memory_space<hbm>>
      tpu.wait_dma2 semaphore(%run_scoped3A : memref<!tpu.dma_semaphore, #tpu.memory_space<semaphore_mem>>) src(%arg6 : memref<256x256xf32, #tpu.memory_space<vmem>>) dst(%dma_wait3A_56 : memref<256x256xf32, #tpu.memory_space<hbm>>)
      tpu.yield
    }) : () -> ()
    %dma_start3A_25 = arith.constant 512 : i32
    %dma_start3A_26 = tpu.memref_slice %arg5[%dma_start3A_25] : memref<1024xi32, #tpu.memory_space<vmem>> -> memref<256xi32, #tpu.memory_space<vmem>>
    %dma_start3A_27 = arith.constant 0 : i32
    %dma_start3A_28 = arith.constant 0 : i32
    %dma_start3A_29 = tpu.memref_slice %arg2[%dma_start3A_27, %dma_start3A_28] : memref<1024x256xf32, #tpu.memory_space<hbm>> -> memref<1024x256xf32, #tpu.memory_space<hbm>>
    tpu.enqueue_indirect_dma source(%dma_start3A_29 : memref<1024x256xf32, #tpu.memory_space<hbm>>) target(%arg6 : memref<256x256xf32, #tpu.memory_space<vmem>>) offsets(%dma_start3A_26 : memref<256xi32, #tpu.memory_space<vmem>>) semaphore(%arg7 : memref<!tpu.dma_semaphore, #tpu.memory_space<semaphore_mem>>)
    %dma_wait3A_30 = arith.constant 512 : i32
    %dma_wait3A_31 = tpu.memref_slice %arg5[%dma_wait3A_30] : memref<1024xi32, #tpu.memory_space<vmem>> -> memref<256xi32, #tpu.memory_space<vmem>>
    %dma_wait3A_32 = arith.constant 0 : i32
    %dma_wait3A_33 = arith.constant 0 : i32
    %dma_wait3A_34 = tpu.memref_slice %arg2[%dma_wait3A_32, %dma_wait3A_33] : memref<1024x256xf32, #tpu.memory_space<hbm>> -> memref<1024x256xf32, #tpu.memory_space<hbm>>
    tpu.wait_indirect_dma semaphore(%arg7 : memref<!tpu.dma_semaphore, #tpu.memory_space<semaphore_mem>>) src(%dma_wait3A_34 : memref<1024x256xf32, #tpu.memory_space<hbm>>) dst(%arg6 : memref<256x256xf32, #tpu.memory_space<vmem>>)
    %add3A_35 = arith.constant 512 : i32
    %add3A_36 = arith.addi %mul3A_2, %add3A_35 : i32
    "tpu.region"() ({
      %run_scoped3A = tpu.sem_alloc : memref<!tpu.dma_semaphore, #tpu.memory_space<semaphore_mem>>
      %dma_start3A_49 = arith.constant 0 : i32
      %dma_start3A_50 = tpu.memref_slice %arg4[%add3A_36, %dma_start3A_49] : memref<32768x256xf32, #tpu.memory_space<hbm>> -> memref<256x256xf32, #tpu.memory_space<hbm>>
      %dma_start3A_51 = arith.constant 0 : i32
      %dma_start3A_52 = tpu.memref_slice %arg4[%add3A_36, %dma_start3A_51] : memref<32768x256xf32, #tpu.memory_space<hbm>> -> memref<256x256xf32, #tpu.memory_space<hbm>>
      tpu.enqueue_dma source(%arg6 : memref<256x256xf32, #tpu.memory_space<vmem>>) target(%dma_start3A_52 : memref<256x256xf32, #tpu.memory_space<hbm>>) target_semaphore(%run_scoped3A : memref<!tpu.dma_semaphore, #tpu.memory_space<semaphore_mem>>)
      %dma_wait3A_53 = arith.constant 0 : i32
      %dma_wait3A_54 = tpu.memref_slice %arg4[%add3A_36, %dma_wait3A_53] : memref<32768x256xf32, #tpu.memory_space<hbm>> -> memref<256x256xf32, #tpu.memory_space<hbm>>
      %dma_wait3A_55 = arith.constant 0 : i32
      %dma_wait3A_56 = tpu.memref_slice %arg4[%add3A_36, %dma_wait3A_55] : memref<32768x256xf32, #tpu.memory_space<hbm>> -> memref<256x256xf32, #tpu.memory_space<hbm>>
      tpu.wait_dma2 semaphore(%run_scoped3A : memref<!tpu.dma_semaphore, #tpu.memory_space<semaphore_mem>>) src(%arg6 : memref<256x256xf32, #tpu.memory_space<vmem>>) dst(%dma_wait3A_56 : memref<256x256xf32, #tpu.memory_space<hbm>>)
      tpu.yield
    }) : () -> ()
    %dma_start3A_37 = arith.constant 768 : i32
    %dma_start3A_38 = tpu.memref_slice %arg5[%dma_start3A_37] : memref<1024xi32, #tpu.memory_space<vmem>> -> memref<256xi32, #tpu.memory_space<vmem>>
    %dma_start3A_39 = arith.constant 0 : i32
    %dma_start3A_40 = arith.constant 0 : i32
    %dma_start3A_41 = tpu.memref_slice %arg2[%dma_start3A_39, %dma_start3A_40] : memref<1024x256xf32, #tpu.memory_space<hbm>> -> memref<1024x256xf32, #tpu.memory_space<hbm>>
    tpu.enqueue_indirect_dma source(%dma_start3A_41 : memref<1024x256xf32, #tpu.memory_space<hbm>>) target(%arg6 : memref<256x256xf32, #tpu.memory_space<vmem>>) offsets(%dma_start3A_38 : memref<256xi32, #tpu.memory_space<vmem>>) semaphore(%arg7 : memref<!tpu.dma_semaphore, #tpu.memory_space<semaphore_mem>>)
    %dma_wait3A_42 = arith.constant 768 : i32
    %dma_wait3A_43 = tpu.memref_slice %arg5[%dma_wait3A_42] : memref<1024xi32, #tpu.memory_space<vmem>> -> memref<256xi32, #tpu.memory_space<vmem>>
    %dma_wait3A_44 = arith.constant 0 : i32
    %dma_wait3A_45 = arith.constant 0 : i32
    %dma_wait3A_46 = tpu.memref_slice %arg2[%dma_wait3A_44, %dma_wait3A_45] : memref<1024x256xf32, #tpu.memory_space<hbm>> -> memref<1024x256xf32, #tpu.memory_space<hbm>>
    tpu.wait_indirect_dma semaphore(%arg7 : memref<!tpu.dma_semaphore, #tpu.memory_space<semaphore_mem>>) src(%dma_wait3A_46 : memref<1024x256xf32, #tpu.memory_space<hbm>>) dst(%arg6 : memref<256x256xf32, #tpu.memory_space<vmem>>)
    %add3A_47 = arith.constant 768 : i32
    %add3A_48 = arith.addi %mul3A_2, %add3A_47 : i32
    "tpu.region"() ({
      %run_scoped3A = tpu.sem_alloc : memref<!tpu.dma_semaphore, #tpu.memory_space<semaphore_mem>>
      %dma_start3A_49 = arith.constant 0 : i32
      %dma_start3A_50 = tpu.memref_slice %arg4[%add3A_48, %dma_start3A_49] : memref<32768x256xf32, #tpu.memory_space<hbm>> -> memref<256x256xf32, #tpu.memory_space<hbm>>
      %dma_start3A_51 = arith.constant 0 : i32
      %dma_start3A_52 = tpu.memref_slice %arg4[%add3A_48, %dma_start3A_51] : memref<32768x256xf32, #tpu.memory_space<hbm>> -> memref<256x256xf32, #tpu.memory_space<hbm>>
      tpu.enqueue_dma source(%arg6 : memref<256x256xf32, #tpu.memory_space<vmem>>) target(%dma_start3A_52 : memref<256x256xf32, #tpu.memory_space<hbm>>) target_semaphore(%run_scoped3A : memref<!tpu.dma_semaphore, #tpu.memory_space<semaphore_mem>>)
      %dma_wait3A_53 = arith.constant 0 : i32
      %dma_wait3A_54 = tpu.memref_slice %arg4[%add3A_48, %dma_wait3A_53] : memref<32768x256xf32, #tpu.memory_space<hbm>> -> memref<256x256xf32, #tpu.memory_space<hbm>>
      %dma_wait3A_55 = arith.constant 0 : i32
      %dma_wait3A_56 = tpu.memref_slice %arg4[%add3A_48, %dma_wait3A_55] : memref<32768x256xf32, #tpu.memory_space<hbm>> -> memref<256x256xf32, #tpu.memory_space<hbm>>
      tpu.wait_dma2 semaphore(%run_scoped3A : memref<!tpu.dma_semaphore, #tpu.memory_space<semaphore_mem>>) src(%arg6 : memref<256x256xf32, #tpu.memory_space<vmem>>) dst(%dma_wait3A_56 : memref<256x256xf32, #tpu.memory_space<hbm>>)
      tpu.yield
    }) : () -> ()
    return
  }
}

#map = affine_map<(d0, d1) -> (0, 0)>
#map1 = affine_map<(d0, d1) -> (0)>
module attributes {stable_mosaic.version = 14 : i64} {
  func.func @k(%arg0: i32, %arg1: i32, %arg2: memref<1024x16xf32, #tpu.memory_space<hbm>>, %arg3: memref<32768xi32, #tpu.memory_space<hbm>>, %arg4: memref<32768x16xf32, #tpu.memory_space<hbm>>, %arg5: memref<1024xi32, #tpu.memory_space<vmem>>, %arg6: memref<1024x16xf32, #tpu.memory_space<vmem>>, %arg7: memref<!tpu.dma_semaphore, #tpu.memory_space<semaphore_mem>>) attributes {dimension_semantics = [#tpu.dimension_semantics<core_parallel>, #tpu.dimension_semantics<subcore_parallel>], iteration_bounds = array<i64: 2, 16>, scalar_prefetch = 0 : i64, scratch_operands = 3 : i64, tpu.core_type = #tpu.core_type<sc_vector_subcore>, window_params = [{transform_indices = #map}, {transform_indices = #map1}, {transform_indices = #map}]} {
    %mul3A = arith.constant 2 : i32
    %mul3A_0 = arith.muli %arg1, %mul3A : i32
    %add3A = arith.addi %mul3A_0, %arg0 : i32
    %mul3A_1 = arith.constant 1024 : i32
    %mul3A_2 = arith.muli %add3A, %mul3A_1 : i32
    "tpu.region"() ({
      %run_scoped3A = tpu.sem_alloc : memref<!tpu.dma_semaphore, #tpu.memory_space<semaphore_mem>>
      %dma_start3A_13 = tpu.memref_slice %arg3[%mul3A_2] : memref<32768xi32, #tpu.memory_space<hbm>> -> memref<1024xi32, #tpu.memory_space<hbm>>
      %dma_start3A_14 = tpu.memref_slice %arg3[%mul3A_2] : memref<32768xi32, #tpu.memory_space<hbm>> -> memref<1024xi32, #tpu.memory_space<hbm>>
      tpu.enqueue_dma source(%dma_start3A_14 : memref<1024xi32, #tpu.memory_space<hbm>>) target(%arg5 : memref<1024xi32, #tpu.memory_space<vmem>>) target_semaphore(%run_scoped3A : memref<!tpu.dma_semaphore, #tpu.memory_space<semaphore_mem>>)
      %dma_wait3A_15 = tpu.memref_slice %arg3[%mul3A_2] : memref<32768xi32, #tpu.memory_space<hbm>> -> memref<1024xi32, #tpu.memory_space<hbm>>
      %dma_wait3A_16 = tpu.memref_slice %arg3[%mul3A_2] : memref<32768xi32, #tpu.memory_space<hbm>> -> memref<1024xi32, #tpu.memory_space<hbm>>
      tpu.wait_dma2 semaphore(%run_scoped3A : memref<!tpu.dma_semaphore, #tpu.memory_space<semaphore_mem>>) src(%dma_wait3A_16 : memref<1024xi32, #tpu.memory_space<hbm>>) dst(%arg5 : memref<1024xi32, #tpu.memory_space<vmem>>)
      tpu.yield
    }) : () -> ()
    %dma_start3A = arith.constant 0 : i32
    %dma_start3A_3 = tpu.memref_slice %arg5[%dma_start3A] : memref<1024xi32, #tpu.memory_space<vmem>> -> memref<1024xi32, #tpu.memory_space<vmem>>
    %dma_start3A_4 = arith.constant 0 : i32
    %dma_start3A_5 = arith.constant 0 : i32
    %dma_start3A_6 = tpu.memref_slice %arg2[%dma_start3A_4, %dma_start3A_5] : memref<1024x16xf32, #tpu.memory_space<hbm>> -> memref<1024x16xf32, #tpu.memory_space<hbm>>
    tpu.enqueue_indirect_dma source(%dma_start3A_6 : memref<1024x16xf32, #tpu.memory_space<hbm>>) target(%arg6 : memref<1024x16xf32, #tpu.memory_space<vmem>>) offsets(%dma_start3A_3 : memref<1024xi32, #tpu.memory_space<vmem>>) semaphore(%arg7 : memref<!tpu.dma_semaphore, #tpu.memory_space<semaphore_mem>>)
    %dma_wait3A = arith.constant 0 : i32
    %dma_wait3A_7 = tpu.memref_slice %arg5[%dma_wait3A] : memref<1024xi32, #tpu.memory_space<vmem>> -> memref<1024xi32, #tpu.memory_space<vmem>>
    %dma_wait3A_8 = arith.constant 0 : i32
    %dma_wait3A_9 = arith.constant 0 : i32
    %dma_wait3A_10 = tpu.memref_slice %arg2[%dma_wait3A_8, %dma_wait3A_9] : memref<1024x16xf32, #tpu.memory_space<hbm>> -> memref<1024x16xf32, #tpu.memory_space<hbm>>
    tpu.wait_indirect_dma semaphore(%arg7 : memref<!tpu.dma_semaphore, #tpu.memory_space<semaphore_mem>>) src(%dma_wait3A_10 : memref<1024x16xf32, #tpu.memory_space<hbm>>) dst(%arg6 : memref<1024x16xf32, #tpu.memory_space<vmem>>)
    %add3A_11 = arith.constant 0 : i32
    %add3A_12 = arith.addi %mul3A_2, %add3A_11 : i32
    "tpu.region"() ({
      %run_scoped3A = tpu.sem_alloc : memref<!tpu.dma_semaphore, #tpu.memory_space<semaphore_mem>>
      %dma_start3A_13 = arith.constant 0 : i32
      %dma_start3A_14 = tpu.memref_slice %arg4[%add3A_12, %dma_start3A_13] : memref<32768x16xf32, #tpu.memory_space<hbm>> -> memref<1024x16xf32, #tpu.memory_space<hbm>>
      %dma_start3A_15 = arith.constant 0 : i32
      %dma_start3A_16 = tpu.memref_slice %arg4[%add3A_12, %dma_start3A_15] : memref<32768x16xf32, #tpu.memory_space<hbm>> -> memref<1024x16xf32, #tpu.memory_space<hbm>>
      tpu.enqueue_dma source(%arg6 : memref<1024x16xf32, #tpu.memory_space<vmem>>) target(%dma_start3A_16 : memref<1024x16xf32, #tpu.memory_space<hbm>>) target_semaphore(%run_scoped3A : memref<!tpu.dma_semaphore, #tpu.memory_space<semaphore_mem>>)
      %dma_wait3A_17 = arith.constant 0 : i32
      %dma_wait3A_18 = tpu.memref_slice %arg4[%add3A_12, %dma_wait3A_17] : memref<32768x16xf32, #tpu.memory_space<hbm>> -> memref<1024x16xf32, #tpu.memory_space<hbm>>
      %dma_wait3A_19 = arith.constant 0 : i32
      %dma_wait3A_20 = tpu.memref_slice %arg4[%add3A_12, %dma_wait3A_19] : memref<32768x16xf32, #tpu.memory_space<hbm>> -> memref<1024x16xf32, #tpu.memory_space<hbm>>
      tpu.wait_dma2 semaphore(%run_scoped3A : memref<!tpu.dma_semaphore, #tpu.memory_space<semaphore_mem>>) src(%arg6 : memref<1024x16xf32, #tpu.memory_space<vmem>>) dst(%dma_wait3A_20 : memref<1024x16xf32, #tpu.memory_space<hbm>>)
      tpu.yield
    }) : () -> ()
    return
  }
}

#map = affine_map<(d0, d1) -> (0, 0)>
#map1 = affine_map<(d0, d1) -> (0)>
module attributes {stable_mosaic.version = 14 : i64} {
  func.func @k(%arg0: i32, %arg1: i32, %arg2: memref<32768x16xf32, #tpu.memory_space<hbm>>, %arg3: memref<65536xi32, #tpu.memory_space<hbm>>, %arg4: memref<65536x16xf32, #tpu.memory_space<hbm>>, %arg5: memref<2048xi32, #tpu.memory_space<vmem>>, %arg6: memref<2048x16xf32, #tpu.memory_space<vmem>>, %arg7: memref<!tpu.dma_semaphore, #tpu.memory_space<semaphore_mem>>) attributes {dimension_semantics = [#tpu.dimension_semantics<core_parallel>, #tpu.dimension_semantics<subcore_parallel>], iteration_bounds = array<i64: 2, 16>, scalar_prefetch = 0 : i64, scratch_operands = 3 : i64, tpu.core_type = #tpu.core_type<sc_vector_subcore>, window_params = [{transform_indices = #map}, {transform_indices = #map1}, {transform_indices = #map}]} {
    %mul3A = arith.constant 2 : i32
    %mul3A_0 = arith.muli %arg1, %mul3A : i32
    %add3A = arith.addi %mul3A_0, %arg0 : i32
    %mul3A_1 = arith.constant 2048 : i32
    %mul3A_2 = arith.muli %add3A, %mul3A_1 : i32
    "tpu.region"() ({
      %run_scoped3A = tpu.sem_alloc : memref<!tpu.dma_semaphore, #tpu.memory_space<semaphore_mem>>
      %dma_start3A_13 = tpu.memref_slice %arg3[%mul3A_2] : memref<65536xi32, #tpu.memory_space<hbm>> -> memref<2048xi32, #tpu.memory_space<hbm>>
      %dma_start3A_14 = tpu.memref_slice %arg3[%mul3A_2] : memref<65536xi32, #tpu.memory_space<hbm>> -> memref<2048xi32, #tpu.memory_space<hbm>>
      tpu.enqueue_dma source(%dma_start3A_14 : memref<2048xi32, #tpu.memory_space<hbm>>) target(%arg5 : memref<2048xi32, #tpu.memory_space<vmem>>) target_semaphore(%run_scoped3A : memref<!tpu.dma_semaphore, #tpu.memory_space<semaphore_mem>>)
      %dma_wait3A_15 = tpu.memref_slice %arg3[%mul3A_2] : memref<65536xi32, #tpu.memory_space<hbm>> -> memref<2048xi32, #tpu.memory_space<hbm>>
      %dma_wait3A_16 = tpu.memref_slice %arg3[%mul3A_2] : memref<65536xi32, #tpu.memory_space<hbm>> -> memref<2048xi32, #tpu.memory_space<hbm>>
      tpu.wait_dma2 semaphore(%run_scoped3A : memref<!tpu.dma_semaphore, #tpu.memory_space<semaphore_mem>>) src(%dma_wait3A_16 : memref<2048xi32, #tpu.memory_space<hbm>>) dst(%arg5 : memref<2048xi32, #tpu.memory_space<vmem>>)
      tpu.yield
    }) : () -> ()
    %dma_start3A = arith.constant 0 : i32
    %dma_start3A_3 = tpu.memref_slice %arg5[%dma_start3A] : memref<2048xi32, #tpu.memory_space<vmem>> -> memref<2048xi32, #tpu.memory_space<vmem>>
    %dma_start3A_4 = arith.constant 0 : i32
    %dma_start3A_5 = arith.constant 0 : i32
    %dma_start3A_6 = tpu.memref_slice %arg2[%dma_start3A_4, %dma_start3A_5] : memref<32768x16xf32, #tpu.memory_space<hbm>> -> memref<32768x16xf32, #tpu.memory_space<hbm>>
    tpu.enqueue_indirect_dma source(%dma_start3A_6 : memref<32768x16xf32, #tpu.memory_space<hbm>>) target(%arg6 : memref<2048x16xf32, #tpu.memory_space<vmem>>) offsets(%dma_start3A_3 : memref<2048xi32, #tpu.memory_space<vmem>>) semaphore(%arg7 : memref<!tpu.dma_semaphore, #tpu.memory_space<semaphore_mem>>)
    %dma_wait3A = arith.constant 0 : i32
    %dma_wait3A_7 = tpu.memref_slice %arg5[%dma_wait3A] : memref<2048xi32, #tpu.memory_space<vmem>> -> memref<2048xi32, #tpu.memory_space<vmem>>
    %dma_wait3A_8 = arith.constant 0 : i32
    %dma_wait3A_9 = arith.constant 0 : i32
    %dma_wait3A_10 = tpu.memref_slice %arg2[%dma_wait3A_8, %dma_wait3A_9] : memref<32768x16xf32, #tpu.memory_space<hbm>> -> memref<32768x16xf32, #tpu.memory_space<hbm>>
    tpu.wait_indirect_dma semaphore(%arg7 : memref<!tpu.dma_semaphore, #tpu.memory_space<semaphore_mem>>) src(%dma_wait3A_10 : memref<32768x16xf32, #tpu.memory_space<hbm>>) dst(%arg6 : memref<2048x16xf32, #tpu.memory_space<vmem>>)
    %add3A_11 = arith.constant 0 : i32
    %add3A_12 = arith.addi %mul3A_2, %add3A_11 : i32
    "tpu.region"() ({
      %run_scoped3A = tpu.sem_alloc : memref<!tpu.dma_semaphore, #tpu.memory_space<semaphore_mem>>
      %dma_start3A_13 = arith.constant 0 : i32
      %dma_start3A_14 = tpu.memref_slice %arg4[%add3A_12, %dma_start3A_13] : memref<65536x16xf32, #tpu.memory_space<hbm>> -> memref<2048x16xf32, #tpu.memory_space<hbm>>
      %dma_start3A_15 = arith.constant 0 : i32
      %dma_start3A_16 = tpu.memref_slice %arg4[%add3A_12, %dma_start3A_15] : memref<65536x16xf32, #tpu.memory_space<hbm>> -> memref<2048x16xf32, #tpu.memory_space<hbm>>
      tpu.enqueue_dma source(%arg6 : memref<2048x16xf32, #tpu.memory_space<vmem>>) target(%dma_start3A_16 : memref<2048x16xf32, #tpu.memory_space<hbm>>) target_semaphore(%run_scoped3A : memref<!tpu.dma_semaphore, #tpu.memory_space<semaphore_mem>>)
      %dma_wait3A_17 = arith.constant 0 : i32
      %dma_wait3A_18 = tpu.memref_slice %arg4[%add3A_12, %dma_wait3A_17] : memref<65536x16xf32, #tpu.memory_space<hbm>> -> memref<2048x16xf32, #tpu.memory_space<hbm>>
      %dma_wait3A_19 = arith.constant 0 : i32
      %dma_wait3A_20 = tpu.memref_slice %arg4[%add3A_12, %dma_wait3A_19] : memref<65536x16xf32, #tpu.memory_space<hbm>> -> memref<2048x16xf32, #tpu.memory_space<hbm>>
      tpu.wait_dma2 semaphore(%run_scoped3A : memref<!tpu.dma_semaphore, #tpu.memory_space<semaphore_mem>>) src(%arg6 : memref<2048x16xf32, #tpu.memory_space<vmem>>) dst(%dma_wait3A_20 : memref<2048x16xf32, #tpu.memory_space<hbm>>)
      tpu.yield
    }) : () -> ()
    return
  }
}

#map = affine_map<(d0, d1) -> (0, 0)>
#map1 = affine_map<(d0, d1) -> (0)>
module attributes {stable_mosaic.version = 14 : i64} {
  func.func @k(%arg0: i32, %arg1: i32, %arg2: memref<65536x16xf32, #tpu.memory_space<hbm>>, %arg3: memref<65536xi32, #tpu.memory_space<hbm>>, %arg4: memref<65536x16xf32, #tpu.memory_space<hbm>>, %arg5: memref<2048xi32, #tpu.memory_space<vmem>>, %arg6: memref<2048x16xf32, #tpu.memory_space<vmem>>, %arg7: memref<!tpu.dma_semaphore, #tpu.memory_space<semaphore_mem>>) attributes {dimension_semantics = [#tpu.dimension_semantics<core_parallel>, #tpu.dimension_semantics<subcore_parallel>], iteration_bounds = array<i64: 2, 16>, scalar_prefetch = 0 : i64, scratch_operands = 3 : i64, tpu.core_type = #tpu.core_type<sc_vector_subcore>, window_params = [{transform_indices = #map}, {transform_indices = #map1}, {transform_indices = #map}]} {
    %mul3A = arith.constant 2 : i32
    %mul3A_0 = arith.muli %arg1, %mul3A : i32
    %add3A = arith.addi %mul3A_0, %arg0 : i32
    %mul3A_1 = arith.constant 2048 : i32
    %mul3A_2 = arith.muli %add3A, %mul3A_1 : i32
    "tpu.region"() ({
      %run_scoped3A = tpu.sem_alloc : memref<!tpu.dma_semaphore, #tpu.memory_space<semaphore_mem>>
      %dma_start3A_13 = tpu.memref_slice %arg3[%mul3A_2] : memref<65536xi32, #tpu.memory_space<hbm>> -> memref<2048xi32, #tpu.memory_space<hbm>>
      %dma_start3A_14 = tpu.memref_slice %arg3[%mul3A_2] : memref<65536xi32, #tpu.memory_space<hbm>> -> memref<2048xi32, #tpu.memory_space<hbm>>
      tpu.enqueue_dma source(%dma_start3A_14 : memref<2048xi32, #tpu.memory_space<hbm>>) target(%arg5 : memref<2048xi32, #tpu.memory_space<vmem>>) target_semaphore(%run_scoped3A : memref<!tpu.dma_semaphore, #tpu.memory_space<semaphore_mem>>)
      %dma_wait3A_15 = tpu.memref_slice %arg3[%mul3A_2] : memref<65536xi32, #tpu.memory_space<hbm>> -> memref<2048xi32, #tpu.memory_space<hbm>>
      %dma_wait3A_16 = tpu.memref_slice %arg3[%mul3A_2] : memref<65536xi32, #tpu.memory_space<hbm>> -> memref<2048xi32, #tpu.memory_space<hbm>>
      tpu.wait_dma2 semaphore(%run_scoped3A : memref<!tpu.dma_semaphore, #tpu.memory_space<semaphore_mem>>) src(%dma_wait3A_16 : memref<2048xi32, #tpu.memory_space<hbm>>) dst(%arg5 : memref<2048xi32, #tpu.memory_space<vmem>>)
      tpu.yield
    }) : () -> ()
    %dma_start3A = arith.constant 0 : i32
    %dma_start3A_3 = tpu.memref_slice %arg5[%dma_start3A] : memref<2048xi32, #tpu.memory_space<vmem>> -> memref<2048xi32, #tpu.memory_space<vmem>>
    %dma_start3A_4 = arith.constant 0 : i32
    %dma_start3A_5 = arith.constant 0 : i32
    %dma_start3A_6 = tpu.memref_slice %arg2[%dma_start3A_4, %dma_start3A_5] : memref<65536x16xf32, #tpu.memory_space<hbm>> -> memref<65536x16xf32, #tpu.memory_space<hbm>>
    tpu.enqueue_indirect_dma source(%dma_start3A_6 : memref<65536x16xf32, #tpu.memory_space<hbm>>) target(%arg6 : memref<2048x16xf32, #tpu.memory_space<vmem>>) offsets(%dma_start3A_3 : memref<2048xi32, #tpu.memory_space<vmem>>) semaphore(%arg7 : memref<!tpu.dma_semaphore, #tpu.memory_space<semaphore_mem>>)
    %dma_wait3A = arith.constant 0 : i32
    %dma_wait3A_7 = tpu.memref_slice %arg5[%dma_wait3A] : memref<2048xi32, #tpu.memory_space<vmem>> -> memref<2048xi32, #tpu.memory_space<vmem>>
    %dma_wait3A_8 = arith.constant 0 : i32
    %dma_wait3A_9 = arith.constant 0 : i32
    %dma_wait3A_10 = tpu.memref_slice %arg2[%dma_wait3A_8, %dma_wait3A_9] : memref<65536x16xf32, #tpu.memory_space<hbm>> -> memref<65536x16xf32, #tpu.memory_space<hbm>>
    tpu.wait_indirect_dma semaphore(%arg7 : memref<!tpu.dma_semaphore, #tpu.memory_space<semaphore_mem>>) src(%dma_wait3A_10 : memref<65536x16xf32, #tpu.memory_space<hbm>>) dst(%arg6 : memref<2048x16xf32, #tpu.memory_space<vmem>>)
    %add3A_11 = arith.constant 0 : i32
    %add3A_12 = arith.addi %mul3A_2, %add3A_11 : i32
    "tpu.region"() ({
      %run_scoped3A = tpu.sem_alloc : memref<!tpu.dma_semaphore, #tpu.memory_space<semaphore_mem>>
      %dma_start3A_13 = arith.constant 0 : i32
      %dma_start3A_14 = tpu.memref_slice %arg4[%add3A_12, %dma_start3A_13] : memref<65536x16xf32, #tpu.memory_space<hbm>> -> memref<2048x16xf32, #tpu.memory_space<hbm>>
      %dma_start3A_15 = arith.constant 0 : i32
      %dma_start3A_16 = tpu.memref_slice %arg4[%add3A_12, %dma_start3A_15] : memref<65536x16xf32, #tpu.memory_space<hbm>> -> memref<2048x16xf32, #tpu.memory_space<hbm>>
      tpu.enqueue_dma source(%arg6 : memref<2048x16xf32, #tpu.memory_space<vmem>>) target(%dma_start3A_16 : memref<2048x16xf32, #tpu.memory_space<hbm>>) target_semaphore(%run_scoped3A : memref<!tpu.dma_semaphore, #tpu.memory_space<semaphore_mem>>)
      %dma_wait3A_17 = arith.constant 0 : i32
      %dma_wait3A_18 = tpu.memref_slice %arg4[%add3A_12, %dma_wait3A_17] : memref<65536x16xf32, #tpu.memory_space<hbm>> -> memref<2048x16xf32, #tpu.memory_space<hbm>>
      %dma_wait3A_19 = arith.constant 0 : i32
      %dma_wait3A_20 = tpu.memref_slice %arg4[%add3A_12, %dma_wait3A_19] : memref<65536x16xf32, #tpu.memory_space<hbm>> -> memref<2048x16xf32, #tpu.memory_space<hbm>>
      tpu.wait_dma2 semaphore(%run_scoped3A : memref<!tpu.dma_semaphore, #tpu.memory_space<semaphore_mem>>) src(%arg6 : memref<2048x16xf32, #tpu.memory_space<vmem>>) dst(%dma_wait3A_20 : memref<2048x16xf32, #tpu.memory_space<hbm>>)
      tpu.yield
    }) : () -> ()
    return
  }
}

module attributes {stable_mosaic.version = 14 : i64} {
  func.func @_g0_body(%arg0: memref<1024x128xf32, #tpu.memory_space<vmem>>, %arg1: memref<1024x96xf32, #tpu.memory_space<vmem>>, %arg2: memref<1024x4xf32, #tpu.memory_space<vmem>>, %arg3: memref<1x128xf32, #tpu.memory_space<vmem>>, %arg4: memref<1x128xf32, #tpu.memory_space<vmem>>, %arg5: memref<1024x256xf32, #tpu.memory_space<vmem>>) attributes {dimension_semantics = [], scalar_prefetch = 0 : i64, scratch_operands = 0 : i64, tpu.core_type = #tpu.core_type<tc>} {
    %get3A = arith.constant 0 : index
    %get3A_0 = arith.constant 0 : index
    %get3A_1 = vector.load %arg0[%get3A, %get3A_0] : memref<1024x128xf32, #tpu.memory_space<vmem>>, vector<1024x128xf32>
    %get3A_2 = arith.constant 0 : index
    %get3A_3 = arith.constant 0 : index
    %get3A_4 = vector.load %arg1[%get3A_2, %get3A_3] : memref<1024x96xf32, #tpu.memory_space<vmem>>, vector<1024x96xf32>
    %get3A_5 = arith.constant 0 : index
    %get3A_6 = arith.constant 0 : index
    %get3A_7 = vector.load %arg2[%get3A_5, %get3A_6] : memref<1024x4xf32, #tpu.memory_space<vmem>>, vector<1024x4xf32>
    %get3A_8 = arith.constant 0 : index
    %get3A_9 = arith.constant 0 : index
    %get3A_10 = vector.load %arg3[%get3A_8, %get3A_9] : memref<1x128xf32, #tpu.memory_space<vmem>>, vector<1x128xf32>
    %get3A_11 = arith.constant 0 : index
    %get3A_12 = arith.constant 0 : index
    %get3A_13 = vector.load %arg4[%get3A_11, %get3A_12] : memref<1x128xf32, #tpu.memory_space<vmem>>, vector<1x128xf32>
    %reduce_sum3A = arith.constant dense<0.000000e+00> : vector<1024xf32>
    %reduce_sum3A_14 = vector.multi_reduction <add>, %get3A_1, %reduce_sum3A [1] : vector<1024x128xf32> to vector<1024xf32>
    %broadcast_in_dim3A = vector.shape_cast %reduce_sum3A_14 : vector<1024xf32> to vector<1024x1xf32>
    %div3A = arith.constant 1.280000e+02 : f32
    %div3A_15 = vector.broadcast %div3A : f32 to vector<1024x1xf32>
    %div3A_16 = arith.divf %broadcast_in_dim3A, %div3A_15 : vector<1024x1xf32>
    %sub3A = vector.broadcast %div3A_16 : vector<1024x1xf32> to vector<1024x128xf32>
    %sub3A_17 = arith.subf %get3A_1, %sub3A : vector<1024x128xf32>
    %integer_pow3A = arith.mulf %sub3A_17, %sub3A_17 : vector<1024x128xf32>
    %reduce_sum3A_18 = arith.constant dense<0.000000e+00> : vector<1024xf32>
    %reduce_sum3A_19 = vector.multi_reduction <add>, %integer_pow3A, %reduce_sum3A_18 [1] : vector<1024x128xf32> to vector<1024xf32>
    %broadcast_in_dim3A_20 = vector.shape_cast %reduce_sum3A_19 : vector<1024xf32> to vector<1024x1xf32>
    %div3A_21 = arith.constant 1.280000e+02 : f32
    %div3A_22 = vector.broadcast %div3A_21 : f32 to vector<1024x1xf32>
    %div3A_23 = arith.divf %broadcast_in_dim3A_20, %div3A_22 : vector<1024x1xf32>
    %sub3A_24 = vector.broadcast %div3A_16 : vector<1024x1xf32> to vector<1024x128xf32>
    %sub3A_25 = arith.subf %get3A_1, %sub3A_24 : vector<1024x128xf32>
    %add3A = arith.constant 9.99999997E-7 : f32
    %add3A_26 = vector.broadcast %add3A : f32 to vector<1024x1xf32>
    %add3A_27 = arith.addf %div3A_23, %add3A_26 : vector<1024x1xf32>
    %sqrt3A = math.sqrt %add3A_27 : vector<1024x1xf32>
    %div3A_28 = vector.broadcast %sqrt3A : vector<1024x1xf32> to vector<1024x128xf32>
    %div3A_29 = arith.divf %sub3A_25, %div3A_28 : vector<1024x128xf32>
    %mul3A = vector.broadcast %get3A_10 : vector<1x128xf32> to vector<1024x128xf32>
    %mul3A_30 = arith.mulf %div3A_29, %mul3A : vector<1024x128xf32>
    %add3A_31 = vector.broadcast %get3A_13 : vector<1x128xf32> to vector<1024x128xf32>
    %add3A_32 = arith.addf %mul3A_30, %add3A_31 : vector<1024x128xf32>
    %mul3A_33 = arith.mulf %get3A_4, %get3A_4 : vector<1024x96xf32>
    %slice3A = vector.extract_strided_slice %mul3A_33 {offsets = [0, 0], sizes = [1024, 32], strides = [1, 1]} : vector<1024x96xf32> to vector<1024x32xf32>
    %slice3A_34 = vector.extract_strided_slice %mul3A_33 {offsets = [0, 32], sizes = [1024, 32], strides = [1, 1]} : vector<1024x96xf32> to vector<1024x32xf32>
    %add3A_35 = arith.addf %slice3A, %slice3A_34 : vector<1024x32xf32>
    %slice3A_36 = vector.extract_strided_slice %mul3A_33 {offsets = [0, 64], sizes = [1024, 32], strides = [1, 1]} : vector<1024x96xf32> to vector<1024x32xf32>
    %add3A_37 = arith.addf %add3A_35, %slice3A_36 : vector<1024x32xf32>
    %reduce_sum3A_38 = arith.constant dense<0.000000e+00> : vector<1024xf32>
    %reduce_sum3A_39 = vector.multi_reduction <add>, %add3A_37, %reduce_sum3A_38 [1] : vector<1024x32xf32> to vector<1024xf32>
    %broadcast_in_dim3A_40 = vector.shape_cast %reduce_sum3A_39 : vector<1024xf32> to vector<1024x1xf32>
    %div3A_41 = arith.constant 3.200000e+01 : f32
    %div3A_42 = vector.broadcast %div3A_41 : f32 to vector<1024x1xf32>
    %div3A_43 = arith.divf %broadcast_in_dim3A_40, %div3A_42 : vector<1024x1xf32>
    %add3A_44 = arith.constant 9.99999997E-7 : f32
    %add3A_45 = vector.broadcast %add3A_44 : f32 to vector<1024x1xf32>
    %add3A_46 = arith.addf %div3A_43, %add3A_45 : vector<1024x1xf32>
    %sqrt3A_47 = math.sqrt %add3A_46 : vector<1024x1xf32>
    %div3A_48 = vector.broadcast %sqrt3A_47 : vector<1024x1xf32> to vector<1024x96xf32>
    %div3A_49 = arith.divf %get3A_4, %div3A_48 : vector<1024x96xf32>
    %mul3A_50 = arith.mulf %get3A_7, %get3A_7 : vector<1024x4xf32>
    %reduce_sum3A_51 = arith.constant dense<0.000000e+00> : vector<1024xf32>
    %reduce_sum3A_52 = vector.multi_reduction <add>, %mul3A_50, %reduce_sum3A_51 [1] : vector<1024x4xf32> to vector<1024xf32>
    %broadcast_in_dim3A_53 = vector.shape_cast %reduce_sum3A_52 : vector<1024xf32> to vector<1024x1xf32>
    %sqrt3A_54 = math.sqrt %broadcast_in_dim3A_53 : vector<1024x1xf32>
    %div3A_55 = vector.broadcast %sqrt3A_54 : vector<1024x1xf32> to vector<1024x4xf32>
    %div3A_56 = arith.divf %get3A_7, %div3A_55 : vector<1024x4xf32>
    %get3A_57 = arith.constant 0 : index
    %get3A_58 = arith.constant 0 : index
    %get3A_59 = vector.load %arg2[%get3A_57, %get3A_58] : memref<1024x4xf32, #tpu.memory_space<vmem>>, vector<1024x4xf32>
    %broadcast_in_dim3A_60 = arith.constant 0.000000e+00 : f32
    %broadcast_in_dim3A_61 = vector.broadcast %broadcast_in_dim3A_60 : f32 to vector<1024x24xf32>
    %concatenate3A = tpu.concatenate %add3A_32, %div3A_49, %get3A_59, %div3A_56, %broadcast_in_dim3A_61 in 1 : vector<1024x128xf32>, vector<1024x96xf32>, vector<1024x4xf32>, vector<1024x4xf32>, vector<1024x24xf32> -> vector<1024x256xf32>
    %swap3A = arith.constant 0 : index
    %swap3A_62 = arith.constant 0 : index
    %swap3A_63 = vector.load %arg5[%swap3A, %swap3A_62] : memref<1024x256xf32, #tpu.memory_space<vmem>>, vector<1024x256xf32>
    tpu.vector_store %arg5[%swap3A, %swap3A_62], %concatenate3A {strides = array<i32>} : memref<1024x256xf32, #tpu.memory_space<vmem>>, vector<1024x256xf32>,
    return
  }
}

module attributes {stable_mosaic.version = 14 : i64} {
  func.func @_edge_body(%arg0: i32, %arg1: memref<128x32x256xf32, #tpu.memory_space<vmem>>, %arg2: memref<128x256xf32, #tpu.memory_space<vmem>>, %arg3: memref<128x32x16xf32, #tpu.memory_space<vmem>>, %arg4: memref<128x32x1xf32, #tpu.memory_space<vmem>>, %arg5: memref<274x193xf32, #tpu.memory_space<vmem>>, %arg6: memref<1x193xf32, #tpu.memory_space<vmem>>, %arg7: memref<16x16xf32, #tpu.memory_space<vmem>>, %arg8: memref<1x16xf32, #tpu.memory_space<vmem>>, %arg9: memref<128x128xf32, #tpu.memory_space<vmem>>, %arg10: memref<128x96xf32, #tpu.memory_space<vmem>>, %arg11: memref<128x4xf32, #tpu.memory_space<vmem>>, %arg12: memref<128x32x16xf32, #tpu.memory_space<vmem>>) attributes {dimension_semantics = [#tpu.dimension_semantics<arbitrary>], iteration_bounds = array<i64: 8>, scalar_prefetch = 0 : i64, scratch_operands = 0 : i64, tpu.core_type = #tpu.core_type<tc>, window_params = [{transform_indices = @transform_0, window_bounds = array<i64: 128, 32, 256>}, {transform_indices = @transform_1, window_bounds = array<i64: 128, 256>}, {transform_indices = @transform_2, window_bounds = array<i64: 128, 32, 16>}, {transform_indices = @transform_3, window_bounds = array<i64: 128, 32, 1>}, {pipeline_mode = #tpu.pipeline_mode<synchronous>, transform_indices = @transform_4, window_bounds = array<i64: 274, 193>}, {pipeline_mode = #tpu.pipeline_mode<synchronous>, transform_indices = @transform_5, window_bounds = array<i64: 1, 193>}, {pipeline_mode = #tpu.pipeline_mode<synchronous>, transform_indices = @transform_6, window_bounds = array<i64: 16, 16>}, {pipeline_mode = #tpu.pipeline_mode<synchronous>, transform_indices = @transform_7, window_bounds = array<i64: 1, 16>}, {transform_indices = @transform_8, window_bounds = array<i64: 128, 128>}, {transform_indices = @transform_9, window_bounds = array<i64: 128, 96>}, {transform_indices = @transform_10, window_bounds = array<i64: 128, 4>}, {transform_indices = @transform_11, window_bounds = array<i64: 128, 32, 16>}]} {
    %get3A = arith.constant 0 : index
    %get3A_0 = arith.constant 0 : index
    %get3A_1 = arith.constant 0 : index
    %get3A_2 = vector.load %arg1[%get3A, %get3A_0, %get3A_1] : memref<128x32x256xf32, #tpu.memory_space<vmem>>, vector<128x32x256xf32>
    %reshape3A = vector.shape_cast %get3A_2 : vector<128x32x256xf32> to vector<4096x256xf32>
    %get3A_3 = arith.constant 0 : index
    %get3A_4 = arith.constant 0 : index
    %get3A_5 = vector.load %arg2[%get3A_3, %get3A_4] : memref<128x256xf32, #tpu.memory_space<vmem>>, vector<128x256xf32>
    %broadcast_in_dim3A = vector.shape_cast %get3A_5 : vector<128x256xf32> to vector<128x1x256xf32>
    %broadcast_in_dim3A_6 = vector.shape_cast %broadcast_in_dim3A : vector<128x1x256xf32> to vector<128x1x256xf32>
    %broadcast_in_dim3A_7 = vector.broadcast %broadcast_in_dim3A_6 : vector<128x1x256xf32> to vector<128x32x256xf32>
    %reshape3A_8 = vector.shape_cast %broadcast_in_dim3A_7 : vector<128x32x256xf32> to vector<4096x256xf32>
    %slice3A = vector.extract_strided_slice %reshape3A {offsets = [0, 0], sizes = [4096, 128], strides = [1, 1]} : vector<4096x256xf32> to vector<4096x128xf32>
    %slice3A_9 = vector.extract_strided_slice %reshape3A_8 {offsets = [0, 0], sizes = [4096, 128], strides = [1, 1]} : vector<4096x256xf32> to vector<4096x128xf32>
    %slice3A_10 = vector.extract_strided_slice %reshape3A {offsets = [0, 224], sizes = [4096, 4], strides = [1, 1]} : vector<4096x256xf32> to vector<4096x4xf32>
    %slice3A_11 = vector.extract_strided_slice %reshape3A_8 {offsets = [0, 224], sizes = [4096, 4], strides = [1, 1]} : vector<4096x256xf32> to vector<4096x4xf32>
    %slice3A_12 = vector.extract_strided_slice %reshape3A {offsets = [0, 228], sizes = [4096, 4], strides = [1, 1]} : vector<4096x256xf32> to vector<4096x4xf32>
    %slice3A_13 = vector.extract_strided_slice %reshape3A_8 {offsets = [0, 228], sizes = [4096, 4], strides = [1, 1]} : vector<4096x256xf32> to vector<4096x4xf32>
    %get3A_14 = arith.constant 0 : index
    %get3A_15 = arith.constant 0 : index
    %get3A_16 = arith.constant 0 : index
    %get3A_17 = vector.load %arg4[%get3A_14, %get3A_15, %get3A_16] : memref<128x32x1xf32, #tpu.memory_space<vmem>>, vector<128x32x1xf32>
    %reshape3A_18 = vector.shape_cast %get3A_17 : vector<128x32x1xf32> to vector<4096x1xf32>
    %get3A_19 = arith.constant 0 : index
    %get3A_20 = arith.constant 0 : index
    %get3A_21 = arith.constant 0 : index
    %get3A_22 = vector.load %arg3[%get3A_19, %get3A_20, %get3A_21] : memref<128x32x16xf32, #tpu.memory_space<vmem>>, vector<128x32x16xf32>
    %reshape3A_23 = vector.shape_cast %get3A_22 : vector<128x32x16xf32> to vector<4096x16xf32>
    %reshape3A_24 = vector.shape_cast %reshape3A_23 : vector<4096x16xf32> to vector<128x32x16xf32>
    %swap3A = arith.constant 0 : index
    %swap3A_25 = arith.constant 0 : index
    %swap3A_26 = arith.constant 0 : index
    %swap3A_27 = vector.load %arg12[%swap3A, %swap3A_25, %swap3A_26] : memref<128x32x16xf32, #tpu.memory_space<vmem>>, vector<128x32x16xf32>
    tpu.vector_store %arg12[%swap3A, %swap3A_25, %swap3A_26], %reshape3A_24 {strides = array<i32>} : memref<128x32x16xf32, #tpu.memory_space<vmem>>, vector<128x32x16xf32>,
    %sub3A = arith.subf %slice3A_11, %slice3A_10 : vector<4096x4xf32>
    %mul3A = arith.mulf %sub3A, %sub3A : vector<4096x4xf32>
    %reduce_sum3A = arith.constant dense<0.000000e+00> : vector<4096xf32>
    %reduce_sum3A_28 = vector.multi_reduction <add>, %mul3A, %reduce_sum3A [1] : vector<4096x4xf32> to vector<4096xf32>
    %broadcast_in_dim3A_29 = vector.shape_cast %reduce_sum3A_28 : vector<4096xf32> to vector<4096x1xf32>
    %max3A = arith.constant 9.99999997E-7 : f32
    %max3A_30 = vector.broadcast %max3A : f32 to vector<4096x1xf32>
    %max3A_31 = arith.maximumf %broadcast_in_dim3A_29, %max3A_30 : vector<4096x1xf32>
    %sqrt3A = math.sqrt %max3A_31 : vector<4096x1xf32>
    %add3A = arith.constant 1.000000e+00 : f32
    %add3A_32 = vector.broadcast %add3A : f32 to vector<4096x1xf32>
    %add3A_33 = arith.addf %add3A_32, %sqrt3A : vector<4096x1xf32>
    %div3A = vector.broadcast %add3A_33 : vector<4096x1xf32> to vector<4096x4xf32>
    %div3A_34 = arith.divf %sub3A, %div3A : vector<4096x4xf32>
    %mul3A_35 = arith.mulf %slice3A_12, %slice3A_13 : vector<4096x4xf32>
    %reduce_sum3A_36 = arith.constant dense<0.000000e+00> : vector<4096xf32>
    %reduce_sum3A_37 = vector.multi_reduction <add>, %mul3A_35, %reduce_sum3A_36 [1] : vector<4096x4xf32> to vector<4096xf32>
    %broadcast_in_dim3A_38 = vector.shape_cast %reduce_sum3A_37 : vector<4096xf32> to vector<4096x1xf32>
    %concatenate3A = tpu.concatenate %slice3A, %slice3A_9, %reshape3A_23, %sqrt3A, %broadcast_in_dim3A_38 in 1 : vector<4096x128xf32>, vector<4096x128xf32>, vector<4096x16xf32>, vector<4096x1xf32>, vector<4096x1xf32> -> vector<4096x274xf32>
    %get3A_39 = arith.constant 0 : index
    %get3A_40 = arith.constant 0 : index
    %get3A_41 = vector.load %arg5[%get3A_39, %get3A_40] : memref<274x193xf32, #tpu.memory_space<vmem>>, vector<274x193xf32>
    %dot_general3A = arith.constant dense<0.000000e+00> : vector<4096x193xf32>
    %dot_general3A_42 = tpu.matmul %concatenate3A, %get3A_41, %dot_general3A {dimension_numbers = #tpu.dot_dimension_numbers<[1], [0], [0], [1], [0, 0, 1, 1], [], []>, transpose_lhs_hint = false} : vector<4096x274xf32>, vector<274x193xf32>, vector<4096x193xf32> -> vector<4096x193xf32>
    %get3A_43 = arith.constant 0 : index
    %get3A_44 = arith.constant 0 : index
    %get3A_45 = vector.load %arg6[%get3A_43, %get3A_44] : memref<1x193xf32, #tpu.memory_space<vmem>>, vector<1x193xf32>
    %add3A_46 = vector.broadcast %get3A_45 : vector<1x193xf32> to vector<4096x193xf32>
    %add3A_47 = arith.addf %dot_general3A_42, %add3A_46 : vector<4096x193xf32>
    %neg3A = arith.constant 0.000000e+00 : f32
    %neg3A_48 = vector.broadcast %neg3A : f32 to vector<4096x193xf32>
    %neg3A_49 = arith.subf %neg3A_48, %add3A_47 : vector<4096x193xf32>
    %exp3A = math.exp %neg3A_49 : vector<4096x193xf32>
    %add3A_50 = arith.constant 1.000000e+00 : f32
    %add3A_51 = vector.broadcast %add3A_50 : f32 to vector<4096x193xf32>
    %add3A_52 = arith.addf %add3A_51, %exp3A : vector<4096x193xf32>
    %div3A_53 = arith.constant 1.000000e+00 : f32
    %div3A_54 = vector.broadcast %div3A_53 : f32 to vector<4096x193xf32>
    %div3A_55 = arith.divf %div3A_54, %add3A_52 : vector<4096x193xf32>
    %mul3A_56 = arith.mulf %add3A_47, %div3A_55 : vector<4096x193xf32>
    %slice3A_57 = vector.extract_strided_slice %mul3A_56 {offsets = [0, 0], sizes = [4096, 128], strides = [1, 1]} : vector<4096x193xf32> to vector<4096x128xf32>
    %slice3A_58 = vector.extract_strided_slice %mul3A_56 {offsets = [0, 128], sizes = [4096, 32], strides = [1, 1]} : vector<4096x193xf32> to vector<4096x32xf32>
    %slice3A_59 = vector.extract_strided_slice %mul3A_56 {offsets = [0, 192], sizes = [4096, 1], strides = [1, 1]} : vector<4096x193xf32> to vector<4096x1xf32>
    %mul3A_60 = arith.mulf %slice3A_57, %slice3A : vector<4096x128xf32>
    %mul3A_61 = vector.broadcast %reshape3A_18 : vector<4096x1xf32> to vector<4096x128xf32>
    %mul3A_62 = arith.mulf %mul3A_60, %mul3A_61 : vector<4096x128xf32>
    %reshape3A_63 = vector.shape_cast %mul3A_62 : vector<4096x128xf32> to vector<128x32x128xf32>
    %reduce_sum3A_64 = arith.constant dense<0.000000e+00> : vector<128x128xf32>
    %reduce_sum3A_65 = vector.multi_reduction <add>, %reshape3A_63, %reduce_sum3A_64 [1] : vector<128x32x128xf32> to vector<128x128xf32>
    %swap3A_66 = arith.constant 0 : index
    %swap3A_67 = arith.constant 0 : index
    %swap3A_68 = vector.load %arg9[%swap3A_66, %swap3A_67] : memref<128x128xf32, #tpu.memory_space<vmem>>, vector<128x128xf32>
    tpu.vector_store %arg9[%swap3A_66, %swap3A_67], %reduce_sum3A_65 {strides = array<i32>} : memref<128x128xf32, #tpu.memory_space<vmem>>, vector<128x128xf32>,
    %slice3A_69 = vector.extract_strided_slice %div3A_34 {offsets = [0, 0], sizes = [4096, 1], strides = [1, 1]} : vector<4096x4xf32> to vector<4096x1xf32>
    %mul3A_70 = vector.broadcast %slice3A_69 : vector<4096x1xf32> to vector<4096x32xf32>
    %mul3A_71 = arith.mulf %mul3A_70, %slice3A_58 : vector<4096x32xf32>
    %slice3A_72 = vector.extract_strided_slice %div3A_34 {offsets = [0, 1], sizes = [4096, 1], strides = [1, 1]} : vector<4096x4xf32> to vector<4096x1xf32>
    %mul3A_73 = vector.broadcast %slice3A_72 : vector<4096x1xf32> to vector<4096x32xf32>
    %mul3A_74 = arith.mulf %mul3A_73, %slice3A_58 : vector<4096x32xf32>
    %slice3A_75 = vector.extract_strided_slice %div3A_34 {offsets = [0, 2], sizes = [4096, 1], strides = [1, 1]} : vector<4096x4xf32> to vector<4096x1xf32>
    %mul3A_76 = vector.broadcast %slice3A_75 : vector<4096x1xf32> to vector<4096x32xf32>
    %mul3A_77 = arith.mulf %mul3A_76, %slice3A_58 : vector<4096x32xf32>
    %concatenate3A_78 = tpu.concatenate %mul3A_71, %mul3A_74, %mul3A_77 in 1 : vector<4096x32xf32>, vector<4096x32xf32>, vector<4096x32xf32> -> vector<4096x96xf32>
    %mul3A_79 = vector.broadcast %reshape3A_18 : vector<4096x1xf32> to vector<4096x96xf32>
    %mul3A_80 = arith.mulf %concatenate3A_78, %mul3A_79 : vector<4096x96xf32>
    %reshape3A_81 = vector.shape_cast %mul3A_80 : vector<4096x96xf32> to vector<128x32x96xf32>
    %reduce_sum3A_82 = arith.constant dense<0.000000e+00> : vector<128x96xf32>
    %reduce_sum3A_83 = vector.multi_reduction <add>, %reshape3A_81, %reduce_sum3A_82 [1] : vector<128x32x96xf32> to vector<128x96xf32>
    %swap3A_84 = arith.constant 0 : index
    %swap3A_85 = arith.constant 0 : index
    %swap3A_86 = vector.load %arg10[%swap3A_84, %swap3A_85] : memref<128x96xf32, #tpu.memory_space<vmem>>, vector<128x96xf32>
    tpu.vector_store %arg10[%swap3A_84, %swap3A_85], %reduce_sum3A_83 {strides = array<i32>} : memref<128x96xf32, #tpu.memory_space<vmem>>, vector<128x96xf32>,
    %mul3A_87 = vector.broadcast %slice3A_59 : vector<4096x1xf32> to vector<4096x4xf32>
    %mul3A_88 = arith.mulf %mul3A_87, %div3A_34 : vector<4096x4xf32>
    %mul3A_89 = vector.broadcast %reshape3A_18 : vector<4096x1xf32> to vector<4096x4xf32>
    %mul3A_90 = arith.mulf %mul3A_88, %mul3A_89 : vector<4096x4xf32>
    %reshape3A_91 = vector.shape_cast %mul3A_90 : vector<4096x4xf32> to vector<128x32x4xf32>
    %reduce_sum3A_92 = arith.constant dense<0.000000e+00> : vector<128x4xf32>
    %reduce_sum3A_93 = vector.multi_reduction <add>, %reshape3A_91, %reduce_sum3A_92 [1] : vector<128x32x4xf32> to vector<128x4xf32>
    %reshape3A_94 = vector.shape_cast %reshape3A_18 : vector<4096x1xf32> to vector<128x32x1xf32>
    %reduce_sum3A_95 = arith.constant dense<0.000000e+00> : vector<128x1xf32>
    %reduce_sum3A_96 = vector.multi_reduction <add>, %reshape3A_94, %reduce_sum3A_95 [1] : vector<128x32x1xf32> to vector<128x1xf32>
    %slice3A_97 = vector.extract_strided_slice %reduce_sum3A_93 {offsets = [0, 0], sizes = [128, 3], strides = [1, 1]} : vector<128x4xf32> to vector<128x3xf32>
    %concatenate3A_98 = tpu.concatenate %slice3A_97, %reduce_sum3A_96 in 1 : vector<128x3xf32>, vector<128x1xf32> -> vector<128x4xf32>
    %swap3A_99 = arith.constant 0 : index
    %swap3A_100 = arith.constant 0 : index
    %swap3A_101 = vector.load %arg11[%swap3A_99, %swap3A_100] : memref<128x4xf32, #tpu.memory_space<vmem>>, vector<128x4xf32>
    tpu.vector_store %arg11[%swap3A_99, %swap3A_100], %concatenate3A_98 {strides = array<i32>} : memref<128x4xf32, #tpu.memory_space<vmem>>, vector<128x4xf32>,
    return
  }
  func.func @transform_0(%arg0: i32) -> (i32, i32, i32) {
    %c0_i32 = arith.constant 0 : i32
    %c0_i32_0 = arith.constant 0 : i32
    %c0_i32_1 = arith.constant 0 : i32
    return %arg0, %c0_i32, %c0_i32_0 : i32, i32, i32
  }
  func.func @transform_1(%arg0: i32) -> (i32, i32) {
    %c0_i32 = arith.constant 0 : i32
    %c0_i32_0 = arith.constant 0 : i32
    return %arg0, %c0_i32 : i32, i32
  }
  func.func @transform_2(%arg0: i32) -> (i32, i32, i32) {
    %c0_i32 = arith.constant 0 : i32
    %c0_i32_0 = arith.constant 0 : i32
    %c0_i32_1 = arith.constant 0 : i32
    return %arg0, %c0_i32, %c0_i32_0 : i32, i32, i32
  }
  func.func @transform_3(%arg0: i32) -> (i32, i32, i32) {
    %c0_i32 = arith.constant 0 : i32
    %c0_i32_0 = arith.constant 0 : i32
    %c0_i32_1 = arith.constant 0 : i32
    return %arg0, %c0_i32, %c0_i32_0 : i32, i32, i32
  }
  func.func @transform_4(%arg0: i32) -> (i32, i32) {
    %c0_i32 = arith.constant 0 : i32
    %c0_i32_0 = arith.constant 0 : i32
    %c0_i32_1 = arith.constant 0 : i32
    return %c0_i32, %c0_i32_0 : i32, i32
  }
  func.func @transform_5(%arg0: i32) -> (i32, i32) {
    %c0_i32 = arith.constant 0 : i32
    %c0_i32_0 = arith.constant 0 : i32
    %c0_i32_1 = arith.constant 0 : i32
    return %c0_i32, %c0_i32_0 : i32, i32
  }
  func.func @transform_6(%arg0: i32) -> (i32, i32) {
    %c0_i32 = arith.constant 0 : i32
    %c0_i32_0 = arith.constant 0 : i32
    %c0_i32_1 = arith.constant 0 : i32
    return %c0_i32, %c0_i32_0 : i32, i32
  }
  func.func @transform_7(%arg0: i32) -> (i32, i32) {
    %c0_i32 = arith.constant 0 : i32
    %c0_i32_0 = arith.constant 0 : i32
    %c0_i32_1 = arith.constant 0 : i32
    return %c0_i32, %c0_i32_0 : i32, i32
  }
  func.func @transform_8(%arg0: i32) -> (i32, i32) {
    %c0_i32 = arith.constant 0 : i32
    %c0_i32_0 = arith.constant 0 : i32
    return %arg0, %c0_i32 : i32, i32
  }
  func.func @transform_9(%arg0: i32) -> (i32, i32) {
    %c0_i32 = arith.constant 0 : i32
    %c0_i32_0 = arith.constant 0 : i32
    return %arg0, %c0_i32 : i32, i32
  }
  func.func @transform_10(%arg0: i32) -> (i32, i32) {
    %c0_i32 = arith.constant 0 : i32
    %c0_i32_0 = arith.constant 0 : i32
    return %arg0, %c0_i32 : i32, i32
  }
  func.func @transform_11(%arg0: i32) -> (i32, i32, i32) {
    %c0_i32 = arith.constant 0 : i32
    %c0_i32_0 = arith.constant 0 : i32
    %c0_i32_1 = arith.constant 0 : i32
    return %arg0, %c0_i32, %c0_i32_0 : i32, i32, i32
  }
}

module attributes {stable_mosaic.version = 14 : i64} {
  func.func @_node_upd_body(%arg0: memref<1024x256xf32, #tpu.memory_space<vmem>>, %arg1: memref<1024x128xf32, #tpu.memory_space<vmem>>, %arg2: memref<1024x96xf32, #tpu.memory_space<vmem>>, %arg3: memref<1024x4xf32, #tpu.memory_space<vmem>>, %arg4: memref<256x128xf32, #tpu.memory_space<vmem>>, %arg5: memref<1x128xf32, #tpu.memory_space<vmem>>, %arg6: memref<32x32xf32, #tpu.memory_space<vmem>>, %arg7: memref<128x16xf32, #tpu.memory_space<vmem>>, %arg8: memref<1x16xf32, #tpu.memory_space<vmem>>, %arg9: memref<1x128xf32, #tpu.memory_space<vmem>>, %arg10: memref<1x128xf32, #tpu.memory_space<vmem>>, %arg11: memref<1024x256xf32, #tpu.memory_space<vmem>>) attributes {dimension_semantics = [], scalar_prefetch = 0 : i64, scratch_operands = 0 : i64, tpu.core_type = #tpu.core_type<tc>} {
    %get3A = arith.constant 0 : index
    %get3A_0 = arith.constant 0 : index
    %get3A_1 = vector.load %arg0[%get3A, %get3A_0] : memref<1024x256xf32, #tpu.memory_space<vmem>>, vector<1024x256xf32>
    %slice3A = vector.extract_strided_slice %get3A_1 {offsets = [0, 0], sizes = [1024, 128], strides = [1, 1]} : vector<1024x256xf32> to vector<1024x128xf32>
    %get3A_2 = arith.constant 0 : index
    %get3A_3 = arith.constant 0 : index
    %get3A_4 = vector.load %arg1[%get3A_2, %get3A_3] : memref<1024x128xf32, #tpu.memory_space<vmem>>, vector<1024x128xf32>
    %get3A_5 = arith.constant 0 : index
    %get3A_6 = arith.constant 0 : index
    %get3A_7 = vector.load %arg3[%get3A_5, %get3A_6] : memref<1024x4xf32, #tpu.memory_space<vmem>>, vector<1024x4xf32>
    %slice3A_8 = vector.extract_strided_slice %get3A_7 {offsets = [0, 3], sizes = [1024, 1], strides = [1, 1]} : vector<1024x4xf32> to vector<1024x1xf32>
    %max3A = arith.constant 1.000000e+00 : f32
    %max3A_9 = vector.broadcast %max3A : f32 to vector<1024x1xf32>
    %max3A_10 = arith.maximumf %slice3A_8, %max3A_9 : vector<1024x1xf32>
    %concatenate3A = tpu.concatenate %slice3A, %get3A_4 in 1 : vector<1024x128xf32>, vector<1024x128xf32> -> vector<1024x256xf32>
    %get3A_11 = arith.constant 0 : index
    %get3A_12 = arith.constant 0 : index
    %get3A_13 = vector.load %arg4[%get3A_11, %get3A_12] : memref<256x128xf32, #tpu.memory_space<vmem>>, vector<256x128xf32>
    %dot_general3A = arith.constant dense<0.000000e+00> : vector<1024x128xf32>
    %dot_general3A_14 = tpu.matmul %concatenate3A, %get3A_13, %dot_general3A {dimension_numbers = #tpu.dot_dimension_numbers<[1], [0], [0], [1], [0, 0, 1, 1], [], []>, transpose_lhs_hint = false} : vector<1024x256xf32>, vector<256x128xf32>, vector<1024x128xf32> -> vector<1024x128xf32>
    %get3A_15 = arith.constant 0 : index
    %get3A_16 = arith.constant 0 : index
    %get3A_17 = vector.load %arg5[%get3A_15, %get3A_16] : memref<1x128xf32, #tpu.memory_space<vmem>>, vector<1x128xf32>
    %add3A = vector.broadcast %get3A_17 : vector<1x128xf32> to vector<1024x128xf32>
    %add3A_18 = arith.addf %dot_general3A_14, %add3A : vector<1024x128xf32>
    %neg3A = arith.constant 0.000000e+00 : f32
    %neg3A_19 = vector.broadcast %neg3A : f32 to vector<1024x128xf32>
    %neg3A_20 = arith.subf %neg3A_19, %add3A_18 : vector<1024x128xf32>
    %exp3A = math.exp %neg3A_20 : vector<1024x128xf32>
    %add3A_21 = arith.constant 1.000000e+00 : f32
    %add3A_22 = vector.broadcast %add3A_21 : f32 to vector<1024x128xf32>
    %add3A_23 = arith.addf %add3A_22, %exp3A : vector<1024x128xf32>
    %div3A = arith.constant 1.000000e+00 : f32
    %div3A_24 = vector.broadcast %div3A : f32 to vector<1024x128xf32>
    %div3A_25 = arith.divf %div3A_24, %add3A_23 : vector<1024x128xf32>
    %mul3A = arith.mulf %add3A_18, %div3A_25 : vector<1024x128xf32>
    %add3A_26 = arith.addf %slice3A, %mul3A : vector<1024x128xf32>
    %get3A_27 = arith.constant 0 : index
    %get3A_28 = arith.constant 0 : index
    %get3A_29 = vector.load %arg2[%get3A_27, %get3A_28] : memref<1024x96xf32, #tpu.memory_space<vmem>>, vector<1024x96xf32>
    %div3A_30 = vector.broadcast %max3A_10 : vector<1024x1xf32> to vector<1024x96xf32>
    %div3A_31 = arith.divf %get3A_29, %div3A_30 : vector<1024x96xf32>
    %get3A_32 = arith.constant 0 : index
    %get3A_33 = arith.constant 0 : index
    %get3A_34 = vector.load %arg6[%get3A_32, %get3A_33] : memref<32x32xf32, #tpu.memory_space<vmem>>, vector<32x32xf32>
    %slice3A_35 = vector.extract_strided_slice %get3A_1 {offsets = [0, 128], sizes = [1024, 96], strides = [1, 1]} : vector<1024x256xf32> to vector<1024x96xf32>
    %slice3A_36 = vector.extract_strided_slice %div3A_31 {offsets = [0, 0], sizes = [1024, 32], strides = [1, 1]} : vector<1024x96xf32> to vector<1024x32xf32>
    %dot_general3A_37 = arith.constant dense<0.000000e+00> : vector<1024x32xf32>
    %dot_general3A_38 = tpu.matmul %slice3A_36, %get3A_34, %dot_general3A_37 {dimension_numbers = #tpu.dot_dimension_numbers<[1], [0], [0], [1], [0, 0, 1, 1], [], []>, transpose_lhs_hint = false} : vector<1024x32xf32>, vector<32x32xf32>, vector<1024x32xf32> -> vector<1024x32xf32>
    %slice3A_39 = vector.extract_strided_slice %div3A_31 {offsets = [0, 32], sizes = [1024, 32], strides = [1, 1]} : vector<1024x96xf32> to vector<1024x32xf32>
    %dot_general3A_40 = arith.constant dense<0.000000e+00> : vector<1024x32xf32>
    %dot_general3A_41 = tpu.matmul %slice3A_39, %get3A_34, %dot_general3A_40 {dimension_numbers = #tpu.dot_dimension_numbers<[1], [0], [0], [1], [0, 0, 1, 1], [], []>, transpose_lhs_hint = false} : vector<1024x32xf32>, vector<32x32xf32>, vector<1024x32xf32> -> vector<1024x32xf32>
    %slice3A_42 = vector.extract_strided_slice %div3A_31 {offsets = [0, 64], sizes = [1024, 32], strides = [1, 1]} : vector<1024x96xf32> to vector<1024x32xf32>
    %dot_general3A_43 = arith.constant dense<0.000000e+00> : vector<1024x32xf32>
    %dot_general3A_44 = tpu.matmul %slice3A_42, %get3A_34, %dot_general3A_43 {dimension_numbers = #tpu.dot_dimension_numbers<[1], [0], [0], [1], [0, 0, 1, 1], [], []>, transpose_lhs_hint = false} : vector<1024x32xf32>, vector<32x32xf32>, vector<1024x32xf32> -> vector<1024x32xf32>
    %concatenate3A_45 = tpu.concatenate %dot_general3A_38, %dot_general3A_41, %dot_general3A_44 in 1 : vector<1024x32xf32>, vector<1024x32xf32>, vector<1024x32xf32> -> vector<1024x96xf32>
    %add3A_46 = arith.addf %slice3A_35, %concatenate3A_45 : vector<1024x96xf32>
    %slice3A_47 = vector.extract_strided_slice %get3A_1 {offsets = [0, 224], sizes = [1024, 4], strides = [1, 1]} : vector<1024x256xf32> to vector<1024x4xf32>
    %slice3A_48 = vector.extract_strided_slice %get3A_7 {offsets = [0, 0], sizes = [1024, 3], strides = [1, 1]} : vector<1024x4xf32> to vector<1024x3xf32>
    %div3A_49 = vector.broadcast %max3A_10 : vector<1024x1xf32> to vector<1024x3xf32>
    %div3A_50 = arith.divf %slice3A_48, %div3A_49 : vector<1024x3xf32>
    %broadcast_in_dim3A = arith.constant 0.000000e+00 : f32
    %broadcast_in_dim3A_51 = vector.broadcast %broadcast_in_dim3A : f32 to vector<1024x1xf32>
    %concatenate3A_52 = tpu.concatenate %div3A_50, %broadcast_in_dim3A_51 in 1 : vector<1024x3xf32>, vector<1024x1xf32> -> vector<1024x4xf32>
    %add3A_53 = arith.addf %slice3A_47, %concatenate3A_52 : vector<1024x4xf32>
    %get3A_54 = arith.constant 0 : index
    %get3A_55 = arith.constant 0 : index
    %get3A_56 = vector.load %arg7[%get3A_54, %get3A_55] : memref<128x16xf32, #tpu.memory_space<vmem>>, vector<128x16xf32>
    %dot_general3A_57 = arith.constant dense<0.000000e+00> : vector<1024x16xf32>
    %dot_general3A_58 = tpu.matmul %add3A_26, %get3A_56, %dot_general3A_57 {dimension_numbers = #tpu.dot_dimension_numbers<[1], [0], [0], [1], [0, 0, 1, 1], [], []>, transpose_lhs_hint = false} : vector<1024x128xf32>, vector<128x16xf32>, vector<1024x16xf32> -> vector<1024x16xf32>
    %get3A_59 = arith.constant 0 : index
    %get3A_60 = arith.constant 0 : index
    %get3A_61 = vector.load %arg8[%get3A_59, %get3A_60] : memref<1x16xf32, #tpu.memory_space<vmem>>, vector<1x16xf32>
    %add3A_62 = vector.broadcast %get3A_61 : vector<1x16xf32> to vector<1024x16xf32>
    %add3A_63 = arith.addf %dot_general3A_58, %add3A_62 : vector<1024x16xf32>
    %get3A_64 = arith.constant 0 : index
    %get3A_65 = arith.constant 0 : index
    %get3A_66 = vector.load %arg9[%get3A_64, %get3A_65] : memref<1x128xf32, #tpu.memory_space<vmem>>, vector<1x128xf32>
    %get3A_67 = arith.constant 0 : index
    %get3A_68 = arith.constant 0 : index
    %get3A_69 = vector.load %arg10[%get3A_67, %get3A_68] : memref<1x128xf32, #tpu.memory_space<vmem>>, vector<1x128xf32>
    %reduce_sum3A = arith.constant dense<0.000000e+00> : vector<1024xf32>
    %reduce_sum3A_70 = vector.multi_reduction <add>, %add3A_26, %reduce_sum3A [1] : vector<1024x128xf32> to vector<1024xf32>
    %broadcast_in_dim3A_71 = vector.shape_cast %reduce_sum3A_70 : vector<1024xf32> to vector<1024x1xf32>
    %div3A_72 = arith.constant 1.280000e+02 : f32
    %div3A_73 = vector.broadcast %div3A_72 : f32 to vector<1024x1xf32>
    %div3A_74 = arith.divf %broadcast_in_dim3A_71, %div3A_73 : vector<1024x1xf32>
    %sub3A = vector.broadcast %div3A_74 : vector<1024x1xf32> to vector<1024x128xf32>
    %sub3A_75 = arith.subf %add3A_26, %sub3A : vector<1024x128xf32>
    %integer_pow3A = arith.mulf %sub3A_75, %sub3A_75 : vector<1024x128xf32>
    %reduce_sum3A_76 = arith.constant dense<0.000000e+00> : vector<1024xf32>
    %reduce_sum3A_77 = vector.multi_reduction <add>, %integer_pow3A, %reduce_sum3A_76 [1] : vector<1024x128xf32> to vector<1024xf32>
    %broadcast_in_dim3A_78 = vector.shape_cast %reduce_sum3A_77 : vector<1024xf32> to vector<1024x1xf32>
    %div3A_79 = arith.constant 1.280000e+02 : f32
    %div3A_80 = vector.broadcast %div3A_79 : f32 to vector<1024x1xf32>
    %div3A_81 = arith.divf %broadcast_in_dim3A_78, %div3A_80 : vector<1024x1xf32>
    %sub3A_82 = vector.broadcast %div3A_74 : vector<1024x1xf32> to vector<1024x128xf32>
    %sub3A_83 = arith.subf %add3A_26, %sub3A_82 : vector<1024x128xf32>
    %add3A_84 = arith.constant 9.99999997E-7 : f32
    %add3A_85 = vector.broadcast %add3A_84 : f32 to vector<1024x1xf32>
    %add3A_86 = arith.addf %div3A_81, %add3A_85 : vector<1024x1xf32>
    %sqrt3A = math.sqrt %add3A_86 : vector<1024x1xf32>
    %div3A_87 = vector.broadcast %sqrt3A : vector<1024x1xf32> to vector<1024x128xf32>
    %div3A_88 = arith.divf %sub3A_83, %div3A_87 : vector<1024x128xf32>
    %mul3A_89 = vector.broadcast %get3A_66 : vector<1x128xf32> to vector<1024x128xf32>
    %mul3A_90 = arith.mulf %div3A_88, %mul3A_89 : vector<1024x128xf32>
    %add3A_91 = vector.broadcast %get3A_69 : vector<1x128xf32> to vector<1024x128xf32>
    %add3A_92 = arith.addf %mul3A_90, %add3A_91 : vector<1024x128xf32>
    %mul3A_93 = arith.mulf %add3A_46, %add3A_46 : vector<1024x96xf32>
    %slice3A_94 = vector.extract_strided_slice %mul3A_93 {offsets = [0, 0], sizes = [1024, 32], strides = [1, 1]} : vector<1024x96xf32> to vector<1024x32xf32>
    %slice3A_95 = vector.extract_strided_slice %mul3A_93 {offsets = [0, 32], sizes = [1024, 32], strides = [1, 1]} : vector<1024x96xf32> to vector<1024x32xf32>
    %add3A_96 = arith.addf %slice3A_94, %slice3A_95 : vector<1024x32xf32>
    %slice3A_97 = vector.extract_strided_slice %mul3A_93 {offsets = [0, 64], sizes = [1024, 32], strides = [1, 1]} : vector<1024x96xf32> to vector<1024x32xf32>
    %add3A_98 = arith.addf %add3A_96, %slice3A_97 : vector<1024x32xf32>
    %reduce_sum3A_99 = arith.constant dense<0.000000e+00> : vector<1024xf32>
    %reduce_sum3A_100 = vector.multi_reduction <add>, %add3A_98, %reduce_sum3A_99 [1] : vector<1024x32xf32> to vector<1024xf32>
    %broadcast_in_dim3A_101 = vector.shape_cast %reduce_sum3A_100 : vector<1024xf32> to vector<1024x1xf32>
    %div3A_102 = arith.constant 3.200000e+01 : f32
    %div3A_103 = vector.broadcast %div3A_102 : f32 to vector<1024x1xf32>
    %div3A_104 = arith.divf %broadcast_in_dim3A_101, %div3A_103 : vector<1024x1xf32>
    %add3A_105 = arith.constant 9.99999997E-7 : f32
    %add3A_106 = vector.broadcast %add3A_105 : f32 to vector<1024x1xf32>
    %add3A_107 = arith.addf %div3A_104, %add3A_106 : vector<1024x1xf32>
    %sqrt3A_108 = math.sqrt %add3A_107 : vector<1024x1xf32>
    %div3A_109 = vector.broadcast %sqrt3A_108 : vector<1024x1xf32> to vector<1024x96xf32>
    %div3A_110 = arith.divf %add3A_46, %div3A_109 : vector<1024x96xf32>
    %mul3A_111 = arith.mulf %add3A_53, %add3A_53 : vector<1024x4xf32>
    %reduce_sum3A_112 = arith.constant dense<0.000000e+00> : vector<1024xf32>
    %reduce_sum3A_113 = vector.multi_reduction <add>, %mul3A_111, %reduce_sum3A_112 [1] : vector<1024x4xf32> to vector<1024xf32>
    %broadcast_in_dim3A_114 = vector.shape_cast %reduce_sum3A_113 : vector<1024xf32> to vector<1024x1xf32>
    %sqrt3A_115 = math.sqrt %broadcast_in_dim3A_114 : vector<1024x1xf32>
    %div3A_116 = vector.broadcast %sqrt3A_115 : vector<1024x1xf32> to vector<1024x4xf32>
    %div3A_117 = arith.divf %add3A_53, %div3A_116 : vector<1024x4xf32>
    %broadcast_in_dim3A_118 = arith.constant 0.000000e+00 : f32
    %broadcast_in_dim3A_119 = vector.broadcast %broadcast_in_dim3A_118 : f32 to vector<1024x8xf32>
    %concatenate3A_120 = tpu.concatenate %add3A_92, %div3A_110, %add3A_53, %div3A_117, %add3A_63, %broadcast_in_dim3A_119 in 1 : vector<1024x128xf32>, vector<1024x96xf32>, vector<1024x4xf32>, vector<1024x4xf32>, vector<1024x16xf32>, vector<1024x8xf32> -> vector<1024x256xf32>
    %swap3A = arith.constant 0 : index
    %swap3A_121 = arith.constant 0 : index
    %swap3A_122 = vector.load %arg11[%swap3A, %swap3A_121] : memref<1024x256xf32, #tpu.memory_space<vmem>>, vector<1024x256xf32>
    tpu.vector_store %arg11[%swap3A, %swap3A_121], %concatenate3A_120 {strides = array<i32>} : memref<1024x256xf32, #tpu.memory_space<vmem>>, vector<1024x256xf32>,
    return
  }
}

module attributes {stable_mosaic.version = 14 : i64} {
  func.func @_edge_body(%arg0: i32, %arg1: memref<128x32x256xf32, #tpu.memory_space<vmem>>, %arg2: memref<128x256xf32, #tpu.memory_space<vmem>>, %arg3: memref<128x32x16xf32, #tpu.memory_space<vmem>>, %arg4: memref<128x32x1xf32, #tpu.memory_space<vmem>>, %arg5: memref<274x193xf32, #tpu.memory_space<vmem>>, %arg6: memref<1x193xf32, #tpu.memory_space<vmem>>, %arg7: memref<16x16xf32, #tpu.memory_space<vmem>>, %arg8: memref<1x16xf32, #tpu.memory_space<vmem>>, %arg9: memref<128x128xf32, #tpu.memory_space<vmem>>, %arg10: memref<128x96xf32, #tpu.memory_space<vmem>>, %arg11: memref<128x4xf32, #tpu.memory_space<vmem>>, %arg12: memref<128x32x16xf32, #tpu.memory_space<vmem>>) attributes {dimension_semantics = [#tpu.dimension_semantics<arbitrary>], iteration_bounds = array<i64: 8>, scalar_prefetch = 0 : i64, scratch_operands = 0 : i64, tpu.core_type = #tpu.core_type<tc>, window_params = [{transform_indices = @transform_0, window_bounds = array<i64: 128, 32, 256>}, {transform_indices = @transform_1, window_bounds = array<i64: 128, 256>}, {transform_indices = @transform_2, window_bounds = array<i64: 128, 32, 16>}, {transform_indices = @transform_3, window_bounds = array<i64: 128, 32, 1>}, {pipeline_mode = #tpu.pipeline_mode<synchronous>, transform_indices = @transform_4, window_bounds = array<i64: 274, 193>}, {pipeline_mode = #tpu.pipeline_mode<synchronous>, transform_indices = @transform_5, window_bounds = array<i64: 1, 193>}, {pipeline_mode = #tpu.pipeline_mode<synchronous>, transform_indices = @transform_6, window_bounds = array<i64: 16, 16>}, {pipeline_mode = #tpu.pipeline_mode<synchronous>, transform_indices = @transform_7, window_bounds = array<i64: 1, 16>}, {transform_indices = @transform_8, window_bounds = array<i64: 128, 128>}, {transform_indices = @transform_9, window_bounds = array<i64: 128, 96>}, {transform_indices = @transform_10, window_bounds = array<i64: 128, 4>}, {transform_indices = @transform_11, window_bounds = array<i64: 128, 32, 16>}]} {
    %get3A = arith.constant 0 : index
    %get3A_0 = arith.constant 0 : index
    %get3A_1 = arith.constant 0 : index
    %get3A_2 = vector.load %arg1[%get3A, %get3A_0, %get3A_1] : memref<128x32x256xf32, #tpu.memory_space<vmem>>, vector<128x32x256xf32>
    %reshape3A = vector.shape_cast %get3A_2 : vector<128x32x256xf32> to vector<4096x256xf32>
    %get3A_3 = arith.constant 0 : index
    %get3A_4 = arith.constant 0 : index
    %get3A_5 = vector.load %arg2[%get3A_3, %get3A_4] : memref<128x256xf32, #tpu.memory_space<vmem>>, vector<128x256xf32>
    %broadcast_in_dim3A = vector.shape_cast %get3A_5 : vector<128x256xf32> to vector<128x1x256xf32>
    %broadcast_in_dim3A_6 = vector.shape_cast %broadcast_in_dim3A : vector<128x1x256xf32> to vector<128x1x256xf32>
    %broadcast_in_dim3A_7 = vector.broadcast %broadcast_in_dim3A_6 : vector<128x1x256xf32> to vector<128x32x256xf32>
    %reshape3A_8 = vector.shape_cast %broadcast_in_dim3A_7 : vector<128x32x256xf32> to vector<4096x256xf32>
    %slice3A = vector.extract_strided_slice %reshape3A {offsets = [0, 0], sizes = [4096, 128], strides = [1, 1]} : vector<4096x256xf32> to vector<4096x128xf32>
    %slice3A_9 = vector.extract_strided_slice %reshape3A_8 {offsets = [0, 0], sizes = [4096, 128], strides = [1, 1]} : vector<4096x256xf32> to vector<4096x128xf32>
    %slice3A_10 = vector.extract_strided_slice %reshape3A {offsets = [0, 224], sizes = [4096, 4], strides = [1, 1]} : vector<4096x256xf32> to vector<4096x4xf32>
    %slice3A_11 = vector.extract_strided_slice %reshape3A_8 {offsets = [0, 224], sizes = [4096, 4], strides = [1, 1]} : vector<4096x256xf32> to vector<4096x4xf32>
    %slice3A_12 = vector.extract_strided_slice %reshape3A {offsets = [0, 228], sizes = [4096, 4], strides = [1, 1]} : vector<4096x256xf32> to vector<4096x4xf32>
    %slice3A_13 = vector.extract_strided_slice %reshape3A_8 {offsets = [0, 228], sizes = [4096, 4], strides = [1, 1]} : vector<4096x256xf32> to vector<4096x4xf32>
    %get3A_14 = arith.constant 0 : index
    %get3A_15 = arith.constant 0 : index
    %get3A_16 = arith.constant 0 : index
    %get3A_17 = vector.load %arg4[%get3A_14, %get3A_15, %get3A_16] : memref<128x32x1xf32, #tpu.memory_space<vmem>>, vector<128x32x1xf32>
    %reshape3A_18 = vector.shape_cast %get3A_17 : vector<128x32x1xf32> to vector<4096x1xf32>
    %slice3A_19 = vector.extract_strided_slice %reshape3A {offsets = [0, 232], sizes = [4096, 16], strides = [1, 1]} : vector<4096x256xf32> to vector<4096x16xf32>
    %slice3A_20 = vector.extract_strided_slice %reshape3A_8 {offsets = [0, 232], sizes = [4096, 16], strides = [1, 1]} : vector<4096x256xf32> to vector<4096x16xf32>
    %add3A = arith.addf %slice3A_19, %slice3A_20 : vector<4096x16xf32>
    %get3A_21 = arith.constant 0 : index
    %get3A_22 = arith.constant 0 : index
    %get3A_23 = arith.constant 0 : index
    %get3A_24 = vector.load %arg3[%get3A_21, %get3A_22, %get3A_23] : memref<128x32x16xf32, #tpu.memory_space<vmem>>, vector<128x32x16xf32>
    %reshape3A_25 = vector.shape_cast %get3A_24 : vector<128x32x16xf32> to vector<4096x16xf32>
    %neg3A = arith.constant 0.000000e+00 : f32
    %neg3A_26 = vector.broadcast %neg3A : f32 to vector<4096x16xf32>
    %neg3A_27 = arith.subf %neg3A_26, %add3A : vector<4096x16xf32>
    %exp3A = math.exp %neg3A_27 : vector<4096x16xf32>
    %add3A_28 = arith.constant 1.000000e+00 : f32
    %add3A_29 = vector.broadcast %add3A_28 : f32 to vector<4096x16xf32>
    %add3A_30 = arith.addf %add3A_29, %exp3A : vector<4096x16xf32>
    %div3A = arith.constant 1.000000e+00 : f32
    %div3A_31 = vector.broadcast %div3A : f32 to vector<4096x16xf32>
    %div3A_32 = arith.divf %div3A_31, %add3A_30 : vector<4096x16xf32>
    %mul3A = arith.mulf %add3A, %div3A_32 : vector<4096x16xf32>
    %add3A_33 = arith.addf %reshape3A_25, %mul3A : vector<4096x16xf32>
    %get3A_34 = arith.constant 0 : index
    %get3A_35 = arith.constant 0 : index
    %get3A_36 = vector.load %arg7[%get3A_34, %get3A_35] : memref<16x16xf32, #tpu.memory_space<vmem>>, vector<16x16xf32>
    %dot_general3A = arith.constant dense<0.000000e+00> : vector<4096x16xf32>
    %dot_general3A_37 = tpu.matmul %add3A_33, %get3A_36, %dot_general3A {dimension_numbers = #tpu.dot_dimension_numbers<[1], [0], [0], [1], [0, 0, 1, 1], [], []>, transpose_lhs_hint = false} : vector<4096x16xf32>, vector<16x16xf32>, vector<4096x16xf32> -> vector<4096x16xf32>
    %get3A_38 = arith.constant 0 : index
    %get3A_39 = arith.constant 0 : index
    %get3A_40 = vector.load %arg8[%get3A_38, %get3A_39] : memref<1x16xf32, #tpu.memory_space<vmem>>, vector<1x16xf32>
    %add3A_41 = vector.broadcast %get3A_40 : vector<1x16xf32> to vector<4096x16xf32>
    %add3A_42 = arith.addf %dot_general3A_37, %add3A_41 : vector<4096x16xf32>
    %reshape3A_43 = vector.shape_cast %add3A_42 : vector<4096x16xf32> to vector<128x32x16xf32>
    %swap3A = arith.constant 0 : index
    %swap3A_44 = arith.constant 0 : index
    %swap3A_45 = arith.constant 0 : index
    %swap3A_46 = vector.load %arg12[%swap3A, %swap3A_44, %swap3A_45] : memref<128x32x16xf32, #tpu.memory_space<vmem>>, vector<128x32x16xf32>
    tpu.vector_store %arg12[%swap3A, %swap3A_44, %swap3A_45], %reshape3A_43 {strides = array<i32>} : memref<128x32x16xf32, #tpu.memory_space<vmem>>, vector<128x32x16xf32>,
    %sub3A = arith.subf %slice3A_11, %slice3A_10 : vector<4096x4xf32>
    %mul3A_47 = arith.mulf %sub3A, %sub3A : vector<4096x4xf32>
    %reduce_sum3A = arith.constant dense<0.000000e+00> : vector<4096xf32>
    %reduce_sum3A_48 = vector.multi_reduction <add>, %mul3A_47, %reduce_sum3A [1] : vector<4096x4xf32> to vector<4096xf32>
    %broadcast_in_dim3A_49 = vector.shape_cast %reduce_sum3A_48 : vector<4096xf32> to vector<4096x1xf32>
    %max3A = arith.constant 9.99999997E-7 : f32
    %max3A_50 = vector.broadcast %max3A : f32 to vector<4096x1xf32>
    %max3A_51 = arith.maximumf %broadcast_in_dim3A_49, %max3A_50 : vector<4096x1xf32>
    %sqrt3A = math.sqrt %max3A_51 : vector<4096x1xf32>
    %add3A_52 = arith.constant 1.000000e+00 : f32
    %add3A_53 = vector.broadcast %add3A_52 : f32 to vector<4096x1xf32>
    %add3A_54 = arith.addf %add3A_53, %sqrt3A : vector<4096x1xf32>
    %div3A_55 = vector.broadcast %add3A_54 : vector<4096x1xf32> to vector<4096x4xf32>
    %div3A_56 = arith.divf %sub3A, %div3A_55 : vector<4096x4xf32>
    %mul3A_57 = arith.mulf %slice3A_12, %slice3A_13 : vector<4096x4xf32>
    %reduce_sum3A_58 = arith.constant dense<0.000000e+00> : vector<4096xf32>
    %reduce_sum3A_59 = vector.multi_reduction <add>, %mul3A_57, %reduce_sum3A_58 [1] : vector<4096x4xf32> to vector<4096xf32>
    %broadcast_in_dim3A_60 = vector.shape_cast %reduce_sum3A_59 : vector<4096xf32> to vector<4096x1xf32>
    %concatenate3A = tpu.concatenate %slice3A, %slice3A_9, %add3A_42, %sqrt3A, %broadcast_in_dim3A_60 in 1 : vector<4096x128xf32>, vector<4096x128xf32>, vector<4096x16xf32>, vector<4096x1xf32>, vector<4096x1xf32> -> vector<4096x274xf32>
    %get3A_61 = arith.constant 0 : index
    %get3A_62 = arith.constant 0 : index
    %get3A_63 = vector.load %arg5[%get3A_61, %get3A_62] : memref<274x193xf32, #tpu.memory_space<vmem>>, vector<274x193xf32>
    %dot_general3A_64 = arith.constant dense<0.000000e+00> : vector<4096x193xf32>
    %dot_general3A_65 = tpu.matmul %concatenate3A, %get3A_63, %dot_general3A_64 {dimension_numbers = #tpu.dot_dimension_numbers<[1], [0], [0], [1], [0, 0, 1, 1], [], []>, transpose_lhs_hint = false} : vector<4096x274xf32>, vector<274x193xf32>, vector<4096x193xf32> -> vector<4096x193xf32>
    %get3A_66 = arith.constant 0 : index
    %get3A_67 = arith.constant 0 : index
    %get3A_68 = vector.load %arg6[%get3A_66, %get3A_67] : memref<1x193xf32, #tpu.memory_space<vmem>>, vector<1x193xf32>
    %add3A_69 = vector.broadcast %get3A_68 : vector<1x193xf32> to vector<4096x193xf32>
    %add3A_70 = arith.addf %dot_general3A_65, %add3A_69 : vector<4096x193xf32>
    %neg3A_71 = arith.constant 0.000000e+00 : f32
    %neg3A_72 = vector.broadcast %neg3A_71 : f32 to vector<4096x193xf32>
    %neg3A_73 = arith.subf %neg3A_72, %add3A_70 : vector<4096x193xf32>
    %exp3A_74 = math.exp %neg3A_73 : vector<4096x193xf32>
    %add3A_75 = arith.constant 1.000000e+00 : f32
    %add3A_76 = vector.broadcast %add3A_75 : f32 to vector<4096x193xf32>
    %add3A_77 = arith.addf %add3A_76, %exp3A_74 : vector<4096x193xf32>
    %div3A_78 = arith.constant 1.000000e+00 : f32
    %div3A_79 = vector.broadcast %div3A_78 : f32 to vector<4096x193xf32>
    %div3A_80 = arith.divf %div3A_79, %add3A_77 : vector<4096x193xf32>
    %mul3A_81 = arith.mulf %add3A_70, %div3A_80 : vector<4096x193xf32>
    %slice3A_82 = vector.extract_strided_slice %mul3A_81 {offsets = [0, 0], sizes = [4096, 128], strides = [1, 1]} : vector<4096x193xf32> to vector<4096x128xf32>
    %slice3A_83 = vector.extract_strided_slice %mul3A_81 {offsets = [0, 128], sizes = [4096, 32], strides = [1, 1]} : vector<4096x193xf32> to vector<4096x32xf32>
    %slice3A_84 = vector.extract_strided_slice %mul3A_81 {offsets = [0, 192], sizes = [4096, 1], strides = [1, 1]} : vector<4096x193xf32> to vector<4096x1xf32>
    %mul3A_85 = arith.mulf %slice3A_82, %slice3A : vector<4096x128xf32>
    %mul3A_86 = vector.broadcast %reshape3A_18 : vector<4096x1xf32> to vector<4096x128xf32>
    %mul3A_87 = arith.mulf %mul3A_85, %mul3A_86 : vector<4096x128xf32>
    %reshape3A_88 = vector.shape_cast %mul3A_87 : vector<4096x128xf32> to vector<128x32x128xf32>
    %reduce_sum3A_89 = arith.constant dense<0.000000e+00> : vector<128x128xf32>
    %reduce_sum3A_90 = vector.multi_reduction <add>, %reshape3A_88, %reduce_sum3A_89 [1] : vector<128x32x128xf32> to vector<128x128xf32>
    %swap3A_91 = arith.constant 0 : index
    %swap3A_92 = arith.constant 0 : index
    %swap3A_93 = vector.load %arg9[%swap3A_91, %swap3A_92] : memref<128x128xf32, #tpu.memory_space<vmem>>, vector<128x128xf32>
    tpu.vector_store %arg9[%swap3A_91, %swap3A_92], %reduce_sum3A_90 {strides = array<i32>} : memref<128x128xf32, #tpu.memory_space<vmem>>, vector<128x128xf32>,
    %slice3A_94 = vector.extract_strided_slice %div3A_56 {offsets = [0, 0], sizes = [4096, 1], strides = [1, 1]} : vector<4096x4xf32> to vector<4096x1xf32>
    %mul3A_95 = vector.broadcast %slice3A_94 : vector<4096x1xf32> to vector<4096x32xf32>
    %mul3A_96 = arith.mulf %mul3A_95, %slice3A_83 : vector<4096x32xf32>
    %slice3A_97 = vector.extract_strided_slice %div3A_56 {offsets = [0, 1], sizes = [4096, 1], strides = [1, 1]} : vector<4096x4xf32> to vector<4096x1xf32>
    %mul3A_98 = vector.broadcast %slice3A_97 : vector<4096x1xf32> to vector<4096x32xf32>
    %mul3A_99 = arith.mulf %mul3A_98, %slice3A_83 : vector<4096x32xf32>
    %slice3A_100 = vector.extract_strided_slice %div3A_56 {offsets = [0, 2], sizes = [4096, 1], strides = [1, 1]} : vector<4096x4xf32> to vector<4096x1xf32>
    %mul3A_101 = vector.broadcast %slice3A_100 : vector<4096x1xf32> to vector<4096x32xf32>
    %mul3A_102 = arith.mulf %mul3A_101, %slice3A_83 : vector<4096x32xf32>
    %concatenate3A_103 = tpu.concatenate %mul3A_96, %mul3A_99, %mul3A_102 in 1 : vector<4096x32xf32>, vector<4096x32xf32>, vector<4096x32xf32> -> vector<4096x96xf32>
    %slice3A_104 = vector.extract_strided_slice %mul3A_81 {offsets = [0, 160], sizes = [4096, 32], strides = [1, 1]} : vector<4096x193xf32> to vector<4096x32xf32>
    %slice3A_105 = vector.extract_strided_slice %reshape3A {offsets = [0, 128], sizes = [4096, 96], strides = [1, 1]} : vector<4096x256xf32> to vector<4096x96xf32>
    %concatenate3A_106 = tpu.concatenate %slice3A_104, %slice3A_104, %slice3A_104 in 1 : vector<4096x32xf32>, vector<4096x32xf32>, vector<4096x32xf32> -> vector<4096x96xf32>
    %mul3A_107 = arith.mulf %slice3A_105, %concatenate3A_106 : vector<4096x96xf32>
    %add3A_108 = arith.addf %concatenate3A_103, %mul3A_107 : vector<4096x96xf32>
    %mul3A_109 = vector.broadcast %reshape3A_18 : vector<4096x1xf32> to vector<4096x96xf32>
    %mul3A_110 = arith.mulf %add3A_108, %mul3A_109 : vector<4096x96xf32>
    %reshape3A_111 = vector.shape_cast %mul3A_110 : vector<4096x96xf32> to vector<128x32x96xf32>
    %reduce_sum3A_112 = arith.constant dense<0.000000e+00> : vector<128x96xf32>
    %reduce_sum3A_113 = vector.multi_reduction <add>, %reshape3A_111, %reduce_sum3A_112 [1] : vector<128x32x96xf32> to vector<128x96xf32>
    %swap3A_114 = arith.constant 0 : index
    %swap3A_115 = arith.constant 0 : index
    %swap3A_116 = vector.load %arg10[%swap3A_114, %swap3A_115] : memref<128x96xf32, #tpu.memory_space<vmem>>, vector<128x96xf32>
    tpu.vector_store %arg10[%swap3A_114, %swap3A_115], %reduce_sum3A_113 {strides = array<i32>} : memref<128x96xf32, #tpu.memory_space<vmem>>, vector<128x96xf32>,
    %mul3A_117 = vector.broadcast %slice3A_84 : vector<4096x1xf32> to vector<4096x4xf32>
    %mul3A_118 = arith.mulf %mul3A_117, %div3A_56 : vector<4096x4xf32>
    %mul3A_119 = vector.broadcast %reshape3A_18 : vector<4096x1xf32> to vector<4096x4xf32>
    %mul3A_120 = arith.mulf %mul3A_118, %mul3A_119 : vector<4096x4xf32>
    %reshape3A_121 = vector.shape_cast %mul3A_120 : vector<4096x4xf32> to vector<128x32x4xf32>
    %reduce_sum3A_122 = arith.constant dense<0.000000e+00> : vector<128x4xf32>
    %reduce_sum3A_123 = vector.multi_reduction <add>, %reshape3A_121, %reduce_sum3A_122 [1] : vector<128x32x4xf32> to vector<128x4xf32>
    %reshape3A_124 = vector.shape_cast %reshape3A_18 : vector<4096x1xf32> to vector<128x32x1xf32>
    %reduce_sum3A_125 = arith.constant dense<0.000000e+00> : vector<128x1xf32>
    %reduce_sum3A_126 = vector.multi_reduction <add>, %reshape3A_124, %reduce_sum3A_125 [1] : vector<128x32x1xf32> to vector<128x1xf32>
    %slice3A_127 = vector.extract_strided_slice %reduce_sum3A_123 {offsets = [0, 0], sizes = [128, 3], strides = [1, 1]} : vector<128x4xf32> to vector<128x3xf32>
    %concatenate3A_128 = tpu.concatenate %slice3A_127, %reduce_sum3A_126 in 1 : vector<128x3xf32>, vector<128x1xf32> -> vector<128x4xf32>
    %swap3A_129 = arith.constant 0 : index
    %swap3A_130 = arith.constant 0 : index
    %swap3A_131 = vector.load %arg11[%swap3A_129, %swap3A_130] : memref<128x4xf32, #tpu.memory_space<vmem>>, vector<128x4xf32>
    tpu.vector_store %arg11[%swap3A_129, %swap3A_130], %concatenate3A_128 {strides = array<i32>} : memref<128x4xf32, #tpu.memory_space<vmem>>, vector<128x4xf32>,
    return
  }
  func.func @transform_0(%arg0: i32) -> (i32, i32, i32) {
    %c0_i32 = arith.constant 0 : i32
    %c0_i32_0 = arith.constant 0 : i32
    %c0_i32_1 = arith.constant 0 : i32
    return %arg0, %c0_i32, %c0_i32_0 : i32, i32, i32
  }
  func.func @transform_1(%arg0: i32) -> (i32, i32) {
    %c0_i32 = arith.constant 0 : i32
    %c0_i32_0 = arith.constant 0 : i32
    return %arg0, %c0_i32 : i32, i32
  }
  func.func @transform_2(%arg0: i32) -> (i32, i32, i32) {
    %c0_i32 = arith.constant 0 : i32
    %c0_i32_0 = arith.constant 0 : i32
    %c0_i32_1 = arith.constant 0 : i32
    return %arg0, %c0_i32, %c0_i32_0 : i32, i32, i32
  }
  func.func @transform_3(%arg0: i32) -> (i32, i32, i32) {
    %c0_i32 = arith.constant 0 : i32
    %c0_i32_0 = arith.constant 0 : i32
    %c0_i32_1 = arith.constant 0 : i32
    return %arg0, %c0_i32, %c0_i32_0 : i32, i32, i32
  }
  func.func @transform_4(%arg0: i32) -> (i32, i32) {
    %c0_i32 = arith.constant 0 : i32
    %c0_i32_0 = arith.constant 0 : i32
    %c0_i32_1 = arith.constant 0 : i32
    return %c0_i32, %c0_i32_0 : i32, i32
  }
  func.func @transform_5(%arg0: i32) -> (i32, i32) {
    %c0_i32 = arith.constant 0 : i32
    %c0_i32_0 = arith.constant 0 : i32
    %c0_i32_1 = arith.constant 0 : i32
    return %c0_i32, %c0_i32_0 : i32, i32
  }
  func.func @transform_6(%arg0: i32) -> (i32, i32) {
    %c0_i32 = arith.constant 0 : i32
    %c0_i32_0 = arith.constant 0 : i32
    %c0_i32_1 = arith.constant 0 : i32
    return %c0_i32, %c0_i32_0 : i32, i32
  }
  func.func @transform_7(%arg0: i32) -> (i32, i32) {
    %c0_i32 = arith.constant 0 : i32
    %c0_i32_0 = arith.constant 0 : i32
    %c0_i32_1 = arith.constant 0 : i32
    return %c0_i32, %c0_i32_0 : i32, i32
  }
  func.func @transform_8(%arg0: i32) -> (i32, i32) {
    %c0_i32 = arith.constant 0 : i32
    %c0_i32_0 = arith.constant 0 : i32
    return %arg0, %c0_i32 : i32, i32
  }
  func.func @transform_9(%arg0: i32) -> (i32, i32) {
    %c0_i32 = arith.constant 0 : i32
    %c0_i32_0 = arith.constant 0 : i32
    return %arg0, %c0_i32 : i32, i32
  }
  func.func @transform_10(%arg0: i32) -> (i32, i32) {
    %c0_i32 = arith.constant 0 : i32
    %c0_i32_0 = arith.constant 0 : i32
    return %arg0, %c0_i32 : i32, i32
  }
  func.func @transform_11(%arg0: i32) -> (i32, i32, i32) {
    %c0_i32 = arith.constant 0 : i32
    %c0_i32_0 = arith.constant 0 : i32
    %c0_i32_1 = arith.constant 0 : i32
    return %arg0, %c0_i32, %c0_i32_0 : i32, i32, i32
  }
}

module attributes {stable_mosaic.version = 14 : i64} {
  func.func @_node_upd_body(%arg0: memref<1024x256xf32, #tpu.memory_space<vmem>>, %arg1: memref<1024x128xf32, #tpu.memory_space<vmem>>, %arg2: memref<1024x96xf32, #tpu.memory_space<vmem>>, %arg3: memref<1024x4xf32, #tpu.memory_space<vmem>>, %arg4: memref<256x128xf32, #tpu.memory_space<vmem>>, %arg5: memref<1x128xf32, #tpu.memory_space<vmem>>, %arg6: memref<32x32xf32, #tpu.memory_space<vmem>>, %arg7: memref<128x16xf32, #tpu.memory_space<vmem>>, %arg8: memref<1x16xf32, #tpu.memory_space<vmem>>, %arg9: memref<1x128xf32, #tpu.memory_space<vmem>>, %arg10: memref<1x128xf32, #tpu.memory_space<vmem>>, %arg11: memref<1024x128xf32, #tpu.memory_space<vmem>>, %arg12: memref<1024x96xf32, #tpu.memory_space<vmem>>, %arg13: memref<1024x4xf32, #tpu.memory_space<vmem>>, %arg14: memref<1024x16xf32, #tpu.memory_space<vmem>>) attributes {dimension_semantics = [], scalar_prefetch = 0 : i64, scratch_operands = 0 : i64, tpu.core_type = #tpu.core_type<tc>} {
    %get3A = arith.constant 0 : index
    %get3A_0 = arith.constant 0 : index
    %get3A_1 = vector.load %arg0[%get3A, %get3A_0] : memref<1024x256xf32, #tpu.memory_space<vmem>>, vector<1024x256xf32>
    %slice3A = vector.extract_strided_slice %get3A_1 {offsets = [0, 0], sizes = [1024, 128], strides = [1, 1]} : vector<1024x256xf32> to vector<1024x128xf32>
    %get3A_2 = arith.constant 0 : index
    %get3A_3 = arith.constant 0 : index
    %get3A_4 = vector.load %arg1[%get3A_2, %get3A_3] : memref<1024x128xf32, #tpu.memory_space<vmem>>, vector<1024x128xf32>
    %get3A_5 = arith.constant 0 : index
    %get3A_6 = arith.constant 0 : index
    %get3A_7 = vector.load %arg3[%get3A_5, %get3A_6] : memref<1024x4xf32, #tpu.memory_space<vmem>>, vector<1024x4xf32>
    %slice3A_8 = vector.extract_strided_slice %get3A_7 {offsets = [0, 3], sizes = [1024, 1], strides = [1, 1]} : vector<1024x4xf32> to vector<1024x1xf32>
    %max3A = arith.constant 1.000000e+00 : f32
    %max3A_9 = vector.broadcast %max3A : f32 to vector<1024x1xf32>
    %max3A_10 = arith.maximumf %slice3A_8, %max3A_9 : vector<1024x1xf32>
    %add3A = arith.addf %slice3A, %get3A_4 : vector<1024x128xf32>
    %get3A_11 = arith.constant 0 : index
    %get3A_12 = arith.constant 0 : index
    %get3A_13 = vector.load %arg2[%get3A_11, %get3A_12] : memref<1024x96xf32, #tpu.memory_space<vmem>>, vector<1024x96xf32>
    %div3A = vector.broadcast %max3A_10 : vector<1024x1xf32> to vector<1024x96xf32>
    %div3A_14 = arith.divf %get3A_13, %div3A : vector<1024x96xf32>
    %get3A_15 = arith.constant 0 : index
    %get3A_16 = arith.constant 0 : index
    %get3A_17 = vector.load %arg6[%get3A_15, %get3A_16] : memref<32x32xf32, #tpu.memory_space<vmem>>, vector<32x32xf32>
    %slice3A_18 = vector.extract_strided_slice %get3A_1 {offsets = [0, 128], sizes = [1024, 96], strides = [1, 1]} : vector<1024x256xf32> to vector<1024x96xf32>
    %slice3A_19 = vector.extract_strided_slice %div3A_14 {offsets = [0, 0], sizes = [1024, 32], strides = [1, 1]} : vector<1024x96xf32> to vector<1024x32xf32>
    %dot_general3A = arith.constant dense<0.000000e+00> : vector<1024x32xf32>
    %dot_general3A_20 = tpu.matmul %slice3A_19, %get3A_17, %dot_general3A {dimension_numbers = #tpu.dot_dimension_numbers<[1], [0], [0], [1], [0, 0, 1, 1], [], []>, transpose_lhs_hint = false} : vector<1024x32xf32>, vector<32x32xf32>, vector<1024x32xf32> -> vector<1024x32xf32>
    %slice3A_21 = vector.extract_strided_slice %div3A_14 {offsets = [0, 32], sizes = [1024, 32], strides = [1, 1]} : vector<1024x96xf32> to vector<1024x32xf32>
    %dot_general3A_22 = arith.constant dense<0.000000e+00> : vector<1024x32xf32>
    %dot_general3A_23 = tpu.matmul %slice3A_21, %get3A_17, %dot_general3A_22 {dimension_numbers = #tpu.dot_dimension_numbers<[1], [0], [0], [1], [0, 0, 1, 1], [], []>, transpose_lhs_hint = false} : vector<1024x32xf32>, vector<32x32xf32>, vector<1024x32xf32> -> vector<1024x32xf32>
    %slice3A_24 = vector.extract_strided_slice %div3A_14 {offsets = [0, 64], sizes = [1024, 32], strides = [1, 1]} : vector<1024x96xf32> to vector<1024x32xf32>
    %dot_general3A_25 = arith.constant dense<0.000000e+00> : vector<1024x32xf32>
    %dot_general3A_26 = tpu.matmul %slice3A_24, %get3A_17, %dot_general3A_25 {dimension_numbers = #tpu.dot_dimension_numbers<[1], [0], [0], [1], [0, 0, 1, 1], [], []>, transpose_lhs_hint = false} : vector<1024x32xf32>, vector<32x32xf32>, vector<1024x32xf32> -> vector<1024x32xf32>
    %concatenate3A = tpu.concatenate %dot_general3A_20, %dot_general3A_23, %dot_general3A_26 in 1 : vector<1024x32xf32>, vector<1024x32xf32>, vector<1024x32xf32> -> vector<1024x96xf32>
    %add3A_27 = arith.addf %slice3A_18, %concatenate3A : vector<1024x96xf32>
    %slice3A_28 = vector.extract_strided_slice %get3A_1 {offsets = [0, 224], sizes = [1024, 4], strides = [1, 1]} : vector<1024x256xf32> to vector<1024x4xf32>
    %slice3A_29 = vector.extract_strided_slice %get3A_7 {offsets = [0, 0], sizes = [1024, 3], strides = [1, 1]} : vector<1024x4xf32> to vector<1024x3xf32>
    %div3A_30 = vector.broadcast %max3A_10 : vector<1024x1xf32> to vector<1024x3xf32>
    %div3A_31 = arith.divf %slice3A_29, %div3A_30 : vector<1024x3xf32>
    %broadcast_in_dim3A = arith.constant 0.000000e+00 : f32
    %broadcast_in_dim3A_32 = vector.broadcast %broadcast_in_dim3A : f32 to vector<1024x1xf32>
    %concatenate3A_33 = tpu.concatenate %div3A_31, %broadcast_in_dim3A_32 in 1 : vector<1024x3xf32>, vector<1024x1xf32> -> vector<1024x4xf32>
    %add3A_34 = arith.addf %slice3A_28, %concatenate3A_33 : vector<1024x4xf32>
    %get3A_35 = arith.constant 0 : index
    %get3A_36 = arith.constant 0 : index
    %get3A_37 = vector.load %arg7[%get3A_35, %get3A_36] : memref<128x16xf32, #tpu.memory_space<vmem>>, vector<128x16xf32>
    %dot_general3A_38 = arith.constant dense<0.000000e+00> : vector<1024x16xf32>
    %dot_general3A_39 = tpu.matmul %add3A, %get3A_37, %dot_general3A_38 {dimension_numbers = #tpu.dot_dimension_numbers<[1], [0], [0], [1], [0, 0, 1, 1], [], []>, transpose_lhs_hint = false} : vector<1024x128xf32>, vector<128x16xf32>, vector<1024x16xf32> -> vector<1024x16xf32>
    %get3A_40 = arith.constant 0 : index
    %get3A_41 = arith.constant 0 : index
    %get3A_42 = vector.load %arg8[%get3A_40, %get3A_41] : memref<1x16xf32, #tpu.memory_space<vmem>>, vector<1x16xf32>
    %add3A_43 = vector.broadcast %get3A_42 : vector<1x16xf32> to vector<1024x16xf32>
    %add3A_44 = arith.addf %dot_general3A_39, %add3A_43 : vector<1024x16xf32>
    %swap3A = arith.constant 0 : index
    %swap3A_45 = arith.constant 0 : index
    %swap3A_46 = vector.load %arg11[%swap3A, %swap3A_45] : memref<1024x128xf32, #tpu.memory_space<vmem>>, vector<1024x128xf32>
    tpu.vector_store %arg11[%swap3A, %swap3A_45], %add3A {strides = array<i32>} : memref<1024x128xf32, #tpu.memory_space<vmem>>, vector<1024x128xf32>,
    %swap3A_47 = arith.constant 0 : index
    %swap3A_48 = arith.constant 0 : index
    %swap3A_49 = vector.load %arg12[%swap3A_47, %swap3A_48] : memref<1024x96xf32, #tpu.memory_space<vmem>>, vector<1024x96xf32>
    tpu.vector_store %arg12[%swap3A_47, %swap3A_48], %add3A_27 {strides = array<i32>} : memref<1024x96xf32, #tpu.memory_space<vmem>>, vector<1024x96xf32>,
    %swap3A_50 = arith.constant 0 : index
    %swap3A_51 = arith.constant 0 : index
    %swap3A_52 = vector.load %arg13[%swap3A_50, %swap3A_51] : memref<1024x4xf32, #tpu.memory_space<vmem>>, vector<1024x4xf32>
    tpu.vector_store %arg13[%swap3A_50, %swap3A_51], %add3A_34 {strides = array<i32>} : memref<1024x4xf32, #tpu.memory_space<vmem>>, vector<1024x4xf32>,
    %swap3A_53 = arith.constant 0 : index
    %swap3A_54 = arith.constant 0 : index
    %swap3A_55 = vector.load %arg14[%swap3A_53, %swap3A_54] : memref<1024x16xf32, #tpu.memory_space<vmem>>, vector<1024x16xf32>
    tpu.vector_store %arg14[%swap3A_53, %swap3A_54], %add3A_44 {strides = array<i32>} : memref<1024x16xf32, #tpu.memory_space<vmem>>, vector<1024x16xf32>,
    return
  }
}

module attributes {stable_mosaic.version = 14 : i64} {
  func.func @_edge_post_body(%arg0: i32, %arg1: memref<128x32x16xf32, #tpu.memory_space<vmem>>, %arg2: memref<128x32x16xf32, #tpu.memory_space<vmem>>, %arg3: memref<128x16xf32, #tpu.memory_space<vmem>>, %arg4: memref<16x16xf32, #tpu.memory_space<vmem>>, %arg5: memref<1x16xf32, #tpu.memory_space<vmem>>, %arg6: memref<128x32x16xf32, #tpu.memory_space<vmem>>) attributes {dimension_semantics = [#tpu.dimension_semantics<arbitrary>], iteration_bounds = array<i64: 8>, scalar_prefetch = 0 : i64, scratch_operands = 0 : i64, tpu.core_type = #tpu.core_type<tc>, window_params = [{transform_indices = @transform_0, window_bounds = array<i64: 128, 32, 16>}, {transform_indices = @transform_1, window_bounds = array<i64: 128, 32, 16>}, {transform_indices = @transform_2, window_bounds = array<i64: 128, 16>}, {pipeline_mode = #tpu.pipeline_mode<synchronous>, transform_indices = @transform_3, window_bounds = array<i64: 16, 16>}, {pipeline_mode = #tpu.pipeline_mode<synchronous>, transform_indices = @transform_4, window_bounds = array<i64: 1, 16>}, {transform_indices = @transform_5, window_bounds = array<i64: 128, 32, 16>}]} {
    %get3A = arith.constant 0 : index
    %get3A_0 = arith.constant 0 : index
    %get3A_1 = arith.constant 0 : index
    %get3A_2 = vector.load %arg1[%get3A, %get3A_0, %get3A_1] : memref<128x32x16xf32, #tpu.memory_space<vmem>>, vector<128x32x16xf32>
    %reshape3A = vector.shape_cast %get3A_2 : vector<128x32x16xf32> to vector<4096x16xf32>
    %get3A_3 = arith.constant 0 : index
    %get3A_4 = arith.constant 0 : index
    %get3A_5 = arith.constant 0 : index
    %get3A_6 = vector.load %arg2[%get3A_3, %get3A_4, %get3A_5] : memref<128x32x16xf32, #tpu.memory_space<vmem>>, vector<128x32x16xf32>
    %reshape3A_7 = vector.shape_cast %get3A_6 : vector<128x32x16xf32> to vector<4096x16xf32>
    %get3A_8 = arith.constant 0 : index
    %get3A_9 = arith.constant 0 : index
    %get3A_10 = vector.load %arg3[%get3A_8, %get3A_9] : memref<128x16xf32, #tpu.memory_space<vmem>>, vector<128x16xf32>
    %broadcast_in_dim3A = vector.shape_cast %get3A_10 : vector<128x16xf32> to vector<128x1x16xf32>
    %broadcast_in_dim3A_11 = vector.shape_cast %broadcast_in_dim3A : vector<128x1x16xf32> to vector<128x1x16xf32>
    %broadcast_in_dim3A_12 = vector.broadcast %broadcast_in_dim3A_11 : vector<128x1x16xf32> to vector<128x32x16xf32>
    %reshape3A_13 = vector.shape_cast %broadcast_in_dim3A_12 : vector<128x32x16xf32> to vector<4096x16xf32>
    %add3A = arith.addf %reshape3A_7, %reshape3A_13 : vector<4096x16xf32>
    %neg3A = arith.constant 0.000000e+00 : f32
    %neg3A_14 = vector.broadcast %neg3A : f32 to vector<4096x16xf32>
    %neg3A_15 = arith.subf %neg3A_14, %add3A : vector<4096x16xf32>
    %exp3A = math.exp %neg3A_15 : vector<4096x16xf32>
    %add3A_16 = arith.constant 1.000000e+00 : f32
    %add3A_17 = vector.broadcast %add3A_16 : f32 to vector<4096x16xf32>
    %add3A_18 = arith.addf %add3A_17, %exp3A : vector<4096x16xf32>
    %div3A = arith.constant 1.000000e+00 : f32
    %div3A_19 = vector.broadcast %div3A : f32 to vector<4096x16xf32>
    %div3A_20 = arith.divf %div3A_19, %add3A_18 : vector<4096x16xf32>
    %mul3A = arith.mulf %add3A, %div3A_20 : vector<4096x16xf32>
    %add3A_21 = arith.addf %reshape3A, %mul3A : vector<4096x16xf32>
    %get3A_22 = arith.constant 0 : index
    %get3A_23 = arith.constant 0 : index
    %get3A_24 = vector.load %arg4[%get3A_22, %get3A_23] : memref<16x16xf32, #tpu.memory_space<vmem>>, vector<16x16xf32>
    %dot_general3A = arith.constant dense<0.000000e+00> : vector<4096x16xf32>
    %dot_general3A_25 = tpu.matmul %add3A_21, %get3A_24, %dot_general3A {dimension_numbers = #tpu.dot_dimension_numbers<[1], [0], [0], [1], [0, 0, 1, 1], [], []>, transpose_lhs_hint = false} : vector<4096x16xf32>, vector<16x16xf32>, vector<4096x16xf32> -> vector<4096x16xf32>
    %get3A_26 = arith.constant 0 : index
    %get3A_27 = arith.constant 0 : index
    %get3A_28 = vector.load %arg5[%get3A_26, %get3A_27] : memref<1x16xf32, #tpu.memory_space<vmem>>, vector<1x16xf32>
    %add3A_29 = vector.broadcast %get3A_28 : vector<1x16xf32> to vector<4096x16xf32>
    %add3A_30 = arith.addf %dot_general3A_25, %add3A_29 : vector<4096x16xf32>
    %reshape3A_31 = vector.shape_cast %add3A_30 : vector<4096x16xf32> to vector<128x32x16xf32>
    %swap3A = arith.constant 0 : index
    %swap3A_32 = arith.constant 0 : index
    %swap3A_33 = arith.constant 0 : index
    %swap3A_34 = vector.load %arg6[%swap3A, %swap3A_32, %swap3A_33] : memref<128x32x16xf32, #tpu.memory_space<vmem>>, vector<128x32x16xf32>
    tpu.vector_store %arg6[%swap3A, %swap3A_32, %swap3A_33], %reshape3A_31 {strides = array<i32>} : memref<128x32x16xf32, #tpu.memory_space<vmem>>, vector<128x32x16xf32>,
    return
  }
  func.func @transform_0(%arg0: i32) -> (i32, i32, i32) {
    %c0_i32 = arith.constant 0 : i32
    %c0_i32_0 = arith.constant 0 : i32
    %c0_i32_1 = arith.constant 0 : i32
    return %arg0, %c0_i32, %c0_i32_0 : i32, i32, i32
  }
  func.func @transform_1(%arg0: i32) -> (i32, i32, i32) {
    %c0_i32 = arith.constant 0 : i32
    %c0_i32_0 = arith.constant 0 : i32
    %c0_i32_1 = arith.constant 0 : i32
    return %arg0, %c0_i32, %c0_i32_0 : i32, i32, i32
  }
  func.func @transform_2(%arg0: i32) -> (i32, i32) {
    %c0_i32 = arith.constant 0 : i32
    %c0_i32_0 = arith.constant 0 : i32
    return %arg0, %c0_i32 : i32, i32
  }
  func.func @transform_3(%arg0: i32) -> (i32, i32) {
    %c0_i32 = arith.constant 0 : i32
    %c0_i32_0 = arith.constant 0 : i32
    %c0_i32_1 = arith.constant 0 : i32
    return %c0_i32, %c0_i32_0 : i32, i32
  }
  func.func @transform_4(%arg0: i32) -> (i32, i32) {
    %c0_i32 = arith.constant 0 : i32
    %c0_i32_0 = arith.constant 0 : i32
    %c0_i32_1 = arith.constant 0 : i32
    return %c0_i32, %c0_i32_0 : i32, i32
  }
  func.func @transform_5(%arg0: i32) -> (i32, i32, i32) {
    %c0_i32 = arith.constant 0 : i32
    %c0_i32_0 = arith.constant 0 : i32
    %c0_i32_1 = arith.constant 0 : i32
    return %arg0, %c0_i32, %c0_i32_0 : i32, i32, i32
  }
}

</mosaic_0001>

<sc_bundles>
// kernel: kernel.23.cloned.1.call-start
scs
__scs_entry_jumppad:
0x0: {  	(pc) =	sbr.rel $0x88, $3  }
0x1: {  	(tag) =	ssettag $0x0;
	lr =	simm.s32 $0x1  }
0x2: {  	[smem:$0x3F91] =	sst lr;
	_ =	strace $0xD0000000  }
0x3: {  	_ = 	snop  }
0x4: {  	_ = 	snop  }
0x5: {  	_ = 	snop  }
0x6: {  	_ = 	snop  }
0x7: {  	_ = 	snop  }
__scs_overlays_trampoline_lowered:
0x8: {  	[smem:$0x3FA0] =	sst s0  }
0x9: {  	[smem:$0x3FA1] =	sst s1  }
0xa: {  	[smem:$0x3FA2] =	sst s2  }
0xb: {  	[smem:$0x3FA3] =	sst s3  }
0xc: {  	[smem:$0x3FA4] =	sst s4  }
0xd: {  	[smem:$0x3FA5] =	sst s5  }
0xe: {  	[smem:$0x3FA6] =	sst s6  }
0xf: {  	[smem:$0x3FA7] =	sst s7  }
0x10: {  	[smem:$0x3FA8] =	sst s8  }
0x11: {  	[smem:$0x3FA9] =	sst s9;
	s0 =	simm.s32 @!p0 $0x0  }
0x12: {  	s1 =	sld [smem:$0x3F8F];
	s0 =	simm.s32 @p0 $0x1  }
0x13: {  	[smem:$0x3FAA] =	sst s0;
	s0 =	simm.s32 @!p1 $0x0  }
0x14: {  	s2 =	sld [smem:$0x3F8E];
	s0 =	simm.s32 @p1 $0x1  }
0x15: {  	[smem:$0x3FAB] =	sst s0;
	s0 =	simm.s32 @!p2 $0x0  }
0x16: {  	s3 =	sld [smem:$0x3FDB];
	s0 =	simm.s32 @p2 $0x1  }
0x17: {  	s4 =	simm.s32 $0x1BF5;
	[smem:$0x3FAD] =	sst s0  }
0x18: {  	s0 =	sld [smem:$0x3F90];
	_ =	swait.ge [sflag:s4], $0x0  }
0x19: {  	s7 =	sld [smem:$0x3F91]  }
0x1a: {  	s8 =	sadd.s32 $0xFFFFE003, lr  }
0x1b: {  	s9 =	sadd.s32 $0xFFFFFEF7, lr;
	s5 =	simm.s32 $0xFFFFFFFF;
	p2 =	slt.u32 s8, $0xFFFFF086  }
0x1c: {  	p1 =	slt.u32 s9, $0xF7A;
	s5 =	simm.s32 @!p2 $0x0  }
0x1d: {  	s5 =	simm.s32 @p1 $0x1;
	p0 =	seq.s32 s7, s2  }
0x1e: {  	s7 =	smul.u32 @!p0 $0xF7A, s2;
	p2 =	seq.s32 @!p0 s5, $0x0  }
0x1f: {  	s9 =	smul.u32 $0xF7A, s1;
	s8 =	simm.s32 @!p0 $0x1BF5;
	p2 =	por !p2, p0  }
0x20: {  	[sflag:s8] =	ssyncset.s32 @!p0 $0xFFFFF086;
	s6 =	sadd.s32 @!p0 s3, s7;
	s7 =	simm.s32 @!p0 $0x108  }
0x21: {  	s3 =	sadd.s32 s3, s9;
	s6 =	sadd.s32 @!p0 $0x88, s6;
	s7 =	simm.s32 @p2 $0x1082  }
0x22: {  	[simem:s7], [sflag:s8] =	dma.local @!p0 [hbm:s6], $0xF7A  }
0x23: {  	s9 =	sor.u32 $0xD0000000, s2;
	s6 =	simm.s32 $0x108;
	_ =	swait.ge @!p0 [sflag:s8], $0x0  }
0x24: {  	s3 =	sadd.s32 $0x88, s3;
	s6 =	simm.s32 @!p1 $0x1082;
	[sflag:s4] =	ssyncset.s32 $0xFFFFF086  }
0x25: {  	[simem:s6], [sflag:s4] =	dma.local [hbm:s3], $0xF7A  }
0x26: {  	[smem:$0x3F91] =	sst s1;
	(tag) =	ssettag s2;
	_ =	strace s9  }
0x27: {  	s1 =	sld [smem:$0x3FA1]  }
0x28: {  	s2 =	sld [smem:$0x3FA2]  }
0x29: {  	s4 =	sld [smem:$0x3FA4]  }
0x2a: {  	p0 =	seq.s32 s5, $0x0;
	s5 =	sld [smem:$0x3FA5]  }
0x2b: {  	s6 =	sld [smem:$0x3FA6]  }
0x2c: {  	s7 =	sld [smem:$0x3FA7]  }
0x2d: {  	s3 =	simm.s32 $0x108;
	s8 =	sld [smem:$0x3FA8]  }
0x2e: {  	s3 =	simm.s32 @!p0 $0x1082;
	s9 =	sld [smem:$0x3FA9]  }
0x2f: {  	lr =	sadd.s32 s0, s3;
	s0 =	sld [smem:$0x3FA0]  }
0x30: {  	s3 =	sld [smem:$0x3FA3]  }
0x31: {  	[smem:$0x3FAC] =	sst s10  }
0x32: {  	s10 =	sld [smem:$0x3FAA];
	_ =	sdelay $0x3  }
0x33: {  	p0 =	seq.s32 s10, $0x1;
	s10 =	sld [smem:$0x3FAC];
	_ =	sdelay $0x3  }
0x34: {  	[smem:$0x3FAC] =	sst s10  }
0x35: {  	s10 =	sld [smem:$0x3FAB];
	_ =	sdelay $0x3  }
0x36: {  	p1 =	seq.s32 s10, $0x1;
	s10 =	sld [smem:$0x3FAC];
	_ =	sdelay $0x3  }
0x37: {  	[smem:$0x3FAC] =	sst s10  }
0x38: {  	s10 =	sld [smem:$0x3FAD]  }
0x39: {  	_ = 	snop;
	(pc) =	sbr.ind lr, $3  }
0x3a: {  	_ = 	snop  }
0x3b: {  	_ = 	snop  }
0x3c: {  	p2 =	seq.s32 s10, $0x1;
	s10 =	sld [smem:$0x3FAC]  }
0x3d: {  	_ =	shalt  }
0x3e: {  	_ =	shalt  }
0x3f: {  	_ =	shalt  }
0x40: {  	_ =	shalt  }
0x41: {  	_ =	shalt  }
0x42: {  	_ =	shalt  }
0x43: {  	_ =	shalt  }
0x44: {  	_ =	shalt  }
0x45: {  	_ =	shalt  }
0x46: {  	_ =	shalt  }
0x47: {  	_ =	shalt  }
0x48: {  	_ =	shalt  }
0x49: {  	_ =	shalt  }
0x4a: {  	_ =	shalt  }
0x4b: {  	_ =	shalt  }
0x4c: {  	_ =	shalt  }
0x4d: {  	_ =	shalt  }
0x4e: {  	_ =	shalt  }
0x4f: {  	_ =	shalt  }
0x50: {  	_ =	shalt  }
0x51: {  	_ =	shalt  }
0x52: {  	_ =	shalt  }
0x53: {  	_ =	shalt  }
0x54: {  	_ =	shalt  }
0x55: {  	_ =	shalt  }
0x56: {  	_ =	shalt  }
0x57: {  	_ =	shalt  }
0x58: {  	_ =	shalt  }
0x59: {  	_ =	shalt  }
0x5a: {  	_ =	shalt  }
0x5b: {  	_ =	shalt  }
0x5c: {  	_ =	shalt  }
0x5d: {  	_ =	shalt  }
0x5e: {  	_ =	shalt  }
0x5f: {  	_ =	shalt  }
0x60: {  	_ =	shalt  }
0x61: {  	_ =	shalt  }
0x62: {  	_ =	shalt  }
0x63: {  	_ =	shalt  }
0x64: {  	_ =	shalt  }
0x65: {  	_ =	shalt  }
0x66: {  	_ =	shalt  }
0x67: {  	_ =	shalt  }
0x68: {  	_ =	shalt  }
0x69: {  	_ =	shalt  }
0x6a: {  	_ =	shalt  }
0x6b: {  	_ =	shalt  }
0x6c: {  	_ =	shalt  }
0x6d: {  	_ =	shalt  }
0x6e: {  	_ =	shalt  }
0x6f: {  	_ =	shalt  }
0x70: {  	_ =	shalt  }
0x71: {  	_ =	shalt  }
0x72: {  	_ =	shalt  }
0x73: {  	_ =	shalt  }
0x74: {  	_ =	shalt  }
0x75: {  	_ =	shalt  }
0x76: {  	_ =	shalt  }
0x77: {  	_ =	shalt  }
0x78: {  	_ =	shalt  }
0x79: {  	_ =	shalt  }
0x7a: {  	_ =	shalt  }
0x7b: {  	_ =	shalt  }
0x7c: {  	_ =	shalt  }
0x7d: {  	_ =	shalt  }
0x7e: {  	_ =	shalt  }
0x7f: {  	_ =	shalt  }
0x80: {  	_ =	shalt  }
0x81: {  	_ =	shalt  }
0x82: {  	_ =	shalt  }
0x83: {  	_ =	shalt  }
0x84: {  	_ =	shalt  }
0x85: {  	_ =	shalt  }
0x86: {  	_ =	shalt  }
0x87: {  	_ =	shalt  }
.Lfunc_end0:
.L_simem_size_0:
called_computation.2_lowered:
.L_overlay_start_0:
0x88: {  	s2 =	sld [smem:$0x3FD9]  }
0x89: {  	s3 =	sld [smem:$0x3FFE];
	_ =	sdelay $0x1  }
0x8a: {  	s1 =	srdreg.scid  }
0x8b: {  	s0 =	sand.u32 $0x1, s1  }
0x8c: {  	s15 =	sshll.u32 s0, $0xA;
	s2 =	sadd.s32 s3, s2  }
0x8d: {  	s2 =	sadd.s32 s2, s15  }
0x8e: {  	[smem:$0x3FB8] =	sst s2  }
0x8f: {  	_ = 	snop  }
0x90: {  	s2 =	sld [smem:$0x3FD0];
	_ =	sdelay $0x2  }
0x91: {  	s4 =	simm.s32 $0xB;
	s16 =	simm.s32 $0x10  }
0x92: {  	[smem:s16], [sflag:s4] =	dma.local [hbm:s2], $0x1  }
0x93: {  	_ =	swait.eq [sflag:s4], $0x1  }
0x94: {  	[sflag:s4] =	ssyncset.done $0x0  }
0x95: {  	s17 =	sld [smem:$0x11];
	[sflag:s4] =	ssyncadd.s32 $0xFFFFFFFF  }
0x96: {  	s18 =	sld [smem:$0x12];
	(tm) =	ssettm $0x1  }
0x97: {  	s19 =	sld [smem:$0x3FFB];
	_ =	sdelay $0x3  }
0x98: {  	_ =	strace s19  }
0x99: {  	s2 =	sld [smem:$0x3FFC];
	_ =	sdelay $0x3  }
0x9a: {  	_ =	strace s2  }
0x9b: {  	s2 =	sld [smem:$0x3FFD];
	_ =	sdelay $0x3  }
0x9c: {  	_ =	strace s2  }
0x9d: {  	_ =	strace $0x8FFFFFFF  }
0x9e: {  	s20 =	sld [smem:$0x3FDB];
	_ =	sdelay $0x1  }
0x9f: {  	s5 =	simm.s32 $_scs_section_size  }
0xa0: {  	s6 =	simm.s32 $_size__tile_overlayer_lowered;
	s7 =	simm.s32 $_tile_overlayer_lowered  }
0xa1: {  	s8 =	simm.s32 $0x1BFF;
	s21 =	sshll.u32 s7, $0x1;
	s5 =	sadd.s32 s5, s20  }
0xa2: {  	s22 =	simm.s32 $0x0;
	s6 =	sshll.u32 s6, $0x1;
	s7 =	sadd.s32 s21, s5  }
0xa3: {  	[timem:s22], [sflag:s8] =	dma.local [hbm:s7], s6  }
0xa4: {  	_ =	swait.ge [sflag:s8], s6  }
0xa5: {  	s6 =	ssub.s32 $0x0, s6;
	[sflag:s8] =	ssyncset.done $0x0  }
0xa6: {  	[sflag:s8] =	ssyncadd.s32 s6;
	_ =	sdelay $0x1  }
0xa7: {  	s23 =	simm.s32 $0x1B8B  }
0xa8: {  	_ =	swait.ge [sflag:s23], $0x1  }
0xa9: {  	[sflag:s23] =	ssyncset.done $0x0  }
0xaa: {  	[sflag:s23] =	ssyncadd.s32 $0xFFFFFFFF  }
0xab: {  	s6 =	sld [smem:$0x0]  }
0xac: {  	s7 =	sand.u32 $0xFFFFFFFE, s1  }
0xad: {  	p0 =	sne.s32 s1, s7  }
0xae: {  	s7 =	sshll.u32 @p0 s7, $0xE  }
0xaf: {  	s7 =	sadd.s32 @p0 $0x11B8D, s7;
	s8 =	sshll.u32 @p0 s6, $0x11  }
0xb0: {  	s7 =	sor.u32 @p0 s8, s7  }
0xb1: {  	[sflag:s7] =	ssyncadd.remote.s32 @p0 $0x1;
	_ =	sdelay $0x1  }
0xb2: {  	s7 =	simm.s32 @p0 $0x1B8D  }
0xb3: {  	_ =	swait.eq @p0 [sflag:s7], $0x1  }
0xb4: {  	[sflag:s7] =	ssyncadd.s32 @p0 $0xFFFFFFFF  }
0xb5: {  	s8 =	sshll.u32 @!p0 s1, $0xE  }
0xb6: {  	s8 =	sor.u32 @!p0 $0x4000, s8;
	s7 =	simm.s32 @!p0 $0x1B8D  }
0xb7: {  	s6 =	sshll.u32 @!p0 s6, $0x11;
	s8 =	sadd.s32 @!p0 $0x11B8D, s8;
	_ =	swait.eq @!p0 [sflag:s7], $0x1  }
0xb8: {  	s6 =	sor.u32 @!p0 s6, s8;
	[sflag:s7] =	ssyncadd.s32 @!p0 $0xFFFFFFFF  }
0xb9: {  	s25 =	simm.s32 $0x1B8E;
	s24 =	sld [smem:$0x3FFE];
	[sflag:s6] =	ssyncadd.remote.s32 @!p0 $0x1  }
0xba: {  	s26 =	simm.s32 $execute0_lowered;
	[smem:$0x3FD2] =	sst s25  }
0xbb: {  	s7 =	sshll.u32 s26, $0x1;
	_ =	strace $0x80000061;
	[dreg:$0x1] =	wrdreg $0xFFFFFFFF  }
0xbc: {  	s28 =	simm.s32 $_size_execute0_lowered;
	s5 =	sadd.s32 s5, s7;
	[dreg:$0x0] =	wrdreg $0x0  }
0xbd: {  	s7 =	sshll.u32 s28, $0x1;
	[dreg:$0x2] =	wrdreg s5  }
0xbe: {  	[dreg:$0x3] =	wrdreg s7  }
0xbf: {  	[dreg:$0x4] =	wrdreg $0xC0  }
0xc0: {  	_ =	task [dreg:s22], $0x5FFFF  }
0xc1: {  	[dreg:$0x1] =	wrdreg $0xFFFFFFFF  }
0xc2: {  	[dreg:$0x0] =	wrdreg $0x60  }
0xc3: {  	[dreg:$0x2] =	wrdreg s18  }
0xc4: {  	[dreg:$0x3] =	wrdreg s17  }
0xc5: {  	[dreg:$0x4] =	wrdreg s24  }
0xc6: {  	[dreg:$0x5] =	wrdreg $0x9  }
0xc7: {  	_ =	task.clear_ibuf [dreg:s22], $0x6FFFF;
	_ =	strace $0x90000061  }
0xc8: {  	s29 =	simm.s32 $0x9;
	_ =	strace $0x80000063  }
0xc9: {  	_ =	swait.ge [sflag:s29], $0x1  }
0xca: {  	[sflag:s29] =	ssyncadd.s32 $0xFFFFFFFF  }
0xcb: {  	_ =	strace $0x90000063  }
0xcc: {  	_ =	sfence  }
0xcd: {  	s30 =	sld [smem:$0x0];
	_ =	sdelay $0x2  }
0xce: {  	s31 =	sshll.u32 s1, $0xD;
	s1 =	sshrl.u32 s1, $0x2  }
0xcf: {  	s4 =	sand.u32 $0x4000, s31;
	s1 =	sadd.s32 s1, s30  }
0xd0: {  	s0 =	sor.u32 s4, s0;
	s1 =	sshll.u32 s1, $0x11  }
0xd1: {  	s0 =	sor.u32 s1, s0  }
0xd2: {  	s0 =	sadd.s32 $0x8F2B, s0  }
0xd3: {  	[sflag:s0] =	ssyncadd.remote.s32 $0x1  }
0xd4: {  	_ =	sfence.sel $0xFFFF  }
0xd5: {  	[dreg:$0x0] =	wrdreg $0xFFFFFFFF;
	(pc) =	sbr.abs _section_cstart, $3  }
0xd6: {  	[dreg:$0x1] =	wrdreg $0xFFFFFFFF  }
0xd7: {  	_ =	task.clear_ibuf [dreg:s22], $0x2FFFF;
	_ =	strace $0x9FFFFFFF  }
0xd8: {  	(tm) =	ssettm $0x7FFFFFFF  }
0xd9: {  	_ =	shalt  }
tec
execute0_lowered:
.L_overlay_start_1:
0x0: {  	(tag) =	ssettag $0x1  }
0x1: {  	s1 =	rddreg [dreg:$0x0];
	s2 =	srdreg.scid  }
0x2: {  	s4 =	rddreg [dreg:$0x1];
	s0 =	stileid.u32  }
0x3: {  	s8 =	rddreg [dreg:$0x2];
	s3 =	simm.s32 $0x0;
	s6 =	sand.u32 $0x1, s2  }
0x4: {  	s5 =	sshll.u32 s0, $0xC;
	s2 =	rddreg [dreg:$0x3];
	s7 =	sshll.u32 s6, $0xB  }
0x5: {  	[smem:$0x7FF] =	sst s3;
	s9 =	sor.u32 s7, s5  }
0x6: {  	_ =	strace $0x80000062;
	s10 =	ssub.s32 $0x2, s6;
	s5 =	sshrl.u32 s9, $0x3  }
0x7: {  	s6 =	simm.s32 $0x800;
	s5 =	sadd.s32 s4, s5;
	s4 =	simm.s32 $0x2  }
0x8: {  	[tilespmem:s3], [sflag:$0x2] =	stream.linear.gather [hbm4b:s5+s3], $0x800, $0x38;
	[tilespmem:$0x8800] =	vst v63  }
0x9: {  	s7 =	simm.s32 $0x1;
	s11 =	sshrl.u32 s10, $0x1;
	_ =	swait.ge [sflag:s4], $0x800  }
0xa: {  	s9 =	sshll.u32 s9, $0x1;
	s31 =	ssub.s32 s10, s11;
	[sflag:s4] =	ssyncset.done $0x0  }
0xb: {  	s8 =	sadd.s32 s9, s8;
	s9 =	smax.u32 s31, $0x1;
	[sflag:s4] =	ssyncadd.s32 $0xFFFFF800  }
0xc: {  	[tilespmem:s6], [sflag:$0x1] =	stream.indirect.gather [hbm4b:s1+s6], $0x10, s3, s6, $0xb8;
	[tilespmem:$0x8800] =	vst v63  }
0xd: {  	p0 =	sne.s32 s9, $0x1;
	_ =	swait.ge [sflag:s7], $0x8000  }
.Ltmp0:
0xe: {  	[sflag:s7] =	ssyncset.done $0x0;
	(pc) =	sbr.rel @!p0 .LBB2_2-.Ltmp0, $4  }
0xf: {  	s8 =	sadd.s32 $0xB2C00, s8;
	[sflag:s7] =	ssyncadd.s32 $0xFFFF8000  }
0x10: {  	[hbm4b:s8+s3] =	stream.linear.scatter [tilespmem:s6], [sflag:$0x2], $0x8000, $0x38;
	[tilespmem:$0x8800] =	vst v63  }
0x11: {  	_ =	swait.ge [sflag:s4], $0x8000  }
0x12: {  	s9 =	sadd.s32 $0xFFFFFFFF, s9;
	[sflag:s4] =	ssyncset.done $0x0  }
.LBB2_1:
0x13: {  	p0 =	sne.s32 s9, $0x1;
	s9 =	sadd.s32 $0xFFFFFFFF, s9;
	[sflag:s4] =	ssyncadd.s32 $0xFFFF8000  }
0x14: {  	[tilespmem:s3], [sflag:$0x2] =	stream.linear.gather [hbm4b:s5+s3], $0x800, $0x38;
	[tilespmem:$0x8800] =	vst v63  }
0x15: {  	_ =	swait.ge [sflag:s4], $0x800  }
0x16: {  	[sflag:s4] =	ssyncset.done $0x0  }
0x17: {  	[sflag:s4] =	ssyncadd.s32 $0xFFFFF800  }
0x18: {  	[tilespmem:s6], [sflag:$0x1] =	stream.indirect.gather [hbm4b:s1+s6], $0x10, s3, s6, $0xb8;
	[tilespmem:$0x8800] =	vst v63  }
0x19: {  	_ =	swait.ge [sflag:s7], $0x8000  }
.Ltmp1:
0x1a: {  	[sflag:s7] =	ssyncset.done $0x0;
	(pc) =	sbr.rel @p0 .LBB2_1-.Ltmp1, $4  }
0x1b: {  	[sflag:s7] =	ssyncadd.s32 $0xFFFF8000  }
0x1c: {  	[hbm4b:s8+s3] =	stream.linear.scatter [tilespmem:s6], [sflag:$0x2], $0x8000, $0x38;
	[tilespmem:$0x8800] =	vst v63  }
0x1d: {  	_ =	swait.ge [sflag:s4], $0x8000  }
0x1e: {  	[sflag:s4] =	ssyncset.done $0x0  }
.LBB2_2:
0x1f: {  	[sflag:s4] =	ssyncadd.s32 $0xFFFF8000  }
0x20: {  	_ =	sfence.sel $0x180000  }
0x21: {  	[bflag:$0x0] =	sbarrier.arrive $0xFFFF  }
0x22: {  	p0 =	sne.s32 s0, $0x0;
	_ =	strace $0x90000062  }
0x23: {  	s0 =	sadd.s32 @!p0 $0x100000, s2;
	[bflag:$0x2] =	sbarrier.arrive $0xFFFF  }
0x24: {  	[sflag:s0] =	ssyncadd.tile.s32 @!p0 $0x1;
	_ =	shalt  }
.Lfunc_end2:
_tile_overlayer_lowered:
.L_overlay_start_2:
0x25: {  	(tag) =	ssettag $0x2  }
0x26: {  	s0 =	rddreg [dreg:$0x0];
	s2 =	stileid.u32  }
0x27: {  	s1 =	rddreg [dreg:$0x1];
	p0 =	sne.s32 s2, $0x0  }
0x28: {  	s3 =	rddreg [dreg:$0x2];
	[bflag:$0x3] =	sbarrier.arrive $0xFFFF;
	s2 =	simm.s32 @!p0 $0x1C02  }
0x29: {  	[timem:s3], [sflag:s2] =	dma.local @!p0 [hbm:s0], s1  }
0x2a: {  	s0 =	simm.s32 @!p0 $0x2  }
0x2b: {  	_ =	swait.ge @!p0 [sflag:s0], s1  }
0x2c: {  	s1 =	ssub.s32 @!p0 $0x0, s1;
	[sflag:s0] =	ssyncset.done @!p0 $0x0  }
0x2d: {  	[sflag:s0] =	ssyncadd.s32 @!p0 s1  }
0x2e: {  	[bflag:$0x3] =	sbarrier.arrive $0xFFFF  }
0x2f: {  	_ =	shalt  }

// kernel: kernel.26.cloned.1.call-start
scs
__scs_entry_jumppad:
0x0: {  	(pc) =	sbr.rel $0x88, $3  }
0x1: {  	(tag) =	ssettag $0x0;
	lr =	simm.s32 $0x1  }
0x2: {  	[smem:$0x3F91] =	sst lr;
	_ =	strace $0xD0000000  }
0x3: {  	_ = 	snop  }
0x4: {  	_ = 	snop  }
0x5: {  	_ = 	snop  }
0x6: {  	_ = 	snop  }
0x7: {  	_ = 	snop  }
__scs_overlays_trampoline_lowered:
0x8: {  	[smem:$0x3FA0] =	sst s0  }
0x9: {  	[smem:$0x3FA1] =	sst s1  }
0xa: {  	[smem:$0x3FA2] =	sst s2  }
0xb: {  	[smem:$0x3FA3] =	sst s3  }
0xc: {  	[smem:$0x3FA4] =	sst s4  }
0xd: {  	[smem:$0x3FA5] =	sst s5  }
0xe: {  	[smem:$0x3FA6] =	sst s6  }
0xf: {  	[smem:$0x3FA7] =	sst s7  }
0x10: {  	[smem:$0x3FA8] =	sst s8  }
0x11: {  	[smem:$0x3FA9] =	sst s9;
	s0 =	simm.s32 @!p0 $0x0  }
0x12: {  	s1 =	sld [smem:$0x3F8F];
	s0 =	simm.s32 @p0 $0x1  }
0x13: {  	[smem:$0x3FAA] =	sst s0;
	s0 =	simm.s32 @!p1 $0x0  }
0x14: {  	s2 =	sld [smem:$0x3F8E];
	s0 =	simm.s32 @p1 $0x1  }
0x15: {  	[smem:$0x3FAB] =	sst s0;
	s0 =	simm.s32 @!p2 $0x0  }
0x16: {  	s3 =	sld [smem:$0x3FDB];
	s0 =	simm.s32 @p2 $0x1  }
0x17: {  	s4 =	simm.s32 $0x1BF5;
	[smem:$0x3FAD] =	sst s0  }
0x18: {  	s0 =	sld [smem:$0x3F90];
	_ =	swait.ge [sflag:s4], $0x0  }
0x19: {  	s7 =	sld [smem:$0x3F91]  }
0x1a: {  	s8 =	sadd.s32 $0xFFFFE003, lr  }
0x1b: {  	s9 =	sadd.s32 $0xFFFFFEF7, lr;
	s5 =	simm.s32 $0xFFFFFFFF;
	p2 =	slt.u32 s8, $0xFFFFF086  }
0x1c: {  	p1 =	slt.u32 s9, $0xF7A;
	s5 =	simm.s32 @!p2 $0x0  }
0x1d: {  	s5 =	simm.s32 @p1 $0x1;
	p0 =	seq.s32 s7, s2  }
0x1e: {  	s7 =	smul.u32 @!p0 $0xF7A, s2;
	p2 =	seq.s32 @!p0 s5, $0x0  }
0x1f: {  	s9 =	smul.u32 $0xF7A, s1;
	s8 =	simm.s32 @!p0 $0x1BF5;
	p2 =	por !p2, p0  }
0x20: {  	[sflag:s8] =	ssyncset.s32 @!p0 $0xFFFFF086;
	s6 =	sadd.s32 @!p0 s3, s7;
	s7 =	simm.s32 @!p0 $0x108  }
0x21: {  	s3 =	sadd.s32 s3, s9;
	s6 =	sadd.s32 @!p0 $0x88, s6;
	s7 =	simm.s32 @p2 $0x1082  }
0x22: {  	[simem:s7], [sflag:s8] =	dma.local @!p0 [hbm:s6], $0xF7A  }
0x23: {  	s9 =	sor.u32 $0xD0000000, s2;
	s6 =	simm.s32 $0x108;
	_ =	swait.ge @!p0 [sflag:s8], $0x0  }
0x24: {  	s3 =	sadd.s32 $0x88, s3;
	s6 =	simm.s32 @!p1 $0x1082;
	[sflag:s4] =	ssyncset.s32 $0xFFFFF086  }
0x25: {  	[simem:s6], [sflag:s4] =	dma.local [hbm:s3], $0xF7A  }
0x26: {  	[smem:$0x3F91] =	sst s1;
	(tag) =	ssettag s2;
	_ =	strace s9  }
0x27: {  	s1 =	sld [smem:$0x3FA1]  }
0x28: {  	s2 =	sld [smem:$0x3FA2]  }
0x29: {  	s4 =	sld [smem:$0x3FA4]  }
0x2a: {  	p0 =	seq.s32 s5, $0x0;
	s5 =	sld [smem:$0x3FA5]  }
0x2b: {  	s6 =	sld [smem:$0x3FA6]  }
0x2c: {  	s7 =	sld [smem:$0x3FA7]  }
0x2d: {  	s3 =	simm.s32 $0x108;
	s8 =	sld [smem:$0x3FA8]  }
0x2e: {  	s3 =	simm.s32 @!p0 $0x1082;
	s9 =	sld [smem:$0x3FA9]  }
0x2f: {  	lr =	sadd.s32 s0, s3;
	s0 =	sld [smem:$0x3FA0]  }
0x30: {  	s3 =	sld [smem:$0x3FA3]  }
0x31: {  	[smem:$0x3FAC] =	sst s10  }
0x32: {  	s10 =	sld [smem:$0x3FAA];
	_ =	sdelay $0x3  }
0x33: {  	p0 =	seq.s32 s10, $0x1;
	s10 =	sld [smem:$0x3FAC];
	_ =	sdelay $0x3  }
0x34: {  	[smem:$0x3FAC] =	sst s10  }
0x35: {  	s10 =	sld [smem:$0x3FAB];
	_ =	sdelay $0x3  }
0x36: {  	p1 =	seq.s32 s10, $0x1;
	s10 =	sld [smem:$0x3FAC];
	_ =	sdelay $0x3  }
0x37: {  	[smem:$0x3FAC] =	sst s10  }
0x38: {  	s10 =	sld [smem:$0x3FAD]  }
0x39: {  	_ = 	snop;
	(pc) =	sbr.ind lr, $3  }
0x3a: {  	_ = 	snop  }
0x3b: {  	_ = 	snop  }
0x3c: {  	p2 =	seq.s32 s10, $0x1;
	s10 =	sld [smem:$0x3FAC]  }
0x3d: {  	_ =	shalt  }
0x3e: {  	_ =	shalt  }
0x3f: {  	_ =	shalt  }
0x40: {  	_ =	shalt  }
0x41: {  	_ =	shalt  }
0x42: {  	_ =	shalt  }
0x43: {  	_ =	shalt  }
0x44: {  	_ =	shalt  }
0x45: {  	_ =	shalt  }
0x46: {  	_ =	shalt  }
0x47: {  	_ =	shalt  }
0x48: {  	_ =	shalt  }
0x49: {  	_ =	shalt  }
0x4a: {  	_ =	shalt  }
0x4b: {  	_ =	shalt  }
0x4c: {  	_ =	shalt  }
0x4d: {  	_ =	shalt  }
0x4e: {  	_ =	shalt  }
0x4f: {  	_ =	shalt  }
0x50: {  	_ =	shalt  }
0x51: {  	_ =	shalt  }
0x52: {  	_ =	shalt  }
0x53: {  	_ =	shalt  }
0x54: {  	_ =	shalt  }
0x55: {  	_ =	shalt  }
0x56: {  	_ =	shalt  }
0x57: {  	_ =	shalt  }
0x58: {  	_ =	shalt  }
0x59: {  	_ =	shalt  }
0x5a: {  	_ =	shalt  }
0x5b: {  	_ =	shalt  }
0x5c: {  	_ =	shalt  }
0x5d: {  	_ =	shalt  }
0x5e: {  	_ =	shalt  }
0x5f: {  	_ =	shalt  }
0x60: {  	_ =	shalt  }
0x61: {  	_ =	shalt  }
0x62: {  	_ =	shalt  }
0x63: {  	_ =	shalt  }
0x64: {  	_ =	shalt  }
0x65: {  	_ =	shalt  }
0x66: {  	_ =	shalt  }
0x67: {  	_ =	shalt  }
0x68: {  	_ =	shalt  }
0x69: {  	_ =	shalt  }
0x6a: {  	_ =	shalt  }
0x6b: {  	_ =	shalt  }
0x6c: {  	_ =	shalt  }
0x6d: {  	_ =	shalt  }
0x6e: {  	_ =	shalt  }
0x6f: {  	_ =	shalt  }
0x70: {  	_ =	shalt  }
0x71: {  	_ =	shalt  }
0x72: {  	_ =	shalt  }
0x73: {  	_ =	shalt  }
0x74: {  	_ =	shalt  }
0x75: {  	_ =	shalt  }
0x76: {  	_ =	shalt  }
0x77: {  	_ =	shalt  }
0x78: {  	_ =	shalt  }
0x79: {  	_ =	shalt  }
0x7a: {  	_ =	shalt  }
0x7b: {  	_ =	shalt  }
0x7c: {  	_ =	shalt  }
0x7d: {  	_ =	shalt  }
0x7e: {  	_ =	shalt  }
0x7f: {  	_ =	shalt  }
0x80: {  	_ =	shalt  }
0x81: {  	_ =	shalt  }
0x82: {  	_ =	shalt  }
0x83: {  	_ =	shalt  }
0x84: {  	_ =	shalt  }
0x85: {  	_ =	shalt  }
0x86: {  	_ =	shalt  }
0x87: {  	_ =	shalt  }
.Lfunc_end0:
.L_simem_size_0:
called_computation.3_lowered:
.L_overlay_start_0:
0x88: {  	s2 =	sld [smem:$0x3FD9]  }
0x89: {  	s3 =	sld [smem:$0x3FFE];
	_ =	sdelay $0x1  }
0x8a: {  	s1 =	srdreg.scid  }
0x8b: {  	s0 =	sand.u32 $0x1, s1  }
0x8c: {  	s15 =	sshll.u32 s0, $0xA;
	s2 =	sadd.s32 s3, s2  }
0x8d: {  	s2 =	sadd.s32 s2, s15  }
0x8e: {  	[smem:$0x3FB8] =	sst s2  }
0x8f: {  	_ = 	snop  }
0x90: {  	s2 =	sld [smem:$0x3FD0];
	_ =	sdelay $0x2  }
0x91: {  	s16 =	simm.s32 $0xB;
	s4 =	simm.s32 $0x10  }
0x92: {  	[smem:s4], [sflag:s16] =	dma.local [hbm:s2], $0x1  }
0x93: {  	_ =	swait.eq [sflag:s16], $0x1  }
0x94: {  	[sflag:s16] =	ssyncset.done $0x0  }
0x95: {  	[sflag:s16] =	ssyncadd.s32 $0xFFFFFFFF  }
0x96: {  	s17 =	sld [smem:$0x12];
	(tm) =	ssettm $0x1  }
0x97: {  	s18 =	sld [smem:$0x3FFB];
	_ =	sdelay $0x3  }
0x98: {  	_ =	strace s18  }
0x99: {  	s2 =	sld [smem:$0x3FFC];
	_ =	sdelay $0x3  }
0x9a: {  	_ =	strace s2  }
0x9b: {  	s2 =	sld [smem:$0x3FFD];
	_ =	sdelay $0x3  }
0x9c: {  	_ =	strace s2  }
0x9d: {  	_ =	strace $0x8FFFFFFF  }
0x9e: {  	s19 =	sld [smem:$0x3FDB];
	_ =	sdelay $0x1  }
0x9f: {  	s20 =	simm.s32 $_scs_section_size  }
0xa0: {  	s5 =	simm.s32 $_size__tile_overlayer_lowered;
	s6 =	simm.s32 $_tile_overlayer_lowered  }
0xa1: {  	s7 =	simm.s32 $0x1BFF;
	s21 =	sshll.u32 s6, $0x1;
	s4 =	sadd.s32 s20, s19  }
0xa2: {  	s22 =	simm.s32 $0x0;
	s5 =	sshll.u32 s5, $0x1;
	s6 =	sadd.s32 s21, s4  }
0xa3: {  	[timem:s22], [sflag:s7] =	dma.local [hbm:s6], s5  }
0xa4: {  	_ =	swait.ge [sflag:s7], s5  }
0xa5: {  	s5 =	ssub.s32 $0x0, s5;
	[sflag:s7] =	ssyncset.done $0x0  }
0xa6: {  	[sflag:s7] =	ssyncadd.s32 s5;
	_ =	sdelay $0x1  }
0xa7: {  	s23 =	simm.s32 $0x1B8B  }
0xa8: {  	_ =	swait.ge [sflag:s23], $0x1  }
0xa9: {  	[sflag:s23] =	ssyncset.done $0x0  }
0xaa: {  	[sflag:s23] =	ssyncadd.s32 $0xFFFFFFFF  }
0xab: {  	s5 =	sld [smem:$0x0]  }
0xac: {  	s6 =	sand.u32 $0xFFFFFFFE, s1  }
0xad: {  	p0 =	sne.s32 s1, s6  }
0xae: {  	s6 =	sshll.u32 @p0 s6, $0xE  }
0xaf: {  	s6 =	sadd.s32 @p0 $0x11B8D, s6;
	s7 =	sshll.u32 @p0 s5, $0x11  }
0xb0: {  	s6 =	sor.u32 @p0 s7, s6  }
0xb1: {  	[sflag:s6] =	ssyncadd.remote.s32 @p0 $0x1;
	_ =	sdelay $0x1  }
0xb2: {  	s6 =	simm.s32 @p0 $0x1B8D  }
0xb3: {  	_ =	swait.eq @p0 [sflag:s6], $0x1  }
0xb4: {  	[sflag:s6] =	ssyncadd.s32 @p0 $0xFFFFFFFF  }
0xb5: {  	s7 =	sshll.u32 @!p0 s1, $0xE  }
0xb6: {  	s7 =	sor.u32 @!p0 $0x4000, s7;
	s6 =	simm.s32 @!p0 $0x1B8D  }
0xb7: {  	s5 =	sshll.u32 @!p0 s5, $0x11;
	s7 =	sadd.s32 @!p0 $0x11B8D, s7;
	_ =	swait.eq @!p0 [sflag:s6], $0x1  }
0xb8: {  	s5 =	sor.u32 @!p0 s5, s7;
	[sflag:s6] =	ssyncadd.s32 @!p0 $0xFFFFFFFF  }
0xb9: {  	s25 =	simm.s32 $0x1B8E;
	s24 =	sld [smem:$0x3FFE];
	[sflag:s5] =	ssyncadd.remote.s32 @!p0 $0x1  }
0xba: {  	s26 =	simm.s32 $execute0_lowered;
	[smem:$0x3FD2] =	sst s25  }
0xbb: {  	s6 =	sshll.u32 s26, $0x1;
	_ =	strace $0x8000004C;
	[dreg:$0x1] =	wrdreg $0xFFFFFFFF  }
0xbc: {  	s28 =	simm.s32 $_size_execute0_lowered;
	s4 =	sadd.s32 s4, s6;
	[dreg:$0x0] =	wrdreg $0x0  }
0xbd: {  	s6 =	sshll.u32 s28, $0x1;
	[dreg:$0x2] =	wrdreg s4  }
0xbe: {  	[dreg:$0x3] =	wrdreg s6  }
0xbf: {  	[dreg:$0x4] =	wrdreg $0xC0  }
0xc0: {  	_ =	task [dreg:s22], $0x5FFFF  }
0xc1: {  	[dreg:$0x1] =	wrdreg $0xFFFFFFFF  }
0xc2: {  	[dreg:$0x0] =	wrdreg $0x60  }
0xc3: {  	[dreg:$0x2] =	wrdreg s17  }
0xc4: {  	[dreg:$0x3] =	wrdreg s24  }
0xc5: {  	[dreg:$0x4] =	wrdreg $0xA  }
0xc6: {  	_ =	task.clear_ibuf [dreg:s22], $0x5FFFF;
	_ =	strace $0x9000004C  }
0xc7: {  	s29 =	simm.s32 $0xA;
	_ =	strace $0x8000004E  }
0xc8: {  	_ =	swait.ge [sflag:s29], $0x1  }
0xc9: {  	[sflag:s29] =	ssyncadd.s32 $0xFFFFFFFF  }
0xca: {  	_ =	strace $0x9000004E  }
0xcb: {  	_ =	sfence  }
0xcc: {  	s30 =	sld [smem:$0x0];
	_ =	sdelay $0x2  }
0xcd: {  	s31 =	sshll.u32 s1, $0xD;
	s1 =	sshrl.u32 s1, $0x2  }
0xce: {  	s4 =	sand.u32 $0x4000, s31;
	s1 =	sadd.s32 s1, s30  }
0xcf: {  	s0 =	sor.u32 s4, s0;
	s1 =	sshll.u32 s1, $0x11  }
0xd0: {  	s0 =	sor.u32 s1, s0  }
0xd1: {  	s0 =	sadd.s32 $0x8F2B, s0  }
0xd2: {  	[sflag:s0] =	ssyncadd.remote.s32 $0x1  }
0xd3: {  	_ =	sfence.sel $0xFFFF  }
0xd4: {  	[dreg:$0x0] =	wrdreg $0xFFFFFFFF;
	(pc) =	sbr.abs _section_cstart, $3  }
0xd5: {  	[dreg:$0x1] =	wrdreg $0xFFFFFFFF  }
0xd6: {  	_ =	task.clear_ibuf [dreg:s22], $0x2FFFF;
	_ =	strace $0x9FFFFFFF  }
0xd7: {  	(tm) =	ssettm $0x7FFFFFFF  }
tec
execute0_lowered:
.L_overlay_start_1:
0x0: {  	(tag) =	ssettag $0x1  }
0x1: {  	s1 =	srdreg.scid  }
0x2: {  	s0 =	stileid.u32;
	s6 =	sand.u32 $0x1, s1  }
0x3: {  	s2 =	rddreg [dreg:$0x0];
	s30 =	sshll.u32 s0, $0xB;
	s3 =	sshll.u32 s6, $0xA  }
0x4: {  	s8 =	rddreg [dreg:$0x1];
	s7 =	simm.s32 $0x1;
	s9 =	sor.u32 s3, s30  }
0x5: {  	s1 =	rddreg [dreg:$0x2];
	s3 =	simm.s32 $0x0;
	s4 =	sshrl.u32 s9, $0x3  }
0x6: {  	s10 =	ssub.s32 $0x2, s6;
	[smem:$0x7FF] =	sst s3;
	s4 =	sadd.s32 s4, s8  }
0x7: {  	_ =	strace $0x8000004D;
	s5 =	sadd.s32 $0x20E00, s4;
	s4 =	simm.s32 $0x2  }
0x8: {  	[tilespmem:s3], [sflag:$0x2] =	stream.linear.gather [hbm4b:s5+s3], $0x400, $0x38;
	[tilespmem:$0x4400] =	vst v63  }
0x9: {  	s6 =	simm.s32 $0x400;
	s11 =	sshrl.u32 s10, $0x1;
	_ =	swait.ge [sflag:s4], $0x400  }
0xa: {  	s9 =	sshll.u32 s9, $0x1;
	s31 =	ssub.s32 s10, s11;
	[sflag:s4] =	ssyncset.done $0x0  }
0xb: {  	s8 =	sadd.s32 s9, s8;
	s9 =	smax.u32 s31, $0x1;
	[sflag:s4] =	ssyncadd.s32 $0xFFFFFC00  }
0xc: {  	[tilespmem:s6], [sflag:$0x1] =	stream.indirect.gather [hbm4b:s2+s6], $0x10, s3, s6, $0xb8;
	[tilespmem:$0x4400] =	vst v63  }
0xd: {  	p0 =	sne.s32 s9, $0x1;
	_ =	swait.ge [sflag:s7], $0x4000  }
.Ltmp0:
0xe: {  	[sflag:s7] =	ssyncset.done $0x0;
	(pc) =	sbr.rel @!p0 .LBB2_2-.Ltmp0, $4  }
0xf: {  	s8 =	sadd.s32 $0x124000, s8;
	[sflag:s7] =	ssyncadd.s32 $0xFFFFC000  }
0x10: {  	[hbm4b:s8+s3] =	stream.linear.scatter [tilespmem:s6], [sflag:$0x2], $0x4000, $0x38;
	[tilespmem:$0x4400] =	vst v63  }
0x11: {  	_ =	swait.ge [sflag:s4], $0x4000  }
0x12: {  	s9 =	sadd.s32 $0xFFFFFFFF, s9;
	[sflag:s4] =	ssyncset.done $0x0  }
.LBB2_1:
0x13: {  	p0 =	sne.s32 s9, $0x1;
	s9 =	sadd.s32 $0xFFFFFFFF, s9;
	[sflag:s4] =	ssyncadd.s32 $0xFFFFC000  }
0x14: {  	[tilespmem:s3], [sflag:$0x2] =	stream.linear.gather [hbm4b:s5+s3], $0x400, $0x38;
	[tilespmem:$0x4400] =	vst v63  }
0x15: {  	_ =	swait.ge [sflag:s4], $0x400  }
0x16: {  	[sflag:s4] =	ssyncset.done $0x0  }
0x17: {  	[sflag:s4] =	ssyncadd.s32 $0xFFFFFC00  }
0x18: {  	[tilespmem:s6], [sflag:$0x1] =	stream.indirect.gather [hbm4b:s2+s6], $0x10, s3, s6, $0xb8;
	[tilespmem:$0x4400] =	vst v63  }
0x19: {  	_ =	swait.ge [sflag:s7], $0x4000  }
.Ltmp1:
0x1a: {  	[sflag:s7] =	ssyncset.done $0x0;
	(pc) =	sbr.rel @p0 .LBB2_1-.Ltmp1, $4  }
0x1b: {  	[sflag:s7] =	ssyncadd.s32 $0xFFFFC000  }
0x1c: {  	[hbm4b:s8+s3] =	stream.linear.scatter [tilespmem:s6], [sflag:$0x2], $0x4000, $0x38;
	[tilespmem:$0x4400] =	vst v63  }
0x1d: {  	_ =	swait.ge [sflag:s4], $0x4000  }
0x1e: {  	[sflag:s4] =	ssyncset.done $0x0  }
.LBB2_2:
0x1f: {  	[sflag:s4] =	ssyncadd.s32 $0xFFFFC000  }
0x20: {  	_ =	sfence.sel $0x180000  }
0x21: {  	[bflag:$0x0] =	sbarrier.arrive $0xFFFF  }
0x22: {  	p0 =	sne.s32 s0, $0x0;
	_ =	strace $0x9000004D  }
0x23: {  	s0 =	sadd.s32 @!p0 $0x100000, s1;
	[bflag:$0x2] =	sbarrier.arrive $0xFFFF  }
0x24: {  	[sflag:s0] =	ssyncadd.tile.s32 @!p0 $0x1;
	_ =	shalt  }
.Lfunc_end2:
_tile_overlayer_lowered:
.L_overlay_start_2:
0x25: {  	(tag) =	ssettag $0x2  }
0x26: {  	s0 =	rddreg [dreg:$0x0];
	s2 =	stileid.u32  }
0x27: {  	s1 =	rddreg [dreg:$0x1];
	p0 =	sne.s32 s2, $0x0  }
0x28: {  	s3 =	rddreg [dreg:$0x2];
	[bflag:$0x3] =	sbarrier.arrive $0xFFFF;
	s2 =	simm.s32 @!p0 $0x1C02  }
0x29: {  	[timem:s3], [sflag:s2] =	dma.local @!p0 [hbm:s0], s1  }
0x2a: {  	s0 =	simm.s32 @!p0 $0x2  }
0x2b: {  	_ =	swait.ge @!p0 [sflag:s0], s1  }
0x2c: {  	s1 =	ssub.s32 @!p0 $0x0, s1;
	[sflag:s0] =	ssyncset.done @!p0 $0x0  }
0x2d: {  	[sflag:s0] =	ssyncadd.s32 @!p0 s1  }
0x2e: {  	[bflag:$0x3] =	sbarrier.arrive $0xFFFF  }
0x2f: {  	_ =	shalt  }

// kernel: kernel.29.cloned.1.call-start
scs
__scs_entry_jumppad:
0x0: {  	(pc) =	sbr.rel $0x88, $3  }
0x1: {  	(tag) =	ssettag $0x0;
	lr =	simm.s32 $0x1  }
0x2: {  	[smem:$0x3F91] =	sst lr;
	_ =	strace $0xD0000000  }
0x3: {  	_ = 	snop  }
0x4: {  	_ = 	snop  }
0x5: {  	_ = 	snop  }
0x6: {  	_ = 	snop  }
0x7: {  	_ = 	snop  }
__scs_overlays_trampoline_lowered:
0x8: {  	[smem:$0x3FA0] =	sst s0  }
0x9: {  	[smem:$0x3FA1] =	sst s1  }
0xa: {  	[smem:$0x3FA2] =	sst s2  }
0xb: {  	[smem:$0x3FA3] =	sst s3  }
0xc: {  	[smem:$0x3FA4] =	sst s4  }
0xd: {  	[smem:$0x3FA5] =	sst s5  }
0xe: {  	[smem:$0x3FA6] =	sst s6  }
0xf: {  	[smem:$0x3FA7] =	sst s7  }
0x10: {  	[smem:$0x3FA8] =	sst s8  }
0x11: {  	[smem:$0x3FA9] =	sst s9;
	s0 =	simm.s32 @!p0 $0x0  }
0x12: {  	s1 =	sld [smem:$0x3F8F];
	s0 =	simm.s32 @p0 $0x1  }
0x13: {  	[smem:$0x3FAA] =	sst s0;
	s0 =	simm.s32 @!p1 $0x0  }
0x14: {  	s2 =	sld [smem:$0x3F8E];
	s0 =	simm.s32 @p1 $0x1  }
0x15: {  	[smem:$0x3FAB] =	sst s0;
	s0 =	simm.s32 @!p2 $0x0  }
0x16: {  	s3 =	sld [smem:$0x3FDB];
	s0 =	simm.s32 @p2 $0x1  }
0x17: {  	s4 =	simm.s32 $0x1BF5;
	[smem:$0x3FAD] =	sst s0  }
0x18: {  	s0 =	sld [smem:$0x3F90];
	_ =	swait.ge [sflag:s4], $0x0  }
0x19: {  	s7 =	sld [smem:$0x3F91]  }
0x1a: {  	s8 =	sadd.s32 $0xFFFFE003, lr  }
0x1b: {  	s9 =	sadd.s32 $0xFFFFFEF7, lr;
	s5 =	simm.s32 $0xFFFFFFFF;
	p2 =	slt.u32 s8, $0xFFFFF086  }
0x1c: {  	p1 =	slt.u32 s9, $0xF7A;
	s5 =	simm.s32 @!p2 $0x0  }
0x1d: {  	s5 =	simm.s32 @p1 $0x1;
	p0 =	seq.s32 s7, s2  }
0x1e: {  	s7 =	smul.u32 @!p0 $0xF7A, s2;
	p2 =	seq.s32 @!p0 s5, $0x0  }
0x1f: {  	s9 =	smul.u32 $0xF7A, s1;
	s8 =	simm.s32 @!p0 $0x1BF5;
	p2 =	por !p2, p0  }
0x20: {  	[sflag:s8] =	ssyncset.s32 @!p0 $0xFFFFF086;
	s6 =	sadd.s32 @!p0 s3, s7;
	s7 =	simm.s32 @!p0 $0x108  }
0x21: {  	s3 =	sadd.s32 s3, s9;
	s6 =	sadd.s32 @!p0 $0x88, s6;
	s7 =	simm.s32 @p2 $0x1082  }
0x22: {  	[simem:s7], [sflag:s8] =	dma.local @!p0 [hbm:s6], $0xF7A  }
0x23: {  	s9 =	sor.u32 $0xD0000000, s2;
	s6 =	simm.s32 $0x108;
	_ =	swait.ge @!p0 [sflag:s8], $0x0  }
0x24: {  	s3 =	sadd.s32 $0x88, s3;
	s6 =	simm.s32 @!p1 $0x1082;
	[sflag:s4] =	ssyncset.s32 $0xFFFFF086  }
0x25: {  	[simem:s6], [sflag:s4] =	dma.local [hbm:s3], $0xF7A  }
0x26: {  	[smem:$0x3F91] =	sst s1;
	(tag) =	ssettag s2;
	_ =	strace s9  }
0x27: {  	s1 =	sld [smem:$0x3FA1]  }
0x28: {  	s2 =	sld [smem:$0x3FA2]  }
0x29: {  	s4 =	sld [smem:$0x3FA4]  }
0x2a: {  	p0 =	seq.s32 s5, $0x0;
	s5 =	sld [smem:$0x3FA5]  }
0x2b: {  	s6 =	sld [smem:$0x3FA6]  }
0x2c: {  	s7 =	sld [smem:$0x3FA7]  }
0x2d: {  	s3 =	simm.s32 $0x108;
	s8 =	sld [smem:$0x3FA8]  }
0x2e: {  	s3 =	simm.s32 @!p0 $0x1082;
	s9 =	sld [smem:$0x3FA9]  }
0x2f: {  	lr =	sadd.s32 s0, s3;
	s0 =	sld [smem:$0x3FA0]  }
0x30: {  	s3 =	sld [smem:$0x3FA3]  }
0x31: {  	[smem:$0x3FAC] =	sst s10  }
0x32: {  	s10 =	sld [smem:$0x3FAA];
	_ =	sdelay $0x3  }
0x33: {  	p0 =	seq.s32 s10, $0x1;
	s10 =	sld [smem:$0x3FAC];
	_ =	sdelay $0x3  }
0x34: {  	[smem:$0x3FAC] =	sst s10  }
0x35: {  	s10 =	sld [smem:$0x3FAB];
	_ =	sdelay $0x3  }
0x36: {  	p1 =	seq.s32 s10, $0x1;
	s10 =	sld [smem:$0x3FAC];
	_ =	sdelay $0x3  }
0x37: {  	[smem:$0x3FAC] =	sst s10  }
0x38: {  	s10 =	sld [smem:$0x3FAD]  }
0x39: {  	_ = 	snop;
	(pc) =	sbr.ind lr, $3  }
0x3a: {  	_ = 	snop  }
0x3b: {  	_ = 	snop  }
0x3c: {  	p2 =	seq.s32 s10, $0x1;
	s10 =	sld [smem:$0x3FAC]  }
0x3d: {  	_ =	shalt  }
0x3e: {  	_ =	shalt  }
0x3f: {  	_ =	shalt  }
0x40: {  	_ =	shalt  }
0x41: {  	_ =	shalt  }
0x42: {  	_ =	shalt  }
0x43: {  	_ =	shalt  }
0x44: {  	_ =	shalt  }
0x45: {  	_ =	shalt  }
0x46: {  	_ =	shalt  }
0x47: {  	_ =	shalt  }
0x48: {  	_ =	shalt  }
0x49: {  	_ =	shalt  }
0x4a: {  	_ =	shalt  }
0x4b: {  	_ =	shalt  }
0x4c: {  	_ =	shalt  }
0x4d: {  	_ =	shalt  }
0x4e: {  	_ =	shalt  }
0x4f: {  	_ =	shalt  }
0x50: {  	_ =	shalt  }
0x51: {  	_ =	shalt  }
0x52: {  	_ =	shalt  }
0x53: {  	_ =	shalt  }
0x54: {  	_ =	shalt  }
0x55: {  	_ =	shalt  }
0x56: {  	_ =	shalt  }
0x57: {  	_ =	shalt  }
0x58: {  	_ =	shalt  }
0x59: {  	_ =	shalt  }
0x5a: {  	_ =	shalt  }
0x5b: {  	_ =	shalt  }
0x5c: {  	_ =	shalt  }
0x5d: {  	_ =	shalt  }
0x5e: {  	_ =	shalt  }
0x5f: {  	_ =	shalt  }
0x60: {  	_ =	shalt  }
0x61: {  	_ =	shalt  }
0x62: {  	_ =	shalt  }
0x63: {  	_ =	shalt  }
0x64: {  	_ =	shalt  }
0x65: {  	_ =	shalt  }
0x66: {  	_ =	shalt  }
0x67: {  	_ =	shalt  }
0x68: {  	_ =	shalt  }
0x69: {  	_ =	shalt  }
0x6a: {  	_ =	shalt  }
0x6b: {  	_ =	shalt  }
0x6c: {  	_ =	shalt  }
0x6d: {  	_ =	shalt  }
0x6e: {  	_ =	shalt  }
0x6f: {  	_ =	shalt  }
0x70: {  	_ =	shalt  }
0x71: {  	_ =	shalt  }
0x72: {  	_ =	shalt  }
0x73: {  	_ =	shalt  }
0x74: {  	_ =	shalt  }
0x75: {  	_ =	shalt  }
0x76: {  	_ =	shalt  }
0x77: {  	_ =	shalt  }
0x78: {  	_ =	shalt  }
0x79: {  	_ =	shalt  }
0x7a: {  	_ =	shalt  }
0x7b: {  	_ =	shalt  }
0x7c: {  	_ =	shalt  }
0x7d: {  	_ =	shalt  }
0x7e: {  	_ =	shalt  }
0x7f: {  	_ =	shalt  }
0x80: {  	_ =	shalt  }
0x81: {  	_ =	shalt  }
0x82: {  	_ =	shalt  }
0x83: {  	_ =	shalt  }
0x84: {  	_ =	shalt  }
0x85: {  	_ =	shalt  }
0x86: {  	_ =	shalt  }
0x87: {  	_ =	shalt  }
.Lfunc_end0:
.L_simem_size_0:
called_computation.4_lowered:
.L_overlay_start_0:
0x88: {  	s2 =	sld [smem:$0x3FD9]  }
0x89: {  	s3 =	sld [smem:$0x3FFE];
	_ =	sdelay $0x1  }
0x8a: {  	s1 =	srdreg.scid  }
0x8b: {  	s0 =	sand.u32 $0x1, s1  }
0x8c: {  	s17 =	sshll.u32 s0, $0xA;
	s2 =	sadd.s32 s3, s2  }
0x8d: {  	s2 =	sadd.s32 s2, s17  }
0x8e: {  	[smem:$0x3FB8] =	sst s2  }
0x8f: {  	_ = 	snop  }
0x90: {  	(tm) =	ssettm $0x1  }
0x91: {  	s18 =	sld [smem:$0x3FFB];
	_ =	sdelay $0x3  }
0x92: {  	_ =	strace s18  }
0x93: {  	s2 =	sld [smem:$0x3FFC];
	_ =	sdelay $0x3  }
0x94: {  	_ =	strace s2  }
0x95: {  	s2 =	sld [smem:$0x3FFD];
	_ =	sdelay $0x3  }
0x96: {  	_ =	strace s2  }
0x97: {  	_ =	strace $0x8FFFFFFF  }
0x98: {  	s19 =	sld [smem:$0x3FDB];
	_ =	sdelay $0x1  }
0x99: {  	s20 =	simm.s32 $_scs_section_size  }
0x9a: {  	s4 =	simm.s32 $_size__tile_overlayer_lowered;
	s5 =	simm.s32 $_tile_overlayer_lowered  }
0x9b: {  	s6 =	simm.s32 $0x1BFF;
	s21 =	sshll.u32 s5, $0x1;
	s3 =	sadd.s32 s20, s19  }
0x9c: {  	s22 =	simm.s32 $0x0;
	s4 =	sshll.u32 s4, $0x1;
	s5 =	sadd.s32 s21, s3  }
0x9d: {  	[timem:s22], [sflag:s6] =	dma.local [hbm:s5], s4  }
0x9e: {  	_ =	swait.ge [sflag:s6], s4  }
0x9f: {  	s4 =	ssub.s32 $0x0, s4;
	[sflag:s6] =	ssyncset.done $0x0  }
0xa0: {  	[sflag:s6] =	ssyncadd.s32 s4;
	_ =	sdelay $0x1  }
0xa1: {  	s23 =	simm.s32 $0x1B8B  }
0xa2: {  	_ =	swait.ge [sflag:s23], $0x1  }
0xa3: {  	[sflag:s23] =	ssyncset.done $0x0  }
0xa4: {  	[sflag:s23] =	ssyncadd.s32 $0xFFFFFFFF  }
0xa5: {  	s4 =	sld [smem:$0x0]  }
0xa6: {  	s5 =	sand.u32 $0xFFFFFFFE, s1  }
0xa7: {  	p0 =	sne.s32 s1, s5  }
0xa8: {  	s5 =	sshll.u32 @p0 s5, $0xE  }
0xa9: {  	s5 =	sadd.s32 @p0 $0x11B8D, s5;
	s6 =	sshll.u32 @p0 s4, $0x11  }
0xaa: {  	s5 =	sor.u32 @p0 s6, s5  }
0xab: {  	[sflag:s5] =	ssyncadd.remote.s32 @p0 $0x1;
	_ =	sdelay $0x1  }
0xac: {  	s5 =	simm.s32 @p0 $0x1B8D  }
0xad: {  	_ =	swait.eq @p0 [sflag:s5], $0x1  }
0xae: {  	[sflag:s5] =	ssyncadd.s32 @p0 $0xFFFFFFFF  }
0xaf: {  	s6 =	sshll.u32 @!p0 s1, $0xE  }
0xb0: {  	s6 =	sor.u32 @!p0 $0x4000, s6;
	s5 =	simm.s32 @!p0 $0x1B8D  }
0xb1: {  	s4 =	sshll.u32 @!p0 s4, $0x11;
	s6 =	sadd.s32 @!p0 $0x11B8D, s6;
	_ =	swait.eq @!p0 [sflag:s5], $0x1  }
0xb2: {  	s4 =	sor.u32 @!p0 s4, s6;
	[sflag:s5] =	ssyncadd.s32 @!p0 $0xFFFFFFFF  }
0xb3: {  	s25 =	simm.s32 $0x1B8E;
	s24 =	sld [smem:$0x3FFE];
	[sflag:s4] =	ssyncadd.remote.s32 @!p0 $0x1  }
0xb4: {  	s26 =	simm.s32 $execute0_lowered;
	[smem:$0x3FD2] =	sst s25  }
0xb5: {  	s5 =	sshll.u32 s26, $0x1;
	_ =	strace $0x80000049;
	[dreg:$0x1] =	wrdreg $0xFFFFFFFF  }
0xb6: {  	s28 =	simm.s32 $_size_execute0_lowered;
	s3 =	sadd.s32 s3, s5;
	[dreg:$0x0] =	wrdreg $0x0  }
0xb7: {  	s5 =	sshll.u32 s28, $0x1;
	[dreg:$0x2] =	wrdreg s3  }
0xb8: {  	[dreg:$0x3] =	wrdreg s5  }
0xb9: {  	[dreg:$0x4] =	wrdreg $0xC0  }
0xba: {  	_ =	task [dreg:s22], $0x5FFFF  }
0xbb: {  	[dreg:$0x1] =	wrdreg $0xFFFFFFFF  }
0xbc: {  	[dreg:$0x0] =	wrdreg $0x60  }
0xbd: {  	[dreg:$0x2] =	wrdreg s24  }
0xbe: {  	[dreg:$0x3] =	wrdreg $0x9  }
0xbf: {  	_ =	task.clear_ibuf [dreg:s22], $0x4FFFF;
	_ =	strace $0x90000049  }
0xc0: {  	s29 =	simm.s32 $0x9;
	_ =	strace $0x8000004B  }
0xc1: {  	_ =	swait.ge [sflag:s29], $0x1  }
0xc2: {  	[sflag:s29] =	ssyncadd.s32 $0xFFFFFFFF  }
0xc3: {  	_ =	strace $0x9000004B  }
0xc4: {  	_ =	sfence  }
0xc5: {  	s30 =	sld [smem:$0x0];
	_ =	sdelay $0x2  }
0xc6: {  	s31 =	sshll.u32 s1, $0xD;
	s1 =	sshrl.u32 s1, $0x2  }
0xc7: {  	s4 =	sand.u32 $0x4000, s31;
	s1 =	sadd.s32 s1, s30  }
0xc8: {  	s0 =	sor.u32 s4, s0;
	s1 =	sshll.u32 s1, $0x11  }
0xc9: {  	s0 =	sor.u32 s1, s0  }
0xca: {  	s0 =	sadd.s32 $0x8F2B, s0  }
0xcb: {  	[sflag:s0] =	ssyncadd.remote.s32 $0x1  }
0xcc: {  	_ =	sfence.sel $0xFFFF  }
0xcd: {  	[dreg:$0x0] =	wrdreg $0xFFFFFFFF;
	(pc) =	sbr.abs _section_cstart, $3  }
0xce: {  	[dreg:$0x1] =	wrdreg $0xFFFFFFFF  }
0xcf: {  	_ =	task.clear_ibuf [dreg:s22], $0x2FFFF;
	_ =	strace $0x9FFFFFFF  }
0xd0: {  	(tm) =	ssettm $0x7FFFFFFF  }
0xd1: {  	_ =	shalt  }
tec
execute0_lowered:
.L_overlay_start_1:
0x0: {  	(tag) =	ssettag $0x1  }
0x1: {  	s1 =	srdreg.scid  }
0x2: {  	s0 =	stileid.u32;
	s13 =	sand.u32 $0x1, s1  }
0x3: {  	s31 =	sshll.u32 s0, $0xB;
	s2 =	sshll.u32 s13, $0xA  }
0x4: {  	s9 =	rddreg [dreg:$0x0];
	s10 =	sor.u32 s2, s31  }
0x5: {  	s1 =	rddreg [dreg:$0x1];
	s2 =	simm.s32 $0x0;
	s3 =	sshrl.u32 s10, $0x3  }
0x6: {  	[smem:$0x7FF] =	sst s2;
	s3 =	sadd.s32 s3, s9  }
0x7: {  	_ =	strace $0x8000004A;
	s4 =	sadd.s32 $0x1D600, s3;
	s3 =	simm.s32 $0x2  }
0x8: {  	[tilespmem:s2], [sflag:$0x2] =	stream.linear.gather [hbm4b:s4+s2], $0x400, $0x38;
	[tilespmem:$0x10400] =	vst v63  }
0x9: {  	_ =	swait.ge [sflag:s3], $0x400  }
0xa: {  	s6 =	simm.s32 $0x100;
	s7 =	simm.s32 $0x400;
	[sflag:s3] =	ssyncset.done $0x0  }
0xb: {  	s8 =	simm.s32 $0x1;
	s5 =	sadd.s32 $0x15600, s9;
	[sflag:s3] =	ssyncadd.s32 $0xFFFFFC00  }
0xc: {  	[tilespmem:s7], [sflag:$0x1] =	stream.indirect.gather [hbm4b:s5+s6], $0x100, s2, s6, $0xb8;
	[tilespmem:$0x10400] =	vst v63  }
0xd: {  	s10 =	sshll.u32 s10, $0x5;
	_ =	swait.ge [sflag:s8], $0x10000  }
0xe: {  	s14 =	sadd.s32 s10, s9;
	[sflag:s8] =	ssyncset.done $0x0  }
0xf: {  	s9 =	sadd.s32 $0x24000, s14;
	[sflag:s8] =	ssyncadd.s32 $0xFFFF0000  }
0x10: {  	[hbm4b:s9+s2] =	stream.linear.scatter [tilespmem:s7], [sflag:$0x2], $0x10000, $0x38;
	[tilespmem:$0x10400] =	vst v63  }
0x11: {  	_ =	swait.ge [sflag:s3], $0x10000  }
0x12: {  	[sflag:s3] =	ssyncset.done $0x0  }
0x13: {  	[sflag:s3] =	ssyncadd.s32 $0xFFFF0000  }
0x14: {  	[tilespmem:s7], [sflag:$0x1] =	stream.indirect.gather [hbm4b:s5+s6], $0x100, s6, s6, $0xb8;
	[tilespmem:$0x10400] =	vst v63  }
0x15: {  	_ =	swait.ge [sflag:s8], $0x10000  }
0x16: {  	[sflag:s8] =	ssyncset.done $0x0  }
0x17: {  	s10 =	sadd.s32 $0x26000, s14;
	[sflag:s8] =	ssyncadd.s32 $0xFFFF0000  }
0x18: {  	[hbm4b:s10+s2] =	stream.linear.scatter [tilespmem:s7], [sflag:$0x2], $0x10000, $0x38;
	[tilespmem:$0x10400] =	vst v63  }
0x19: {  	_ =	swait.ge [sflag:s3], $0x10000  }
0x1a: {  	[sflag:s3] =	ssyncset.done $0x0  }
0x1b: {  	s11 =	simm.s32 $0x200;
	[sflag:s3] =	ssyncadd.s32 $0xFFFF0000  }
0x1c: {  	[tilespmem:s7], [sflag:$0x1] =	stream.indirect.gather [hbm4b:s5+s6], $0x100, s11, s6, $0xb8;
	[tilespmem:$0x10400] =	vst v63  }
0x1d: {  	_ =	swait.ge [sflag:s8], $0x10000  }
0x1e: {  	[sflag:s8] =	ssyncset.done $0x0  }
0x1f: {  	s15 =	ssub.s32 $0x2, s13;
	s12 =	sadd.s32 $0x28000, s14;
	[sflag:s8] =	ssyncadd.s32 $0xFFFF0000  }
0x20: {  	[hbm4b:s12+s2] =	stream.linear.scatter [tilespmem:s7], [sflag:$0x2], $0x10000, $0x38;
	[tilespmem:$0x10400] =	vst v63  }
0x21: {  	s16 =	sshrl.u32 s15, $0x1;
	_ =	swait.ge [sflag:s3], $0x10000  }
0x22: {  	s15 =	ssub.s32 s15, s16;
	[sflag:s3] =	ssyncset.done $0x0  }
0x23: {  	s13 =	simm.s32 $0x300;
	s15 =	smax.u32 s15, $0x1;
	[sflag:s3] =	ssyncadd.s32 $0xFFFF0000  }
0x24: {  	[tilespmem:s7], [sflag:$0x1] =	stream.indirect.gather [hbm4b:s5+s6], $0x100, s13, s6, $0xb8;
	[tilespmem:$0x10400] =	vst v63  }
0x25: {  	p0 =	sne.s32 s15, $0x1;
	_ =	swait.ge [sflag:s8], $0x10000  }
.Ltmp0:
0x26: {  	[sflag:s8] =	ssyncset.done $0x0;
	(pc) =	sbr.rel @!p0 .LBB2_2-.Ltmp0, $4  }
0x27: {  	s14 =	sadd.s32 $0x2A000, s14;
	[sflag:s8] =	ssyncadd.s32 $0xFFFF0000  }
0x28: {  	[hbm4b:s14+s2] =	stream.linear.scatter [tilespmem:s7], [sflag:$0x2], $0x10000, $0x38;
	[tilespmem:$0x10400] =	vst v63  }
0x29: {  	_ =	swait.ge [sflag:s3], $0x10000  }
0x2a: {  	s15 =	sadd.s32 $0xFFFFFFFF, s15;
	[sflag:s3] =	ssyncset.done $0x0  }
.LBB2_1:
0x2b: {  	p0 =	sne.s32 s15, $0x1;
	s15 =	sadd.s32 $0xFFFFFFFF, s15;
	[sflag:s3] =	ssyncadd.s32 $0xFFFF0000  }
0x2c: {  	[tilespmem:s2], [sflag:$0x2] =	stream.linear.gather [hbm4b:s4+s2], $0x400, $0x38;
	[tilespmem:$0x10400] =	vst v63  }
0x2d: {  	_ =	swait.ge [sflag:s3], $0x400  }
0x2e: {  	[sflag:s3] =	ssyncset.done $0x0  }
0x2f: {  	[sflag:s3] =	ssyncadd.s32 $0xFFFFFC00  }
0x30: {  	[tilespmem:s7], [sflag:$0x1] =	stream.indirect.gather [hbm4b:s5+s6], $0x100, s2, s6, $0xb8;
	[tilespmem:$0x10400] =	vst v63  }
0x31: {  	_ =	swait.ge [sflag:s8], $0x10000  }
0x32: {  	[sflag:s8] =	ssyncset.done $0x0  }
0x33: {  	[sflag:s8] =	ssyncadd.s32 $0xFFFF0000  }
0x34: {  	[hbm4b:s9+s2] =	stream.linear.scatter [tilespmem:s7], [sflag:$0x2], $0x10000, $0x38;
	[tilespmem:$0x10400] =	vst v63  }
0x35: {  	_ =	swait.ge [sflag:s3], $0x10000  }
0x36: {  	[sflag:s3] =	ssyncset.done $0x0  }
0x37: {  	[sflag:s3] =	ssyncadd.s32 $0xFFFF0000  }
0x38: {  	[tilespmem:s7], [sflag:$0x1] =	stream.indirect.gather [hbm4b:s5+s6], $0x100, s6, s6, $0xb8;
	[tilespmem:$0x10400] =	vst v63  }
0x39: {  	_ =	swait.ge [sflag:s8], $0x10000  }
0x3a: {  	[sflag:s8] =	ssyncset.done $0x0  }
0x3b: {  	[sflag:s8] =	ssyncadd.s32 $0xFFFF0000  }
0x3c: {  	[hbm4b:s10+s2] =	stream.linear.scatter [tilespmem:s7], [sflag:$0x2], $0x10000, $0x38;
	[tilespmem:$0x10400] =	vst v63  }
0x3d: {  	_ =	swait.ge [sflag:s3], $0x10000  }
0x3e: {  	[sflag:s3] =	ssyncset.done $0x0  }
0x3f: {  	[sflag:s3] =	ssyncadd.s32 $0xFFFF0000  }
0x40: {  	[tilespmem:s7], [sflag:$0x1] =	stream.indirect.gather [hbm4b:s5+s6], $0x100, s11, s6, $0xb8;
	[tilespmem:$0x10400] =	vst v63  }
0x41: {  	_ =	swait.ge [sflag:s8], $0x10000  }
0x42: {  	[sflag:s8] =	ssyncset.done $0x0  }
0x43: {  	[sflag:s8] =	ssyncadd.s32 $0xFFFF0000  }
0x44: {  	[hbm4b:s12+s2] =	stream.linear.scatter [tilespmem:s7], [sflag:$0x2], $0x10000, $0x38;
	[tilespmem:$0x10400] =	vst v63  }
0x45: {  	_ =	swait.ge [sflag:s3], $0x10000  }
0x46: {  	[sflag:s3] =	ssyncset.done $0x0  }
0x47: {  	[sflag:s3] =	ssyncadd.s32 $0xFFFF0000  }
0x48: {  	[tilespmem:s7], [sflag:$0x1] =	stream.indirect.gather [hbm4b:s5+s6], $0x100, s13, s6, $0xb8;
	[tilespmem:$0x10400] =	vst v63  }
0x49: {  	_ =	swait.ge [sflag:s8], $0x10000  }
.Ltmp1:
0x4a: {  	[sflag:s8] =	ssyncset.done $0x0;
	(pc) =	sbr.rel @p0 .LBB2_1-.Ltmp1, $4  }
0x4b: {  	[sflag:s8] =	ssyncadd.s32 $0xFFFF0000  }
0x4c: {  	[hbm4b:s14+s2] =	stream.linear.scatter [tilespmem:s7], [sflag:$0x2], $0x10000, $0x38;
	[tilespmem:$0x10400] =	vst v63  }
0x4d: {  	_ =	swait.ge [sflag:s3], $0x10000  }
0x4e: {  	[sflag:s3] =	ssyncset.done $0x0  }
.LBB2_2:
0x4f: {  	[sflag:s3] =	ssyncadd.s32 $0xFFFF0000  }
0x50: {  	_ =	sfence.sel $0x180000  }
0x51: {  	[bflag:$0x0] =	sbarrier.arrive $0xFFFF  }
0x52: {  	p0 =	sne.s32 s0, $0x0;
	_ =	strace $0x9000004A  }
0x53: {  	s0 =	sadd.s32 @!p0 $0x100000, s1;
	[bflag:$0x2] =	sbarrier.arrive $0xFFFF  }
0x54: {  	[sflag:s0] =	ssyncadd.tile.s32 @!p0 $0x1;
	_ =	shalt  }
.Lfunc_end2:
_tile_overlayer_lowered:
.L_overlay_start_2:
0x55: {  	(tag) =	ssettag $0x2  }
0x56: {  	s0 =	rddreg [dreg:$0x0];
	s2 =	stileid.u32  }
0x57: {  	s1 =	rddreg [dreg:$0x1];
	p0 =	sne.s32 s2, $0x0  }
0x58: {  	s3 =	rddreg [dreg:$0x2];
	[bflag:$0x3] =	sbarrier.arrive $0xFFFF;
	s2 =	simm.s32 @!p0 $0x1C02  }
0x59: {  	[timem:s3], [sflag:s2] =	dma.local @!p0 [hbm:s0], s1  }
0x5a: {  	s0 =	simm.s32 @!p0 $0x2  }
0x5b: {  	_ =	swait.ge @!p0 [sflag:s0], s1  }
0x5c: {  	s1 =	ssub.s32 @!p0 $0x0, s1;
	[sflag:s0] =	ssyncset.done @!p0 $0x0  }
0x5d: {  	[sflag:s0] =	ssyncadd.s32 @!p0 s1  }
0x5e: {  	[bflag:$0x3] =	sbarrier.arrive $0xFFFF  }
0x5f: {  	_ =	shalt  }

// kernel: kernel.32.cloned.1.call-start
scs
__scs_entry_jumppad:
0x0: {  	(pc) =	sbr.rel $0x88, $3  }
0x1: {  	(tag) =	ssettag $0x0;
	lr =	simm.s32 $0x1  }
0x2: {  	[smem:$0x3F91] =	sst lr;
	_ =	strace $0xD0000000  }
0x3: {  	_ = 	snop  }
0x4: {  	_ = 	snop  }
0x5: {  	_ = 	snop  }
0x6: {  	_ = 	snop  }
0x7: {  	_ = 	snop  }
__scs_overlays_trampoline_lowered:
0x8: {  	[smem:$0x3FA0] =	sst s0  }
0x9: {  	[smem:$0x3FA1] =	sst s1  }
0xa: {  	[smem:$0x3FA2] =	sst s2  }
0xb: {  	[smem:$0x3FA3] =	sst s3  }
0xc: {  	[smem:$0x3FA4] =	sst s4  }
0xd: {  	[smem:$0x3FA5] =	sst s5  }
0xe: {  	[smem:$0x3FA6] =	sst s6  }
0xf: {  	[smem:$0x3FA7] =	sst s7  }
0x10: {  	[smem:$0x3FA8] =	sst s8  }
0x11: {  	[smem:$0x3FA9] =	sst s9;
	s0 =	simm.s32 @!p0 $0x0  }
0x12: {  	s1 =	sld [smem:$0x3F8F];
	s0 =	simm.s32 @p0 $0x1  }
0x13: {  	[smem:$0x3FAA] =	sst s0;
	s0 =	simm.s32 @!p1 $0x0  }
0x14: {  	s2 =	sld [smem:$0x3F8E];
	s0 =	simm.s32 @p1 $0x1  }
0x15: {  	[smem:$0x3FAB] =	sst s0;
	s0 =	simm.s32 @!p2 $0x0  }
0x16: {  	s3 =	sld [smem:$0x3FDB];
	s0 =	simm.s32 @p2 $0x1  }
0x17: {  	s4 =	simm.s32 $0x1BF5;
	[smem:$0x3FAD] =	sst s0  }
0x18: {  	s0 =	sld [smem:$0x3F90];
	_ =	swait.ge [sflag:s4], $0x0  }
0x19: {  	s7 =	sld [smem:$0x3F91]  }
0x1a: {  	s8 =	sadd.s32 $0xFFFFE003, lr  }
0x1b: {  	s9 =	sadd.s32 $0xFFFFFEF7, lr;
	s5 =	simm.s32 $0xFFFFFFFF;
	p2 =	slt.u32 s8, $0xFFFFF086  }
0x1c: {  	p1 =	slt.u32 s9, $0xF7A;
	s5 =	simm.s32 @!p2 $0x0  }
0x1d: {  	s5 =	simm.s32 @p1 $0x1;
	p0 =	seq.s32 s7, s2  }
0x1e: {  	s7 =	smul.u32 @!p0 $0xF7A, s2;
	p2 =	seq.s32 @!p0 s5, $0x0  }
0x1f: {  	s9 =	smul.u32 $0xF7A, s1;
	s8 =	simm.s32 @!p0 $0x1BF5;
	p2 =	por !p2, p0  }
0x20: {  	[sflag:s8] =	ssyncset.s32 @!p0 $0xFFFFF086;
	s6 =	sadd.s32 @!p0 s3, s7;
	s7 =	simm.s32 @!p0 $0x108  }
0x21: {  	s3 =	sadd.s32 s3, s9;
	s6 =	sadd.s32 @!p0 $0x88, s6;
	s7 =	simm.s32 @p2 $0x1082  }
0x22: {  	[simem:s7], [sflag:s8] =	dma.local @!p0 [hbm:s6], $0xF7A  }
0x23: {  	s9 =	sor.u32 $0xD0000000, s2;
	s6 =	simm.s32 $0x108;
	_ =	swait.ge @!p0 [sflag:s8], $0x0  }
0x24: {  	s3 =	sadd.s32 $0x88, s3;
	s6 =	simm.s32 @!p1 $0x1082;
	[sflag:s4] =	ssyncset.s32 $0xFFFFF086  }
0x25: {  	[simem:s6], [sflag:s4] =	dma.local [hbm:s3], $0xF7A  }
0x26: {  	[smem:$0x3F91] =	sst s1;
	(tag) =	ssettag s2;
	_ =	strace s9  }
0x27: {  	s1 =	sld [smem:$0x3FA1]  }
0x28: {  	s2 =	sld [smem:$0x3FA2]  }
0x29: {  	s4 =	sld [smem:$0x3FA4]  }
0x2a: {  	p0 =	seq.s32 s5, $0x0;
	s5 =	sld [smem:$0x3FA5]  }
0x2b: {  	s6 =	sld [smem:$0x3FA6]  }
0x2c: {  	s7 =	sld [smem:$0x3FA7]  }
0x2d: {  	s3 =	simm.s32 $0x108;
	s8 =	sld [smem:$0x3FA8]  }
0x2e: {  	s3 =	simm.s32 @!p0 $0x1082;
	s9 =	sld [smem:$0x3FA9]  }
0x2f: {  	lr =	sadd.s32 s0, s3;
	s0 =	sld [smem:$0x3FA0]  }
0x30: {  	s3 =	sld [smem:$0x3FA3]  }
0x31: {  	[smem:$0x3FAC] =	sst s10  }
0x32: {  	s10 =	sld [smem:$0x3FAA];
	_ =	sdelay $0x3  }
0x33: {  	p0 =	seq.s32 s10, $0x1;
	s10 =	sld [smem:$0x3FAC];
	_ =	sdelay $0x3  }
0x34: {  	[smem:$0x3FAC] =	sst s10  }
0x35: {  	s10 =	sld [smem:$0x3FAB];
	_ =	sdelay $0x3  }
0x36: {  	p1 =	seq.s32 s10, $0x1;
	s10 =	sld [smem:$0x3FAC];
	_ =	sdelay $0x3  }
0x37: {  	[smem:$0x3FAC] =	sst s10  }
0x38: {  	s10 =	sld [smem:$0x3FAD]  }
0x39: {  	_ = 	snop;
	(pc) =	sbr.ind lr, $3  }
0x3a: {  	_ = 	snop  }
0x3b: {  	_ = 	snop  }
0x3c: {  	p2 =	seq.s32 s10, $0x1;
	s10 =	sld [smem:$0x3FAC]  }
0x3d: {  	_ =	shalt  }
0x3e: {  	_ =	shalt  }
0x3f: {  	_ =	shalt  }
0x40: {  	_ =	shalt  }
0x41: {  	_ =	shalt  }
0x42: {  	_ =	shalt  }
0x43: {  	_ =	shalt  }
0x44: {  	_ =	shalt  }
0x45: {  	_ =	shalt  }
0x46: {  	_ =	shalt  }
0x47: {  	_ =	shalt  }
0x48: {  	_ =	shalt  }
0x49: {  	_ =	shalt  }
0x4a: {  	_ =	shalt  }
0x4b: {  	_ =	shalt  }
0x4c: {  	_ =	shalt  }
0x4d: {  	_ =	shalt  }
0x4e: {  	_ =	shalt  }
0x4f: {  	_ =	shalt  }
0x50: {  	_ =	shalt  }
0x51: {  	_ =	shalt  }
0x52: {  	_ =	shalt  }
0x53: {  	_ =	shalt  }
0x54: {  	_ =	shalt  }
0x55: {  	_ =	shalt  }
0x56: {  	_ =	shalt  }
0x57: {  	_ =	shalt  }
0x58: {  	_ =	shalt  }
0x59: {  	_ =	shalt  }
0x5a: {  	_ =	shalt  }
0x5b: {  	_ =	shalt  }
0x5c: {  	_ =	shalt  }
0x5d: {  	_ =	shalt  }
0x5e: {  	_ =	shalt  }
0x5f: {  	_ =	shalt  }
0x60: {  	_ =	shalt  }
0x61: {  	_ =	shalt  }
0x62: {  	_ =	shalt  }
0x63: {  	_ =	shalt  }
0x64: {  	_ =	shalt  }
0x65: {  	_ =	shalt  }
0x66: {  	_ =	shalt  }
0x67: {  	_ =	shalt  }
0x68: {  	_ =	shalt  }
0x69: {  	_ =	shalt  }
0x6a: {  	_ =	shalt  }
0x6b: {  	_ =	shalt  }
0x6c: {  	_ =	shalt  }
0x6d: {  	_ =	shalt  }
0x6e: {  	_ =	shalt  }
0x6f: {  	_ =	shalt  }
0x70: {  	_ =	shalt  }
0x71: {  	_ =	shalt  }
0x72: {  	_ =	shalt  }
0x73: {  	_ =	shalt  }
0x74: {  	_ =	shalt  }
0x75: {  	_ =	shalt  }
0x76: {  	_ =	shalt  }
0x77: {  	_ =	shalt  }
0x78: {  	_ =	shalt  }
0x79: {  	_ =	shalt  }
0x7a: {  	_ =	shalt  }
0x7b: {  	_ =	shalt  }
0x7c: {  	_ =	shalt  }
0x7d: {  	_ =	shalt  }
0x7e: {  	_ =	shalt  }
0x7f: {  	_ =	shalt  }
0x80: {  	_ =	shalt  }
0x81: {  	_ =	shalt  }
0x82: {  	_ =	shalt  }
0x83: {  	_ =	shalt  }
0x84: {  	_ =	shalt  }
0x85: {  	_ =	shalt  }
0x86: {  	_ =	shalt  }
0x87: {  	_ =	shalt  }
.Lfunc_end0:
.L_simem_size_0:
called_computation.5_lowered:
.L_overlay_start_0:
0x88: {  	s2 =	sld [smem:$0x3FD9]  }
0x89: {  	s3 =	sld [smem:$0x3FFE];
	_ =	sdelay $0x1  }
0x8a: {  	s1 =	srdreg.scid  }
0x8b: {  	s0 =	sand.u32 $0x1, s1  }
0x8c: {  	s16 =	sshll.u32 s0, $0xA;
	s2 =	sadd.s32 s3, s2  }
0x8d: {  	s2 =	sadd.s32 s2, s16  }
0x8e: {  	[smem:$0x3FB8] =	sst s2  }
0x8f: {  	_ = 	snop  }
0x90: {  	(tm) =	ssettm $0x1  }
0x91: {  	s17 =	sld [smem:$0x3FFB];
	_ =	sdelay $0x3  }
0x92: {  	_ =	strace s17  }
0x93: {  	s2 =	sld [smem:$0x3FFC];
	_ =	sdelay $0x3  }
0x94: {  	_ =	strace s2  }
0x95: {  	s2 =	sld [smem:$0x3FFD];
	_ =	sdelay $0x3  }
0x96: {  	_ =	strace s2  }
0x97: {  	_ =	strace $0x8FFFFFFF  }
0x98: {  	s18 =	sld [smem:$0x3FDB];
	_ =	sdelay $0x1  }
0x99: {  	s19 =	simm.s32 $_scs_section_size  }
0x9a: {  	s4 =	simm.s32 $_size__tile_overlayer_lowered;
	s5 =	simm.s32 $_tile_overlayer_lowered  }
0x9b: {  	s22 =	simm.s32 $0x1BFF;
	s21 =	sshll.u32 s5, $0x1;
	s2 =	sadd.s32 s19, s18  }
0x9c: {  	s6 =	simm.s32 $0x0;
	s20 =	sshll.u32 s4, $0x1;
	s4 =	sadd.s32 s21, s2  }
0x9d: {  	[timem:s6], [sflag:s22] =	dma.local [hbm:s4], s20  }
0x9e: {  	_ =	swait.ge [sflag:s22], s20  }
0x9f: {  	s3 =	ssub.s32 $0x0, s20;
	[sflag:s22] =	ssyncset.done $0x0  }
0xa0: {  	[sflag:s22] =	ssyncadd.s32 s3;
	_ =	sdelay $0x1  }
0xa1: {  	s23 =	simm.s32 $0x1B8B  }
0xa2: {  	_ =	swait.ge [sflag:s23], $0x1  }
0xa3: {  	[sflag:s23] =	ssyncset.done $0x0  }
0xa4: {  	s25 =	simm.s32 $0x1B8E;
	s24 =	sld [smem:$0x3FFE];
	[sflag:s23] =	ssyncadd.s32 $0xFFFFFFFF  }
0xa5: {  	s26 =	simm.s32 $execute0_lowered;
	[smem:$0x3FD2] =	sst s25  }
0xa6: {  	s4 =	sshll.u32 s26, $0x1;
	_ =	strace $0x8000004F;
	[dreg:$0x1] =	wrdreg $0xFFFFFFFF  }
0xa7: {  	s28 =	simm.s32 $_size_execute0_lowered;
	s2 =	sadd.s32 s2, s4;
	[dreg:$0x0] =	wrdreg $0x0  }
0xa8: {  	s4 =	sshll.u32 s28, $0x1;
	[dreg:$0x2] =	wrdreg s2  }
0xa9: {  	[dreg:$0x3] =	wrdreg s4  }
0xaa: {  	[dreg:$0x4] =	wrdreg $0xC0  }
0xab: {  	_ =	task [dreg:s6], $0x5FFFF  }
0xac: {  	[dreg:$0x1] =	wrdreg $0xFFFFFFFF  }
0xad: {  	[dreg:$0x0] =	wrdreg $0x60  }
0xae: {  	[dreg:$0x2] =	wrdreg s24  }
0xaf: {  	[dreg:$0x3] =	wrdreg $0x9  }
0xb0: {  	_ =	task.clear_ibuf [dreg:s6], $0x4FFFF;
	_ =	strace $0x9000004F  }
0xb1: {  	s29 =	simm.s32 $0x9;
	_ =	strace $0x80000051  }
0xb2: {  	_ =	swait.ge [sflag:s29], $0x1  }
0xb3: {  	[sflag:s29] =	ssyncadd.s32 $0xFFFFFFFF  }
0xb4: {  	_ =	strace $0x90000051  }
0xb5: {  	_ =	sfence  }
0xb6: {  	s30 =	sld [smem:$0x0];
	_ =	sdelay $0x2  }
0xb7: {  	s31 =	sshll.u32 s1, $0xD;
	s1 =	sshrl.u32 s1, $0x2  }
0xb8: {  	s3 =	sand.u32 $0x4000, s31;
	s1 =	sadd.s32 s1, s30  }
0xb9: {  	s0 =	sor.u32 s3, s0;
	s1 =	sshll.u32 s1, $0x11  }
0xba: {  	s0 =	sor.u32 s1, s0  }
0xbb: {  	s0 =	sadd.s32 $0x8F2B, s0  }
0xbc: {  	[sflag:s0] =	ssyncadd.remote.s32 $0x1  }
0xbd: {  	_ =	sfence.sel $0xFFFF  }
0xbe: {  	[dreg:$0x0] =	wrdreg $0xFFFFFFFF;
	(pc) =	sbr.abs _section_cstart, $3  }
0xbf: {  	[dreg:$0x1] =	wrdreg $0xFFFFFFFF  }
0xc0: {  	_ =	task.clear_ibuf [dreg:s6], $0x2FFFF;
	_ =	strace $0x9FFFFFFF  }
0xc1: {  	(tm) =	ssettm $0x7FFFFFFF  }
tec
execute0_lowered:
.L_overlay_start_1:
0x0: {  	(tag) =	ssettag $0x1  }
0x1: {  	s1 =	srdreg.scid  }
0x2: {  	s0 =	stileid.u32;
	s13 =	sand.u32 $0x1, s1  }
0x3: {  	s31 =	sshll.u32 s0, $0xB;
	s2 =	sshll.u32 s13, $0xA  }
0x4: {  	s9 =	rddreg [dreg:$0x0];
	s10 =	sor.u32 s2, s31  }
0x5: {  	s1 =	rddreg [dreg:$0x1];
	s2 =	simm.s32 $0x0;
	s3 =	sshrl.u32 s10, $0x3  }
0x6: {  	[smem:$0x7FF] =	sst s2;
	s3 =	sadd.s32 s3, s9  }
0x7: {  	_ =	strace $0x80000050;
	s4 =	sadd.s32 $0x1D600, s3;
	s3 =	simm.s32 $0x2  }
0x8: {  	[tilespmem:s2], [sflag:$0x2] =	stream.linear.gather [hbm4b:s4+s2], $0x400, $0x38;
	[tilespmem:$0x10400] =	vst v63  }
0x9: {  	_ =	swait.ge [sflag:s3], $0x400  }
0xa: {  	s6 =	simm.s32 $0x100;
	s7 =	simm.s32 $0x400;
	[sflag:s3] =	ssyncset.done $0x0  }
0xb: {  	s8 =	simm.s32 $0x1;
	s5 =	sadd.s32 $0xD600, s9;
	[sflag:s3] =	ssyncadd.s32 $0xFFFFFC00  }
0xc: {  	[tilespmem:s7], [sflag:$0x1] =	stream.indirect.gather [hbm4b:s5+s6], $0x100, s2, s6, $0xb8;
	[tilespmem:$0x10400] =	vst v63  }
0xd: {  	s10 =	sshll.u32 s10, $0x5;
	_ =	swait.ge [sflag:s8], $0x10000  }
0xe: {  	s14 =	sadd.s32 s10, s9;
	[sflag:s8] =	ssyncset.done $0x0  }
0xf: {  	s9 =	sadd.s32 $0x1BB000, s14;
	[sflag:s8] =	ssyncadd.s32 $0xFFFF0000  }
0x10: {  	[hbm4b:s9+s2] =	stream.linear.scatter [tilespmem:s7], [sflag:$0x2], $0x10000, $0x38;
	[tilespmem:$0x10400] =	vst v63  }
0x11: {  	_ =	swait.ge [sflag:s3], $0x10000  }
0x12: {  	[sflag:s3] =	ssyncset.done $0x0  }
0x13: {  	[sflag:s3] =	ssyncadd.s32 $0xFFFF0000  }
0x14: {  	[tilespmem:s7], [sflag:$0x1] =	stream.indirect.gather [hbm4b:s5+s6], $0x100, s6, s6, $0xb8;
	[tilespmem:$0x10400] =	vst v63  }
0x15: {  	_ =	swait.ge [sflag:s8], $0x10000  }
0x16: {  	[sflag:s8] =	ssyncset.done $0x0  }
0x17: {  	s10 =	sadd.s32 $0x1BD000, s14;
	[sflag:s8] =	ssyncadd.s32 $0xFFFF0000  }
0x18: {  	[hbm4b:s10+s2] =	stream.linear.scatter [tilespmem:s7], [sflag:$0x2], $0x10000, $0x38;
	[tilespmem:$0x10400] =	vst v63  }
0x19: {  	_ =	swait.ge [sflag:s3], $0x10000  }
0x1a: {  	[sflag:s3] =	ssyncset.done $0x0  }
0x1b: {  	s11 =	simm.s32 $0x200;
	[sflag:s3] =	ssyncadd.s32 $0xFFFF0000  }
0x1c: {  	[tilespmem:s7], [sflag:$0x1] =	stream.indirect.gather [hbm4b:s5+s6], $0x100, s11, s6, $0xb8;
	[tilespmem:$0x10400] =	vst v63  }
0x1d: {  	_ =	swait.ge [sflag:s8], $0x10000  }
0x1e: {  	[sflag:s8] =	ssyncset.done $0x0  }
0x1f: {  	s15 =	ssub.s32 $0x2, s13;
	s12 =	sadd.s32 $0x1BF000, s14;
	[sflag:s8] =	ssyncadd.s32 $0xFFFF0000  }
0x20: {  	[hbm4b:s12+s2] =	stream.linear.scatter [tilespmem:s7], [sflag:$0x2], $0x10000, $0x38;
	[tilespmem:$0x10400] =	vst v63  }
0x21: {  	s16 =	sshrl.u32 s15, $0x1;
	_ =	swait.ge [sflag:s3], $0x10000  }
0x22: {  	s15 =	ssub.s32 s15, s16;
	[sflag:s3] =	ssyncset.done $0x0  }
0x23: {  	s13 =	simm.s32 $0x300;
	s15 =	smax.u32 s15, $0x1;
	[sflag:s3] =	ssyncadd.s32 $0xFFFF0000  }
0x24: {  	[tilespmem:s7], [sflag:$0x1] =	stream.indirect.gather [hbm4b:s5+s6], $0x100, s13, s6, $0xb8;
	[tilespmem:$0x10400] =	vst v63  }
0x25: {  	p0 =	sne.s32 s15, $0x1;
	_ =	swait.ge [sflag:s8], $0x10000  }
.Ltmp0:
0x26: {  	[sflag:s8] =	ssyncset.done $0x0;
	(pc) =	sbr.rel @!p0 .LBB2_2-.Ltmp0, $4  }
0x27: {  	s14 =	sadd.s32 $0x1C1000, s14;
	[sflag:s8] =	ssyncadd.s32 $0xFFFF0000  }
0x28: {  	[hbm4b:s14+s2] =	stream.linear.scatter [tilespmem:s7], [sflag:$0x2], $0x10000, $0x38;
	[tilespmem:$0x10400] =	vst v63  }
0x29: {  	_ =	swait.ge [sflag:s3], $0x10000  }
0x2a: {  	s15 =	sadd.s32 $0xFFFFFFFF, s15;
	[sflag:s3] =	ssyncset.done $0x0  }
.LBB2_1:
0x2b: {  	p0 =	sne.s32 s15, $0x1;
	s15 =	sadd.s32 $0xFFFFFFFF, s15;
	[sflag:s3] =	ssyncadd.s32 $0xFFFF0000  }
0x2c: {  	[tilespmem:s2], [sflag:$0x2] =	stream.linear.gather [hbm4b:s4+s2], $0x400, $0x38;
	[tilespmem:$0x10400] =	vst v63  }
0x2d: {  	_ =	swait.ge [sflag:s3], $0x400  }
0x2e: {  	[sflag:s3] =	ssyncset.done $0x0  }
0x2f: {  	[sflag:s3] =	ssyncadd.s32 $0xFFFFFC00  }
0x30: {  	[tilespmem:s7], [sflag:$0x1] =	stream.indirect.gather [hbm4b:s5+s6], $0x100, s2, s6, $0xb8;
	[tilespmem:$0x10400] =	vst v63  }
0x31: {  	_ =	swait.ge [sflag:s8], $0x10000  }
0x32: {  	[sflag:s8] =	ssyncset.done $0x0  }
0x33: {  	[sflag:s8] =	ssyncadd.s32 $0xFFFF0000  }
0x34: {  	[hbm4b:s9+s2] =	stream.linear.scatter [tilespmem:s7], [sflag:$0x2], $0x10000, $0x38;
	[tilespmem:$0x10400] =	vst v63  }
0x35: {  	_ =	swait.ge [sflag:s3], $0x10000  }
0x36: {  	[sflag:s3] =	ssyncset.done $0x0  }
0x37: {  	[sflag:s3] =	ssyncadd.s32 $0xFFFF0000  }
0x38: {  	[tilespmem:s7], [sflag:$0x1] =	stream.indirect.gather [hbm4b:s5+s6], $0x100, s6, s6, $0xb8;
	[tilespmem:$0x10400] =	vst v63  }
0x39: {  	_ =	swait.ge [sflag:s8], $0x10000  }
0x3a: {  	[sflag:s8] =	ssyncset.done $0x0  }
0x3b: {  	[sflag:s8] =	ssyncadd.s32 $0xFFFF0000  }
0x3c: {  	[hbm4b:s10+s2] =	stream.linear.scatter [tilespmem:s7], [sflag:$0x2], $0x10000, $0x38;
	[tilespmem:$0x10400] =	vst v63  }
0x3d: {  	_ =	swait.ge [sflag:s3], $0x10000  }
0x3e: {  	[sflag:s3] =	ssyncset.done $0x0  }
0x3f: {  	[sflag:s3] =	ssyncadd.s32 $0xFFFF0000  }
0x40: {  	[tilespmem:s7], [sflag:$0x1] =	stream.indirect.gather [hbm4b:s5+s6], $0x100, s11, s6, $0xb8;
	[tilespmem:$0x10400] =	vst v63  }
0x41: {  	_ =	swait.ge [sflag:s8], $0x10000  }
0x42: {  	[sflag:s8] =	ssyncset.done $0x0  }
0x43: {  	[sflag:s8] =	ssyncadd.s32 $0xFFFF0000  }
0x44: {  	[hbm4b:s12+s2] =	stream.linear.scatter [tilespmem:s7], [sflag:$0x2], $0x10000, $0x38;
	[tilespmem:$0x10400] =	vst v63  }
0x45: {  	_ =	swait.ge [sflag:s3], $0x10000  }
0x46: {  	[sflag:s3] =	ssyncset.done $0x0  }
0x47: {  	[sflag:s3] =	ssyncadd.s32 $0xFFFF0000  }
0x48: {  	[tilespmem:s7], [sflag:$0x1] =	stream.indirect.gather [hbm4b:s5+s6], $0x100, s13, s6, $0xb8;
	[tilespmem:$0x10400] =	vst v63  }
0x49: {  	_ =	swait.ge [sflag:s8], $0x10000  }
.Ltmp1:
0x4a: {  	[sflag:s8] =	ssyncset.done $0x0;
	(pc) =	sbr.rel @p0 .LBB2_1-.Ltmp1, $4  }
0x4b: {  	[sflag:s8] =	ssyncadd.s32 $0xFFFF0000  }
0x4c: {  	[hbm4b:s14+s2] =	stream.linear.scatter [tilespmem:s7], [sflag:$0x2], $0x10000, $0x38;
	[tilespmem:$0x10400] =	vst v63  }
0x4d: {  	_ =	swait.ge [sflag:s3], $0x10000  }
0x4e: {  	[sflag:s3] =	ssyncset.done $0x0  }
.LBB2_2:
0x4f: {  	[sflag:s3] =	ssyncadd.s32 $0xFFFF0000  }
0x50: {  	_ =	sfence.sel $0x180000  }
0x51: {  	[bflag:$0x0] =	sbarrier.arrive $0xFFFF  }
0x52: {  	p0 =	sne.s32 s0, $0x0;
	_ =	strace $0x90000050  }
0x53: {  	s0 =	sadd.s32 @!p0 $0x100000, s1;
	[bflag:$0x2] =	sbarrier.arrive $0xFFFF  }
0x54: {  	[sflag:s0] =	ssyncadd.tile.s32 @!p0 $0x1;
	_ =	shalt  }
.Lfunc_end2:
_tile_overlayer_lowered:
.L_overlay_start_2:
0x55: {  	(tag) =	ssettag $0x2  }
0x56: {  	s0 =	rddreg [dreg:$0x0];
	s2 =	stileid.u32  }
0x57: {  	s1 =	rddreg [dreg:$0x1];
	p0 =	sne.s32 s2, $0x0  }
0x58: {  	s3 =	rddreg [dreg:$0x2];
	[bflag:$0x3] =	sbarrier.arrive $0xFFFF;
	s2 =	simm.s32 @!p0 $0x1C02  }
0x59: {  	[timem:s3], [sflag:s2] =	dma.local @!p0 [hbm:s0], s1  }
0x5a: {  	s0 =	simm.s32 @!p0 $0x2  }
0x5b: {  	_ =	swait.ge @!p0 [sflag:s0], s1  }
0x5c: {  	s1 =	ssub.s32 @!p0 $0x0, s1;
	[sflag:s0] =	ssyncset.done @!p0 $0x0  }
0x5d: {  	[sflag:s0] =	ssyncadd.s32 @!p0 s1  }
0x5e: {  	[bflag:$0x3] =	sbarrier.arrive $0xFFFF  }
0x5f: {  	_ =	shalt  }

// kernel: kernel.35.cloned.1.call-start
scs
__scs_entry_jumppad:
0x0: {  	(pc) =	sbr.rel $0x88, $3  }
0x1: {  	(tag) =	ssettag $0x0;
	lr =	simm.s32 $0x1  }
0x2: {  	[smem:$0x3F91] =	sst lr;
	_ =	strace $0xD0000000  }
0x3: {  	_ = 	snop  }
0x4: {  	_ = 	snop  }
0x5: {  	_ = 	snop  }
0x6: {  	_ = 	snop  }
0x7: {  	_ = 	snop  }
__scs_overlays_trampoline_lowered:
0x8: {  	[smem:$0x3FA0] =	sst s0  }
0x9: {  	[smem:$0x3FA1] =	sst s1  }
0xa: {  	[smem:$0x3FA2] =	sst s2  }
0xb: {  	[smem:$0x3FA3] =	sst s3  }
0xc: {  	[smem:$0x3FA4] =	sst s4  }
0xd: {  	[smem:$0x3FA5] =	sst s5  }
0xe: {  	[smem:$0x3FA6] =	sst s6  }
0xf: {  	[smem:$0x3FA7] =	sst s7  }
0x10: {  	[smem:$0x3FA8] =	sst s8  }
0x11: {  	[smem:$0x3FA9] =	sst s9;
	s0 =	simm.s32 @!p0 $0x0  }
0x12: {  	s1 =	sld [smem:$0x3F8F];
	s0 =	simm.s32 @p0 $0x1  }
0x13: {  	[smem:$0x3FAA] =	sst s0;
	s0 =	simm.s32 @!p1 $0x0  }
0x14: {  	s2 =	sld [smem:$0x3F8E];
	s0 =	simm.s32 @p1 $0x1  }
0x15: {  	[smem:$0x3FAB] =	sst s0;
	s0 =	simm.s32 @!p2 $0x0  }
0x16: {  	s3 =	sld [smem:$0x3FDB];
	s0 =	simm.s32 @p2 $0x1  }
0x17: {  	s4 =	simm.s32 $0x1BF5;
	[smem:$0x3FAD] =	sst s0  }
0x18: {  	s0 =	sld [smem:$0x3F90];
	_ =	swait.ge [sflag:s4], $0x0  }
0x19: {  	s7 =	sld [smem:$0x3F91]  }
0x1a: {  	s8 =	sadd.s32 $0xFFFFE003, lr  }
0x1b: {  	s9 =	sadd.s32 $0xFFFFFEF7, lr;
	s5 =	simm.s32 $0xFFFFFFFF;
	p2 =	slt.u32 s8, $0xFFFFF086  }
0x1c: {  	p1 =	slt.u32 s9, $0xF7A;
	s5 =	simm.s32 @!p2 $0x0  }
0x1d: {  	s5 =	simm.s32 @p1 $0x1;
	p0 =	seq.s32 s7, s2  }
0x1e: {  	s7 =	smul.u32 @!p0 $0xF7A, s2;
	p2 =	seq.s32 @!p0 s5, $0x0  }
0x1f: {  	s9 =	smul.u32 $0xF7A, s1;
	s8 =	simm.s32 @!p0 $0x1BF5;
	p2 =	por !p2, p0  }
0x20: {  	[sflag:s8] =	ssyncset.s32 @!p0 $0xFFFFF086;
	s6 =	sadd.s32 @!p0 s3, s7;
	s7 =	simm.s32 @!p0 $0x108  }
0x21: {  	s3 =	sadd.s32 s3, s9;
	s6 =	sadd.s32 @!p0 $0x88, s6;
	s7 =	simm.s32 @p2 $0x1082  }
0x22: {  	[simem:s7], [sflag:s8] =	dma.local @!p0 [hbm:s6], $0xF7A  }
0x23: {  	s9 =	sor.u32 $0xD0000000, s2;
	s6 =	simm.s32 $0x108;
	_ =	swait.ge @!p0 [sflag:s8], $0x0  }
0x24: {  	s3 =	sadd.s32 $0x88, s3;
	s6 =	simm.s32 @!p1 $0x1082;
	[sflag:s4] =	ssyncset.s32 $0xFFFFF086  }
0x25: {  	[simem:s6], [sflag:s4] =	dma.local [hbm:s3], $0xF7A  }
0x26: {  	[smem:$0x3F91] =	sst s1;
	(tag) =	ssettag s2;
	_ =	strace s9  }
0x27: {  	s1 =	sld [smem:$0x3FA1]  }
0x28: {  	s2 =	sld [smem:$0x3FA2]  }
0x29: {  	s4 =	sld [smem:$0x3FA4]  }
0x2a: {  	p0 =	seq.s32 s5, $0x0;
	s5 =	sld [smem:$0x3FA5]  }
0x2b: {  	s6 =	sld [smem:$0x3FA6]  }
0x2c: {  	s7 =	sld [smem:$0x3FA7]  }
0x2d: {  	s3 =	simm.s32 $0x108;
	s8 =	sld [smem:$0x3FA8]  }
0x2e: {  	s3 =	simm.s32 @!p0 $0x1082;
	s9 =	sld [smem:$0x3FA9]  }
0x2f: {  	lr =	sadd.s32 s0, s3;
	s0 =	sld [smem:$0x3FA0]  }
0x30: {  	s3 =	sld [smem:$0x3FA3]  }
0x31: {  	[smem:$0x3FAC] =	sst s10  }
0x32: {  	s10 =	sld [smem:$0x3FAA];
	_ =	sdelay $0x3  }
0x33: {  	p0 =	seq.s32 s10, $0x1;
	s10 =	sld [smem:$0x3FAC];
	_ =	sdelay $0x3  }
0x34: {  	[smem:$0x3FAC] =	sst s10  }
0x35: {  	s10 =	sld [smem:$0x3FAB];
	_ =	sdelay $0x3  }
0x36: {  	p1 =	seq.s32 s10, $0x1;
	s10 =	sld [smem:$0x3FAC];
	_ =	sdelay $0x3  }
0x37: {  	[smem:$0x3FAC] =	sst s10  }
0x38: {  	s10 =	sld [smem:$0x3FAD]  }
0x39: {  	_ = 	snop;
	(pc) =	sbr.ind lr, $3  }
0x3a: {  	_ = 	snop  }
0x3b: {  	_ = 	snop  }
0x3c: {  	p2 =	seq.s32 s10, $0x1;
	s10 =	sld [smem:$0x3FAC]  }
0x3d: {  	_ =	shalt  }
0x3e: {  	_ =	shalt  }
0x3f: {  	_ =	shalt  }
0x40: {  	_ =	shalt  }
0x41: {  	_ =	shalt  }
0x42: {  	_ =	shalt  }
0x43: {  	_ =	shalt  }
0x44: {  	_ =	shalt  }
0x45: {  	_ =	shalt  }
0x46: {  	_ =	shalt  }
0x47: {  	_ =	shalt  }
0x48: {  	_ =	shalt  }
0x49: {  	_ =	shalt  }
0x4a: {  	_ =	shalt  }
0x4b: {  	_ =	shalt  }
0x4c: {  	_ =	shalt  }
0x4d: {  	_ =	shalt  }
0x4e: {  	_ =	shalt  }
0x4f: {  	_ =	shalt  }
0x50: {  	_ =	shalt  }
0x51: {  	_ =	shalt  }
0x52: {  	_ =	shalt  }
0x53: {  	_ =	shalt  }
0x54: {  	_ =	shalt  }
0x55: {  	_ =	shalt  }
0x56: {  	_ =	shalt  }
0x57: {  	_ =	shalt  }
0x58: {  	_ =	shalt  }
0x59: {  	_ =	shalt  }
0x5a: {  	_ =	shalt  }
0x5b: {  	_ =	shalt  }
0x5c: {  	_ =	shalt  }
0x5d: {  	_ =	shalt  }
0x5e: {  	_ =	shalt  }
0x5f: {  	_ =	shalt  }
0x60: {  	_ =	shalt  }
0x61: {  	_ =	shalt  }
0x62: {  	_ =	shalt  }
0x63: {  	_ =	shalt  }
0x64: {  	_ =	shalt  }
0x65: {  	_ =	shalt  }
0x66: {  	_ =	shalt  }
0x67: {  	_ =	shalt  }
0x68: {  	_ =	shalt  }
0x69: {  	_ =	shalt  }
0x6a: {  	_ =	shalt  }
0x6b: {  	_ =	shalt  }
0x6c: {  	_ =	shalt  }
0x6d: {  	_ =	shalt  }
0x6e: {  	_ =	shalt  }
0x6f: {  	_ =	shalt  }
0x70: {  	_ =	shalt  }
0x71: {  	_ =	shalt  }
0x72: {  	_ =	shalt  }
0x73: {  	_ =	shalt  }
0x74: {  	_ =	shalt  }
0x75: {  	_ =	shalt  }
0x76: {  	_ =	shalt  }
0x77: {  	_ =	shalt  }
0x78: {  	_ =	shalt  }
0x79: {  	_ =	shalt  }
0x7a: {  	_ =	shalt  }
0x7b: {  	_ =	shalt  }
0x7c: {  	_ =	shalt  }
0x7d: {  	_ =	shalt  }
0x7e: {  	_ =	shalt  }
0x7f: {  	_ =	shalt  }
0x80: {  	_ =	shalt  }
0x81: {  	_ =	shalt  }
0x82: {  	_ =	shalt  }
0x83: {  	_ =	shalt  }
0x84: {  	_ =	shalt  }
0x85: {  	_ =	shalt  }
0x86: {  	_ =	shalt  }
0x87: {  	_ =	shalt  }
.Lfunc_end0:
.L_simem_size_0:
called_computation.6_lowered:
.L_overlay_start_0:
0x88: {  	s2 =	sld [smem:$0x3FD9]  }
0x89: {  	s3 =	sld [smem:$0x3FFE];
	_ =	sdelay $0x1  }
0x8a: {  	s1 =	srdreg.scid  }
0x8b: {  	s0 =	sand.u32 $0x1, s1  }
0x8c: {  	s16 =	sshll.u32 s0, $0xA;
	s2 =	sadd.s32 s3, s2  }
0x8d: {  	s2 =	sadd.s32 s2, s16  }
0x8e: {  	[smem:$0x3FB8] =	sst s2  }
0x8f: {  	_ = 	snop  }
0x90: {  	(tm) =	ssettm $0x1  }
0x91: {  	s17 =	sld [smem:$0x3FFB];
	_ =	sdelay $0x3  }
0x92: {  	_ =	strace s17  }
0x93: {  	s2 =	sld [smem:$0x3FFC];
	_ =	sdelay $0x3  }
0x94: {  	_ =	strace s2  }
0x95: {  	s2 =	sld [smem:$0x3FFD];
	_ =	sdelay $0x3  }
0x96: {  	_ =	strace s2  }
0x97: {  	_ =	strace $0x8FFFFFFF  }
0x98: {  	s18 =	sld [smem:$0x3FDB];
	_ =	sdelay $0x1  }
0x99: {  	s19 =	simm.s32 $_scs_section_size  }
0x9a: {  	s4 =	simm.s32 $_size__tile_overlayer_lowered;
	s5 =	simm.s32 $_tile_overlayer_lowered  }
0x9b: {  	s22 =	simm.s32 $0x1BFF;
	s21 =	sshll.u32 s5, $0x1;
	s2 =	sadd.s32 s19, s18  }
0x9c: {  	s6 =	simm.s32 $0x0;
	s20 =	sshll.u32 s4, $0x1;
	s4 =	sadd.s32 s21, s2  }
0x9d: {  	[timem:s6], [sflag:s22] =	dma.local [hbm:s4], s20  }
0x9e: {  	_ =	swait.ge [sflag:s22], s20  }
0x9f: {  	s3 =	ssub.s32 $0x0, s20;
	[sflag:s22] =	ssyncset.done $0x0  }
0xa0: {  	[sflag:s22] =	ssyncadd.s32 s3;
	_ =	sdelay $0x1  }
0xa1: {  	s23 =	simm.s32 $0x1B8B  }
0xa2: {  	_ =	swait.ge [sflag:s23], $0x1  }
0xa3: {  	[sflag:s23] =	ssyncset.done $0x0  }
0xa4: {  	s25 =	simm.s32 $0x1B8E;
	s24 =	sld [smem:$0x3FFE];
	[sflag:s23] =	ssyncadd.s32 $0xFFFFFFFF  }
0xa5: {  	s26 =	simm.s32 $execute0_lowered;
	[smem:$0x3FD2] =	sst s25  }
0xa6: {  	s4 =	sshll.u32 s26, $0x1;
	_ =	strace $0x80000052;
	[dreg:$0x1] =	wrdreg $0xFFFFFFFF  }
0xa7: {  	s28 =	simm.s32 $_size_execute0_lowered;
	s2 =	sadd.s32 s2, s4;
	[dreg:$0x0] =	wrdreg $0x0  }
0xa8: {  	s4 =	sshll.u32 s28, $0x1;
	[dreg:$0x2] =	wrdreg s2  }
0xa9: {  	[dreg:$0x3] =	wrdreg s4  }
0xaa: {  	[dreg:$0x4] =	wrdreg $0xC0  }
0xab: {  	_ =	task [dreg:s6], $0x5FFFF  }
0xac: {  	[dreg:$0x1] =	wrdreg $0xFFFFFFFF  }
0xad: {  	[dreg:$0x0] =	wrdreg $0x60  }
0xae: {  	[dreg:$0x2] =	wrdreg s24  }
0xaf: {  	[dreg:$0x3] =	wrdreg $0x9  }
0xb0: {  	_ =	task.clear_ibuf [dreg:s6], $0x4FFFF;
	_ =	strace $0x90000052  }
0xb1: {  	s29 =	simm.s32 $0x9;
	_ =	strace $0x80000054  }
0xb2: {  	_ =	swait.ge [sflag:s29], $0x1  }
0xb3: {  	[sflag:s29] =	ssyncadd.s32 $0xFFFFFFFF  }
0xb4: {  	_ =	strace $0x90000054  }
0xb5: {  	_ =	sfence  }
0xb6: {  	s30 =	sld [smem:$0x0];
	_ =	sdelay $0x2  }
0xb7: {  	s31 =	sshll.u32 s1, $0xD;
	s1 =	sshrl.u32 s1, $0x2  }
0xb8: {  	s3 =	sand.u32 $0x4000, s31;
	s1 =	sadd.s32 s1, s30  }
0xb9: {  	s0 =	sor.u32 s3, s0;
	s1 =	sshll.u32 s1, $0x11  }
0xba: {  	s0 =	sor.u32 s1, s0  }
0xbb: {  	s0 =	sadd.s32 $0x8F2B, s0  }
0xbc: {  	[sflag:s0] =	ssyncadd.remote.s32 $0x1  }
0xbd: {  	_ =	sfence.sel $0xFFFF  }
0xbe: {  	[dreg:$0x0] =	wrdreg $0xFFFFFFFF;
	(pc) =	sbr.abs _section_cstart, $3  }
0xbf: {  	[dreg:$0x1] =	wrdreg $0xFFFFFFFF  }
0xc0: {  	_ =	task.clear_ibuf [dreg:s6], $0x2FFFF;
	_ =	strace $0x9FFFFFFF  }
0xc1: {  	(tm) =	ssettm $0x7FFFFFFF  }
tec
execute0_lowered:
.L_overlay_start_1:
0x0: {  	(tag) =	ssettag $0x1  }
0x1: {  	s1 =	srdreg.scid  }
0x2: {  	s0 =	stileid.u32;
	s13 =	sand.u32 $0x1, s1  }
0x3: {  	s31 =	sshll.u32 s0, $0xB;
	s2 =	sshll.u32 s13, $0xA  }
0x4: {  	s9 =	rddreg [dreg:$0x0];
	s10 =	sor.u32 s2, s31  }
0x5: {  	s1 =	rddreg [dreg:$0x1];
	s2 =	simm.s32 $0x0;
	s3 =	sshrl.u32 s10, $0x3  }
0x6: {  	[smem:$0x7FF] =	sst s2;
	s3 =	sadd.s32 s3, s9  }
0x7: {  	_ =	strace $0x80000053;
	s4 =	sadd.s32 $0x1D600, s3;
	s3 =	simm.s32 $0x2  }
0x8: {  	[tilespmem:s2], [sflag:$0x2] =	stream.linear.gather [hbm4b:s4+s2], $0x400, $0x38;
	[tilespmem:$0x10400] =	vst v63  }
0x9: {  	_ =	swait.ge [sflag:s3], $0x400  }
0xa: {  	s6 =	simm.s32 $0x100;
	s7 =	simm.s32 $0x400;
	[sflag:s3] =	ssyncset.done $0x0  }
0xb: {  	s8 =	simm.s32 $0x1;
	s5 =	sadd.s32 $0xD600, s9;
	[sflag:s3] =	ssyncadd.s32 $0xFFFFFC00  }
0xc: {  	[tilespmem:s7], [sflag:$0x1] =	stream.indirect.gather [hbm4b:s5+s6], $0x100, s2, s6, $0xb8;
	[tilespmem:$0x10400] =	vst v63  }
0xd: {  	s10 =	sshll.u32 s10, $0x5;
	_ =	swait.ge [sflag:s8], $0x10000  }
0xe: {  	s14 =	sadd.s32 s10, s9;
	[sflag:s8] =	ssyncset.done $0x0  }
0xf: {  	s9 =	sadd.s32 $0x1BB000, s14;
	[sflag:s8] =	ssyncadd.s32 $0xFFFF0000  }
0x10: {  	[hbm4b:s9+s2] =	stream.linear.scatter [tilespmem:s7], [sflag:$0x2], $0x10000, $0x38;
	[tilespmem:$0x10400] =	vst v63  }
0x11: {  	_ =	swait.ge [sflag:s3], $0x10000  }
0x12: {  	[sflag:s3] =	ssyncset.done $0x0  }
0x13: {  	[sflag:s3] =	ssyncadd.s32 $0xFFFF0000  }
0x14: {  	[tilespmem:s7], [sflag:$0x1] =	stream.indirect.gather [hbm4b:s5+s6], $0x100, s6, s6, $0xb8;
	[tilespmem:$0x10400] =	vst v63  }
0x15: {  	_ =	swait.ge [sflag:s8], $0x10000  }
0x16: {  	[sflag:s8] =	ssyncset.done $0x0  }
0x17: {  	s10 =	sadd.s32 $0x1BD000, s14;
	[sflag:s8] =	ssyncadd.s32 $0xFFFF0000  }
0x18: {  	[hbm4b:s10+s2] =	stream.linear.scatter [tilespmem:s7], [sflag:$0x2], $0x10000, $0x38;
	[tilespmem:$0x10400] =	vst v63  }
0x19: {  	_ =	swait.ge [sflag:s3], $0x10000  }
0x1a: {  	[sflag:s3] =	ssyncset.done $0x0  }
0x1b: {  	s11 =	simm.s32 $0x200;
	[sflag:s3] =	ssyncadd.s32 $0xFFFF0000  }
0x1c: {  	[tilespmem:s7], [sflag:$0x1] =	stream.indirect.gather [hbm4b:s5+s6], $0x100, s11, s6, $0xb8;
	[tilespmem:$0x10400] =	vst v63  }
0x1d: {  	_ =	swait.ge [sflag:s8], $0x10000  }
0x1e: {  	[sflag:s8] =	ssyncset.done $0x0  }
0x1f: {  	s15 =	ssub.s32 $0x2, s13;
	s12 =	sadd.s32 $0x1BF000, s14;
	[sflag:s8] =	ssyncadd.s32 $0xFFFF0000  }
0x20: {  	[hbm4b:s12+s2] =	stream.linear.scatter [tilespmem:s7], [sflag:$0x2], $0x10000, $0x38;
	[tilespmem:$0x10400] =	vst v63  }
0x21: {  	s16 =	sshrl.u32 s15, $0x1;
	_ =	swait.ge [sflag:s3], $0x10000  }
0x22: {  	s15 =	ssub.s32 s15, s16;
	[sflag:s3] =	ssyncset.done $0x0  }
0x23: {  	s13 =	simm.s32 $0x300;
	s15 =	smax.u32 s15, $0x1;
	[sflag:s3] =	ssyncadd.s32 $0xFFFF0000  }
0x24: {  	[tilespmem:s7], [sflag:$0x1] =	stream.indirect.gather [hbm4b:s5+s6], $0x100, s13, s6, $0xb8;
	[tilespmem:$0x10400] =	vst v63  }
0x25: {  	p0 =	sne.s32 s15, $0x1;
	_ =	swait.ge [sflag:s8], $0x10000  }
.Ltmp0:
0x26: {  	[sflag:s8] =	ssyncset.done $0x0;
	(pc) =	sbr.rel @!p0 .LBB2_2-.Ltmp0, $4  }
0x27: {  	s14 =	sadd.s32 $0x1C1000, s14;
	[sflag:s8] =	ssyncadd.s32 $0xFFFF0000  }
0x28: {  	[hbm4b:s14+s2] =	stream.linear.scatter [tilespmem:s7], [sflag:$0x2], $0x10000, $0x38;
	[tilespmem:$0x10400] =	vst v63  }
0x29: {  	_ =	swait.ge [sflag:s3], $0x10000  }
0x2a: {  	s15 =	sadd.s32 $0xFFFFFFFF, s15;
	[sflag:s3] =	ssyncset.done $0x0  }
.LBB2_1:
0x2b: {  	p0 =	sne.s32 s15, $0x1;
	s15 =	sadd.s32 $0xFFFFFFFF, s15;
	[sflag:s3] =	ssyncadd.s32 $0xFFFF0000  }
0x2c: {  	[tilespmem:s2], [sflag:$0x2] =	stream.linear.gather [hbm4b:s4+s2], $0x400, $0x38;
	[tilespmem:$0x10400] =	vst v63  }
0x2d: {  	_ =	swait.ge [sflag:s3], $0x400  }
0x2e: {  	[sflag:s3] =	ssyncset.done $0x0  }
0x2f: {  	[sflag:s3] =	ssyncadd.s32 $0xFFFFFC00  }
0x30: {  	[tilespmem:s7], [sflag:$0x1] =	stream.indirect.gather [hbm4b:s5+s6], $0x100, s2, s6, $0xb8;
	[tilespmem:$0x10400] =	vst v63  }
0x31: {  	_ =	swait.ge [sflag:s8], $0x10000  }
0x32: {  	[sflag:s8] =	ssyncset.done $0x0  }
0x33: {  	[sflag:s8] =	ssyncadd.s32 $0xFFFF0000  }
0x34: {  	[hbm4b:s9+s2] =	stream.linear.scatter [tilespmem:s7], [sflag:$0x2], $0x10000, $0x38;
	[tilespmem:$0x10400] =	vst v63  }
0x35: {  	_ =	swait.ge [sflag:s3], $0x10000  }
0x36: {  	[sflag:s3] =	ssyncset.done $0x0  }
0x37: {  	[sflag:s3] =	ssyncadd.s32 $0xFFFF0000  }
0x38: {  	[tilespmem:s7], [sflag:$0x1] =	stream.indirect.gather [hbm4b:s5+s6], $0x100, s6, s6, $0xb8;
	[tilespmem:$0x10400] =	vst v63  }
0x39: {  	_ =	swait.ge [sflag:s8], $0x10000  }
0x3a: {  	[sflag:s8] =	ssyncset.done $0x0  }
0x3b: {  	[sflag:s8] =	ssyncadd.s32 $0xFFFF0000  }
0x3c: {  	[hbm4b:s10+s2] =	stream.linear.scatter [tilespmem:s7], [sflag:$0x2], $0x10000, $0x38;
	[tilespmem:$0x10400] =	vst v63  }
0x3d: {  	_ =	swait.ge [sflag:s3], $0x10000  }
0x3e: {  	[sflag:s3] =	ssyncset.done $0x0  }
0x3f: {  	[sflag:s3] =	ssyncadd.s32 $0xFFFF0000  }
0x40: {  	[tilespmem:s7], [sflag:$0x1] =	stream.indirect.gather [hbm4b:s5+s6], $0x100, s11, s6, $0xb8;
	[tilespmem:$0x10400] =	vst v63  }
0x41: {  	_ =	swait.ge [sflag:s8], $0x10000  }
0x42: {  	[sflag:s8] =	ssyncset.done $0x0  }
0x43: {  	[sflag:s8] =	ssyncadd.s32 $0xFFFF0000  }
0x44: {  	[hbm4b:s12+s2] =	stream.linear.scatter [tilespmem:s7], [sflag:$0x2], $0x10000, $0x38;
	[tilespmem:$0x10400] =	vst v63  }
0x45: {  	_ =	swait.ge [sflag:s3], $0x10000  }
0x46: {  	[sflag:s3] =	ssyncset.done $0x0  }
0x47: {  	[sflag:s3] =	ssyncadd.s32 $0xFFFF0000  }
0x48: {  	[tilespmem:s7], [sflag:$0x1] =	stream.indirect.gather [hbm4b:s5+s6], $0x100, s13, s6, $0xb8;
	[tilespmem:$0x10400] =	vst v63  }
0x49: {  	_ =	swait.ge [sflag:s8], $0x10000  }
.Ltmp1:
0x4a: {  	[sflag:s8] =	ssyncset.done $0x0;
	(pc) =	sbr.rel @p0 .LBB2_1-.Ltmp1, $4  }
0x4b: {  	[sflag:s8] =	ssyncadd.s32 $0xFFFF0000  }
0x4c: {  	[hbm4b:s14+s2] =	stream.linear.scatter [tilespmem:s7], [sflag:$0x2], $0x10000, $0x38;
	[tilespmem:$0x10400] =	vst v63  }
0x4d: {  	_ =	swait.ge [sflag:s3], $0x10000  }
0x4e: {  	[sflag:s3] =	ssyncset.done $0x0  }
.LBB2_2:
0x4f: {  	[sflag:s3] =	ssyncadd.s32 $0xFFFF0000  }
0x50: {  	_ =	sfence.sel $0x180000  }
0x51: {  	[bflag:$0x0] =	sbarrier.arrive $0xFFFF  }
0x52: {  	p0 =	sne.s32 s0, $0x0;
	_ =	strace $0x90000053  }
0x53: {  	s0 =	sadd.s32 @!p0 $0x100000, s1;
	[bflag:$0x2] =	sbarrier.arrive $0xFFFF  }
0x54: {  	[sflag:s0] =	ssyncadd.tile.s32 @!p0 $0x1;
	_ =	shalt  }
.Lfunc_end2:
_tile_overlayer_lowered:
.L_overlay_start_2:
0x55: {  	(tag) =	ssettag $0x2  }
0x56: {  	s0 =	rddreg [dreg:$0x0];
	s2 =	stileid.u32  }
0x57: {  	s1 =	rddreg [dreg:$0x1];
	p0 =	sne.s32 s2, $0x0  }
0x58: {  	s3 =	rddreg [dreg:$0x2];
	[bflag:$0x3] =	sbarrier.arrive $0xFFFF;
	s2 =	simm.s32 @!p0 $0x1C02  }
0x59: {  	[timem:s3], [sflag:s2] =	dma.local @!p0 [hbm:s0], s1  }
0x5a: {  	s0 =	simm.s32 @!p0 $0x2  }
0x5b: {  	_ =	swait.ge @!p0 [sflag:s0], s1  }
0x5c: {  	s1 =	ssub.s32 @!p0 $0x0, s1;
	[sflag:s0] =	ssyncset.done @!p0 $0x0  }
0x5d: {  	[sflag:s0] =	ssyncadd.s32 @!p0 s1  }
0x5e: {  	[bflag:$0x3] =	sbarrier.arrive $0xFFFF  }
0x5f: {  	_ =	shalt  }

// kernel: kernel.38.cloned.1.call-start
scs
__scs_entry_jumppad:
0x0: {  	(pc) =	sbr.rel $0x88, $3  }
0x1: {  	(tag) =	ssettag $0x0;
	lr =	simm.s32 $0x1  }
0x2: {  	[smem:$0x3F91] =	sst lr;
	_ =	strace $0xD0000000  }
0x3: {  	_ = 	snop  }
0x4: {  	_ = 	snop  }
0x5: {  	_ = 	snop  }
0x6: {  	_ = 	snop  }
0x7: {  	_ = 	snop  }
__scs_overlays_trampoline_lowered:
0x8: {  	[smem:$0x3FA0] =	sst s0  }
0x9: {  	[smem:$0x3FA1] =	sst s1  }
0xa: {  	[smem:$0x3FA2] =	sst s2  }
0xb: {  	[smem:$0x3FA3] =	sst s3  }
0xc: {  	[smem:$0x3FA4] =	sst s4  }
0xd: {  	[smem:$0x3FA5] =	sst s5  }
0xe: {  	[smem:$0x3FA6] =	sst s6  }
0xf: {  	[smem:$0x3FA7] =	sst s7  }
0x10: {  	[smem:$0x3FA8] =	sst s8  }
0x11: {  	[smem:$0x3FA9] =	sst s9;
	s0 =	simm.s32 @!p0 $0x0  }
0x12: {  	s1 =	sld [smem:$0x3F8F];
	s0 =	simm.s32 @p0 $0x1  }
0x13: {  	[smem:$0x3FAA] =	sst s0;
	s0 =	simm.s32 @!p1 $0x0  }
0x14: {  	s2 =	sld [smem:$0x3F8E];
	s0 =	simm.s32 @p1 $0x1  }
0x15: {  	[smem:$0x3FAB] =	sst s0;
	s0 =	simm.s32 @!p2 $0x0  }
0x16: {  	s3 =	sld [smem:$0x3FDB];
	s0 =	simm.s32 @p2 $0x1  }
0x17: {  	s4 =	simm.s32 $0x1BF5;
	[smem:$0x3FAD] =	sst s0  }
0x18: {  	s0 =	sld [smem:$0x3F90];
	_ =	swait.ge [sflag:s4], $0x0  }
0x19: {  	s7 =	sld [smem:$0x3F91]  }
0x1a: {  	s8 =	sadd.s32 $0xFFFFE003, lr  }
0x1b: {  	s9 =	sadd.s32 $0xFFFFFEF7, lr;
	s5 =	simm.s32 $0xFFFFFFFF;
	p2 =	slt.u32 s8, $0xFFFFF086  }
0x1c: {  	p1 =	slt.u32 s9, $0xF7A;
	s5 =	simm.s32 @!p2 $0x0  }
0x1d: {  	s5 =	simm.s32 @p1 $0x1;
	p0 =	seq.s32 s7, s2  }
0x1e: {  	s7 =	smul.u32 @!p0 $0xF7A, s2;
	p2 =	seq.s32 @!p0 s5, $0x0  }
0x1f: {  	s9 =	smul.u32 $0xF7A, s1;
	s8 =	simm.s32 @!p0 $0x1BF5;
	p2 =	por !p2, p0  }
0x20: {  	[sflag:s8] =	ssyncset.s32 @!p0 $0xFFFFF086;
	s6 =	sadd.s32 @!p0 s3, s7;
	s7 =	simm.s32 @!p0 $0x108  }
0x21: {  	s3 =	sadd.s32 s3, s9;
	s6 =	sadd.s32 @!p0 $0x88, s6;
	s7 =	simm.s32 @p2 $0x1082  }
0x22: {  	[simem:s7], [sflag:s8] =	dma.local @!p0 [hbm:s6], $0xF7A  }
0x23: {  	s9 =	sor.u32 $0xD0000000, s2;
	s6 =	simm.s32 $0x108;
	_ =	swait.ge @!p0 [sflag:s8], $0x0  }
0x24: {  	s3 =	sadd.s32 $0x88, s3;
	s6 =	simm.s32 @!p1 $0x1082;
	[sflag:s4] =	ssyncset.s32 $0xFFFFF086  }
0x25: {  	[simem:s6], [sflag:s4] =	dma.local [hbm:s3], $0xF7A  }
0x26: {  	[smem:$0x3F91] =	sst s1;
	(tag) =	ssettag s2;
	_ =	strace s9  }
0x27: {  	s1 =	sld [smem:$0x3FA1]  }
0x28: {  	s2 =	sld [smem:$0x3FA2]  }
0x29: {  	s4 =	sld [smem:$0x3FA4]  }
0x2a: {  	p0 =	seq.s32 s5, $0x0;
	s5 =	sld [smem:$0x3FA5]  }
0x2b: {  	s6 =	sld [smem:$0x3FA6]  }
0x2c: {  	s7 =	sld [smem:$0x3FA7]  }
0x2d: {  	s3 =	simm.s32 $0x108;
	s8 =	sld [smem:$0x3FA8]  }
0x2e: {  	s3 =	simm.s32 @!p0 $0x1082;
	s9 =	sld [smem:$0x3FA9]  }
0x2f: {  	lr =	sadd.s32 s0, s3;
	s0 =	sld [smem:$0x3FA0]  }
0x30: {  	s3 =	sld [smem:$0x3FA3]  }
0x31: {  	[smem:$0x3FAC] =	sst s10  }
0x32: {  	s10 =	sld [smem:$0x3FAA];
	_ =	sdelay $0x3  }
0x33: {  	p0 =	seq.s32 s10, $0x1;
	s10 =	sld [smem:$0x3FAC];
	_ =	sdelay $0x3  }
0x34: {  	[smem:$0x3FAC] =	sst s10  }
0x35: {  	s10 =	sld [smem:$0x3FAB];
	_ =	sdelay $0x3  }
0x36: {  	p1 =	seq.s32 s10, $0x1;
	s10 =	sld [smem:$0x3FAC];
	_ =	sdelay $0x3  }
0x37: {  	[smem:$0x3FAC] =	sst s10  }
0x38: {  	s10 =	sld [smem:$0x3FAD]  }
0x39: {  	_ = 	snop;
	(pc) =	sbr.ind lr, $3  }
0x3a: {  	_ = 	snop  }
0x3b: {  	_ = 	snop  }
0x3c: {  	p2 =	seq.s32 s10, $0x1;
	s10 =	sld [smem:$0x3FAC]  }
0x3d: {  	_ =	shalt  }
0x3e: {  	_ =	shalt  }
0x3f: {  	_ =	shalt  }
0x40: {  	_ =	shalt  }
0x41: {  	_ =	shalt  }
0x42: {  	_ =	shalt  }
0x43: {  	_ =	shalt  }
0x44: {  	_ =	shalt  }
0x45: {  	_ =	shalt  }
0x46: {  	_ =	shalt  }
0x47: {  	_ =	shalt  }
0x48: {  	_ =	shalt  }
0x49: {  	_ =	shalt  }
0x4a: {  	_ =	shalt  }
0x4b: {  	_ =	shalt  }
0x4c: {  	_ =	shalt  }
0x4d: {  	_ =	shalt  }
0x4e: {  	_ =	shalt  }
0x4f: {  	_ =	shalt  }
0x50: {  	_ =	shalt  }
0x51: {  	_ =	shalt  }
0x52: {  	_ =	shalt  }
0x53: {  	_ =	shalt  }
0x54: {  	_ =	shalt  }
0x55: {  	_ =	shalt  }
0x56: {  	_ =	shalt  }
0x57: {  	_ =	shalt  }
0x58: {  	_ =	shalt  }
0x59: {  	_ =	shalt  }
0x5a: {  	_ =	shalt  }
0x5b: {  	_ =	shalt  }
0x5c: {  	_ =	shalt  }
0x5d: {  	_ =	shalt  }
0x5e: {  	_ =	shalt  }
0x5f: {  	_ =	shalt  }
0x60: {  	_ =	shalt  }
0x61: {  	_ =	shalt  }
0x62: {  	_ =	shalt  }
0x63: {  	_ =	shalt  }
0x64: {  	_ =	shalt  }
0x65: {  	_ =	shalt  }
0x66: {  	_ =	shalt  }
0x67: {  	_ =	shalt  }
0x68: {  	_ =	shalt  }
0x69: {  	_ =	shalt  }
0x6a: {  	_ =	shalt  }
0x6b: {  	_ =	shalt  }
0x6c: {  	_ =	shalt  }
0x6d: {  	_ =	shalt  }
0x6e: {  	_ =	shalt  }
0x6f: {  	_ =	shalt  }
0x70: {  	_ =	shalt  }
0x71: {  	_ =	shalt  }
0x72: {  	_ =	shalt  }
0x73: {  	_ =	shalt  }
0x74: {  	_ =	shalt  }
0x75: {  	_ =	shalt  }
0x76: {  	_ =	shalt  }
0x77: {  	_ =	shalt  }
0x78: {  	_ =	shalt  }
0x79: {  	_ =	shalt  }
0x7a: {  	_ =	shalt  }
0x7b: {  	_ =	shalt  }
0x7c: {  	_ =	shalt  }
0x7d: {  	_ =	shalt  }
0x7e: {  	_ =	shalt  }
0x7f: {  	_ =	shalt  }
0x80: {  	_ =	shalt  }
0x81: {  	_ =	shalt  }
0x82: {  	_ =	shalt  }
0x83: {  	_ =	shalt  }
0x84: {  	_ =	shalt  }
0x85: {  	_ =	shalt  }
0x86: {  	_ =	shalt  }
0x87: {  	_ =	shalt  }
.Lfunc_end0:
.L_simem_size_0:
called_computation.7_lowered:
.L_overlay_start_0:
0x88: {  	s2 =	sld [smem:$0x3FD9]  }
0x89: {  	s3 =	sld [smem:$0x3FFE];
	_ =	sdelay $0x1  }
0x8a: {  	s1 =	srdreg.scid  }
0x8b: {  	s0 =	sand.u32 $0x1, s1  }
0x8c: {  	s16 =	sshll.u32 s0, $0xA;
	s2 =	sadd.s32 s3, s2  }
0x8d: {  	s2 =	sadd.s32 s2, s16  }
0x8e: {  	[smem:$0x3FB8] =	sst s2  }
0x8f: {  	_ = 	snop  }
0x90: {  	(tm) =	ssettm $0x1  }
0x91: {  	s17 =	sld [smem:$0x3FFB];
	_ =	sdelay $0x3  }
0x92: {  	_ =	strace s17  }
0x93: {  	s2 =	sld [smem:$0x3FFC];
	_ =	sdelay $0x3  }
0x94: {  	_ =	strace s2  }
0x95: {  	s2 =	sld [smem:$0x3FFD];
	_ =	sdelay $0x3  }
0x96: {  	_ =	strace s2  }
0x97: {  	_ =	strace $0x8FFFFFFF  }
0x98: {  	s18 =	sld [smem:$0x3FDB];
	_ =	sdelay $0x1  }
0x99: {  	s19 =	simm.s32 $_scs_section_size  }
0x9a: {  	s4 =	simm.s32 $_size__tile_overlayer_lowered;
	s5 =	simm.s32 $_tile_overlayer_lowered  }
0x9b: {  	s22 =	simm.s32 $0x1BFF;
	s21 =	sshll.u32 s5, $0x1;
	s2 =	sadd.s32 s19, s18  }
0x9c: {  	s6 =	simm.s32 $0x0;
	s20 =	sshll.u32 s4, $0x1;
	s4 =	sadd.s32 s21, s2  }
0x9d: {  	[timem:s6], [sflag:s22] =	dma.local [hbm:s4], s20  }
0x9e: {  	_ =	swait.ge [sflag:s22], s20  }
0x9f: {  	s3 =	ssub.s32 $0x0, s20;
	[sflag:s22] =	ssyncset.done $0x0  }
0xa0: {  	[sflag:s22] =	ssyncadd.s32 s3;
	_ =	sdelay $0x1  }
0xa1: {  	s23 =	simm.s32 $0x1B8B  }
0xa2: {  	_ =	swait.ge [sflag:s23], $0x1  }
0xa3: {  	[sflag:s23] =	ssyncset.done $0x0  }
0xa4: {  	s25 =	simm.s32 $0x1B8E;
	s24 =	sld [smem:$0x3FFE];
	[sflag:s23] =	ssyncadd.s32 $0xFFFFFFFF  }
0xa5: {  	s26 =	simm.s32 $execute0_lowered;
	[smem:$0x3FD2] =	sst s25  }
0xa6: {  	s4 =	sshll.u32 s26, $0x1;
	_ =	strace $0x80000055;
	[dreg:$0x1] =	wrdreg $0xFFFFFFFF  }
0xa7: {  	s28 =	simm.s32 $_size_execute0_lowered;
	s2 =	sadd.s32 s2, s4;
	[dreg:$0x0] =	wrdreg $0x0  }
0xa8: {  	s4 =	sshll.u32 s28, $0x1;
	[dreg:$0x2] =	wrdreg s2  }
0xa9: {  	[dreg:$0x3] =	wrdreg s4  }
0xaa: {  	[dreg:$0x4] =	wrdreg $0xC0  }
0xab: {  	_ =	task [dreg:s6], $0x5FFFF  }
0xac: {  	[dreg:$0x1] =	wrdreg $0xFFFFFFFF  }
0xad: {  	[dreg:$0x0] =	wrdreg $0x60  }
0xae: {  	[dreg:$0x2] =	wrdreg s24  }
0xaf: {  	[dreg:$0x3] =	wrdreg $0x9  }
0xb0: {  	_ =	task.clear_ibuf [dreg:s6], $0x4FFFF;
	_ =	strace $0x90000055  }
0xb1: {  	s29 =	simm.s32 $0x9;
	_ =	strace $0x80000057  }
0xb2: {  	_ =	swait.ge [sflag:s29], $0x1  }
0xb3: {  	[sflag:s29] =	ssyncadd.s32 $0xFFFFFFFF  }
0xb4: {  	_ =	strace $0x90000057  }
0xb5: {  	_ =	sfence  }
0xb6: {  	s30 =	sld [smem:$0x0];
	_ =	sdelay $0x2  }
0xb7: {  	s31 =	sshll.u32 s1, $0xD;
	s1 =	sshrl.u32 s1, $0x2  }
0xb8: {  	s3 =	sand.u32 $0x4000, s31;
	s1 =	sadd.s32 s1, s30  }
0xb9: {  	s0 =	sor.u32 s3, s0;
	s1 =	sshll.u32 s1, $0x11  }
0xba: {  	s0 =	sor.u32 s1, s0  }
0xbb: {  	s0 =	sadd.s32 $0x8F2B, s0  }
0xbc: {  	[sflag:s0] =	ssyncadd.remote.s32 $0x1  }
0xbd: {  	_ =	sfence.sel $0xFFFF  }
0xbe: {  	[dreg:$0x0] =	wrdreg $0xFFFFFFFF;
	(pc) =	sbr.abs _section_cstart, $3  }
0xbf: {  	[dreg:$0x1] =	wrdreg $0xFFFFFFFF  }
0xc0: {  	_ =	task.clear_ibuf [dreg:s6], $0x2FFFF;
	_ =	strace $0x9FFFFFFF  }
0xc1: {  	(tm) =	ssettm $0x7FFFFFFF  }
tec
execute0_lowered:
.L_overlay_start_1:
0x0: {  	(tag) =	ssettag $0x1  }
0x1: {  	s1 =	srdreg.scid  }
0x2: {  	s0 =	stileid.u32;
	s13 =	sand.u32 $0x1, s1  }
0x3: {  	s31 =	sshll.u32 s0, $0xB;
	s2 =	sshll.u32 s13, $0xA  }
0x4: {  	s9 =	rddreg [dreg:$0x0];
	s10 =	sor.u32 s2, s31  }
0x5: {  	s1 =	rddreg [dreg:$0x1];
	s2 =	simm.s32 $0x0;
	s3 =	sshrl.u32 s10, $0x3  }
0x6: {  	[smem:$0x7FF] =	sst s2;
	s3 =	sadd.s32 s3, s9  }
0x7: {  	_ =	strace $0x80000056;
	s4 =	sadd.s32 $0x1D600, s3;
	s3 =	simm.s32 $0x2  }
0x8: {  	[tilespmem:s2], [sflag:$0x2] =	stream.linear.gather [hbm4b:s4+s2], $0x400, $0x38;
	[tilespmem:$0x10400] =	vst v63  }
0x9: {  	_ =	swait.ge [sflag:s3], $0x400  }
0xa: {  	s6 =	simm.s32 $0x100;
	s7 =	simm.s32 $0x400;
	[sflag:s3] =	ssyncset.done $0x0  }
0xb: {  	s8 =	simm.s32 $0x1;
	s5 =	sadd.s32 $0xD600, s9;
	[sflag:s3] =	ssyncadd.s32 $0xFFFFFC00  }
0xc: {  	[tilespmem:s7], [sflag:$0x1] =	stream.indirect.gather [hbm4b:s5+s6], $0x100, s2, s6, $0xb8;
	[tilespmem:$0x10400] =	vst v63  }
0xd: {  	s10 =	sshll.u32 s10, $0x5;
	_ =	swait.ge [sflag:s8], $0x10000  }
0xe: {  	s14 =	sadd.s32 s10, s9;
	[sflag:s8] =	ssyncset.done $0x0  }
0xf: {  	s9 =	sadd.s32 $0x1B8C00, s14;
	[sflag:s8] =	ssyncadd.s32 $0xFFFF0000  }
0x10: {  	[hbm4b:s9+s2] =	stream.linear.scatter [tilespmem:s7], [sflag:$0x2], $0x10000, $0x38;
	[tilespmem:$0x10400] =	vst v63  }
0x11: {  	_ =	swait.ge [sflag:s3], $0x10000  }
0x12: {  	[sflag:s3] =	ssyncset.done $0x0  }
0x13: {  	[sflag:s3] =	ssyncadd.s32 $0xFFFF0000  }
0x14: {  	[tilespmem:s7], [sflag:$0x1] =	stream.indirect.gather [hbm4b:s5+s6], $0x100, s6, s6, $0xb8;
	[tilespmem:$0x10400] =	vst v63  }
0x15: {  	_ =	swait.ge [sflag:s8], $0x10000  }
0x16: {  	[sflag:s8] =	ssyncset.done $0x0  }
0x17: {  	s10 =	sadd.s32 $0x1BAC00, s14;
	[sflag:s8] =	ssyncadd.s32 $0xFFFF0000  }
0x18: {  	[hbm4b:s10+s2] =	stream.linear.scatter [tilespmem:s7], [sflag:$0x2], $0x10000, $0x38;
	[tilespmem:$0x10400] =	vst v63  }
0x19: {  	_ =	swait.ge [sflag:s3], $0x10000  }
0x1a: {  	[sflag:s3] =	ssyncset.done $0x0  }
0x1b: {  	s11 =	simm.s32 $0x200;
	[sflag:s3] =	ssyncadd.s32 $0xFFFF0000  }
0x1c: {  	[tilespmem:s7], [sflag:$0x1] =	stream.indirect.gather [hbm4b:s5+s6], $0x100, s11, s6, $0xb8;
	[tilespmem:$0x10400] =	vst v63  }
0x1d: {  	_ =	swait.ge [sflag:s8], $0x10000  }
0x1e: {  	[sflag:s8] =	ssyncset.done $0x0  }
0x1f: {  	s15 =	ssub.s32 $0x2, s13;
	s12 =	sadd.s32 $0x1BCC00, s14;
	[sflag:s8] =	ssyncadd.s32 $0xFFFF0000  }
0x20: {  	[hbm4b:s12+s2] =	stream.linear.scatter [tilespmem:s7], [sflag:$0x2], $0x10000, $0x38;
	[tilespmem:$0x10400] =	vst v63  }
0x21: {  	s16 =	sshrl.u32 s15, $0x1;
	_ =	swait.ge [sflag:s3], $0x10000  }
0x22: {  	s15 =	ssub.s32 s15, s16;
	[sflag:s3] =	ssyncset.done $0x0  }
0x23: {  	s13 =	simm.s32 $0x300;
	s15 =	smax.u32 s15, $0x1;
	[sflag:s3] =	ssyncadd.s32 $0xFFFF0000  }
0x24: {  	[tilespmem:s7], [sflag:$0x1] =	stream.indirect.gather [hbm4b:s5+s6], $0x100, s13, s6, $0xb8;
	[tilespmem:$0x10400] =	vst v63  }
0x25: {  	p0 =	sne.s32 s15, $0x1;
	_ =	swait.ge [sflag:s8], $0x10000  }
.Ltmp0:
0x26: {  	[sflag:s8] =	ssyncset.done $0x0;
	(pc) =	sbr.rel @!p0 .LBB2_2-.Ltmp0, $4  }
0x27: {  	s14 =	sadd.s32 $0x1BEC00, s14;
	[sflag:s8] =	ssyncadd.s32 $0xFFFF0000  }
0x28: {  	[hbm4b:s14+s2] =	stream.linear.scatter [tilespmem:s7], [sflag:$0x2], $0x10000, $0x38;
	[tilespmem:$0x10400] =	vst v63  }
0x29: {  	_ =	swait.ge [sflag:s3], $0x10000  }
0x2a: {  	s15 =	sadd.s32 $0xFFFFFFFF, s15;
	[sflag:s3] =	ssyncset.done $0x0  }
.LBB2_1:
0x2b: {  	p0 =	sne.s32 s15, $0x1;
	s15 =	sadd.s32 $0xFFFFFFFF, s15;
	[sflag:s3] =	ssyncadd.s32 $0xFFFF0000  }
0x2c: {  	[tilespmem:s2], [sflag:$0x2] =	stream.linear.gather [hbm4b:s4+s2], $0x400, $0x38;
	[tilespmem:$0x10400] =	vst v63  }
0x2d: {  	_ =	swait.ge [sflag:s3], $0x400  }
0x2e: {  	[sflag:s3] =	ssyncset.done $0x0  }
0x2f: {  	[sflag:s3] =	ssyncadd.s32 $0xFFFFFC00  }
0x30: {  	[tilespmem:s7], [sflag:$0x1] =	stream.indirect.gather [hbm4b:s5+s6], $0x100, s2, s6, $0xb8;
	[tilespmem:$0x10400] =	vst v63  }
0x31: {  	_ =	swait.ge [sflag:s8], $0x10000  }
0x32: {  	[sflag:s8] =	ssyncset.done $0x0  }
0x33: {  	[sflag:s8] =	ssyncadd.s32 $0xFFFF0000  }
0x34: {  	[hbm4b:s9+s2] =	stream.linear.scatter [tilespmem:s7], [sflag:$0x2], $0x10000, $0x38;
	[tilespmem:$0x10400] =	vst v63  }
0x35: {  	_ =	swait.ge [sflag:s3], $0x10000  }
0x36: {  	[sflag:s3] =	ssyncset.done $0x0  }
0x37: {  	[sflag:s3] =	ssyncadd.s32 $0xFFFF0000  }
0x38: {  	[tilespmem:s7], [sflag:$0x1] =	stream.indirect.gather [hbm4b:s5+s6], $0x100, s6, s6, $0xb8;
	[tilespmem:$0x10400] =	vst v63  }
0x39: {  	_ =	swait.ge [sflag:s8], $0x10000  }
0x3a: {  	[sflag:s8] =	ssyncset.done $0x0  }
0x3b: {  	[sflag:s8] =	ssyncadd.s32 $0xFFFF0000  }
0x3c: {  	[hbm4b:s10+s2] =	stream.linear.scatter [tilespmem:s7], [sflag:$0x2], $0x10000, $0x38;
	[tilespmem:$0x10400] =	vst v63  }
0x3d: {  	_ =	swait.ge [sflag:s3], $0x10000  }
0x3e: {  	[sflag:s3] =	ssyncset.done $0x0  }
0x3f: {  	[sflag:s3] =	ssyncadd.s32 $0xFFFF0000  }
0x40: {  	[tilespmem:s7], [sflag:$0x1] =	stream.indirect.gather [hbm4b:s5+s6], $0x100, s11, s6, $0xb8;
	[tilespmem:$0x10400] =	vst v63  }
0x41: {  	_ =	swait.ge [sflag:s8], $0x10000  }
0x42: {  	[sflag:s8] =	ssyncset.done $0x0  }
0x43: {  	[sflag:s8] =	ssyncadd.s32 $0xFFFF0000  }
0x44: {  	[hbm4b:s12+s2] =	stream.linear.scatter [tilespmem:s7], [sflag:$0x2], $0x10000, $0x38;
	[tilespmem:$0x10400] =	vst v63  }
0x45: {  	_ =	swait.ge [sflag:s3], $0x10000  }
0x46: {  	[sflag:s3] =	ssyncset.done $0x0  }
0x47: {  	[sflag:s3] =	ssyncadd.s32 $0xFFFF0000  }
0x48: {  	[tilespmem:s7], [sflag:$0x1] =	stream.indirect.gather [hbm4b:s5+s6], $0x100, s13, s6, $0xb8;
	[tilespmem:$0x10400] =	vst v63  }
0x49: {  	_ =	swait.ge [sflag:s8], $0x10000  }
.Ltmp1:
0x4a: {  	[sflag:s8] =	ssyncset.done $0x0;
	(pc) =	sbr.rel @p0 .LBB2_1-.Ltmp1, $4  }
0x4b: {  	[sflag:s8] =	ssyncadd.s32 $0xFFFF0000  }
0x4c: {  	[hbm4b:s14+s2] =	stream.linear.scatter [tilespmem:s7], [sflag:$0x2], $0x10000, $0x38;
	[tilespmem:$0x10400] =	vst v63  }
0x4d: {  	_ =	swait.ge [sflag:s3], $0x10000  }
0x4e: {  	[sflag:s3] =	ssyncset.done $0x0  }
.LBB2_2:
0x4f: {  	[sflag:s3] =	ssyncadd.s32 $0xFFFF0000  }
0x50: {  	_ =	sfence.sel $0x180000  }
0x51: {  	[bflag:$0x0] =	sbarrier.arrive $0xFFFF  }
0x52: {  	p0 =	sne.s32 s0, $0x0;
	_ =	strace $0x90000056  }
0x53: {  	s0 =	sadd.s32 @!p0 $0x100000, s1;
	[bflag:$0x2] =	sbarrier.arrive $0xFFFF  }
0x54: {  	[sflag:s0] =	ssyncadd.tile.s32 @!p0 $0x1;
	_ =	shalt  }
.Lfunc_end2:
_tile_overlayer_lowered:
.L_overlay_start_2:
0x55: {  	(tag) =	ssettag $0x2  }
0x56: {  	s0 =	rddreg [dreg:$0x0];
	s2 =	stileid.u32  }
0x57: {  	s1 =	rddreg [dreg:$0x1];
	p0 =	sne.s32 s2, $0x0  }
0x58: {  	s3 =	rddreg [dreg:$0x2];
	[bflag:$0x3] =	sbarrier.arrive $0xFFFF;
	s2 =	simm.s32 @!p0 $0x1C02  }
0x59: {  	[timem:s3], [sflag:s2] =	dma.local @!p0 [hbm:s0], s1  }
0x5a: {  	s0 =	simm.s32 @!p0 $0x2  }
0x5b: {  	_ =	swait.ge @!p0 [sflag:s0], s1  }
0x5c: {  	s1 =	ssub.s32 @!p0 $0x0, s1;
	[sflag:s0] =	ssyncset.done @!p0 $0x0  }
0x5d: {  	[sflag:s0] =	ssyncadd.s32 @!p0 s1  }
0x5e: {  	[bflag:$0x3] =	sbarrier.arrive $0xFFFF  }
0x5f: {  	_ =	shalt  }

// kernel: kernel.41.cloned.1.call-start
scs
__scs_entry_jumppad:
0x0: {  	(pc) =	sbr.rel $0x88, $3  }
0x1: {  	(tag) =	ssettag $0x0;
	lr =	simm.s32 $0x1  }
0x2: {  	[smem:$0x3F91] =	sst lr;
	_ =	strace $0xD0000000  }
0x3: {  	_ = 	snop  }
0x4: {  	_ = 	snop  }
0x5: {  	_ = 	snop  }
0x6: {  	_ = 	snop  }
0x7: {  	_ = 	snop  }
__scs_overlays_trampoline_lowered:
0x8: {  	[smem:$0x3FA0] =	sst s0  }
0x9: {  	[smem:$0x3FA1] =	sst s1  }
0xa: {  	[smem:$0x3FA2] =	sst s2  }
0xb: {  	[smem:$0x3FA3] =	sst s3  }
0xc: {  	[smem:$0x3FA4] =	sst s4  }
0xd: {  	[smem:$0x3FA5] =	sst s5  }
0xe: {  	[smem:$0x3FA6] =	sst s6  }
0xf: {  	[smem:$0x3FA7] =	sst s7  }
0x10: {  	[smem:$0x3FA8] =	sst s8  }
0x11: {  	[smem:$0x3FA9] =	sst s9;
	s0 =	simm.s32 @!p0 $0x0  }
0x12: {  	s1 =	sld [smem:$0x3F8F];
	s0 =	simm.s32 @p0 $0x1  }
0x13: {  	[smem:$0x3FAA] =	sst s0;
	s0 =	simm.s32 @!p1 $0x0  }
0x14: {  	s2 =	sld [smem:$0x3F8E];
	s0 =	simm.s32 @p1 $0x1  }
0x15: {  	[smem:$0x3FAB] =	sst s0;
	s0 =	simm.s32 @!p2 $0x0  }
0x16: {  	s3 =	sld [smem:$0x3FDB];
	s0 =	simm.s32 @p2 $0x1  }
0x17: {  	s4 =	simm.s32 $0x1BF5;
	[smem:$0x3FAD] =	sst s0  }
0x18: {  	s0 =	sld [smem:$0x3F90];
	_ =	swait.ge [sflag:s4], $0x0  }
0x19: {  	s7 =	sld [smem:$0x3F91]  }
0x1a: {  	s8 =	sadd.s32 $0xFFFFE003, lr  }
0x1b: {  	s9 =	sadd.s32 $0xFFFFFEF7, lr;
	s5 =	simm.s32 $0xFFFFFFFF;
	p2 =	slt.u32 s8, $0xFFFFF086  }
0x1c: {  	p1 =	slt.u32 s9, $0xF7A;
	s5 =	simm.s32 @!p2 $0x0  }
0x1d: {  	s5 =	simm.s32 @p1 $0x1;
	p0 =	seq.s32 s7, s2  }
0x1e: {  	s7 =	smul.u32 @!p0 $0xF7A, s2;
	p2 =	seq.s32 @!p0 s5, $0x0  }
0x1f: {  	s9 =	smul.u32 $0xF7A, s1;
	s8 =	simm.s32 @!p0 $0x1BF5;
	p2 =	por !p2, p0  }
0x20: {  	[sflag:s8] =	ssyncset.s32 @!p0 $0xFFFFF086;
	s6 =	sadd.s32 @!p0 s3, s7;
	s7 =	simm.s32 @!p0 $0x108  }
0x21: {  	s3 =	sadd.s32 s3, s9;
	s6 =	sadd.s32 @!p0 $0x88, s6;
	s7 =	simm.s32 @p2 $0x1082  }
0x22: {  	[simem:s7], [sflag:s8] =	dma.local @!p0 [hbm:s6], $0xF7A  }
0x23: {  	s9 =	sor.u32 $0xD0000000, s2;
	s6 =	simm.s32 $0x108;
	_ =	swait.ge @!p0 [sflag:s8], $0x0  }
0x24: {  	s3 =	sadd.s32 $0x88, s3;
	s6 =	simm.s32 @!p1 $0x1082;
	[sflag:s4] =	ssyncset.s32 $0xFFFFF086  }
0x25: {  	[simem:s6], [sflag:s4] =	dma.local [hbm:s3], $0xF7A  }
0x26: {  	[smem:$0x3F91] =	sst s1;
	(tag) =	ssettag s2;
	_ =	strace s9  }
0x27: {  	s1 =	sld [smem:$0x3FA1]  }
0x28: {  	s2 =	sld [smem:$0x3FA2]  }
0x29: {  	s4 =	sld [smem:$0x3FA4]  }
0x2a: {  	p0 =	seq.s32 s5, $0x0;
	s5 =	sld [smem:$0x3FA5]  }
0x2b: {  	s6 =	sld [smem:$0x3FA6]  }
0x2c: {  	s7 =	sld [smem:$0x3FA7]  }
0x2d: {  	s3 =	simm.s32 $0x108;
	s8 =	sld [smem:$0x3FA8]  }
0x2e: {  	s3 =	simm.s32 @!p0 $0x1082;
	s9 =	sld [smem:$0x3FA9]  }
0x2f: {  	lr =	sadd.s32 s0, s3;
	s0 =	sld [smem:$0x3FA0]  }
0x30: {  	s3 =	sld [smem:$0x3FA3]  }
0x31: {  	[smem:$0x3FAC] =	sst s10  }
0x32: {  	s10 =	sld [smem:$0x3FAA];
	_ =	sdelay $0x3  }
0x33: {  	p0 =	seq.s32 s10, $0x1;
	s10 =	sld [smem:$0x3FAC];
	_ =	sdelay $0x3  }
0x34: {  	[smem:$0x3FAC] =	sst s10  }
0x35: {  	s10 =	sld [smem:$0x3FAB];
	_ =	sdelay $0x3  }
0x36: {  	p1 =	seq.s32 s10, $0x1;
	s10 =	sld [smem:$0x3FAC];
	_ =	sdelay $0x3  }
0x37: {  	[smem:$0x3FAC] =	sst s10  }
0x38: {  	s10 =	sld [smem:$0x3FAD]  }
0x39: {  	_ = 	snop;
	(pc) =	sbr.ind lr, $3  }
0x3a: {  	_ = 	snop  }
0x3b: {  	_ = 	snop  }
0x3c: {  	p2 =	seq.s32 s10, $0x1;
	s10 =	sld [smem:$0x3FAC]  }
0x3d: {  	_ =	shalt  }
0x3e: {  	_ =	shalt  }
0x3f: {  	_ =	shalt  }
0x40: {  	_ =	shalt  }
0x41: {  	_ =	shalt  }
0x42: {  	_ =	shalt  }
0x43: {  	_ =	shalt  }
0x44: {  	_ =	shalt  }
0x45: {  	_ =	shalt  }
0x46: {  	_ =	shalt  }
0x47: {  	_ =	shalt  }
0x48: {  	_ =	shalt  }
0x49: {  	_ =	shalt  }
0x4a: {  	_ =	shalt  }
0x4b: {  	_ =	shalt  }
0x4c: {  	_ =	shalt  }
0x4d: {  	_ =	shalt  }
0x4e: {  	_ =	shalt  }
0x4f: {  	_ =	shalt  }
0x50: {  	_ =	shalt  }
0x51: {  	_ =	shalt  }
0x52: {  	_ =	shalt  }
0x53: {  	_ =	shalt  }
0x54: {  	_ =	shalt  }
0x55: {  	_ =	shalt  }
0x56: {  	_ =	shalt  }
0x57: {  	_ =	shalt  }
0x58: {  	_ =	shalt  }
0x59: {  	_ =	shalt  }
0x5a: {  	_ =	shalt  }
0x5b: {  	_ =	shalt  }
0x5c: {  	_ =	shalt  }
0x5d: {  	_ =	shalt  }
0x5e: {  	_ =	shalt  }
0x5f: {  	_ =	shalt  }
0x60: {  	_ =	shalt  }
0x61: {  	_ =	shalt  }
0x62: {  	_ =	shalt  }
0x63: {  	_ =	shalt  }
0x64: {  	_ =	shalt  }
0x65: {  	_ =	shalt  }
0x66: {  	_ =	shalt  }
0x67: {  	_ =	shalt  }
0x68: {  	_ =	shalt  }
0x69: {  	_ =	shalt  }
0x6a: {  	_ =	shalt  }
0x6b: {  	_ =	shalt  }
0x6c: {  	_ =	shalt  }
0x6d: {  	_ =	shalt  }
0x6e: {  	_ =	shalt  }
0x6f: {  	_ =	shalt  }
0x70: {  	_ =	shalt  }
0x71: {  	_ =	shalt  }
0x72: {  	_ =	shalt  }
0x73: {  	_ =	shalt  }
0x74: {  	_ =	shalt  }
0x75: {  	_ =	shalt  }
0x76: {  	_ =	shalt  }
0x77: {  	_ =	shalt  }
0x78: {  	_ =	shalt  }
0x79: {  	_ =	shalt  }
0x7a: {  	_ =	shalt  }
0x7b: {  	_ =	shalt  }
0x7c: {  	_ =	shalt  }
0x7d: {  	_ =	shalt  }
0x7e: {  	_ =	shalt  }
0x7f: {  	_ =	shalt  }
0x80: {  	_ =	shalt  }
0x81: {  	_ =	shalt  }
0x82: {  	_ =	shalt  }
0x83: {  	_ =	shalt  }
0x84: {  	_ =	shalt  }
0x85: {  	_ =	shalt  }
0x86: {  	_ =	shalt  }
0x87: {  	_ =	shalt  }
.Lfunc_end0:
.L_simem_size_0:
called_computation.8_lowered:
.L_overlay_start_0:
0x88: {  	s2 =	sld [smem:$0x3FD9]  }
0x89: {  	s3 =	sld [smem:$0x3FFE];
	_ =	sdelay $0x1  }
0x8a: {  	s1 =	srdreg.scid  }
0x8b: {  	s0 =	sand.u32 $0x1, s1  }
0x8c: {  	s16 =	sshll.u32 s0, $0xA;
	s2 =	sadd.s32 s3, s2  }
0x8d: {  	s2 =	sadd.s32 s2, s16  }
0x8e: {  	[smem:$0x3FB8] =	sst s2  }
0x8f: {  	_ = 	snop  }
0x90: {  	(tm) =	ssettm $0x1  }
0x91: {  	s17 =	sld [smem:$0x3FFB];
	_ =	sdelay $0x3  }
0x92: {  	_ =	strace s17  }
0x93: {  	s2 =	sld [smem:$0x3FFC];
	_ =	sdelay $0x3  }
0x94: {  	_ =	strace s2  }
0x95: {  	s2 =	sld [smem:$0x3FFD];
	_ =	sdelay $0x3  }
0x96: {  	_ =	strace s2  }
0x97: {  	_ =	strace $0x8FFFFFFF  }
0x98: {  	s18 =	sld [smem:$0x3FDB];
	_ =	sdelay $0x1  }
0x99: {  	s19 =	simm.s32 $_scs_section_size  }
0x9a: {  	s4 =	simm.s32 $_size__tile_overlayer_lowered;
	s5 =	simm.s32 $_tile_overlayer_lowered  }
0x9b: {  	s22 =	simm.s32 $0x1BFF;
	s21 =	sshll.u32 s5, $0x1;
	s2 =	sadd.s32 s19, s18  }
0x9c: {  	s6 =	simm.s32 $0x0;
	s20 =	sshll.u32 s4, $0x1;
	s4 =	sadd.s32 s21, s2  }
0x9d: {  	[timem:s6], [sflag:s22] =	dma.local [hbm:s4], s20  }
0x9e: {  	_ =	swait.ge [sflag:s22], s20  }
0x9f: {  	s3 =	ssub.s32 $0x0, s20;
	[sflag:s22] =	ssyncset.done $0x0  }
0xa0: {  	[sflag:s22] =	ssyncadd.s32 s3;
	_ =	sdelay $0x1  }
0xa1: {  	s23 =	simm.s32 $0x1B8B  }
0xa2: {  	_ =	swait.ge [sflag:s23], $0x1  }
0xa3: {  	[sflag:s23] =	ssyncset.done $0x0  }
0xa4: {  	s25 =	simm.s32 $0x1B8E;
	s24 =	sld [smem:$0x3FFE];
	[sflag:s23] =	ssyncadd.s32 $0xFFFFFFFF  }
0xa5: {  	s26 =	simm.s32 $execute0_lowered;
	[smem:$0x3FD2] =	sst s25  }
0xa6: {  	s4 =	sshll.u32 s26, $0x1;
	_ =	strace $0x80000058;
	[dreg:$0x1] =	wrdreg $0xFFFFFFFF  }
0xa7: {  	s28 =	simm.s32 $_size_execute0_lowered;
	s2 =	sadd.s32 s2, s4;
	[dreg:$0x0] =	wrdreg $0x0  }
0xa8: {  	s4 =	sshll.u32 s28, $0x1;
	[dreg:$0x2] =	wrdreg s2  }
0xa9: {  	[dreg:$0x3] =	wrdreg s4  }
0xaa: {  	[dreg:$0x4] =	wrdreg $0xC0  }
0xab: {  	_ =	task [dreg:s6], $0x5FFFF  }
0xac: {  	[dreg:$0x1] =	wrdreg $0xFFFFFFFF  }
0xad: {  	[dreg:$0x0] =	wrdreg $0x60  }
0xae: {  	[dreg:$0x2] =	wrdreg s24  }
0xaf: {  	[dreg:$0x3] =	wrdreg $0x9  }
0xb0: {  	_ =	task.clear_ibuf [dreg:s6], $0x4FFFF;
	_ =	strace $0x90000058  }
0xb1: {  	s29 =	simm.s32 $0x9;
	_ =	strace $0x8000005A  }
0xb2: {  	_ =	swait.ge [sflag:s29], $0x1  }
0xb3: {  	[sflag:s29] =	ssyncadd.s32 $0xFFFFFFFF  }
0xb4: {  	_ =	strace $0x9000005A  }
0xb5: {  	_ =	sfence  }
0xb6: {  	s30 =	sld [smem:$0x0];
	_ =	sdelay $0x2  }
0xb7: {  	s31 =	sshll.u32 s1, $0xD;
	s1 =	sshrl.u32 s1, $0x2  }
0xb8: {  	s3 =	sand.u32 $0x4000, s31;
	s1 =	sadd.s32 s1, s30  }
0xb9: {  	s0 =	sor.u32 s3, s0;
	s1 =	sshll.u32 s1, $0x11  }
0xba: {  	s0 =	sor.u32 s1, s0  }
0xbb: {  	s0 =	sadd.s32 $0x8F2B, s0  }
0xbc: {  	[sflag:s0] =	ssyncadd.remote.s32 $0x1  }
0xbd: {  	_ =	sfence.sel $0xFFFF  }
0xbe: {  	[dreg:$0x0] =	wrdreg $0xFFFFFFFF;
	(pc) =	sbr.abs _section_cstart, $3  }
0xbf: {  	[dreg:$0x1] =	wrdreg $0xFFFFFFFF  }
0xc0: {  	_ =	task.clear_ibuf [dreg:s6], $0x2FFFF;
	_ =	strace $0x9FFFFFFF  }
0xc1: {  	(tm) =	ssettm $0x7FFFFFFF  }
tec
execute0_lowered:
.L_overlay_start_1:
0x0: {  	(tag) =	ssettag $0x1  }
0x1: {  	s1 =	srdreg.scid  }
0x2: {  	s0 =	stileid.u32;
	s13 =	sand.u32 $0x1, s1  }
0x3: {  	s31 =	sshll.u32 s0, $0xB;
	s2 =	sshll.u32 s13, $0xA  }
0x4: {  	s9 =	rddreg [dreg:$0x0];
	s10 =	sor.u32 s2, s31  }
0x5: {  	s1 =	rddreg [dreg:$0x1];
	s2 =	simm.s32 $0x0;
	s3 =	sshrl.u32 s10, $0x3  }
0x6: {  	[smem:$0x7FF] =	sst s2;
	s3 =	sadd.s32 s3, s9  }
0x7: {  	_ =	strace $0x80000059;
	s4 =	sadd.s32 $0x1D600, s3;
	s3 =	simm.s32 $0x2  }
0x8: {  	[tilespmem:s2], [sflag:$0x2] =	stream.linear.gather [hbm4b:s4+s2], $0x400, $0x38;
	[tilespmem:$0x10400] =	vst v63  }
0x9: {  	_ =	swait.ge [sflag:s3], $0x400  }
0xa: {  	s6 =	simm.s32 $0x100;
	s7 =	simm.s32 $0x400;
	[sflag:s3] =	ssyncset.done $0x0  }
0xb: {  	s8 =	simm.s32 $0x1;
	s5 =	sadd.s32 $0xD600, s9;
	[sflag:s3] =	ssyncadd.s32 $0xFFFFFC00  }
0xc: {  	[tilespmem:s7], [sflag:$0x1] =	stream.indirect.gather [hbm4b:s5+s6], $0x100, s2, s6, $0xb8;
	[tilespmem:$0x10400] =	vst v63  }
0xd: {  	s10 =	sshll.u32 s10, $0x5;
	_ =	swait.ge [sflag:s8], $0x10000  }
0xe: {  	s14 =	sadd.s32 s10, s9;
	[sflag:s8] =	ssyncset.done $0x0  }
0xf: {  	s9 =	sadd.s32 $0x1B8C00, s14;
	[sflag:s8] =	ssyncadd.s32 $0xFFFF0000  }
0x10: {  	[hbm4b:s9+s2] =	stream.linear.scatter [tilespmem:s7], [sflag:$0x2], $0x10000, $0x38;
	[tilespmem:$0x10400] =	vst v63  }
0x11: {  	_ =	swait.ge [sflag:s3], $0x10000  }
0x12: {  	[sflag:s3] =	ssyncset.done $0x0  }
0x13: {  	[sflag:s3] =	ssyncadd.s32 $0xFFFF0000  }
0x14: {  	[tilespmem:s7], [sflag:$0x1] =	stream.indirect.gather [hbm4b:s5+s6], $0x100, s6, s6, $0xb8;
	[tilespmem:$0x10400] =	vst v63  }
0x15: {  	_ =	swait.ge [sflag:s8], $0x10000  }
0x16: {  	[sflag:s8] =	ssyncset.done $0x0  }
0x17: {  	s10 =	sadd.s32 $0x1BAC00, s14;
	[sflag:s8] =	ssyncadd.s32 $0xFFFF0000  }
0x18: {  	[hbm4b:s10+s2] =	stream.linear.scatter [tilespmem:s7], [sflag:$0x2], $0x10000, $0x38;
	[tilespmem:$0x10400] =	vst v63  }
0x19: {  	_ =	swait.ge [sflag:s3], $0x10000  }
0x1a: {  	[sflag:s3] =	ssyncset.done $0x0  }
0x1b: {  	s11 =	simm.s32 $0x200;
	[sflag:s3] =	ssyncadd.s32 $0xFFFF0000  }
0x1c: {  	[tilespmem:s7], [sflag:$0x1] =	stream.indirect.gather [hbm4b:s5+s6], $0x100, s11, s6, $0xb8;
	[tilespmem:$0x10400] =	vst v63  }
0x1d: {  	_ =	swait.ge [sflag:s8], $0x10000  }
0x1e: {  	[sflag:s8] =	ssyncset.done $0x0  }
0x1f: {  	s15 =	ssub.s32 $0x2, s13;
	s12 =	sadd.s32 $0x1BCC00, s14;
	[sflag:s8] =	ssyncadd.s32 $0xFFFF0000  }
0x20: {  	[hbm4b:s12+s2] =	stream.linear.scatter [tilespmem:s7], [sflag:$0x2], $0x10000, $0x38;
	[tilespmem:$0x10400] =	vst v63  }
0x21: {  	s16 =	sshrl.u32 s15, $0x1;
	_ =	swait.ge [sflag:s3], $0x10000  }
0x22: {  	s15 =	ssub.s32 s15, s16;
	[sflag:s3] =	ssyncset.done $0x0  }
0x23: {  	s13 =	simm.s32 $0x300;
	s15 =	smax.u32 s15, $0x1;
	[sflag:s3] =	ssyncadd.s32 $0xFFFF0000  }
0x24: {  	[tilespmem:s7], [sflag:$0x1] =	stream.indirect.gather [hbm4b:s5+s6], $0x100, s13, s6, $0xb8;
	[tilespmem:$0x10400] =	vst v63  }
0x25: {  	p0 =	sne.s32 s15, $0x1;
	_ =	swait.ge [sflag:s8], $0x10000  }
.Ltmp0:
0x26: {  	[sflag:s8] =	ssyncset.done $0x0;
	(pc) =	sbr.rel @!p0 .LBB2_2-.Ltmp0, $4  }
0x27: {  	s14 =	sadd.s32 $0x1BEC00, s14;
	[sflag:s8] =	ssyncadd.s32 $0xFFFF0000  }
0x28: {  	[hbm4b:s14+s2] =	stream.linear.scatter [tilespmem:s7], [sflag:$0x2], $0x10000, $0x38;
	[tilespmem:$0x10400] =	vst v63  }
0x29: {  	_ =	swait.ge [sflag:s3], $0x10000  }
0x2a: {  	s15 =	sadd.s32 $0xFFFFFFFF, s15;
	[sflag:s3] =	ssyncset.done $0x0  }
.LBB2_1:
0x2b: {  	p0 =	sne.s32 s15, $0x1;
	s15 =	sadd.s32 $0xFFFFFFFF, s15;
	[sflag:s3] =	ssyncadd.s32 $0xFFFF0000  }
0x2c: {  	[tilespmem:s2], [sflag:$0x2] =	stream.linear.gather [hbm4b:s4+s2], $0x400, $0x38;
	[tilespmem:$0x10400] =	vst v63  }
0x2d: {  	_ =	swait.ge [sflag:s3], $0x400  }
0x2e: {  	[sflag:s3] =	ssyncset.done $0x0  }
0x2f: {  	[sflag:s3] =	ssyncadd.s32 $0xFFFFFC00  }
0x30: {  	[tilespmem:s7], [sflag:$0x1] =	stream.indirect.gather [hbm4b:s5+s6], $0x100, s2, s6, $0xb8;
	[tilespmem:$0x10400] =	vst v63  }
0x31: {  	_ =	swait.ge [sflag:s8], $0x10000  }
0x32: {  	[sflag:s8] =	ssyncset.done $0x0  }
0x33: {  	[sflag:s8] =	ssyncadd.s32 $0xFFFF0000  }
0x34: {  	[hbm4b:s9+s2] =	stream.linear.scatter [tilespmem:s7], [sflag:$0x2], $0x10000, $0x38;
	[tilespmem:$0x10400] =	vst v63  }
0x35: {  	_ =	swait.ge [sflag:s3], $0x10000  }
0x36: {  	[sflag:s3] =	ssyncset.done $0x0  }
0x37: {  	[sflag:s3] =	ssyncadd.s32 $0xFFFF0000  }
0x38: {  	[tilespmem:s7], [sflag:$0x1] =	stream.indirect.gather [hbm4b:s5+s6], $0x100, s6, s6, $0xb8;
	[tilespmem:$0x10400] =	vst v63  }
0x39: {  	_ =	swait.ge [sflag:s8], $0x10000  }
0x3a: {  	[sflag:s8] =	ssyncset.done $0x0  }
0x3b: {  	[sflag:s8] =	ssyncadd.s32 $0xFFFF0000  }
0x3c: {  	[hbm4b:s10+s2] =	stream.linear.scatter [tilespmem:s7], [sflag:$0x2], $0x10000, $0x38;
	[tilespmem:$0x10400] =	vst v63  }
0x3d: {  	_ =	swait.ge [sflag:s3], $0x10000  }
0x3e: {  	[sflag:s3] =	ssyncset.done $0x0  }
0x3f: {  	[sflag:s3] =	ssyncadd.s32 $0xFFFF0000  }
0x40: {  	[tilespmem:s7], [sflag:$0x1] =	stream.indirect.gather [hbm4b:s5+s6], $0x100, s11, s6, $0xb8;
	[tilespmem:$0x10400] =	vst v63  }
0x41: {  	_ =	swait.ge [sflag:s8], $0x10000  }
0x42: {  	[sflag:s8] =	ssyncset.done $0x0  }
0x43: {  	[sflag:s8] =	ssyncadd.s32 $0xFFFF0000  }
0x44: {  	[hbm4b:s12+s2] =	stream.linear.scatter [tilespmem:s7], [sflag:$0x2], $0x10000, $0x38;
	[tilespmem:$0x10400] =	vst v63  }
0x45: {  	_ =	swait.ge [sflag:s3], $0x10000  }
0x46: {  	[sflag:s3] =	ssyncset.done $0x0  }
0x47: {  	[sflag:s3] =	ssyncadd.s32 $0xFFFF0000  }
0x48: {  	[tilespmem:s7], [sflag:$0x1] =	stream.indirect.gather [hbm4b:s5+s6], $0x100, s13, s6, $0xb8;
	[tilespmem:$0x10400] =	vst v63  }
0x49: {  	_ =	swait.ge [sflag:s8], $0x10000  }
.Ltmp1:
0x4a: {  	[sflag:s8] =	ssyncset.done $0x0;
	(pc) =	sbr.rel @p0 .LBB2_1-.Ltmp1, $4  }
0x4b: {  	[sflag:s8] =	ssyncadd.s32 $0xFFFF0000  }
0x4c: {  	[hbm4b:s14+s2] =	stream.linear.scatter [tilespmem:s7], [sflag:$0x2], $0x10000, $0x38;
	[tilespmem:$0x10400] =	vst v63  }
0x4d: {  	_ =	swait.ge [sflag:s3], $0x10000  }
0x4e: {  	[sflag:s3] =	ssyncset.done $0x0  }
.LBB2_2:
0x4f: {  	[sflag:s3] =	ssyncadd.s32 $0xFFFF0000  }
0x50: {  	_ =	sfence.sel $0x180000  }
0x51: {  	[bflag:$0x0] =	sbarrier.arrive $0xFFFF  }
0x52: {  	p0 =	sne.s32 s0, $0x0;
	_ =	strace $0x90000059  }
0x53: {  	s0 =	sadd.s32 @!p0 $0x100000, s1;
	[bflag:$0x2] =	sbarrier.arrive $0xFFFF  }
0x54: {  	[sflag:s0] =	ssyncadd.tile.s32 @!p0 $0x1;
	_ =	shalt  }
.Lfunc_end2:
_tile_overlayer_lowered:
.L_overlay_start_2:
0x55: {  	(tag) =	ssettag $0x2  }
0x56: {  	s0 =	rddreg [dreg:$0x0];
	s2 =	stileid.u32  }
0x57: {  	s1 =	rddreg [dreg:$0x1];
	p0 =	sne.s32 s2, $0x0  }
0x58: {  	s3 =	rddreg [dreg:$0x2];
	[bflag:$0x3] =	sbarrier.arrive $0xFFFF;
	s2 =	simm.s32 @!p0 $0x1C02  }
0x59: {  	[timem:s3], [sflag:s2] =	dma.local @!p0 [hbm:s0], s1  }
0x5a: {  	s0 =	simm.s32 @!p0 $0x2  }
0x5b: {  	_ =	swait.ge @!p0 [sflag:s0], s1  }
0x5c: {  	s1 =	ssub.s32 @!p0 $0x0, s1;
	[sflag:s0] =	ssyncset.done @!p0 $0x0  }
0x5d: {  	[sflag:s0] =	ssyncadd.s32 @!p0 s1  }
0x5e: {  	[bflag:$0x3] =	sbarrier.arrive $0xFFFF  }
0x5f: {  	_ =	shalt  }

// kernel: kernel.44.cloned.1.call-start
scs
__scs_entry_jumppad:
0x0: {  	(pc) =	sbr.rel $0x88, $3  }
0x1: {  	(tag) =	ssettag $0x0;
	lr =	simm.s32 $0x1  }
0x2: {  	[smem:$0x3F91] =	sst lr;
	_ =	strace $0xD0000000  }
0x3: {  	_ = 	snop  }
0x4: {  	_ = 	snop  }
0x5: {  	_ = 	snop  }
0x6: {  	_ = 	snop  }
0x7: {  	_ = 	snop  }
__scs_overlays_trampoline_lowered:
0x8: {  	[smem:$0x3FA0] =	sst s0  }
0x9: {  	[smem:$0x3FA1] =	sst s1  }
0xa: {  	[smem:$0x3FA2] =	sst s2  }
0xb: {  	[smem:$0x3FA3] =	sst s3  }
0xc: {  	[smem:$0x3FA4] =	sst s4  }
0xd: {  	[smem:$0x3FA5] =	sst s5  }
0xe: {  	[smem:$0x3FA6] =	sst s6  }
0xf: {  	[smem:$0x3FA7] =	sst s7  }
0x10: {  	[smem:$0x3FA8] =	sst s8  }
0x11: {  	[smem:$0x3FA9] =	sst s9;
	s0 =	simm.s32 @!p0 $0x0  }
0x12: {  	s1 =	sld [smem:$0x3F8F];
	s0 =	simm.s32 @p0 $0x1  }
0x13: {  	[smem:$0x3FAA] =	sst s0;
	s0 =	simm.s32 @!p1 $0x0  }
0x14: {  	s2 =	sld [smem:$0x3F8E];
	s0 =	simm.s32 @p1 $0x1  }
0x15: {  	[smem:$0x3FAB] =	sst s0;
	s0 =	simm.s32 @!p2 $0x0  }
0x16: {  	s3 =	sld [smem:$0x3FDB];
	s0 =	simm.s32 @p2 $0x1  }
0x17: {  	s4 =	simm.s32 $0x1BF5;
	[smem:$0x3FAD] =	sst s0  }
0x18: {  	s0 =	sld [smem:$0x3F90];
	_ =	swait.ge [sflag:s4], $0x0  }
0x19: {  	s7 =	sld [smem:$0x3F91]  }
0x1a: {  	s8 =	sadd.s32 $0xFFFFE003, lr  }
0x1b: {  	s9 =	sadd.s32 $0xFFFFFEF7, lr;
	s5 =	simm.s32 $0xFFFFFFFF;
	p2 =	slt.u32 s8, $0xFFFFF086  }
0x1c: {  	p1 =	slt.u32 s9, $0xF7A;
	s5 =	simm.s32 @!p2 $0x0  }
0x1d: {  	s5 =	simm.s32 @p1 $0x1;
	p0 =	seq.s32 s7, s2  }
0x1e: {  	s7 =	smul.u32 @!p0 $0xF7A, s2;
	p2 =	seq.s32 @!p0 s5, $0x0  }
0x1f: {  	s9 =	smul.u32 $0xF7A, s1;
	s8 =	simm.s32 @!p0 $0x1BF5;
	p2 =	por !p2, p0  }
0x20: {  	[sflag:s8] =	ssyncset.s32 @!p0 $0xFFFFF086;
	s6 =	sadd.s32 @!p0 s3, s7;
	s7 =	simm.s32 @!p0 $0x108  }
0x21: {  	s3 =	sadd.s32 s3, s9;
	s6 =	sadd.s32 @!p0 $0x88, s6;
	s7 =	simm.s32 @p2 $0x1082  }
0x22: {  	[simem:s7], [sflag:s8] =	dma.local @!p0 [hbm:s6], $0xF7A  }
0x23: {  	s9 =	sor.u32 $0xD0000000, s2;
	s6 =	simm.s32 $0x108;
	_ =	swait.ge @!p0 [sflag:s8], $0x0  }
0x24: {  	s3 =	sadd.s32 $0x88, s3;
	s6 =	simm.s32 @!p1 $0x1082;
	[sflag:s4] =	ssyncset.s32 $0xFFFFF086  }
0x25: {  	[simem:s6], [sflag:s4] =	dma.local [hbm:s3], $0xF7A  }
0x26: {  	[smem:$0x3F91] =	sst s1;
	(tag) =	ssettag s2;
	_ =	strace s9  }
0x27: {  	s1 =	sld [smem:$0x3FA1]  }
0x28: {  	s2 =	sld [smem:$0x3FA2]  }
0x29: {  	s4 =	sld [smem:$0x3FA4]  }
0x2a: {  	p0 =	seq.s32 s5, $0x0;
	s5 =	sld [smem:$0x3FA5]  }
0x2b: {  	s6 =	sld [smem:$0x3FA6]  }
0x2c: {  	s7 =	sld [smem:$0x3FA7]  }
0x2d: {  	s3 =	simm.s32 $0x108;
	s8 =	sld [smem:$0x3FA8]  }
0x2e: {  	s3 =	simm.s32 @!p0 $0x1082;
	s9 =	sld [smem:$0x3FA9]  }
0x2f: {  	lr =	sadd.s32 s0, s3;
	s0 =	sld [smem:$0x3FA0]  }
0x30: {  	s3 =	sld [smem:$0x3FA3]  }
0x31: {  	[smem:$0x3FAC] =	sst s10  }
0x32: {  	s10 =	sld [smem:$0x3FAA];
	_ =	sdelay $0x3  }
0x33: {  	p0 =	seq.s32 s10, $0x1;
	s10 =	sld [smem:$0x3FAC];
	_ =	sdelay $0x3  }
0x34: {  	[smem:$0x3FAC] =	sst s10  }
0x35: {  	s10 =	sld [smem:$0x3FAB];
	_ =	sdelay $0x3  }
0x36: {  	p1 =	seq.s32 s10, $0x1;
	s10 =	sld [smem:$0x3FAC];
	_ =	sdelay $0x3  }
0x37: {  	[smem:$0x3FAC] =	sst s10  }
0x38: {  	s10 =	sld [smem:$0x3FAD]  }
0x39: {  	_ = 	snop;
	(pc) =	sbr.ind lr, $3  }
0x3a: {  	_ = 	snop  }
0x3b: {  	_ = 	snop  }
0x3c: {  	p2 =	seq.s32 s10, $0x1;
	s10 =	sld [smem:$0x3FAC]  }
0x3d: {  	_ =	shalt  }
0x3e: {  	_ =	shalt  }
0x3f: {  	_ =	shalt  }
0x40: {  	_ =	shalt  }
0x41: {  	_ =	shalt  }
0x42: {  	_ =	shalt  }
0x43: {  	_ =	shalt  }
0x44: {  	_ =	shalt  }
0x45: {  	_ =	shalt  }
0x46: {  	_ =	shalt  }
0x47: {  	_ =	shalt  }
0x48: {  	_ =	shalt  }
0x49: {  	_ =	shalt  }
0x4a: {  	_ =	shalt  }
0x4b: {  	_ =	shalt  }
0x4c: {  	_ =	shalt  }
0x4d: {  	_ =	shalt  }
0x4e: {  	_ =	shalt  }
0x4f: {  	_ =	shalt  }
0x50: {  	_ =	shalt  }
0x51: {  	_ =	shalt  }
0x52: {  	_ =	shalt  }
0x53: {  	_ =	shalt  }
0x54: {  	_ =	shalt  }
0x55: {  	_ =	shalt  }
0x56: {  	_ =	shalt  }
0x57: {  	_ =	shalt  }
0x58: {  	_ =	shalt  }
0x59: {  	_ =	shalt  }
0x5a: {  	_ =	shalt  }
0x5b: {  	_ =	shalt  }
0x5c: {  	_ =	shalt  }
0x5d: {  	_ =	shalt  }
0x5e: {  	_ =	shalt  }
0x5f: {  	_ =	shalt  }
0x60: {  	_ =	shalt  }
0x61: {  	_ =	shalt  }
0x62: {  	_ =	shalt  }
0x63: {  	_ =	shalt  }
0x64: {  	_ =	shalt  }
0x65: {  	_ =	shalt  }
0x66: {  	_ =	shalt  }
0x67: {  	_ =	shalt  }
0x68: {  	_ =	shalt  }
0x69: {  	_ =	shalt  }
0x6a: {  	_ =	shalt  }
0x6b: {  	_ =	shalt  }
0x6c: {  	_ =	shalt  }
0x6d: {  	_ =	shalt  }
0x6e: {  	_ =	shalt  }
0x6f: {  	_ =	shalt  }
0x70: {  	_ =	shalt  }
0x71: {  	_ =	shalt  }
0x72: {  	_ =	shalt  }
0x73: {  	_ =	shalt  }
0x74: {  	_ =	shalt  }
0x75: {  	_ =	shalt  }
0x76: {  	_ =	shalt  }
0x77: {  	_ =	shalt  }
0x78: {  	_ =	shalt  }
0x79: {  	_ =	shalt  }
0x7a: {  	_ =	shalt  }
0x7b: {  	_ =	shalt  }
0x7c: {  	_ =	shalt  }
0x7d: {  	_ =	shalt  }
0x7e: {  	_ =	shalt  }
0x7f: {  	_ =	shalt  }
0x80: {  	_ =	shalt  }
0x81: {  	_ =	shalt  }
0x82: {  	_ =	shalt  }
0x83: {  	_ =	shalt  }
0x84: {  	_ =	shalt  }
0x85: {  	_ =	shalt  }
0x86: {  	_ =	shalt  }
0x87: {  	_ =	shalt  }
.Lfunc_end0:
.L_simem_size_0:
called_computation.9_lowered:
.L_overlay_start_0:
0x88: {  	s2 =	sld [smem:$0x3FD9]  }
0x89: {  	s3 =	sld [smem:$0x3FFE];
	_ =	sdelay $0x1  }
0x8a: {  	s1 =	srdreg.scid  }
0x8b: {  	s0 =	sand.u32 $0x1, s1  }
0x8c: {  	s17 =	sshll.u32 s0, $0xA;
	s2 =	sadd.s32 s3, s2  }
0x8d: {  	s2 =	sadd.s32 s2, s17  }
0x8e: {  	[smem:$0x3FB8] =	sst s2  }
0x8f: {  	_ = 	snop  }
0x90: {  	(tm) =	ssettm $0x1  }
0x91: {  	s18 =	sld [smem:$0x3FFB];
	_ =	sdelay $0x3  }
0x92: {  	_ =	strace s18  }
0x93: {  	s2 =	sld [smem:$0x3FFC];
	_ =	sdelay $0x3  }
0x94: {  	_ =	strace s2  }
0x95: {  	s2 =	sld [smem:$0x3FFD];
	_ =	sdelay $0x3  }
0x96: {  	_ =	strace s2  }
0x97: {  	_ =	strace $0x8FFFFFFF  }
0x98: {  	s19 =	sld [smem:$0x3FDB];
	_ =	sdelay $0x1  }
0x99: {  	s20 =	simm.s32 $_scs_section_size  }
0x9a: {  	s4 =	simm.s32 $_size__tile_overlayer_lowered;
	s5 =	simm.s32 $_tile_overlayer_lowered  }
0x9b: {  	s6 =	simm.s32 $0x1BFF;
	s21 =	sshll.u32 s5, $0x1;
	s3 =	sadd.s32 s20, s19  }
0x9c: {  	s22 =	simm.s32 $0x0;
	s4 =	sshll.u32 s4, $0x1;
	s5 =	sadd.s32 s21, s3  }
0x9d: {  	[timem:s22], [sflag:s6] =	dma.local [hbm:s5], s4  }
0x9e: {  	_ =	swait.ge [sflag:s6], s4  }
0x9f: {  	s4 =	ssub.s32 $0x0, s4;
	[sflag:s6] =	ssyncset.done $0x0  }
0xa0: {  	[sflag:s6] =	ssyncadd.s32 s4;
	_ =	sdelay $0x1  }
0xa1: {  	s23 =	simm.s32 $0x1B8B  }
0xa2: {  	_ =	swait.ge [sflag:s23], $0x1  }
0xa3: {  	[sflag:s23] =	ssyncset.done $0x0  }
0xa4: {  	[sflag:s23] =	ssyncadd.s32 $0xFFFFFFFF  }
0xa5: {  	s4 =	sld [smem:$0x0]  }
0xa6: {  	s5 =	sand.u32 $0xFFFFFFFE, s1  }
0xa7: {  	p0 =	sne.s32 s1, s5  }
0xa8: {  	s5 =	sshll.u32 @p0 s5, $0xE  }
0xa9: {  	s5 =	sadd.s32 @p0 $0x11B8D, s5;
	s6 =	sshll.u32 @p0 s4, $0x11  }
0xaa: {  	s5 =	sor.u32 @p0 s6, s5  }
0xab: {  	[sflag:s5] =	ssyncadd.remote.s32 @p0 $0x1;
	_ =	sdelay $0x1  }
0xac: {  	s5 =	simm.s32 @p0 $0x1B8D  }
0xad: {  	_ =	swait.eq @p0 [sflag:s5], $0x1  }
0xae: {  	[sflag:s5] =	ssyncadd.s32 @p0 $0xFFFFFFFF  }
0xaf: {  	s6 =	sshll.u32 @!p0 s1, $0xE  }
0xb0: {  	s6 =	sor.u32 @!p0 $0x4000, s6;
	s5 =	simm.s32 @!p0 $0x1B8D  }
0xb1: {  	s4 =	sshll.u32 @!p0 s4, $0x11;
	s6 =	sadd.s32 @!p0 $0x11B8D, s6;
	_ =	swait.eq @!p0 [sflag:s5], $0x1  }
0xb2: {  	s4 =	sor.u32 @!p0 s4, s6;
	[sflag:s5] =	ssyncadd.s32 @!p0 $0xFFFFFFFF  }
0xb3: {  	s25 =	simm.s32 $0x1B8E;
	s24 =	sld [smem:$0x3FFE];
	[sflag:s4] =	ssyncadd.remote.s32 @!p0 $0x1  }
0xb4: {  	s26 =	simm.s32 $execute0_lowered;
	[smem:$0x3FD2] =	sst s25  }
0xb5: {  	s5 =	sshll.u32 s26, $0x1;
	_ =	strace $0x8000005E;
	[dreg:$0x1] =	wrdreg $0xFFFFFFFF  }
0xb6: {  	s28 =	simm.s32 $_size_execute0_lowered;
	s3 =	sadd.s32 s3, s5;
	[dreg:$0x0] =	wrdreg $0x0  }
0xb7: {  	s5 =	sshll.u32 s28, $0x1;
	[dreg:$0x2] =	wrdreg s3  }
0xb8: {  	[dreg:$0x3] =	wrdreg s5  }
0xb9: {  	[dreg:$0x4] =	wrdreg $0xC0  }
0xba: {  	_ =	task [dreg:s22], $0x5FFFF  }
0xbb: {  	[dreg:$0x1] =	wrdreg $0xFFFFFFFF  }
0xbc: {  	[dreg:$0x0] =	wrdreg $0x60  }
0xbd: {  	[dreg:$0x2] =	wrdreg s24  }
0xbe: {  	[dreg:$0x3] =	wrdreg $0xA  }
0xbf: {  	_ =	task.clear_ibuf [dreg:s22], $0x4FFFF;
	_ =	strace $0x9000005E  }
0xc0: {  	s29 =	simm.s32 $0xA;
	_ =	strace $0x80000060  }
0xc1: {  	_ =	swait.ge [sflag:s29], $0x1  }
0xc2: {  	[sflag:s29] =	ssyncadd.s32 $0xFFFFFFFF  }
0xc3: {  	_ =	strace $0x90000060  }
0xc4: {  	_ =	sfence  }
0xc5: {  	s30 =	sld [smem:$0x0];
	_ =	sdelay $0x2  }
0xc6: {  	s31 =	sshll.u32 s1, $0xD;
	s1 =	sshrl.u32 s1, $0x2  }
0xc7: {  	s4 =	sand.u32 $0x4000, s31;
	s1 =	sadd.s32 s1, s30  }
0xc8: {  	s0 =	sor.u32 s4, s0;
	s1 =	sshll.u32 s1, $0x11  }
0xc9: {  	s0 =	sor.u32 s1, s0  }
0xca: {  	s0 =	sadd.s32 $0x8F2B, s0  }
0xcb: {  	[sflag:s0] =	ssyncadd.remote.s32 $0x1  }
0xcc: {  	_ =	sfence.sel $0xFFFF  }
0xcd: {  	[dreg:$0x0] =	wrdreg $0xFFFFFFFF;
	(pc) =	sbr.abs _section_cstart, $3  }
0xce: {  	[dreg:$0x1] =	wrdreg $0xFFFFFFFF  }
0xcf: {  	_ =	task.clear_ibuf [dreg:s22], $0x2FFFF;
	_ =	strace $0x9FFFFFFF  }
0xd0: {  	(tm) =	ssettm $0x7FFFFFFF  }
0xd1: {  	_ =	shalt  }
tec
execute0_lowered:
.L_overlay_start_1:
0x0: {  	(tag) =	ssettag $0x1  }
0x1: {  	s1 =	srdreg.scid  }
0x2: {  	s0 =	stileid.u32;
	s6 =	sand.u32 $0x1, s1  }
0x3: {  	s8 =	rddreg [dreg:$0x0];
	s30 =	sshll.u32 s0, $0xB;
	s2 =	sshll.u32 s6, $0xA  }
0x4: {  	s7 =	simm.s32 $0x1;
	s1 =	rddreg [dreg:$0x1];
	s9 =	sor.u32 s2, s30  }
0x5: {  	s5 =	sadd.s32 $0x14200, s8;
	s2 =	simm.s32 $0x0;
	s3 =	sshrl.u32 s9, $0x3  }
0x6: {  	s10 =	ssub.s32 $0x2, s6;
	[smem:$0x7FF] =	sst s2;
	s3 =	sadd.s32 s3, s8  }
0x7: {  	_ =	strace $0x8000005F;
	s4 =	sadd.s32 $0x1D600, s3;
	s3 =	simm.s32 $0x2  }
0x8: {  	[tilespmem:s2], [sflag:$0x2] =	stream.linear.gather [hbm4b:s4+s2], $0x400, $0x38;
	[tilespmem:$0x4400] =	vst v63  }
0x9: {  	s6 =	simm.s32 $0x400;
	s11 =	sshrl.u32 s10, $0x1;
	_ =	swait.ge [sflag:s3], $0x400  }
0xa: {  	s9 =	sshll.u32 s9, $0x1;
	s31 =	ssub.s32 s10, s11;
	[sflag:s3] =	ssyncset.done $0x0  }
0xb: {  	s8 =	sadd.s32 s9, s8;
	s9 =	smax.u32 s31, $0x1;
	[sflag:s3] =	ssyncadd.s32 $0xFFFFFC00  }
0xc: {  	[tilespmem:s6], [sflag:$0x1] =	stream.indirect.gather [hbm4b:s5+s6], $0x10, s2, s6, $0xb8;
	[tilespmem:$0x4400] =	vst v63  }
0xd: {  	p0 =	sne.s32 s9, $0x1;
	_ =	swait.ge [sflag:s7], $0x4000  }
.Ltmp0:
0xe: {  	[sflag:s7] =	ssyncset.done $0x0;
	(pc) =	sbr.rel @!p0 .LBB2_2-.Ltmp0, $4  }
0xf: {  	s8 =	sadd.s32 $0xA2C00, s8;
	[sflag:s7] =	ssyncadd.s32 $0xFFFFC000  }
0x10: {  	[hbm4b:s8+s2] =	stream.linear.scatter [tilespmem:s6], [sflag:$0x2], $0x4000, $0x38;
	[tilespmem:$0x4400] =	vst v63  }
0x11: {  	_ =	swait.ge [sflag:s3], $0x4000  }
0x12: {  	s9 =	sadd.s32 $0xFFFFFFFF, s9;
	[sflag:s3] =	ssyncset.done $0x0  }
.LBB2_1:
0x13: {  	p0 =	sne.s32 s9, $0x1;
	s9 =	sadd.s32 $0xFFFFFFFF, s9;
	[sflag:s3] =	ssyncadd.s32 $0xFFFFC000  }
0x14: {  	[tilespmem:s2], [sflag:$0x2] =	stream.linear.gather [hbm4b:s4+s2], $0x400, $0x38;
	[tilespmem:$0x4400] =	vst v63  }
0x15: {  	_ =	swait.ge [sflag:s3], $0x400  }
0x16: {  	[sflag:s3] =	ssyncset.done $0x0  }
0x17: {  	[sflag:s3] =	ssyncadd.s32 $0xFFFFFC00  }
0x18: {  	[tilespmem:s6], [sflag:$0x1] =	stream.indirect.gather [hbm4b:s5+s6], $0x10, s2, s6, $0xb8;
	[tilespmem:$0x4400] =	vst v63  }
0x19: {  	_ =	swait.ge [sflag:s7], $0x4000  }
.Ltmp1:
0x1a: {  	[sflag:s7] =	ssyncset.done $0x0;
	(pc) =	sbr.rel @p0 .LBB2_1-.Ltmp1, $4  }
0x1b: {  	[sflag:s7] =	ssyncadd.s32 $0xFFFFC000  }
0x1c: {  	[hbm4b:s8+s2] =	stream.linear.scatter [tilespmem:s6], [sflag:$0x2], $0x4000, $0x38;
	[tilespmem:$0x4400] =	vst v63  }
0x1d: {  	_ =	swait.ge [sflag:s3], $0x4000  }
0x1e: {  	[sflag:s3] =	ssyncset.done $0x0  }
.LBB2_2:
0x1f: {  	[sflag:s3] =	ssyncadd.s32 $0xFFFFC000  }
0x20: {  	_ =	sfence.sel $0x180000  }
0x21: {  	[bflag:$0x0] =	sbarrier.arrive $0xFFFF  }
0x22: {  	p0 =	sne.s32 s0, $0x0;
	_ =	strace $0x9000005F  }
0x23: {  	s0 =	sadd.s32 @!p0 $0x100000, s1;
	[bflag:$0x2] =	sbarrier.arrive $0xFFFF  }
0x24: {  	[sflag:s0] =	ssyncadd.tile.s32 @!p0 $0x1;
	_ =	shalt  }
.Lfunc_end2:
_tile_overlayer_lowered:
.L_overlay_start_2:
0x25: {  	(tag) =	ssettag $0x2  }
0x26: {  	s0 =	rddreg [dreg:$0x0];
	s2 =	stileid.u32  }
0x27: {  	s1 =	rddreg [dreg:$0x1];
	p0 =	sne.s32 s2, $0x0  }
0x28: {  	s3 =	rddreg [dreg:$0x2];
	[bflag:$0x3] =	sbarrier.arrive $0xFFFF;
	s2 =	simm.s32 @!p0 $0x1C02  }
0x29: {  	[timem:s3], [sflag:s2] =	dma.local @!p0 [hbm:s0], s1  }
0x2a: {  	s0 =	simm.s32 @!p0 $0x2  }
0x2b: {  	_ =	swait.ge @!p0 [sflag:s0], s1  }
0x2c: {  	s1 =	ssub.s32 @!p0 $0x0, s1;
	[sflag:s0] =	ssyncset.done @!p0 $0x0  }
0x2d: {  	[sflag:s0] =	ssyncadd.s32 @!p0 s1  }
0x2e: {  	[bflag:$0x3] =	sbarrier.arrive $0xFFFF  }
0x2f: {  	_ =	shalt  }

// kernel: kernel.47.cloned.1.call-start
scs
__scs_entry_jumppad:
0x0: {  	(pc) =	sbr.rel $0x88, $3  }
0x1: {  	(tag) =	ssettag $0x0;
	lr =	simm.s32 $0x1  }
0x2: {  	[smem:$0x3F91] =	sst lr;
	_ =	strace $0xD0000000  }
0x3: {  	_ = 	snop  }
0x4: {  	_ = 	snop  }
0x5: {  	_ = 	snop  }
0x6: {  	_ = 	snop  }
0x7: {  	_ = 	snop  }
__scs_overlays_trampoline_lowered:
0x8: {  	[smem:$0x3FA0] =	sst s0  }
0x9: {  	[smem:$0x3FA1] =	sst s1  }
0xa: {  	[smem:$0x3FA2] =	sst s2  }
0xb: {  	[smem:$0x3FA3] =	sst s3  }
0xc: {  	[smem:$0x3FA4] =	sst s4  }
0xd: {  	[smem:$0x3FA5] =	sst s5  }
0xe: {  	[smem:$0x3FA6] =	sst s6  }
0xf: {  	[smem:$0x3FA7] =	sst s7  }
0x10: {  	[smem:$0x3FA8] =	sst s8  }
0x11: {  	[smem:$0x3FA9] =	sst s9;
	s0 =	simm.s32 @!p0 $0x0  }
0x12: {  	s1 =	sld [smem:$0x3F8F];
	s0 =	simm.s32 @p0 $0x1  }
0x13: {  	[smem:$0x3FAA] =	sst s0;
	s0 =	simm.s32 @!p1 $0x0  }
0x14: {  	s2 =	sld [smem:$0x3F8E];
	s0 =	simm.s32 @p1 $0x1  }
0x15: {  	[smem:$0x3FAB] =	sst s0;
	s0 =	simm.s32 @!p2 $0x0  }
0x16: {  	s3 =	sld [smem:$0x3FDB];
	s0 =	simm.s32 @p2 $0x1  }
0x17: {  	s4 =	simm.s32 $0x1BF5;
	[smem:$0x3FAD] =	sst s0  }
0x18: {  	s0 =	sld [smem:$0x3F90];
	_ =	swait.ge [sflag:s4], $0x0  }
0x19: {  	s7 =	sld [smem:$0x3F91]  }
0x1a: {  	s8 =	sadd.s32 $0xFFFFE003, lr  }
0x1b: {  	s9 =	sadd.s32 $0xFFFFFEF7, lr;
	s5 =	simm.s32 $0xFFFFFFFF;
	p2 =	slt.u32 s8, $0xFFFFF086  }
0x1c: {  	p1 =	slt.u32 s9, $0xF7A;
	s5 =	simm.s32 @!p2 $0x0  }
0x1d: {  	s5 =	simm.s32 @p1 $0x1;
	p0 =	seq.s32 s7, s2  }
0x1e: {  	s7 =	smul.u32 @!p0 $0xF7A, s2;
	p2 =	seq.s32 @!p0 s5, $0x0  }
0x1f: {  	s9 =	smul.u32 $0xF7A, s1;
	s8 =	simm.s32 @!p0 $0x1BF5;
	p2 =	por !p2, p0  }
0x20: {  	[sflag:s8] =	ssyncset.s32 @!p0 $0xFFFFF086;
	s6 =	sadd.s32 @!p0 s3, s7;
	s7 =	simm.s32 @!p0 $0x108  }
0x21: {  	s3 =	sadd.s32 s3, s9;
	s6 =	sadd.s32 @!p0 $0x88, s6;
	s7 =	simm.s32 @p2 $0x1082  }
0x22: {  	[simem:s7], [sflag:s8] =	dma.local @!p0 [hbm:s6], $0xF7A  }
0x23: {  	s9 =	sor.u32 $0xD0000000, s2;
	s6 =	simm.s32 $0x108;
	_ =	swait.ge @!p0 [sflag:s8], $0x0  }
0x24: {  	s3 =	sadd.s32 $0x88, s3;
	s6 =	simm.s32 @!p1 $0x1082;
	[sflag:s4] =	ssyncset.s32 $0xFFFFF086  }
0x25: {  	[simem:s6], [sflag:s4] =	dma.local [hbm:s3], $0xF7A  }
0x26: {  	[smem:$0x3F91] =	sst s1;
	(tag) =	ssettag s2;
	_ =	strace s9  }
0x27: {  	s1 =	sld [smem:$0x3FA1]  }
0x28: {  	s2 =	sld [smem:$0x3FA2]  }
0x29: {  	s4 =	sld [smem:$0x3FA4]  }
0x2a: {  	p0 =	seq.s32 s5, $0x0;
	s5 =	sld [smem:$0x3FA5]  }
0x2b: {  	s6 =	sld [smem:$0x3FA6]  }
0x2c: {  	s7 =	sld [smem:$0x3FA7]  }
0x2d: {  	s3 =	simm.s32 $0x108;
	s8 =	sld [smem:$0x3FA8]  }
0x2e: {  	s3 =	simm.s32 @!p0 $0x1082;
	s9 =	sld [smem:$0x3FA9]  }
0x2f: {  	lr =	sadd.s32 s0, s3;
	s0 =	sld [smem:$0x3FA0]  }
0x30: {  	s3 =	sld [smem:$0x3FA3]  }
0x31: {  	[smem:$0x3FAC] =	sst s10  }
0x32: {  	s10 =	sld [smem:$0x3FAA];
	_ =	sdelay $0x3  }
0x33: {  	p0 =	seq.s32 s10, $0x1;
	s10 =	sld [smem:$0x3FAC];
	_ =	sdelay $0x3  }
0x34: {  	[smem:$0x3FAC] =	sst s10  }
0x35: {  	s10 =	sld [smem:$0x3FAB];
	_ =	sdelay $0x3  }
0x36: {  	p1 =	seq.s32 s10, $0x1;
	s10 =	sld [smem:$0x3FAC];
	_ =	sdelay $0x3  }
0x37: {  	[smem:$0x3FAC] =	sst s10  }
0x38: {  	s10 =	sld [smem:$0x3FAD]  }
0x39: {  	_ = 	snop;
	(pc) =	sbr.ind lr, $3  }
0x3a: {  	_ = 	snop  }
0x3b: {  	_ = 	snop  }
0x3c: {  	p2 =	seq.s32 s10, $0x1;
	s10 =	sld [smem:$0x3FAC]  }
0x3d: {  	_ =	shalt  }
0x3e: {  	_ =	shalt  }
0x3f: {  	_ =	shalt  }
0x40: {  	_ =	shalt  }
0x41: {  	_ =	shalt  }
0x42: {  	_ =	shalt  }
0x43: {  	_ =	shalt  }
0x44: {  	_ =	shalt  }
0x45: {  	_ =	shalt  }
0x46: {  	_ =	shalt  }
0x47: {  	_ =	shalt  }
0x48: {  	_ =	shalt  }
0x49: {  	_ =	shalt  }
0x4a: {  	_ =	shalt  }
0x4b: {  	_ =	shalt  }
0x4c: {  	_ =	shalt  }
0x4d: {  	_ =	shalt  }
0x4e: {  	_ =	shalt  }
0x4f: {  	_ =	shalt  }
0x50: {  	_ =	shalt  }
0x51: {  	_ =	shalt  }
0x52: {  	_ =	shalt  }
0x53: {  	_ =	shalt  }
0x54: {  	_ =	shalt  }
0x55: {  	_ =	shalt  }
0x56: {  	_ =	shalt  }
0x57: {  	_ =	shalt  }
0x58: {  	_ =	shalt  }
0x59: {  	_ =	shalt  }
0x5a: {  	_ =	shalt  }
0x5b: {  	_ =	shalt  }
0x5c: {  	_ =	shalt  }
0x5d: {  	_ =	shalt  }
0x5e: {  	_ =	shalt  }
0x5f: {  	_ =	shalt  }
0x60: {  	_ =	shalt  }
0x61: {  	_ =	shalt  }
0x62: {  	_ =	shalt  }
0x63: {  	_ =	shalt  }
0x64: {  	_ =	shalt  }
0x65: {  	_ =	shalt  }
0x66: {  	_ =	shalt  }
0x67: {  	_ =	shalt  }
0x68: {  	_ =	shalt  }
0x69: {  	_ =	shalt  }
0x6a: {  	_ =	shalt  }
0x6b: {  	_ =	shalt  }
0x6c: {  	_ =	shalt  }
0x6d: {  	_ =	shalt  }
0x6e: {  	_ =	shalt  }
0x6f: {  	_ =	shalt  }
0x70: {  	_ =	shalt  }
0x71: {  	_ =	shalt  }
0x72: {  	_ =	shalt  }
0x73: {  	_ =	shalt  }
0x74: {  	_ =	shalt  }
0x75: {  	_ =	shalt  }
0x76: {  	_ =	shalt  }
0x77: {  	_ =	shalt  }
0x78: {  	_ =	shalt  }
0x79: {  	_ =	shalt  }
0x7a: {  	_ =	shalt  }
0x7b: {  	_ =	shalt  }
0x7c: {  	_ =	shalt  }
0x7d: {  	_ =	shalt  }
0x7e: {  	_ =	shalt  }
0x7f: {  	_ =	shalt  }
0x80: {  	_ =	shalt  }
0x81: {  	_ =	shalt  }
0x82: {  	_ =	shalt  }
0x83: {  	_ =	shalt  }
0x84: {  	_ =	shalt  }
0x85: {  	_ =	shalt  }
0x86: {  	_ =	shalt  }
0x87: {  	_ =	shalt  }
.Lfunc_end0:
.L_simem_size_0:
called_computation.10_lowered:
.L_overlay_start_0:
0x88: {  	s2 =	sld [smem:$0x3FD9]  }
0x89: {  	s3 =	sld [smem:$0x3FFE];
	_ =	sdelay $0x1  }
0x8a: {  	s1 =	srdreg.scid  }
0x8b: {  	s0 =	sand.u32 $0x1, s1  }
0x8c: {  	s17 =	sshll.u32 s0, $0xA;
	s2 =	sadd.s32 s3, s2  }
0x8d: {  	s2 =	sadd.s32 s2, s17  }
0x8e: {  	[smem:$0x3FB8] =	sst s2  }
0x8f: {  	_ = 	snop  }
0x90: {  	(tm) =	ssettm $0x1  }
0x91: {  	s18 =	sld [smem:$0x3FFB];
	_ =	sdelay $0x3  }
0x92: {  	_ =	strace s18  }
0x93: {  	s2 =	sld [smem:$0x3FFC];
	_ =	sdelay $0x3  }
0x94: {  	_ =	strace s2  }
0x95: {  	s2 =	sld [smem:$0x3FFD];
	_ =	sdelay $0x3  }
0x96: {  	_ =	strace s2  }
0x97: {  	_ =	strace $0x8FFFFFFF  }
0x98: {  	s19 =	sld [smem:$0x3FDB];
	_ =	sdelay $0x1  }
0x99: {  	s20 =	simm.s32 $_scs_section_size  }
0x9a: {  	s4 =	simm.s32 $_size__tile_overlayer_lowered;
	s5 =	simm.s32 $_tile_overlayer_lowered  }
0x9b: {  	s6 =	simm.s32 $0x1BFF;
	s21 =	sshll.u32 s5, $0x1;
	s3 =	sadd.s32 s20, s19  }
0x9c: {  	s22 =	simm.s32 $0x0;
	s4 =	sshll.u32 s4, $0x1;
	s5 =	sadd.s32 s21, s3  }
0x9d: {  	[timem:s22], [sflag:s6] =	dma.local [hbm:s5], s4  }
0x9e: {  	_ =	swait.ge [sflag:s6], s4  }
0x9f: {  	s4 =	ssub.s32 $0x0, s4;
	[sflag:s6] =	ssyncset.done $0x0  }
0xa0: {  	[sflag:s6] =	ssyncadd.s32 s4;
	_ =	sdelay $0x1  }
0xa1: {  	s23 =	simm.s32 $0x1B8B  }
0xa2: {  	_ =	swait.ge [sflag:s23], $0x1  }
0xa3: {  	[sflag:s23] =	ssyncset.done $0x0  }
0xa4: {  	[sflag:s23] =	ssyncadd.s32 $0xFFFFFFFF  }
0xa5: {  	s4 =	sld [smem:$0x0]  }
0xa6: {  	s5 =	sand.u32 $0xFFFFFFFE, s1  }
0xa7: {  	p0 =	sne.s32 s1, s5  }
0xa8: {  	s5 =	sshll.u32 @p0 s5, $0xE  }
0xa9: {  	s5 =	sadd.s32 @p0 $0x11B8D, s5;
	s6 =	sshll.u32 @p0 s4, $0x11  }
0xaa: {  	s5 =	sor.u32 @p0 s6, s5  }
0xab: {  	[sflag:s5] =	ssyncadd.remote.s32 @p0 $0x1;
	_ =	sdelay $0x1  }
0xac: {  	s5 =	simm.s32 @p0 $0x1B8D  }
0xad: {  	_ =	swait.eq @p0 [sflag:s5], $0x1  }
0xae: {  	[sflag:s5] =	ssyncadd.s32 @p0 $0xFFFFFFFF  }
0xaf: {  	s6 =	sshll.u32 @!p0 s1, $0xE  }
0xb0: {  	s6 =	sor.u32 @!p0 $0x4000, s6;
	s5 =	simm.s32 @!p0 $0x1B8D  }
0xb1: {  	s4 =	sshll.u32 @!p0 s4, $0x11;
	s6 =	sadd.s32 @!p0 $0x11B8D, s6;
	_ =	swait.eq @!p0 [sflag:s5], $0x1  }
0xb2: {  	s4 =	sor.u32 @!p0 s4, s6;
	[sflag:s5] =	ssyncadd.s32 @!p0 $0xFFFFFFFF  }
0xb3: {  	s25 =	simm.s32 $0x1B8E;
	s24 =	sld [smem:$0x3FFE];
	[sflag:s4] =	ssyncadd.remote.s32 @!p0 $0x1  }
0xb4: {  	s26 =	simm.s32 $execute0_lowered;
	[smem:$0x3FD2] =	sst s25  }
0xb5: {  	s5 =	sshll.u32 s26, $0x1;
	_ =	strace $0x80000064;
	[dreg:$0x1] =	wrdreg $0xFFFFFFFF  }
0xb6: {  	s28 =	simm.s32 $_size_execute0_lowered;
	s3 =	sadd.s32 s3, s5;
	[dreg:$0x0] =	wrdreg $0x0  }
0xb7: {  	s5 =	sshll.u32 s28, $0x1;
	[dreg:$0x2] =	wrdreg s3  }
0xb8: {  	[dreg:$0x3] =	wrdreg s5  }
0xb9: {  	[dreg:$0x4] =	wrdreg $0xC0  }
0xba: {  	_ =	task [dreg:s22], $0x5FFFF  }
0xbb: {  	[dreg:$0x1] =	wrdreg $0xFFFFFFFF  }
0xbc: {  	[dreg:$0x0] =	wrdreg $0x60  }
0xbd: {  	[dreg:$0x2] =	wrdreg s24  }
0xbe: {  	[dreg:$0x3] =	wrdreg $0xA  }
0xbf: {  	_ =	task.clear_ibuf [dreg:s22], $0x4FFFF;
	_ =	strace $0x90000064  }
0xc0: {  	s29 =	simm.s32 $0xA;
	_ =	strace $0x80000066  }
0xc1: {  	_ =	swait.ge [sflag:s29], $0x1  }
0xc2: {  	[sflag:s29] =	ssyncadd.s32 $0xFFFFFFFF  }
0xc3: {  	_ =	strace $0x90000066  }
0xc4: {  	_ =	sfence  }
0xc5: {  	s30 =	sld [smem:$0x0];
	_ =	sdelay $0x2  }
0xc6: {  	s31 =	sshll.u32 s1, $0xD;
	s1 =	sshrl.u32 s1, $0x2  }
0xc7: {  	s4 =	sand.u32 $0x4000, s31;
	s1 =	sadd.s32 s1, s30  }
0xc8: {  	s0 =	sor.u32 s4, s0;
	s1 =	sshll.u32 s1, $0x11  }
0xc9: {  	s0 =	sor.u32 s1, s0  }
0xca: {  	s0 =	sadd.s32 $0x8F2B, s0  }
0xcb: {  	[sflag:s0] =	ssyncadd.remote.s32 $0x1  }
0xcc: {  	_ =	sfence.sel $0xFFFF  }
0xcd: {  	[dreg:$0x0] =	wrdreg $0xFFFFFFFF;
	(pc) =	sbr.abs _section_cstart, $3  }
0xce: {  	[dreg:$0x1] =	wrdreg $0xFFFFFFFF  }
0xcf: {  	_ =	task.clear_ibuf [dreg:s22], $0x2FFFF;
	_ =	strace $0x9FFFFFFF  }
0xd0: {  	(tm) =	ssettm $0x7FFFFFFF  }
0xd1: {  	_ =	shalt  }
tec
execute0_lowered:
.L_overlay_start_1:
0x0: {  	(tag) =	ssettag $0x1  }
0x1: {  	s1 =	srdreg.scid  }
0x2: {  	s0 =	stileid.u32;
	s6 =	sand.u32 $0x1, s1  }
0x3: {  	s8 =	rddreg [dreg:$0x0];
	s30 =	sshll.u32 s0, $0xC;
	s2 =	sshll.u32 s6, $0xB  }
0x4: {  	s7 =	simm.s32 $0x1;
	s1 =	rddreg [dreg:$0x1];
	s9 =	sor.u32 s2, s30  }
0x5: {  	s5 =	sadd.s32 $0x20E00, s8;
	s2 =	simm.s32 $0x0;
	s3 =	sshrl.u32 s9, $0x3  }
0x6: {  	s10 =	ssub.s32 $0x2, s6;
	[smem:$0x7FF] =	sst s2;
	s3 =	sadd.s32 s3, s8  }
0x7: {  	_ =	strace $0x80000065;
	s4 =	sadd.s32 $0x1EE00, s3;
	s3 =	simm.s32 $0x2  }
0x8: {  	[tilespmem:s2], [sflag:$0x2] =	stream.linear.gather [hbm4b:s4+s2], $0x800, $0x38;
	[tilespmem:$0x8800] =	vst v63  }
0x9: {  	s6 =	simm.s32 $0x800;
	s11 =	sshrl.u32 s10, $0x1;
	_ =	swait.ge [sflag:s3], $0x800  }
0xa: {  	s9 =	sshll.u32 s9, $0x1;
	s31 =	ssub.s32 s10, s11;
	[sflag:s3] =	ssyncset.done $0x0  }
0xb: {  	s8 =	sadd.s32 s9, s8;
	s9 =	smax.u32 s31, $0x1;
	[sflag:s3] =	ssyncadd.s32 $0xFFFFF800  }
0xc: {  	[tilespmem:s6], [sflag:$0x1] =	stream.indirect.gather [hbm4b:s5+s6], $0x10, s2, s6, $0xb8;
	[tilespmem:$0x8800] =	vst v63  }
0xd: {  	p0 =	sne.s32 s9, $0x1;
	_ =	swait.ge [sflag:s7], $0x8000  }
.Ltmp0:
0xe: {  	[sflag:s7] =	ssyncset.done $0x0;
	(pc) =	sbr.rel @!p0 .LBB2_2-.Ltmp0, $4  }
0xf: {  	s8 =	sadd.s32 $0x30E00, s8;
	[sflag:s7] =	ssyncadd.s32 $0xFFFF8000  }
0x10: {  	[hbm4b:s8+s2] =	stream.linear.scatter [tilespmem:s6], [sflag:$0x2], $0x8000, $0x38;
	[tilespmem:$0x8800] =	vst v63  }
0x11: {  	_ =	swait.ge [sflag:s3], $0x8000  }
0x12: {  	s9 =	sadd.s32 $0xFFFFFFFF, s9;
	[sflag:s3] =	ssyncset.done $0x0  }
.LBB2_1:
0x13: {  	p0 =	sne.s32 s9, $0x1;
	s9 =	sadd.s32 $0xFFFFFFFF, s9;
	[sflag:s3] =	ssyncadd.s32 $0xFFFF8000  }
0x14: {  	[tilespmem:s2], [sflag:$0x2] =	stream.linear.gather [hbm4b:s4+s2], $0x800, $0x38;
	[tilespmem:$0x8800] =	vst v63  }
0x15: {  	_ =	swait.ge [sflag:s3], $0x800  }
0x16: {  	[sflag:s3] =	ssyncset.done $0x0  }
0x17: {  	[sflag:s3] =	ssyncadd.s32 $0xFFFFF800  }
0x18: {  	[tilespmem:s6], [sflag:$0x1] =	stream.indirect.gather [hbm4b:s5+s6], $0x10, s2, s6, $0xb8;
	[tilespmem:$0x8800] =	vst v63  }
0x19: {  	_ =	swait.ge [sflag:s7], $0x8000  }
.Ltmp1:
0x1a: {  	[sflag:s7] =	ssyncset.done $0x0;
	(pc) =	sbr.rel @p0 .LBB2_1-.Ltmp1, $4  }
0x1b: {  	[sflag:s7] =	ssyncadd.s32 $0xFFFF8000  }
0x1c: {  	[hbm4b:s8+s2] =	stream.linear.scatter [tilespmem:s6], [sflag:$0x2], $0x8000, $0x38;
	[tilespmem:$0x8800] =	vst v63  }
0x1d: {  	_ =	swait.ge [sflag:s3], $0x8000  }
0x1e: {  	[sflag:s3] =	ssyncset.done $0x0  }
.LBB2_2:
0x1f: {  	[sflag:s3] =	ssyncadd.s32 $0xFFFF8000  }
0x20: {  	_ =	sfence.sel $0x180000  }
0x21: {  	[bflag:$0x0] =	sbarrier.arrive $0xFFFF  }
0x22: {  	p0 =	sne.s32 s0, $0x0;
	_ =	strace $0x90000065  }
0x23: {  	s0 =	sadd.s32 @!p0 $0x100000, s1;
	[bflag:$0x2] =	sbarrier.arrive $0xFFFF  }
0x24: {  	[sflag:s0] =	ssyncadd.tile.s32 @!p0 $0x1;
	_ =	shalt  }
.Lfunc_end2:
_tile_overlayer_lowered:
.L_overlay_start_2:
0x25: {  	(tag) =	ssettag $0x2  }
0x26: {  	s0 =	rddreg [dreg:$0x0];
	s2 =	stileid.u32  }
0x27: {  	s1 =	rddreg [dreg:$0x1];
	p0 =	sne.s32 s2, $0x0  }
0x28: {  	s3 =	rddreg [dreg:$0x2];
	[bflag:$0x3] =	sbarrier.arrive $0xFFFF;
	s2 =	simm.s32 @!p0 $0x1C02  }
0x29: {  	[timem:s3], [sflag:s2] =	dma.local @!p0 [hbm:s0], s1  }
0x2a: {  	s0 =	simm.s32 @!p0 $0x2  }
0x2b: {  	_ =	swait.ge @!p0 [sflag:s0], s1  }
0x2c: {  	s1 =	ssub.s32 @!p0 $0x0, s1;
	[sflag:s0] =	ssyncset.done @!p0 $0x0  }
0x2d: {  	[sflag:s0] =	ssyncadd.s32 @!p0 s1  }
0x2e: {  	[bflag:$0x3] =	sbarrier.arrive $0xFFFF  }
0x2f: {  	_ =	shalt  }

// kernel: scatter_offload_async_start.1
scs
__scs_entry_jumppad:
0x0: {  	(pc) =	sbr.rel $0x88, $3  }
0x1: {  	(tag) =	ssettag $0x0;
	lr =	simm.s32 $0x1  }
0x2: {  	[smem:$0x3F91] =	sst lr;
	_ =	strace $0xD0000000  }
0x3: {  	_ = 	snop  }
0x4: {  	_ = 	snop  }
0x5: {  	_ = 	snop  }
0x6: {  	_ = 	snop  }
0x7: {  	_ = 	snop  }
__scs_overlays_trampoline_lowered:
0x8: {  	[smem:$0x3FA0] =	sst s0  }
0x9: {  	[smem:$0x3FA1] =	sst s1  }
0xa: {  	[smem:$0x3FA2] =	sst s2  }
0xb: {  	[smem:$0x3FA3] =	sst s3  }
0xc: {  	[smem:$0x3FA4] =	sst s4  }
0xd: {  	[smem:$0x3FA5] =	sst s5  }
0xe: {  	[smem:$0x3FA6] =	sst s6  }
0xf: {  	[smem:$0x3FA7] =	sst s7  }
0x10: {  	[smem:$0x3FA8] =	sst s8  }
0x11: {  	[smem:$0x3FA9] =	sst s9;
	s0 =	simm.s32 @!p0 $0x0  }
0x12: {  	s1 =	sld [smem:$0x3F8F];
	s0 =	simm.s32 @p0 $0x1  }
0x13: {  	[smem:$0x3FAA] =	sst s0;
	s0 =	simm.s32 @!p1 $0x0  }
0x14: {  	s2 =	sld [smem:$0x3F8E];
	s0 =	simm.s32 @p1 $0x1  }
0x15: {  	[smem:$0x3FAB] =	sst s0;
	s0 =	simm.s32 @!p2 $0x0  }
0x16: {  	s3 =	sld [smem:$0x3FDB];
	s0 =	simm.s32 @p2 $0x1  }
0x17: {  	s4 =	simm.s32 $0x1BF5;
	[smem:$0x3FAD] =	sst s0  }
0x18: {  	s0 =	sld [smem:$0x3F90];
	_ =	swait.ge [sflag:s4], $0x0  }
0x19: {  	s7 =	sld [smem:$0x3F91]  }
0x1a: {  	s8 =	sadd.s32 $0xFFFFE003, lr  }
0x1b: {  	s9 =	sadd.s32 $0xFFFFFEF7, lr;
	s5 =	simm.s32 $0xFFFFFFFF;
	p2 =	slt.u32 s8, $0xFFFFF086  }
0x1c: {  	p1 =	slt.u32 s9, $0xF7A;
	s5 =	simm.s32 @!p2 $0x0  }
0x1d: {  	s5 =	simm.s32 @p1 $0x1;
	p0 =	seq.s32 s7, s2  }
0x1e: {  	s7 =	smul.u32 @!p0 $0xF7A, s2;
	p2 =	seq.s32 @!p0 s5, $0x0  }
0x1f: {  	s9 =	smul.u32 $0xF7A, s1;
	s8 =	simm.s32 @!p0 $0x1BF5;
	p2 =	por !p2, p0  }
0x20: {  	[sflag:s8] =	ssyncset.s32 @!p0 $0xFFFFF086;
	s6 =	sadd.s32 @!p0 s3, s7;
	s7 =	simm.s32 @!p0 $0x108  }
0x21: {  	s3 =	sadd.s32 s3, s9;
	s6 =	sadd.s32 @!p0 $0x88, s6;
	s7 =	simm.s32 @p2 $0x1082  }
0x22: {  	[simem:s7], [sflag:s8] =	dma.local @!p0 [hbm:s6], $0xF7A  }
0x23: {  	s9 =	sor.u32 $0xD0000000, s2;
	s6 =	simm.s32 $0x108;
	_ =	swait.ge @!p0 [sflag:s8], $0x0  }
0x24: {  	s3 =	sadd.s32 $0x88, s3;
	s6 =	simm.s32 @!p1 $0x1082;
	[sflag:s4] =	ssyncset.s32 $0xFFFFF086  }
0x25: {  	[simem:s6], [sflag:s4] =	dma.local [hbm:s3], $0xF7A  }
0x26: {  	[smem:$0x3F91] =	sst s1;
	(tag) =	ssettag s2;
	_ =	strace s9  }
0x27: {  	s1 =	sld [smem:$0x3FA1]  }
0x28: {  	s2 =	sld [smem:$0x3FA2]  }
0x29: {  	s4 =	sld [smem:$0x3FA4]  }
0x2a: {  	p0 =	seq.s32 s5, $0x0;
	s5 =	sld [smem:$0x3FA5]  }
0x2b: {  	s6 =	sld [smem:$0x3FA6]  }
0x2c: {  	s7 =	sld [smem:$0x3FA7]  }
0x2d: {  	s3 =	simm.s32 $0x108;
	s8 =	sld [smem:$0x3FA8]  }
0x2e: {  	s3 =	simm.s32 @!p0 $0x1082;
	s9 =	sld [smem:$0x3FA9]  }
0x2f: {  	lr =	sadd.s32 s0, s3;
	s0 =	sld [smem:$0x3FA0]  }
0x30: {  	s3 =	sld [smem:$0x3FA3]  }
0x31: {  	[smem:$0x3FAC] =	sst s10  }
0x32: {  	s10 =	sld [smem:$0x3FAA];
	_ =	sdelay $0x3  }
0x33: {  	p0 =	seq.s32 s10, $0x1;
	s10 =	sld [smem:$0x3FAC];
	_ =	sdelay $0x3  }
0x34: {  	[smem:$0x3FAC] =	sst s10  }
0x35: {  	s10 =	sld [smem:$0x3FAB];
	_ =	sdelay $0x3  }
0x36: {  	p1 =	seq.s32 s10, $0x1;
	s10 =	sld [smem:$0x3FAC];
	_ =	sdelay $0x3  }
0x37: {  	[smem:$0x3FAC] =	sst s10  }
0x38: {  	s10 =	sld [smem:$0x3FAD]  }
0x39: {  	_ = 	snop;
	(pc) =	sbr.ind lr, $3  }
0x3a: {  	_ = 	snop  }
0x3b: {  	_ = 	snop  }
0x3c: {  	p2 =	seq.s32 s10, $0x1;
	s10 =	sld [smem:$0x3FAC]  }
0x3d: {  	_ =	shalt  }
0x3e: {  	_ =	shalt  }
0x3f: {  	_ =	shalt  }
0x40: {  	_ =	shalt  }
0x41: {  	_ =	shalt  }
0x42: {  	_ =	shalt  }
0x43: {  	_ =	shalt  }
0x44: {  	_ =	shalt  }
0x45: {  	_ =	shalt  }
0x46: {  	_ =	shalt  }
0x47: {  	_ =	shalt  }
0x48: {  	_ =	shalt  }
0x49: {  	_ =	shalt  }
0x4a: {  	_ =	shalt  }
0x4b: {  	_ =	shalt  }
0x4c: {  	_ =	shalt  }
0x4d: {  	_ =	shalt  }
0x4e: {  	_ =	shalt  }
0x4f: {  	_ =	shalt  }
0x50: {  	_ =	shalt  }
0x51: {  	_ =	shalt  }
0x52: {  	_ =	shalt  }
0x53: {  	_ =	shalt  }
0x54: {  	_ =	shalt  }
0x55: {  	_ =	shalt  }
0x56: {  	_ =	shalt  }
0x57: {  	_ =	shalt  }
0x58: {  	_ =	shalt  }
0x59: {  	_ =	shalt  }
0x5a: {  	_ =	shalt  }
0x5b: {  	_ =	shalt  }
0x5c: {  	_ =	shalt  }
0x5d: {  	_ =	shalt  }
0x5e: {  	_ =	shalt  }
0x5f: {  	_ =	shalt  }
0x60: {  	_ =	shalt  }
0x61: {  	_ =	shalt  }
0x62: {  	_ =	shalt  }
0x63: {  	_ =	shalt  }
0x64: {  	_ =	shalt  }
0x65: {  	_ =	shalt  }
0x66: {  	_ =	shalt  }
0x67: {  	_ =	shalt  }
0x68: {  	_ =	shalt  }
0x69: {  	_ =	shalt  }
0x6a: {  	_ =	shalt  }
0x6b: {  	_ =	shalt  }
0x6c: {  	_ =	shalt  }
0x6d: {  	_ =	shalt  }
0x6e: {  	_ =	shalt  }
0x6f: {  	_ =	shalt  }
0x70: {  	_ =	shalt  }
0x71: {  	_ =	shalt  }
0x72: {  	_ =	shalt  }
0x73: {  	_ =	shalt  }
0x74: {  	_ =	shalt  }
0x75: {  	_ =	shalt  }
0x76: {  	_ =	shalt  }
0x77: {  	_ =	shalt  }
0x78: {  	_ =	shalt  }
0x79: {  	_ =	shalt  }
0x7a: {  	_ =	shalt  }
0x7b: {  	_ =	shalt  }
0x7c: {  	_ =	shalt  }
0x7d: {  	_ =	shalt  }
0x7e: {  	_ =	shalt  }
0x7f: {  	_ =	shalt  }
0x80: {  	_ =	shalt  }
0x81: {  	_ =	shalt  }
0x82: {  	_ =	shalt  }
0x83: {  	_ =	shalt  }
0x84: {  	_ =	shalt  }
0x85: {  	_ =	shalt  }
0x86: {  	_ =	shalt  }
0x87: {  	_ =	shalt  }
.Lfunc_end0:
.L_simem_size_0:
called_computation.1_lowered:
.L_overlay_start_0:
0x88: {  	s0 =	sld [smem:$0x3FD9]  }
0x89: {  	s1 =	sld [smem:$0x3FFE];
	_ =	sdelay $0x3  }
0x8a: {  	s0 =	sadd.s32 s1, s0  }
0x8b: {  	[smem:$0x3FB8] =	sst s0  }
0x8c: {  	_ = 	snop  }
0x8d: {  	s0 =	sld [smem:$0x3FD0];
	_ =	sdelay $0x2  }
0x8e: {  	s13 =	simm.s32 $0xB;
	s2 =	simm.s32 $0x10  }
0x8f: {  	[smem:s2], [sflag:s13] =	dma.local [hbm:s0], $0x1  }
0x90: {  	_ =	swait.eq [sflag:s13], $0x1  }
0x91: {  	[sflag:s13] =	ssyncset.done $0x0  }
0x92: {  	[sflag:s13] =	ssyncadd.s32 $0xFFFFFFFF  }
0x93: {  	s14 =	sld [smem:$0x11];
	(tm) =	ssettm $0x1  }
0x94: {  	s15 =	sld [smem:$0x3FFB];
	_ =	sdelay $0x3  }
0x95: {  	_ =	strace s15  }
0x96: {  	s1 =	sld [smem:$0x3FFC];
	_ =	sdelay $0x3  }
0x97: {  	_ =	strace s1  }
0x98: {  	s1 =	sld [smem:$0x3FFD];
	_ =	sdelay $0x3  }
0x99: {  	_ =	strace s1  }
0x9a: {  	_ =	strace $0x8FFFFFFF  }
0x9b: {  	s16 =	sld [smem:$0x3FDB];
	_ =	sdelay $0x1  }
0x9c: {  	s17 =	simm.s32 $_scs_section_size  }
0x9d: {  	s3 =	simm.s32 $_size__tile_overlayer_lowered;
	s4 =	simm.s32 $_tile_overlayer_lowered  }
0x9e: {  	s20 =	simm.s32 $0x1BFF;
	s19 =	sshll.u32 s4, $0x1;
	s1 =	sadd.s32 s17, s16  }
0x9f: {  	s5 =	simm.s32 $0x0;
	s18 =	sshll.u32 s3, $0x1;
	s3 =	sadd.s32 s19, s1  }
0xa0: {  	[timem:s5], [sflag:s20] =	dma.local [hbm:s3], s18  }
0xa1: {  	_ =	swait.ge [sflag:s20], s18  }
0xa2: {  	s2 =	ssub.s32 $0x0, s18;
	[sflag:s20] =	ssyncset.done $0x0  }
0xa3: {  	[sflag:s20] =	ssyncadd.s32 s2;
	_ =	sdelay $0x1  }
0xa4: {  	s21 =	simm.s32 $0x1B8B  }
0xa5: {  	_ =	swait.ge [sflag:s21], $0x1  }
0xa6: {  	[sflag:s21] =	ssyncset.done $0x0  }
0xa7: {  	s23 =	simm.s32 $0x1B8E;
	s22 =	sld [smem:$0x3FFE];
	[sflag:s21] =	ssyncadd.s32 $0xFFFFFFFF  }
0xa8: {  	s24 =	simm.s32 $execute0_lowered;
	[smem:$0x3FD2] =	sst s23  }
0xa9: {  	s3 =	sshll.u32 s24, $0x1;
	_ =	strace $0x80000046;
	[dreg:$0x1] =	wrdreg $0xFFFFFFFF  }
0xaa: {  	s25 =	simm.s32 $_size_execute0_lowered;
	s1 =	sadd.s32 s1, s3;
	[dreg:$0x0] =	wrdreg $0x0  }
0xab: {  	s3 =	sshll.u32 s25, $0x1;
	[dreg:$0x2] =	wrdreg s1  }
0xac: {  	[dreg:$0x3] =	wrdreg s3  }
0xad: {  	[dreg:$0x4] =	wrdreg $0xC0  }
0xae: {  	_ =	task [dreg:s5], $0x5FFFF  }
0xaf: {  	[dreg:$0x1] =	wrdreg $0xFFFFFFFF  }
0xb0: {  	[dreg:$0x0] =	wrdreg $0x60  }
0xb1: {  	[dreg:$0x2] =	wrdreg s22  }
0xb2: {  	[dreg:$0x3] =	wrdreg s14  }
0xb3: {  	[dreg:$0x4] =	wrdreg $0xA  }
0xb4: {  	_ =	task.clear_ibuf [dreg:s5], $0x5FFFF;
	_ =	strace $0x90000046  }
0xb5: {  	s26 =	simm.s32 $0xA;
	_ =	strace $0x80000048  }
0xb6: {  	_ =	swait.ge [sflag:s26], $0x1  }
0xb7: {  	[sflag:s26] =	ssyncadd.s32 $0xFFFFFFFF  }
0xb8: {  	_ =	strace $0x90000048  }
0xb9: {  	_ =	sfence  }
0xba: {  	s28 =	sld [smem:$0x0];
	_ =	sdelay $0x1  }
0xbb: {  	s29 =	srdreg.scid  }
0xbc: {  	s30 =	sshll.u32 s29, $0xD;
	s31 =	sshrl.u32 s29, $0x2  }
0xbd: {  	s2 =	sand.u32 $0x4000, s30;
	s1 =	sand.u32 $0x1, s29;
	s0 =	sadd.s32 s31, s28  }
0xbe: {  	s1 =	sor.u32 s2, s1;
	s0 =	sshll.u32 s0, $0x11  }
0xbf: {  	s0 =	sor.u32 s0, s1  }
0xc0: {  	s0 =	sadd.s32 $0x8F2B, s0  }
0xc1: {  	[sflag:s0] =	ssyncadd.remote.s32 $0x1  }
0xc2: {  	_ =	sfence.sel $0xFFFF  }
0xc3: {  	[dreg:$0x0] =	wrdreg $0xFFFFFFFF;
	(pc) =	sbr.abs _section_cstart, $3  }
0xc4: {  	[dreg:$0x1] =	wrdreg $0xFFFFFFFF  }
0xc5: {  	_ =	task.clear_ibuf [dreg:s5], $0x2FFFF;
	_ =	strace $0x9FFFFFFF  }
0xc6: {  	(tm) =	ssettm $0x7FFFFFFF  }
0xc7: {  	_ =	shalt  }
tec
execute0_lowered:
.L_overlay_start_1:
0x0: {  	(tag) =	ssettag $0x1  }
0x1: {  	s0 =	rddreg [dreg:$0x0];
	_ =	strace $0x80000047;
	s4 =	simm.s32 $0x1  }
0x2: {  	v1 =	vimm.s32 $0xFFFFFFFF;
	[sflag:s4] =	ssyncpa.u1 $0x0  }
0x3: {  	[tilespmem:$0x10] =	vst v1  }
0x4: {  	v0 =	vimm.s32 $0x80000000;
	[tilespmem:$0x20] =	vst v1  }
0x5: {  	[tilespmem:$0x30] =	vst v0  }
0x6: {  	s2 =	simm.s32 $0x2;
	s6 =	simm.s32 $0x7;
	[tilespmem:$0x40] =	vst v0  }
0x7: {  	s26 =	stileid.u32;
	s7 =	simm.s32 $0x8;
	s31 =	simm.s32 $0x9;
	[tilespmem:$0x50] =	vst v0  }
0x8: {  	s14 =	simm.s32 $0x0;
	s15 =	simm.s32 $0x100;
	s18 =	simm.s32 $0x10;
	[tilespmem:$0x60] =	vst v1  }
0x9: {  	s19 =	simm.s32 $0x9100;
	s20 =	simm.s32 $0xF;
	s21 =	simm.s32 $0x50;
	[tilespmem:$0x70] =	vst v1  }
0xa: {  	s22 =	simm.s32 $0x40FF;
	s23 =	simm.s32 $0x20;
	s24 =	simm.s32 $0x30;
	[tilespmem:$0x80] =	vst v1  }
0xb: {  	s25 =	simm.s32 $0x80FF;
	s30 =	simm.s32 $0x0;
	s29 =	simm.s32 $0x0;
	v1 =	vimm.s32 $0x0;
	[tilespmem:$0xB0] =	vst v0  }
.Ltmp0:
0xc: {  	s1 =	sadd.s32 $0x22E00, s0;
	s5 =	sadd.s32 $0x20E00, s0;
	[tilespmem:$0x90] =	vst v1;
	(pc) =	sbr.rel .LBB2_1-.Ltmp0, $4  }
0xd: {  	s8 =	sshll.u32 s26, $0xC;
	s10 =	sshll.u32 s26, $0x1;
	[tilespmem:$0xA0] =	vst v1;
	[sflag:s2] =	ssyncpa.u1 $0x0  }
0xe: {  	s12 =	sshllo.u32 s26, $0x1;
	s26 =	simm.s32 $0x80;
	[sflag:s6] =	ssyncpa.u1 $0x0  }
0xf: {  	vm0 =	vmmov $0xffff;
	v2 =	vlaneseq.u32;
	s9 =	sadd.s32 $0x1000, s8;
	s11 =	sor.u32 $0x81, s10;
	[sflag:s7] =	ssyncpa.u1 $0x0  }
0x10: {  	vm1 =	vmxor vm1, vm1;
	vm2 =	vmmov $0x1;
	vm3 =	vcmask $0x3F3C;
	s13 =	sor.u32 $0x80, s10;
	s28 =	smov.u32 s8;
	[sflag:s31] =	ssyncpa.u1 $0x0  }
.LBB2_3:
0x11: {  	s0 =	sshrl.u32 s28, $0x3;
	s2 =	rddreg [dreg:$0x1]  }
0x12: {  	s31 =	sand.u32 $0x7, s28;
	s0 =	sadd.s32 s2, s0  }
0x13: {  	[tilespmem:s15], [sflag:$0x7] =	stream.linear.gather [hbm4b:s0+s31], $0x1000, $0x38;
	[tilespmem:$0x9120] =	vst v63  }
.LBB2_4:
0x14: {  	s0 =	sadd.s32 $0x1000, s28  }
0x15: {  	s2 =	smov.u32 s8;
	s29 =	sadd.s32 $0x1, s29;
	p0 =	slt.s32 s0, s9  }
0x16: {  	s2 =	smov.u32 @p0 s0;
	p0 =	sne.s32 s29, $0x4  }
.Ltmp1:
0x17: {  	_ = 	snop;
	(pc) =	sbr.rel @!p0 .LBB2_13-.Ltmp1, $2  }
0x18: {  	_ =	sdelay $0x2  }
0x19: {  	s30 =	smov.u32 s28;
	s28 =	smov.u32 s2  }
.LBB2_1:
0x1a: {  	p0 =	sgt.s32 s29, $0x1  }
.Ltmp2:
0x1b: {  	_ = 	snop;
	(pc) =	sbr.rel @p0 .LBB2_11-.Ltmp2, $1  }
0x1c: {  	_ =	sdelay $0x3  }
0x1d: {  	p0 =	seq.s32 s29, $0x0  }
.Ltmp3:
0x1e: {  	_ = 	snop;
	(pc) =	sbr.rel @p0 .LBB2_3-.Ltmp3, $1  }
0x1f: {  	_ =	sdelay $0x3  }
0x20: {  	_ =	swait.ge [sflag:s6], $0x1000  }
0x21: {  	[sflag:s6] =	ssyncset.done $0x0  }
0x22: {  	[sflag:s6] =	ssyncadd.s32 $0xFFFFF000;
	(ifvalue) =	ssetifvalue $0xFFFFFFFF;
	v3 =	vld.msk [tilespmem:s15+$0x0 ss:$0x1], $0xffff;
	_ =	sdelay $0x4  }
0x23: {  	v4 =	vperm.xlane v3, v1  }
0x24: {  	vm4 =	vlt.u32 v3, $0x8400  }
0x25: {  	v3 =	vnsel vm4, $0xFFFFFFFE, v3;
	vm4 =	vlt.u32 v4, $0x8400  }
0x26: {  	[tilespmem:$0x70] =	vst v3;
	v3 =	vnsel vm4, $0xFFFFFFFE, v4  }
0x27: {  	s16 =	simm.s32 $0x10F0;
	[tilespmem:$0x80] =	vst v3  }
0x28: {  	v3 =	vld.msk [tilespmem:s16+$0x0 ss:$0x1], $0xffff;
	_ =	sdelay $0x4  }
0x29: {  	(xrf1) =	vunique.msk.u32 $0xffff, v3;
	_ =	sdelay $0xd  }
0x2a: {  	v4 =	vimm.s32 $0xFFFFFFFF;
	v5, _, _ =	vpop (xrf1)  }
0x2b: {  	vm5 =	vne.s32 v3, v4;
	vm4 =	veq.s32 v5, v2  }
0x2c: {  	vm6 =	vlt.u32 v3, $0x8400;
	vm4 =	vmand vm5, vm4  }
0x2d: {  	vm4 =	vmand vm6, vm4  }
0x2e: {  	v4 =	vnsel vm4, $0xFFFFFFFF, v3;
	_ =	sdelay $0x3  }
0x2f: {  	s0 =	simm.s32 $0x40F0;
	(ifvalue) =	ssetifvalue $0xFFFFFFFF  }
0x30: {  	v3 =	vperm.xlane v3, v1;
	[tilespmem:s0], [sflag:$0x8] =	stream.indirect_vreg.gather [hbm4b:s1+s14], $0x1, v4, vm0, $0x4038;
	v4 =	vnsel vm6, $0xFFFFFFFE, v4;
	[tilespmem:$0x9120] =	vst v63  }
0x31: {  	s2 =	simm.s32 $0x0;
	s3 =	simm.s32 $0x10E0;
	[tilespmem:s16+$0x0] =	vst v4  }
.LBB2_6:
0x32: {  	v4 =	vld.msk [tilespmem:s3+$0x0 ss:$0x1], $0xffff;
	s2 =	sadd.s32 $0x10, s2;
	v5 =	vmov v3;
	s16 =	smov.u32 s3  }
0x33: {  	p0 =	slt.u32 s2, $0xFF0;
	_ =	sdelay $0x4  }
0x34: {  	v3 =	vperm.xlane v4, v1;
	(xrf1) =	vunique.msk.u32 $0xffff, v4;
	_ =	sdelay $0xd  }
0x35: {  	v6, _, _ =	vpop (xrf1)  }
0x36: {  	vm5 =	vne.s32 v4, v5;
	vm4 =	veq.s32 v6, v2  }
0x37: {  	vm6 =	vlt.u32 v4, $0x8400;
	vm4 =	vmand vm5, vm4  }
0x38: {  	vm4 =	vmand vm6, vm4  }
0x39: {  	v4 =	vnsel vm4, $0xFFFFFFFF, v4  }
.Ltmp4:
0x3a: {  	v5 =	vnsel vm6, $0xFFFFFFFE, v4;
	(pc) =	sbr.rel @p0 .LBB2_6-.Ltmp4, $3  }
0x3b: {  	_ =	sdelay $0x1  }
0x3c: {  	s3 =	sadd.s32 $0xFFFFFFF0, s3;
	s0 =	sadd.s32 $0xFFFFFFF0, s0;
	(ifvalue) =	ssetifvalue $0xFFFFFFFF  }
0x3d: {  	[tilespmem:s0], [sflag:$0x8] =	stream.indirect_vreg.gather [hbm4b:s1+s14], $0x1, v4, vm0, $0x4038;
	[tilespmem:s16+$0x0] =	vst v5  }
.Ltmp5:
0x3e: {  	(pc) =	sbr.rel .LBB2_4-.Ltmp5, $4  }
0x3f: {  	_ = 	snop  }
0x40: {  	s0 =	sshrl.u32 s30, $0x3  }
0x41: {  	s2 =	simm.s32 $0x5100;
	s0 =	sadd.s32 s5, s0  }
0x42: {  	[tilespmem:s2], [sflag:$0x8] =	stream.linear.gather [hbm:s0], $0x1000, $0x38;
	[tilespmem:$0x9120] =	vst v63  }
.LBB2_11:
0x43: {  	p0 =	seq.s32 s29, $0x2  }
.Ltmp6:
0x44: {  	_ = 	snop;
	(pc) =	sbr.rel @!p0 .LBB2_12-.Ltmp6, $1  }
0x45: {  	_ =	sdelay $0x3  }
0x46: {  	_ =	swait.ge [sflag:s7], $0x2000  }
0x47: {  	[sflag:s7] =	ssyncset.done $0x0  }
0x48: {  	s0 =	simm.s32 $0x10FF;
	[sflag:s7] =	ssyncadd.s32 $0xFFFFE000  }
0x49: {  	[spmem:s11] =	stream.linear.scatter [tilespmem:s0], [sflag:$0x1], $0x1, $0x38;
	[tilespmem:$0x9120] =	vst v63  }
0x4a: {  	_ =	swait.ge [sflag:s4], $0x1  }
0x4b: {  	[sflag:s4] =	ssyncset.done $0x0  }
0x4c: {  	[sflag:s4] =	ssyncadd.s32 $0xFFFFFFFF  }
0x4d: {  	v4 =	vld [tilespmem:$0x10]  }
0x4e: {  	v5 =	vld [tilespmem:$0x70]  }
0x4f: {  	v3 =	vld [tilespmem:$0x80];
	_ =	sdelay $0x2  }
0x50: {  	(v2sf) =	vpush v4, $0x0  }
0x51: {  	(v2sf) =	vpush v5, $0x0  }
0x52: {  	(v2sf) =	vpush v3, $0x0;
	_ =	sdelay $0xc  }
0x53: {  	s17 =	spop (v2sf)  }
0x54: {  	s2 =	spop (v2sf)  }
0x55: {  	s30 =	spop (v2sf)  }
0x56: {  	p0 =	seq.s32 s17, s2;
	p1 =	seq.s32 s30, s17  }
0x57: {  	p1 =	por p0, p1  }
0x58: {  	v4 =	vpsel p1, $0xFFFFFFFF, v4  }
0x59: {  	[tilespmem:s18+$0x0] =	vst.msk $0x1, v4  }
0x5a: {  	v4 =	vld [tilespmem:$0x30]  }
0x5b: {  	v5 =	vld [tilespmem:$0x5100]  }
0x5c: {  	v6 =	vld [tilespmem:$0x40];
	_ =	sdelay $0x3  }
0x5d: {  	vm4 =	vmmov vm1;
	vm6 =	vmmov vm2;
	vm5 =	vgt.s32 v4, v5  }
0x5e: {  	s3 =	simm.s32 $0x5100;
	vm4 =	vmmov @p0 vm2;
	v5 =	vsel vm5, v4, v5;
	vm5 =	vgt.s32 v4, v6  }
0x5f: {  	vm6 =	vmmov @p1 vm1;
	v4 =	vsel vm5, v4, v6;
	[tilespmem:s3+$0x0] =	vst.msk vm4, v5  }
0x60: {  	[tilespmem:s19+$0x0] =	vst.msk vm6, v4  }
0x61: {  	v4 =	vld [tilespmem:$0x40F0];
	_ =	sdelay $0x4  }
0x62: {  	v4 =	vshift.insert v4, v1, s20;
	_ =	sdelay $0x1  }
0x63: {  	v5 =	vimm.s32 $0x80000000;
	[tilespmem:s21+$0x0] =	vst.msk $0x1, v4  }
0x64: {  	[tilespmem:s22+$0x0] =	vst.msk $0x1, v5  }
0x65: {  	v4 =	vld [tilespmem:$0x10F0];
	_ =	sdelay $0x4  }
0x66: {  	v4 =	vshift.insert v4, v1, s20;
	_ =	sdelay $0x1  }
0x67: {  	[tilespmem:s23+$0x0] =	vst.msk $0x1, v4  }
0x68: {  	v6 =	vld [tilespmem:s3+$0x0]  }
0x69: {  	s16 =	simm.s32 $0x100  }
0x6a: {  	v7 =	vld [tilespmem:s16+$0x0];
	_ =	sdelay $0x2  }
0x6b: {  	vm4 =	vgt.s32 v6, v5  }
0x6c: {  	v5 =	vsel vm4, v6, v5  }
0x6d: {  	vm4 =	vne.s32 v7, $0xFFFFFFFF;
	v5 =	vxor.u32 $0x80000000, v5  }
0x6e: {  	(xrf0) =	vmax.seg.scan.u32 vm4, v5  }
0x6f: {  	s17 =	simm.s32 $0x3100  }
0x70: {  	v8 =	vld [tilespmem:s17+$0x0]  }
0x71: {  	v6 =	vld [tilespmem:$0xA0];
	_ =	sdelay $0x2  }
0x72: {  	v5 =	vperm.xlane v4, v1;
	v9, _, _ =	vpop (xrf0)  }
0x73: {  	vm6 =	veq.s32 v7, v3;
	v9 =	vxor.u32 $0x80000000, v9  }
0x74: {  	vm8 =	veq.s32 v7, v5;
	vm5 =	veq.s32 v6, $0x1;
	vm7 =	vgt.s32 v9, v8  }
0x75: {  	vm8 =	vmor vm8, vm6;
	v6 =	vsel vm7, v9, v8;
	vm7 =	vgt.u32 v7, $0xFFFFFFFD  }
0x76: {  	v10 =	vld [tilespmem:$0x90];
	vm9 =	vmand vm4, vm3;
	vm4 =	vmor vm5, vm6;
	vm5 =	vmor vm8, vm7  }
0x77: {  	v8 =	vsel vm5, $0xFFFFFFFF, v7;
	_ =	sdelay $0x1  }
0x78: {  	s31 =	simm.s32 $0x7100  }
0x79: {  	s0 =	simm.s32 $0x0;
	s2 =	simm.s32 $0x5110;
	s3 =	simm.s32 $0x110;
	v11 =	vsel vm9, $0x80000000, v9;
	v6 =	vsel vm6, v9, v6  }
0x7a: {  	s16 =	simm.s32 $0x7110;
	s17 =	simm.s32 $0x3110;
	[tilespmem:s31+$0x0] =	vst v6;
	v6 =	vsel vm6, v9, v10;
	v7 =	vshift.insert v11, v0, s20;
	(ifvalue) =	ssetifvalue $0xFFFFFFFF  }
.LBB2_9:
0x7b: {  	[hbm4b:s1+s14] =	stream.indirect_vreg.scatter [tilespmem:s31], [sflag:$0x2], $0x1, v8, vm0, $0x4038;
	[tilespmem:$0x9120] =	vst v63  }
0x7c: {  	s0 =	sadd.s32 $0x10, s0;
	s31 =	smov.u32 s16;
	v8 =	vld [tilespmem:s2+$0x0]  }
0x7d: {  	p0 =	slt.u32 s0, $0xFF0  }
0x7e: {  	v9 =	vld [tilespmem:s3+$0x0];
	_ =	sdelay $0x2  }
0x7f: {  	vm5 =	vgt.s32 v8, v7  }
0x80: {  	v7 =	vsel vm5, v8, v7  }
0x81: {  	vm5 =	vne.s32 v9, $0xFFFFFFFF;
	v7 =	vxor.u32 $0x80000000, v7  }
0x82: {  	(xrf0) =	vmax.seg.scan.u32 vm5, v7;
	_ =	sdelay $0x2  }
0x83: {  	v7 =	vld [tilespmem:s17+$0x0];
	_ =	sdelay $0x1  }
0x84: {  	vm6 =	veq.s32 v9, v3;
	vm7 =	veq.s32 v9, v5  }
0x85: {  	vm8 =	vgt.u32 v9, $0xFFFFFFFD;
	vm4 =	vmor vm4, vm6;
	vm7 =	vmor vm7, vm6;
	v8, _, _ =	vpop (xrf0)  }
0x86: {  	vm5 =	vmand vm5, vm3;
	vm7 =	vmor vm7, vm8;
	v10 =	vxor.u32 $0x80000000, v8  }
.Ltmp7:
0x87: {  	v8 =	vsel vm7, $0xFFFFFFFF, v9;
	vm7 =	vgt.s32 v10, v7;
	v9 =	vsel vm5, $0x80000000, v10;
	(pc) =	sbr.rel @p0 .LBB2_9-.Ltmp7, $4  }
0x88: {  	v6 =	vsel vm6, v10, v6;
	v11 =	vsel vm7, v10, v7;
	v7 =	vshift.insert v9, v0, s20  }
0x89: {  	v9 =	vsel vm6, v10, v11  }
0x8a: {  	s2 =	sadd.s32 $0x10, s2;
	s3 =	sadd.s32 $0x10, s3;
	[tilespmem:s16+$0x0] =	vst v9  }
0x8b: {  	s17 =	sadd.s32 $0x10, s17;
	s16 =	sadd.s32 $0x10, s16;
	(ifvalue) =	ssetifvalue $0xFFFFFFFF  }
0x8c: {  	_ =	sdelay $0x3  }
0x8d: {  	[hbm4b:s1+s14] =	stream.indirect_vreg.scatter [tilespmem:s31], [sflag:$0x2], $0x1, v8, vm0, $0x4038;
	[tilespmem:$0x9120] =	vst v63  }
0x8e: {  	v3 =	vld [tilespmem:$0x80F0];
	_ =	sdelay $0x4  }
0x8f: {  	v3 =	vshift.insert v3, v1, s20;
	_ =	sdelay $0x1  }
0x90: {  	[tilespmem:s24+$0x0] =	vst.msk $0x1, v3  }
0x91: {  	v3 =	vsel vm4, $0x1, v1;
	[tilespmem:$0x90] =	vst v6  }
0x92: {  	[tilespmem:$0xA0] =	vst v3  }
0x93: {  	[spmem:s12] =	stream.linear.scatter [tilespmem:s25], [sflag:$0x1], $0x1, $0x38;
	[tilespmem:$0x9120] =	vst v63  }
0x94: {  	v3 =	vmctz.xlane vm4;
	_ =	swait.ge [sflag:s4], $0x1  }
0x95: {  	(v2sf) =	vpush v4, $0x0  }
0x96: {  	(v2sf) =	vpush v3, $0x0;
	_ =	sdelay $0xd  }
0x97: {  	s0 =	spop (v2sf)  }
0x98: {  	s2 =	spop (v2sf)  }
0x99: {  	[sflag:s4] =	ssyncset.done $0x0;
	p0 =	sne.s32 s30, s0;
	p1 =	slt.s32 s2, $0xF  }
0x9a: {  	[sflag:s4] =	ssyncadd.s32 $0xFFFFFFFF;
	v3 =	vimm.s32 @!p0 $0xFFFFFFFF;
	s2 =	simm.s32 @!p1 $0xF  }
0x9b: {  	[tilespmem:$0x80] =	vst @!p0 v3;
	s31 =	sadd.s32 $0x90, s2  }
0x9c: {  	[spmem:s10] =	stream.linear.scatter [tilespmem:s31], [sflag:$0x1], $0x1, $0x38;
	[tilespmem:$0x9120] =	vst v63  }
0x9d: {  	_ =	swait.ge [sflag:s4], $0x1  }
0x9e: {  	[sflag:s4] =	ssyncset.done $0x0  }
0x9f: {  	[sflag:s4] =	ssyncadd.s32 $0xFFFFFFFF  }
0xa0: {  	[spmem:s13] =	stream.linear.scatter [tilespmem:s26], [sflag:$0x1], $0x1, $0x38;
	[tilespmem:$0x9120] =	vst v63  }
0xa1: {  	_ =	swait.ge [sflag:s4], $0x1  }
0xa2: {  	[sflag:s4] =	ssyncset.done $0x0  }
0xa3: {  	[sflag:s4] =	ssyncadd.s32 $0xFFFFFFFF;
	(ifvalue) =	ssetifvalue $0xFFFFFFFF;
	v3 =	vld [tilespmem:$0x10];
	_ =	sdelay $0x3  }
.Ltmp8:
0xa4: {  	_ = 	snop;
	(pc) =	sbr.rel .LBB2_4-.Ltmp8, $3  }
0xa5: {  	_ =	sdelay $0x1  }
0xa6: {  	(ifvalue) =	ssetifvalue $0xFFFFFFFF  }
0xa7: {  	[hbm4b:s1+s14] =	stream.indirect_vreg.scatter [tilespmem:s19], [sflag:$0x9], $0x1, v3, vm0, $0x4038;
	[tilespmem:$0x9120] =	vst v63  }
.LBB2_12:
0xa8: {  	s0 =	simm.s32 $0x2  }
0xa9: {  	_ =	swait.ge [sflag:s0], $0x1000  }
0xaa: {  	[sflag:s0] =	ssyncset.done $0x0  }
0xab: {  	s31 =	simm.s32 $0x9;
	[sflag:s0] =	ssyncadd.s32 $0xFFFFF000  }
0xac: {  	_ =	swait.ge [sflag:s31], $0x10  }
0xad: {  	[sflag:s31] =	ssyncset.done $0x0  }
0xae: {  	[sflag:s31] =	ssyncadd.s32 $0xFFFFFFF0  }
.LBB2_13:
0xaf: {  	_ =	sfence.sel $0x180000  }
0xb0: {  	s0 =	simm.s32 $0x7;
	[bflag:$0x0] =	sbarrier.arrive $0xFFFF  }
0xb1: {  	s26 =	simm.s32 $0x8;
	[sflag:s0] =	ssyncpa.u1 $0x1  }
0xb2: {  	s28 =	simm.s32 $0x9;
	[sflag:s26] =	ssyncpa.u1 $0x1  }
0xb3: {  	[sflag:s28] =	ssyncpa.u1 $0x1  }
0xb4: {  	_ =	sfence.stream.spmem  }
0xb5: {  	s29 =	simm.s32 $0x3;
	[bflag:$0x0] =	sbarrier.arrive $0xFFFF  }
0xb6: {  	s30 =	simm.s32 $0x4;
	[sflag:s29] =	ssyncpa.u1 $0x1  }
0xb7: {  	s31 =	simm.s32 $0x3C;
	s2 =	stileid.u32;
	[sflag:s30] =	ssyncpa.u1 $0x1  }
0xb8: {  	p0 =	sne.s32 s2, $0x0;
	[sflag:s31] =	ssyncpa.u1 $0x1  }
0xb9: {  	s0 =	simm.s32 @p0 $0x1;
	_ =	sfence @p0  }
0xba: {  	[sflag:s0] =	ssyncpa.u1 @p0 $0x1;
	s0 =	simm.s32 @p0 $0x2  }
0xbb: {  	[sflag:s0] =	ssyncpa.u1 @p0 $0x1  }
0xbc: {  	_ =	strace @p0 $0x90000047  }
0xbd: {  	[bflag:$0x2] =	sbarrier.arrive @p0 $0xFFFF  }
0xbe: {  	_ =	shalt @p0  }
.LBB2_14:
0xbf: {  	_ =	sfence.stream.spmem;
	s0 =	simm.s32 $0x5  }
0xc0: {  	s2 =	simm.s32 $0x80;
	s3 =	simm.s32 $0xC0;
	[sflag:s0] =	ssyncpa.u1 $0x0  }
0xc1: {  	[tilespmem:s3], [sflag:$0x5] =	stream.linear.gather [spmem:s2], $0x20, $0x38;
	[tilespmem:$0x9120] =	vst v63  }
0xc2: {  	s30 =	simm.s32 $0xE0;
	s2 =	simm.s32 $0x0  }
0xc3: {  	[tilespmem:s30], [sflag:$0x5] =	stream.linear.gather [spmem:s2], $0x20, $0x38;
	[tilespmem:$0x9120] =	vst v63  }
.Ltmp9:
0xc4: {  	_ = 	snop;
	(pc) =	sbr.rel .LBB2_15-.Ltmp9, $4  }
0xc5: {  	_ =	swait.ge [sflag:s0], $0x40  }
0xc6: {  	[sflag:s0] =	ssyncset.done $0x0  }
0xc7: {  	s31 =	simm.s32 $0x6;
	[sflag:s0] =	ssyncadd.s32 $0xFFFFFFC0  }
0xc8: {  	s3 =	simm.s32 $0x0;
	[sflag:s31] =	ssyncpa.u1 $0x0  }
.LBB2_20:
0xc9: {  	p0 =	sgt.u32 s4, $0x83FF  }
0xca: {  	s0 =	sshrl.u32 @!p0 s4, $0x3  }
0xcb: {  	s4 =	sand.u32 @!p0 $0x7, s4;
	s5 =	simm.s32 @!p0 $0xB0;
	s0 =	sadd.s32 @!p0 s1, s0  }
0xcc: {  	[tilespmem:s5], [sflag:$0x6] =	stream.linear.gather @!p0 [hbm4b:s0+s4], $0x1, $0x38;
	[tilespmem:$0x9120] =	vst v63  }
0xcd: {  	s0 =	simm.s32 @!p0 $0x6  }
0xce: {  	_ =	swait.ge @!p0 [sflag:s0], $0x1  }
0xcf: {  	[sflag:s0] =	ssyncset.done @!p0 $0x0  }
0xd0: {  	[sflag:s0] =	ssyncadd.s32 @!p0 $0xFFFFFFFF  }
0xd1: {  	v1 =	vld.msk @!p0 [tilespmem:$0xB0], $0x1  }
0xd2: {  	v2 =	vld.msk @!p0 [tilespmem:s3+$0xE0], $0x1;
	_ =	sdelay $0x4  }
0xd3: {  	vm0 =	vgt.s32 @!p0 v2, v1  }
0xd4: {  	v1 =	vsel @!p0 vm0, v2, v1  }
0xd5: {  	[tilespmem:s3+$0xE0] =	vst.msk @!p0 $0x1, v1  }
0xd6: {  	[tilespmem:s2+$0xC0] =	vst.msk $0x1, v0  }
0xd7: {  	v0 =	vld.msk [tilespmem:s3+$0xE0], $0x1;
	_ =	sdelay $0x4  }
0xd8: {  	[tilespmem:s2+$0xE0] =	vst.msk $0x1, v0;
	s2 =	sadd.s32 $0x1, s2  }
.LBB2_22:
0xd9: {  	s3 =	sadd.s32 $0x1, s3  }
0xda: {  	p0 =	sne.s32 s3, $0x20  }
.Ltmp10:
0xdb: {  	_ = 	snop;
	(pc) =	sbr.rel @!p0 .LBB2_23-.Ltmp10, $1  }
0xdc: {  	_ =	sdelay $0x3  }
.LBB2_15:
0xdd: {  	v0 =	vld.msk [tilespmem:s3+$0xC0], $0x1;
	_ =	sdelay $0x4  }
0xde: {  	(v2sf) =	vpush v0, $0x0;
	_ =	sdelay $0xe  }
0xdf: {  	s4 =	spop (v2sf)  }
0xe0: {  	p0 =	seq.s32 s4, $0xFFFFFFFF  }
.Ltmp11:
0xe1: {  	_ = 	snop;
	(pc) =	sbr.rel @p0 .LBB2_22-.Ltmp11, $1  }
0xe2: {  	_ =	sdelay $0x3  }
0xe3: {  	p0 =	slt.s32 s2, $0x1  }
.Ltmp12:
0xe4: {  	_ = 	snop;
	(pc) =	sbr.rel @p0 .LBB2_20-.Ltmp12, $1  }
0xe5: {  	_ =	sdelay $0x3  }
0xe6: {  	s0 =	simm.s32 $0xC0;
	p0 =	por $0x0, $0x0  }
0xe7: {  	v1 =	vld.msk @!p0 [tilespmem:s0+$0x0], $0x1;
	_ =	sdelay $0x4  }
0xe8: {  	(v2sf) =	vpush @!p0 v1, $0x0;
	_ =	sdelay $0xd  }
0xe9: {  	p2 =	sne.s32 s2, $0x1  }
.Ltmp13:
0xea: {  	s5 =	spop @!p0 (v2sf);
	(pc) =	sbr.rel @!p2 .LBB2_19-.Ltmp13, $4  }
0xeb: {  	p1 =	seq.s32 @!p0 s4, s5  }
0xec: {  	s5 =	simm.s32 $0x0;
	p1 =	por !p1, p0  }
0xed: {  	s7 =	simm.s32 $0xFFFFFFFF;
	s5 =	simm.s32 @p1 $0xFFFFFFFF  }
0xee: {  	s6 =	simm.s32 $0x1;
	s5 =	smov.u32 @p0 s7  }
.LBB2_18:
0xef: {  	s7 =	smov.u32 s5;
	p0 =	sne.s32 s5, $0xFFFFFFFF  }
0xf0: {  	s0 =	sadd.s32 $0x1, s0;
	s5 =	smov.u32 s6;
	s6 =	sadd.s32 $0x1, s6  }
0xf1: {  	p1 =	sne.s32 s2, s6;
	v1 =	vld.msk @!p0 [tilespmem:s0+$0x0], $0x1;
	_ =	sdelay $0x4  }
0xf2: {  	(v2sf) =	vpush @!p0 v1, $0x0;
	_ =	sdelay $0xe  }
.Ltmp14:
0xf3: {  	s8 =	spop @!p0 (v2sf);
	(pc) =	sbr.rel @p1 .LBB2_18-.Ltmp14, $4  }
0xf4: {  	p2 =	seq.s32 @!p0 s4, s8  }
0xf5: {  	p2 =	por !p2, p0  }
0xf6: {  	s5 =	simm.s32 @p2 $0xFFFFFFFF  }
0xf7: {  	s5 =	smov.u32 @p0 s7  }
.LBB2_19:
0xf8: {  	p0 =	sne.s32 s5, $0xFFFFFFFF  }
.Ltmp15:
0xf9: {  	_ = 	snop;
	(pc) =	sbr.rel @!p0 .LBB2_20-.Ltmp15, $1  }
0xfa: {  	_ =	sdelay $0x3  }
0xfb: {  	v0 =	vld.msk [tilespmem:s3+$0xE0], $0x1  }
0xfc: {  	v1 =	vld.msk [tilespmem:s5+$0xE0], $0x1;
	_ =	sdelay $0x2  }
.Ltmp16:
0xfd: {  	_ = 	snop;
	(pc) =	sbr.rel .LBB2_22-.Ltmp16, $4  }
0xfe: {  	_ = 	snop  }
0xff: {  	vm0 =	vgt.s32 v1, v0  }
0x100: {  	v0 =	vsel vm0, v1, v0  }
0x101: {  	[tilespmem:s5+$0xE0] =	vst.msk $0x1, v0  }
.LBB2_23:
0x102: {  	p0 =	slt.s32 s2, $0x1  }
.Ltmp17:
0x103: {  	_ = 	snop;
	(pc) =	sbr.rel @p0 .LBB2_27-.Ltmp17, $3  }
0x104: {  	_ =	sdelay $0x1  }
0x105: {  	s0 =	simm.s32 $0x6  }
0x106: {  	[sflag:s0] =	ssyncpa.u1 $0x1;
	s0 =	simm.s32 $0x0  }
0x107: {  	s3 =	simm.s32 $0xC0  }
0x108: {  	v0 =	vld.msk [tilespmem:s3+$0x0], $0x1;
	_ =	sdelay $0x4  }
0x109: {  	(v2sf) =	vpush v0, $0x0;
	_ =	sdelay $0xe  }
0x10a: {  	s2 =	sadd.s32 $0xFFFFFFFF, s2;
	s4 =	spop (v2sf)  }
0x10b: {  	p1 =	sne.s32 s2, $0x0;
	p0 =	sgt.u32 s4, $0x83FF  }
.Ltmp18:
0x10c: {  	s5 =	sshrl.u32 @!p0 s4, $0x3;
	(pc) =	sbr.rel @!p1 .LBB2_26-.Ltmp18, $4  }
0x10d: {  	s3 =	simm.s32 $0xE0;
	s4 =	sand.u32 @!p0 $0x7, s4;
	s5 =	sadd.s32 @!p0 s1, s5  }
0x10e: {  	[hbm4b:s5+s4] =	stream.linear.scatter @!p0 [tilespmem:s3], [sflag:$0x5], $0x1, $0x38;
	[tilespmem:$0x9120] =	vst v63  }
0x10f: {  	s5 =	simm.s32 $0x0  }
0x110: {  	s4 =	simm.s32 $0xC1;
	s5 =	simm.s32 @!p0 $0x4  }
.LBB2_25:
0x111: {  	v0 =	vld.msk [tilespmem:s4+$0x0], $0x1;
	s2 =	sadd.s32 $0xFFFFFFFF, s2;
	s0 =	sadd.s32 s0, s5  }
0x112: {  	p0 =	sne.s32 s2, $0x0;
	_ =	sdelay $0x3  }
0x113: {  	(v2sf) =	vpush v0, $0x0;
	_ =	sdelay $0xe  }
.Ltmp19:
0x114: {  	s6 =	spop (v2sf);
	(pc) =	sbr.rel @p0 .LBB2_25-.Ltmp19, $4  }
0x115: {  	s5 =	simm.s32 $0x0;
	p1 =	sgt.u32 s6, $0x83FF  }
0x116: {  	s3 =	sadd.s32 $0x1, s3;
	s5 =	simm.s32 @!p1 $0x4;
	s7 =	sshrl.u32 @!p1 s6, $0x3  }
0x117: {  	s4 =	sadd.s32 $0x1, s4;
	s6 =	sand.u32 @!p1 $0x7, s6;
	s7 =	sadd.s32 @!p1 s1, s7  }
0x118: {  	[hbm4b:s7+s6] =	stream.linear.scatter @!p1 [tilespmem:s3], [sflag:$0x5], $0x1, $0x38;
	[tilespmem:$0x9120] =	vst v63  }
.LBB2_26:
0x119: {  	s0 =	sadd.s32 s0, s5  }
0x11a: {  	s0 =	sshrl.u32 s0, $0x2  }
.LBB2_27:
0x11b: {  	s1 =	simm.s32 $0x5  }
0x11c: {  	_ =	swait.ge [sflag:s1], s0  }
0x11d: {  	s28 =	ssub.s32 $0x0, s0;
	[sflag:s1] =	ssyncset.done $0x0  }
0x11e: {  	[sflag:s1] =	ssyncadd.s32 s28  }
0x11f: {  	[sflag:s1] =	ssyncpa.u1 $0x1  }
0x120: {  	s29 =	simm.s32 $0x1;
	_ =	sfence  }
0x121: {  	s30 =	simm.s32 $0x2;
	[sflag:s29] =	ssyncpa.u1 $0x1  }
0x122: {  	[sflag:s30] =	ssyncpa.u1 $0x1  }
0x123: {  	_ =	strace $0x90000047  }
0x124: {  	[bflag:$0x2] =	sbarrier.arrive $0xFFFF  }
0x125: {  	s31 =	rddreg [dreg:$0x2]  }
0x126: {  	s0 =	sadd.s32 $0x100000, s31  }
0x127: {  	[sflag:s0] =	ssyncadd.tile.s32 $0x1;
	_ =	shalt  }
.Lfunc_end2:
_tile_overlayer_lowered:
.L_overlay_start_2:
0x128: {  	(tag) =	ssettag $0x2  }
0x129: {  	s0 =	rddreg [dreg:$0x0];
	s2 =	stileid.u32  }
0x12a: {  	s1 =	rddreg [dreg:$0x1];
	p0 =	sne.s32 s2, $0x0  }
0x12b: {  	s3 =	rddreg [dreg:$0x2];
	[bflag:$0x3] =	sbarrier.arrive $0xFFFF;
	s2 =	simm.s32 @!p0 $0x1C01  }
0x12c: {  	[timem:s3], [sflag:s2] =	dma.local @!p0 [hbm:s0], s1  }
0x12d: {  	s0 =	simm.s32 @!p0 $0x1  }
0x12e: {  	_ =	swait.ge @!p0 [sflag:s0], s1  }
0x12f: {  	s1 =	ssub.s32 @!p0 $0x0, s1;
	[sflag:s0] =	ssyncset.done @!p0 $0x0  }
0x130: {  	[sflag:s0] =	ssyncadd.s32 @!p0 s1  }
0x131: {  	[bflag:$0x3] =	sbarrier.arrive $0xFFFF  }
0x132: {  	_ =	shalt  }

// kernel: scatter_offload_async_start
scs
__scs_entry_jumppad:
0x0: {  	(pc) =	sbr.rel $0x88, $3  }
0x1: {  	(tag) =	ssettag $0x0;
	lr =	simm.s32 $0x1  }
0x2: {  	[smem:$0x3F91] =	sst lr;
	_ =	strace $0xD0000000  }
0x3: {  	_ = 	snop  }
0x4: {  	_ = 	snop  }
0x5: {  	_ = 	snop  }
0x6: {  	_ = 	snop  }
0x7: {  	_ = 	snop  }
__scs_overlays_trampoline_lowered:
0x8: {  	[smem:$0x3FA0] =	sst s0  }
0x9: {  	[smem:$0x3FA1] =	sst s1  }
0xa: {  	[smem:$0x3FA2] =	sst s2  }
0xb: {  	[smem:$0x3FA3] =	sst s3  }
0xc: {  	[smem:$0x3FA4] =	sst s4  }
0xd: {  	[smem:$0x3FA5] =	sst s5  }
0xe: {  	[smem:$0x3FA6] =	sst s6  }
0xf: {  	[smem:$0x3FA7] =	sst s7  }
0x10: {  	[smem:$0x3FA8] =	sst s8  }
0x11: {  	[smem:$0x3FA9] =	sst s9;
	s0 =	simm.s32 @!p0 $0x0  }
0x12: {  	s1 =	sld [smem:$0x3F8F];
	s0 =	simm.s32 @p0 $0x1  }
0x13: {  	[smem:$0x3FAA] =	sst s0;
	s0 =	simm.s32 @!p1 $0x0  }
0x14: {  	s2 =	sld [smem:$0x3F8E];
	s0 =	simm.s32 @p1 $0x1  }
0x15: {  	[smem:$0x3FAB] =	sst s0;
	s0 =	simm.s32 @!p2 $0x0  }
0x16: {  	s3 =	sld [smem:$0x3FDB];
	s0 =	simm.s32 @p2 $0x1  }
0x17: {  	s4 =	simm.s32 $0x1BF5;
	[smem:$0x3FAD] =	sst s0  }
0x18: {  	s0 =	sld [smem:$0x3F90];
	_ =	swait.ge [sflag:s4], $0x0  }
0x19: {  	s7 =	sld [smem:$0x3F91]  }
0x1a: {  	s8 =	sadd.s32 $0xFFFFE003, lr  }
0x1b: {  	s9 =	sadd.s32 $0xFFFFFEF7, lr;
	s5 =	simm.s32 $0xFFFFFFFF;
	p2 =	slt.u32 s8, $0xFFFFF086  }
0x1c: {  	p1 =	slt.u32 s9, $0xF7A;
	s5 =	simm.s32 @!p2 $0x0  }
0x1d: {  	s5 =	simm.s32 @p1 $0x1;
	p0 =	seq.s32 s7, s2  }
0x1e: {  	s7 =	smul.u32 @!p0 $0xF7A, s2;
	p2 =	seq.s32 @!p0 s5, $0x0  }
0x1f: {  	s9 =	smul.u32 $0xF7A, s1;
	s8 =	simm.s32 @!p0 $0x1BF5;
	p2 =	por !p2, p0  }
0x20: {  	[sflag:s8] =	ssyncset.s32 @!p0 $0xFFFFF086;
	s6 =	sadd.s32 @!p0 s3, s7;
	s7 =	simm.s32 @!p0 $0x108  }
0x21: {  	s3 =	sadd.s32 s3, s9;
	s6 =	sadd.s32 @!p0 $0x88, s6;
	s7 =	simm.s32 @p2 $0x1082  }
0x22: {  	[simem:s7], [sflag:s8] =	dma.local @!p0 [hbm:s6], $0xF7A  }
0x23: {  	s9 =	sor.u32 $0xD0000000, s2;
	s6 =	simm.s32 $0x108;
	_ =	swait.ge @!p0 [sflag:s8], $0x0  }
0x24: {  	s3 =	sadd.s32 $0x88, s3;
	s6 =	simm.s32 @!p1 $0x1082;
	[sflag:s4] =	ssyncset.s32 $0xFFFFF086  }
0x25: {  	[simem:s6], [sflag:s4] =	dma.local [hbm:s3], $0xF7A  }
0x26: {  	[smem:$0x3F91] =	sst s1;
	(tag) =	ssettag s2;
	_ =	strace s9  }
0x27: {  	s1 =	sld [smem:$0x3FA1]  }
0x28: {  	s2 =	sld [smem:$0x3FA2]  }
0x29: {  	s4 =	sld [smem:$0x3FA4]  }
0x2a: {  	p0 =	seq.s32 s5, $0x0;
	s5 =	sld [smem:$0x3FA5]  }
0x2b: {  	s6 =	sld [smem:$0x3FA6]  }
0x2c: {  	s7 =	sld [smem:$0x3FA7]  }
0x2d: {  	s3 =	simm.s32 $0x108;
	s8 =	sld [smem:$0x3FA8]  }
0x2e: {  	s3 =	simm.s32 @!p0 $0x1082;
	s9 =	sld [smem:$0x3FA9]  }
0x2f: {  	lr =	sadd.s32 s0, s3;
	s0 =	sld [smem:$0x3FA0]  }
0x30: {  	s3 =	sld [smem:$0x3FA3]  }
0x31: {  	[smem:$0x3FAC] =	sst s10  }
0x32: {  	s10 =	sld [smem:$0x3FAA];
	_ =	sdelay $0x3  }
0x33: {  	p0 =	seq.s32 s10, $0x1;
	s10 =	sld [smem:$0x3FAC];
	_ =	sdelay $0x3  }
0x34: {  	[smem:$0x3FAC] =	sst s10  }
0x35: {  	s10 =	sld [smem:$0x3FAB];
	_ =	sdelay $0x3  }
0x36: {  	p1 =	seq.s32 s10, $0x1;
	s10 =	sld [smem:$0x3FAC];
	_ =	sdelay $0x3  }
0x37: {  	[smem:$0x3FAC] =	sst s10  }
0x38: {  	s10 =	sld [smem:$0x3FAD]  }
0x39: {  	_ = 	snop;
	(pc) =	sbr.ind lr, $3  }
0x3a: {  	_ = 	snop  }
0x3b: {  	_ = 	snop  }
0x3c: {  	p2 =	seq.s32 s10, $0x1;
	s10 =	sld [smem:$0x3FAC]  }
0x3d: {  	_ =	shalt  }
0x3e: {  	_ =	shalt  }
0x3f: {  	_ =	shalt  }
0x40: {  	_ =	shalt  }
0x41: {  	_ =	shalt  }
0x42: {  	_ =	shalt  }
0x43: {  	_ =	shalt  }
0x44: {  	_ =	shalt  }
0x45: {  	_ =	shalt  }
0x46: {  	_ =	shalt  }
0x47: {  	_ =	shalt  }
0x48: {  	_ =	shalt  }
0x49: {  	_ =	shalt  }
0x4a: {  	_ =	shalt  }
0x4b: {  	_ =	shalt  }
0x4c: {  	_ =	shalt  }
0x4d: {  	_ =	shalt  }
0x4e: {  	_ =	shalt  }
0x4f: {  	_ =	shalt  }
0x50: {  	_ =	shalt  }
0x51: {  	_ =	shalt  }
0x52: {  	_ =	shalt  }
0x53: {  	_ =	shalt  }
0x54: {  	_ =	shalt  }
0x55: {  	_ =	shalt  }
0x56: {  	_ =	shalt  }
0x57: {  	_ =	shalt  }
0x58: {  	_ =	shalt  }
0x59: {  	_ =	shalt  }
0x5a: {  	_ =	shalt  }
0x5b: {  	_ =	shalt  }
0x5c: {  	_ =	shalt  }
0x5d: {  	_ =	shalt  }
0x5e: {  	_ =	shalt  }
0x5f: {  	_ =	shalt  }
0x60: {  	_ =	shalt  }
0x61: {  	_ =	shalt  }
0x62: {  	_ =	shalt  }
0x63: {  	_ =	shalt  }
0x64: {  	_ =	shalt  }
0x65: {  	_ =	shalt  }
0x66: {  	_ =	shalt  }
0x67: {  	_ =	shalt  }
0x68: {  	_ =	shalt  }
0x69: {  	_ =	shalt  }
0x6a: {  	_ =	shalt  }
0x6b: {  	_ =	shalt  }
0x6c: {  	_ =	shalt  }
0x6d: {  	_ =	shalt  }
0x6e: {  	_ =	shalt  }
0x6f: {  	_ =	shalt  }
0x70: {  	_ =	shalt  }
0x71: {  	_ =	shalt  }
0x72: {  	_ =	shalt  }
0x73: {  	_ =	shalt  }
0x74: {  	_ =	shalt  }
0x75: {  	_ =	shalt  }
0x76: {  	_ =	shalt  }
0x77: {  	_ =	shalt  }
0x78: {  	_ =	shalt  }
0x79: {  	_ =	shalt  }
0x7a: {  	_ =	shalt  }
0x7b: {  	_ =	shalt  }
0x7c: {  	_ =	shalt  }
0x7d: {  	_ =	shalt  }
0x7e: {  	_ =	shalt  }
0x7f: {  	_ =	shalt  }
0x80: {  	_ =	shalt  }
0x81: {  	_ =	shalt  }
0x82: {  	_ =	shalt  }
0x83: {  	_ =	shalt  }
0x84: {  	_ =	shalt  }
0x85: {  	_ =	shalt  }
0x86: {  	_ =	shalt  }
0x87: {  	_ =	shalt  }
.Lfunc_end0:
.L_simem_size_0:
called_computation_lowered:
.L_overlay_start_0:
0x88: {  	s0 =	sld [smem:$0x3FD9]  }
0x89: {  	s1 =	sld [smem:$0x3FFE];
	_ =	sdelay $0x3  }
0x8a: {  	s0 =	sadd.s32 s1, s0  }
0x8b: {  	[smem:$0x3FB8] =	sst s0  }
0x8c: {  	_ = 	snop  }
0x8d: {  	s0 =	sld [smem:$0x3FD0];
	_ =	sdelay $0x2  }
0x8e: {  	s13 =	simm.s32 $0xB;
	s2 =	simm.s32 $0x10  }
0x8f: {  	[smem:s2], [sflag:s13] =	dma.local [hbm:s0], $0x1  }
0x90: {  	_ =	swait.eq [sflag:s13], $0x1  }
0x91: {  	[sflag:s13] =	ssyncset.done $0x0  }
0x92: {  	[sflag:s13] =	ssyncadd.s32 $0xFFFFFFFF  }
0x93: {  	s14 =	sld [smem:$0x11];
	(tm) =	ssettm $0x1  }
0x94: {  	s15 =	sld [smem:$0x3FFB];
	_ =	sdelay $0x3  }
0x95: {  	_ =	strace s15  }
0x96: {  	s1 =	sld [smem:$0x3FFC];
	_ =	sdelay $0x3  }
0x97: {  	_ =	strace s1  }
0x98: {  	s1 =	sld [smem:$0x3FFD];
	_ =	sdelay $0x3  }
0x99: {  	_ =	strace s1  }
0x9a: {  	_ =	strace $0x8FFFFFFF  }
0x9b: {  	s16 =	sld [smem:$0x3FDB];
	_ =	sdelay $0x1  }
0x9c: {  	s17 =	simm.s32 $_scs_section_size  }
0x9d: {  	s3 =	simm.s32 $_size__tile_overlayer_lowered;
	s4 =	simm.s32 $_tile_overlayer_lowered  }
0x9e: {  	s20 =	simm.s32 $0x1BFF;
	s19 =	sshll.u32 s4, $0x1;
	s1 =	sadd.s32 s17, s16  }
0x9f: {  	s5 =	simm.s32 $0x0;
	s18 =	sshll.u32 s3, $0x1;
	s3 =	sadd.s32 s19, s1  }
0xa0: {  	[timem:s5], [sflag:s20] =	dma.local [hbm:s3], s18  }
0xa1: {  	_ =	swait.ge [sflag:s20], s18  }
0xa2: {  	s2 =	ssub.s32 $0x0, s18;
	[sflag:s20] =	ssyncset.done $0x0  }
0xa3: {  	[sflag:s20] =	ssyncadd.s32 s2;
	_ =	sdelay $0x1  }
0xa4: {  	s21 =	simm.s32 $0x1B8B  }
0xa5: {  	_ =	swait.ge [sflag:s21], $0x1  }
0xa6: {  	[sflag:s21] =	ssyncset.done $0x0  }
0xa7: {  	s23 =	simm.s32 $0x1B8E;
	s22 =	sld [smem:$0x3FFE];
	[sflag:s21] =	ssyncadd.s32 $0xFFFFFFFF  }
0xa8: {  	s24 =	simm.s32 $execute0_lowered;
	[smem:$0x3FD2] =	sst s23  }
0xa9: {  	s3 =	sshll.u32 s24, $0x1;
	_ =	strace $0x8000005B;
	[dreg:$0x1] =	wrdreg $0xFFFFFFFF  }
0xaa: {  	s25 =	simm.s32 $_size_execute0_lowered;
	s1 =	sadd.s32 s1, s3;
	[dreg:$0x0] =	wrdreg $0x0  }
0xab: {  	s3 =	sshll.u32 s25, $0x1;
	[dreg:$0x2] =	wrdreg s1  }
0xac: {  	[dreg:$0x3] =	wrdreg s3  }
0xad: {  	[dreg:$0x4] =	wrdreg $0xC0  }
0xae: {  	_ =	task [dreg:s5], $0x5FFFF  }
0xaf: {  	[dreg:$0x1] =	wrdreg $0xFFFFFFFF  }
0xb0: {  	[dreg:$0x0] =	wrdreg $0x60  }
0xb1: {  	[dreg:$0x2] =	wrdreg s14  }
0xb2: {  	[dreg:$0x3] =	wrdreg s22  }
0xb3: {  	[dreg:$0x4] =	wrdreg $0x9  }
0xb4: {  	_ =	task.clear_ibuf [dreg:s5], $0x5FFFF;
	_ =	strace $0x9000005B  }
0xb5: {  	s26 =	simm.s32 $0x9;
	_ =	strace $0x8000005D  }
0xb6: {  	_ =	swait.ge [sflag:s26], $0x1  }
0xb7: {  	[sflag:s26] =	ssyncadd.s32 $0xFFFFFFFF  }
0xb8: {  	_ =	strace $0x9000005D  }
0xb9: {  	_ =	sfence  }
0xba: {  	s28 =	sld [smem:$0x0];
	_ =	sdelay $0x1  }
0xbb: {  	s29 =	srdreg.scid  }
0xbc: {  	s30 =	sshll.u32 s29, $0xD;
	s31 =	sshrl.u32 s29, $0x2  }
0xbd: {  	s2 =	sand.u32 $0x4000, s30;
	s1 =	sand.u32 $0x1, s29;
	s0 =	sadd.s32 s31, s28  }
0xbe: {  	s1 =	sor.u32 s2, s1;
	s0 =	sshll.u32 s0, $0x11  }
0xbf: {  	s0 =	sor.u32 s0, s1  }
0xc0: {  	s0 =	sadd.s32 $0x8F2B, s0  }
0xc1: {  	[sflag:s0] =	ssyncadd.remote.s32 $0x1  }
0xc2: {  	_ =	sfence.sel $0xFFFF  }
0xc3: {  	[dreg:$0x0] =	wrdreg $0xFFFFFFFF;
	(pc) =	sbr.abs _section_cstart, $3  }
0xc4: {  	[dreg:$0x1] =	wrdreg $0xFFFFFFFF  }
0xc5: {  	_ =	task.clear_ibuf [dreg:s5], $0x2FFFF;
	_ =	strace $0x9FFFFFFF  }
0xc6: {  	(tm) =	ssettm $0x7FFFFFFF  }
0xc7: {  	_ =	shalt  }
tec
execute0_lowered:
.L_overlay_start_1:
0x0: {  	(tag) =	ssettag $0x1  }
0x1: {  	s1 =	rddreg [dreg:$0x0]  }
0x2: {  	s2 =	rddreg [dreg:$0x1]  }
0x3: {  	s0 =	rddreg [dreg:$0x2];
	s3 =	stileid.u32  }
0x4: {  	_ =	strace $0x8000005C;
	s4 =	simm.s32 $0x3E;
	p0 =	sne.s32 s3, $0x0  }
0x5: {  	[sflag:s4] =	ssyncpa.u1 $0x0;
	s5 =	simm.s32 @!p0 $0x1C3E;
	s6 =	simm.s32 @!p0 $0x0  }
0x6: {  	[spmem:s6], [sflag:s5] =	dma.local @!p0 [hbm:s1], $0x2000  }
0x7: {  	s5 =	simm.s32 @!p0 $0x3E  }
0x8: {  	_ =	swait.ge @!p0 [sflag:s5], $0x2000  }
0x9: {  	[sflag:s5] =	ssyncset.done @!p0 $0x0  }
0xa: {  	s26 =	simm.s32 $0x1;
	[sflag:s5] =	ssyncadd.s32 @!p0 $0xFFFFE000  }
0xb: {  	s29 =	simm.s32 $0x2;
	s7 =	simm.s32 $0x3000;
	[bflag:$0x0] =	sbarrier.arrive $0xFFFF  }
0xc: {  	s28 =	sadd.s32 $0x8200, s2;
	s30 =	sadd.s32 $0x15600, s2;
	[sflag:s4] =	ssyncpa.u1 $0x1  }
0xd: {  	s3 =	sshll.u32 s3, $0xA;
	s2 =	simm.s32 $0x0;
	[sflag:s26] =	ssyncpa.u1 $0x0  }
0xe: {  	s4 =	sadd.s32 s28, s3;
	(ifvalue) =	ssetifvalue $0x10000;
	[sflag:s29] =	ssyncpa.u1 $0x0  }
0xf: {  	[tilespmem:s7], [sflag:$0x2] =	stream.linear.gather [hbm4b:s4+s2], $0x2000, $0x38;
	[tilespmem:$0x9000] =	vst v63  }
0x10: {  	s31 =	sadd.s32 s30, s3;
	s3 =	simm.s32 $0x7000  }
0x11: {  	[tilespmem:s3], [sflag:$0x2] =	stream.linear.gather [hbm4b:s31+s2], $0x2000, $0x38;
	[tilespmem:$0x9000] =	vst v63  }
0x12: {  	_ =	swait.ge [sflag:s29], $0x4000  }
0x13: {  	[sflag:s29] =	ssyncset.done $0x0  }
0x14: {  	[sflag:s29] =	ssyncadd.s32 $0xFFFFC000  }
0x15: {  	v0 =	vld.msk [tilespmem:s7+$0x0 ss:$0x1], $0xffff;
	_ =	sdelay $0x4  }
0x16: {  	v0 =	vmin.u32 v0, $0x10000;
	_ =	sdelay $0x3  }
0x17: {  	vm0 =	vmmov $0xffff;
	s5 =	simm.s32 $0x3010;
	s4 =	simm.s32 $0x0  }
0x18: {  	[spmem:s2] =	stream.indirect_vreg.scatter.add.s32 [tilespmem:s3], [sflag:$0x1], $0x1, v0, vm0, $0x4038;
	[tilespmem:$0x9000] =	vst v63  }
.LBB2_1:
0x19: {  	v0 =	vld.msk [tilespmem:s5+$0x0 ss:$0x1], $0xffff;
	s4 =	sadd.s32 $0x10, s4  }
0x1a: {  	p1 =	slt.u32 s4, $0x1FF0;
	_ =	sdelay $0x4  }
0x1b: {  	v0 =	vmin.u32 v0, $0x10000  }
.Ltmp0:
0x1c: {  	(pc) =	sbr.rel @p1 .LBB2_1-.Ltmp0, $3  }
0x1d: {  	_ =	sdelay $0x1  }
0x1e: {  	s5 =	sadd.s32 $0x10, s5;
	s3 =	sadd.s32 $0x10, s3  }
0x1f: {  	[spmem:s2] =	stream.indirect_vreg.scatter.add.s32 [tilespmem:s3], [sflag:$0x1], $0x1, v0, vm0, $0x4038;
	[tilespmem:$0x9000] =	vst v63  }
0x20: {  	s2 =	simm.s32 $0x1  }
0x21: {  	_ =	swait.ge [sflag:s2], $0x2000  }
0x22: {  	[sflag:s2] =	ssyncset.done $0x0  }
0x23: {  	[sflag:s2] =	ssyncadd.s32 $0xFFFFE000  }
0x24: {  	_ =	sfence.sel $0x180000  }
0x25: {  	s3 =	simm.s32 $0x2;
	[bflag:$0x0] =	sbarrier.arrive $0xFFFF  }
0x26: {  	[sflag:s3] =	ssyncpa.u1 $0x1  }
0x27: {  	[sflag:s2] =	ssyncpa.u1 $0x1  }
0x28: {  	_ =	sfence.stream.spmem  }
0x29: {  	s31 =	simm.s32 $0x3D;
	[bflag:$0x0] =	sbarrier.arrive $0xFFFF  }
0x2a: {  	s2 =	simm.s32 @p0 $0x3D;
	[sflag:s31] =	ssyncpa.u1 $0x0  }
0x2b: {  	[sflag:s2] =	ssyncpa.u1 @p0 $0x1  }
0x2c: {  	[bflag:$0x0] =	sbarrier.arrive @p0 $0xFFFF  }
0x2d: {  	_ =	strace @p0 $0x9000005C  }
0x2e: {  	s3 =	simm.s32 @!p0 $0x1C3D;
	s2 =	simm.s32 @!p0 $0x0;
	[bflag:$0x2] =	sbarrier.arrive @p0 $0xFFFF  }
0x2f: {  	[hbm:s1], [sflag:s3] =	dma.local @!p0 [spmem:s2], $0x2000  }
0x30: {  	s1 =	simm.s32 @!p0 $0x3D  }
0x31: {  	_ =	swait.ge @!p0 [sflag:s1], $0x2000  }
0x32: {  	[sflag:s1] =	ssyncset.done @!p0 $0x0  }
0x33: {  	[sflag:s1] =	ssyncadd.s32 @!p0 $0xFFFFE000  }
0x34: {  	[sflag:s1] =	ssyncpa.u1 @!p0 $0x1  }
0x35: {  	[bflag:$0x0] =	sbarrier.arrive @!p0 $0xFFFF  }
0x36: {  	_ =	strace @!p0 $0x9000005C  }
0x37: {  	s0 =	sadd.s32 @!p0 $0x100000, s0;
	[bflag:$0x2] =	sbarrier.arrive @!p0 $0xFFFF  }
0x38: {  	[sflag:s0] =	ssyncadd.tile.s32 @!p0 $0x1;
	_ =	shalt  }
.Lfunc_end2:
_tile_overlayer_lowered:
.L_overlay_start_2:
0x39: {  	(tag) =	ssettag $0x2  }
0x3a: {  	s0 =	rddreg [dreg:$0x0];
	s2 =	stileid.u32  }
0x3b: {  	s1 =	rddreg [dreg:$0x1];
	p0 =	sne.s32 s2, $0x0  }
0x3c: {  	s3 =	rddreg [dreg:$0x2];
	[bflag:$0x3] =	sbarrier.arrive $0xFFFF;
	s2 =	simm.s32 @!p0 $0x1C01  }
0x3d: {  	[timem:s3], [sflag:s2] =	dma.local @!p0 [hbm:s0], s1  }
0x3e: {  	s0 =	simm.s32 @!p0 $0x1  }
0x3f: {  	_ =	swait.ge @!p0 [sflag:s0], s1  }
0x40: {  	s1 =	ssub.s32 @!p0 $0x0, s1;
	[sflag:s0] =	ssyncset.done @!p0 $0x0  }
0x41: {  	[sflag:s0] =	ssyncadd.s32 @!p0 s1  }
0x42: {  	[bflag:$0x3] =	sbarrier.arrive $0xFFFF  }
0x43: {  	_ =	shalt  }

</sc_bundles>
